<compile_context>
chip_gen: v7x
topology: tpu7x:2x2x1
jax: 0.10.2.dev20260603
libtpu: 0.0.44.dev20260713+nightly
codegen_flags: <defaults>
</compile_context>

<pallas_src>
import functools

import jax
import jax.numpy as jnp
from jax import lax
from jax.experimental import pallas as pl
from jax.experimental.pallas import tpu as pltpu
from jax.experimental.pallas import tpu_sc as plsc

_N = 10000
_E = 160000
_NF = 16
_D = 32
_NG = 128
_NJ = 1024
_NS = 2048
_NOPS = 105

_NC = 2
_NSUB = 16
_NW = _NC * _NSUB
_CH = 128

_TE = 1000
_TN = 1000


def _lrelu(v):
    return jnp.where(v >= 0, v, 0.01 * v)



def _sc_gather(table, idx):
    n_rows = idx.shape[0]
    nch = n_rows // _CH
    per = (nch + _NW - 1) // _NW
    mesh = plsc.VectorSubcoreMesh(core_axis_name="c", subcore_axis_name="s")

    @functools.partial(
        pl.kernel,
        out_type=jax.ShapeDtypeStruct((n_rows, _D), jnp.float32),
        mesh=mesh,
        scratch_types=[
            pltpu.VMEM((_CH,), jnp.int32),
            pltpu.VMEM((_CH, _D), jnp.float32),
            pltpu.SemaphoreType.DMA,
        ],
        compiler_params=pltpu.CompilerParams(use_tc_tiling_on_sc=False),
    )
    def k(table_h, idx_h, out_h, idx_v, rows_v, sem):
        w = lax.axis_index("s") * _NC + lax.axis_index("c")

        def body(j, carry):
            ch = w + j * _NW

            @pl.when(ch < nch)
            def _():
                off = ch * _CH
                pltpu.sync_copy(idx_h.at[pl.ds(off, _CH)], idx_v)
                pltpu.async_copy(table_h.at[idx_v], rows_v, sem).wait()
                pltpu.sync_copy(rows_v, out_h.at[pl.ds(off, _CH)])

            return carry

        lax.fori_loop(0, per, body, 0)

    return k(table, idx)


def _sc_scatter(rows, idx, zeros_n):
    nch = rows.shape[0] // _CH
    hc = nch // _NC
    per = (hc + _NSUB - 1) // _NSUB
    zr = (_N // _NSUB) // 8 * 8
    rem = _N - zr * _NSUB
    mesh = plsc.VectorSubcoreMesh(core_axis_name="c", subcore_axis_name="s")

    @functools.partial(
        pl.kernel,
        out_type=jax.ShapeDtypeStruct((_NC, _N, _D), jnp.float32),
        mesh=mesh,
        scratch_types=[
            pltpu.VMEM((_CH,), jnp.int32),
            pltpu.VMEM((_CH, _D), jnp.float32),
            pltpu.VMEM_SHARED((_N, _D), jnp.float32),
        ],
        compiler_params=pltpu.CompilerParams(use_tc_tiling_on_sc=False),
    )
    def k(rows_h, idx_h, zeros_h, out_h, idx_v, rows_v, agg_sh):
        c = lax.axis_index("c")
        s = lax.axis_index("s")
        pltpu.sync_copy(zeros_h.at[pl.ds(s * zr, zr)], agg_sh.at[pl.ds(s * zr, zr)])

        @pl.when(s == _NSUB - 1)
        def _():
            pltpu.sync_copy(zeros_h.at[pl.ds(zr * _NSUB, rem)],
                            agg_sh.at[pl.ds(zr * _NSUB, rem)])

        plsc.subcore_barrier()

        def body(j, carry):
            local = s + j * _NSUB

            @pl.when(local < hc)
            def _():
                off = (c * hc + local) * _CH
                pltpu.sync_copy(idx_h.at[pl.ds(off, _CH)], idx_v)
                pltpu.sync_copy(rows_h.at[pl.ds(off, _CH)], rows_v)
                pltpu.sync_copy(rows_v, agg_sh.at[idx_v], add=True)

            return carry

        lax.fori_loop(0, per, body, 0)
        plsc.subcore_barrier()
        pltpu.sync_copy(agg_sh.at[pl.ds(s * zr, zr)], out_h.at[c].at[pl.ds(s * zr, zr)])

        @pl.when(s == _NSUB - 1)
        def _():
            pltpu.sync_copy(agg_sh.at[pl.ds(zr * _NSUB, rem)],
                            out_h.at[c].at[pl.ds(zr * _NSUB, rem)])

    return k(rows, idx, zeros_n)



def _tc_prologue(x, W0, b0, cntp):
    grid = _N // _TN

    def body(x_ref, w_ref, b_ref, cp_ref, out_ref, ci_ref):
        o = jax.lax.dot_general(
            x_ref[...], w_ref[...], (((1,), (0,)), ((), ())),
            preferred_element_type=jnp.float32) + b_ref[...]
        out_ref[...] = _lrelu(o)
        cnt = jnp.maximum(cp_ref[0] + cp_ref[1], 1.0)
        ci_ref[...] = 1.0 / cnt

    return pl.pallas_call(
        body,
        grid=(grid,),
        in_specs=[
            pl.BlockSpec((_TN, _NF), lambda i: (i, 0)),
            pl.BlockSpec((_NF, _D), lambda i: (0, 0)),
            pl.BlockSpec((1, _D), lambda i: (0, 0)),
            pl.BlockSpec((_NC, _TN, _D), lambda i: (0, i, 0)),
        ],
        out_specs=[
            pl.BlockSpec((_TN, _D), lambda i: (i, 0)),
            pl.BlockSpec((_TN, _D), lambda i: (i, 0)),
        ],
        out_shape=[
            jax.ShapeDtypeStruct((_N, _D), jnp.float32),
            jax.ShapeDtypeStruct((_N, _D), jnp.float32),
        ],
    )(x, W0, b0.reshape(1, _D), cntp)


def _tc_msg(edge_attr, s, A1, c1, A2f, c2r, rep_he, rep_s):
    grid = _E // _TE

    def body(ea_ref, s_ref, a1_ref, c1_ref, a2_ref, c2_ref, rh_ref, rs_ref,
             out_ref):
        sv = s_ref[...]
        he = jax.lax.dot_general(
            ea_ref[...], a1_ref[...], (((1,), (0,)), ((), ())),
            preferred_element_type=jnp.float32) + c1_ref[...]
        he = _lrelu(he).astype(jnp.bfloat16)
        sv16 = sv.astype(jnp.bfloat16)
        he_rep = jax.lax.dot_general(
            he, rh_ref[...], (((1,), (0,)), ((), ())),
            preferred_element_type=jnp.float32)
        s_rep = jax.lax.dot_general(
            sv16, rs_ref[...], (((1,), (0,)), ((), ())),
            preferred_element_type=jnp.float32)
        u = (he_rep * s_rep).astype(jnp.bfloat16)
        acc = jax.lax.dot_general(
            u, a2_ref[...], (((1,), (0,)), ((), ())),
            preferred_element_type=jnp.float32)
        acc = acc + jax.lax.dot_general(
            sv16, c2_ref[...], (((1,), (0,)), ((), ())),
            preferred_element_type=jnp.float32)
        out_ref[...] = acc

    return pl.pallas_call(
        body,
        grid=(grid,),
        in_specs=[
            pl.BlockSpec((_TE, 4), lambda i: (i, 0)),
            pl.BlockSpec((_TE, _D), lambda i: (i, 0)),
            pl.BlockSpec((4, _D), lambda i: (0, 0)),
            pl.BlockSpec((1, _D), lambda i: (0, 0)),
            pl.BlockSpec((_D * _D, _D), lambda i: (0, 0)),
            pl.BlockSpec((_D, _D), lambda i: (0, 0)),
            pl.BlockSpec((_D, _D * _D), lambda i: (0, 0)),
            pl.BlockSpec((_D, _D * _D), lambda i: (0, 0)),
        ],
        out_specs=pl.BlockSpec((_TE, _D), lambda i: (i, 0)),
        out_shape=jax.ShapeDtypeStruct((_E, _D), jnp.float32),
    )(edge_attr, s, A1, c1.reshape(1, _D), A2f, c2r, rep_he, rep_s)


def _tc_update(aggp, cnt_inv, state, root, cb, Wih, Whh, bih, bhh):
    grid = _N // _TN

    def body(ap_ref, ci_ref, st_ref, root_ref, cb_ref, wih_ref, whh_ref,
             bih_ref, bhh_ref, out_ref):
        st = st_ref[...]
        agg = (ap_ref[0] + ap_ref[1]) * ci_ref[...]
        m = agg + jax.lax.dot_general(
            st, root_ref[...], (((1,), (0,)), ((), ())),
            preferred_element_type=jnp.float32) + cb_ref[...]
        m = _lrelu(m)
        gi = jax.lax.dot_general(
            m, wih_ref[...], (((1,), (0,)), ((), ())),
            preferred_element_type=jnp.float32) + bih_ref[...]
        gh = jax.lax.dot_general(
            st, whh_ref[...], (((1,), (0,)), ((), ())),
            preferred_element_type=jnp.float32) + bhh_ref[...]
        r = jax.nn.sigmoid(gi[:, :_D] + gh[:, :_D])
        z = jax.nn.sigmoid(gi[:, _D:2 * _D] + gh[:, _D:2 * _D])
        n = jnp.tanh(gi[:, 2 * _D:] + r * gh[:, 2 * _D:])
        out_ref[...] = (1.0 - z) * n + z * st

    return pl.pallas_call(
        body,
        grid=(grid,),
        in_specs=[
            pl.BlockSpec((_NC, _TN, _D), lambda i: (0, i, 0)),
            pl.BlockSpec((_TN, _D), lambda i: (i, 0)),
            pl.BlockSpec((_TN, _D), lambda i: (i, 0)),
            pl.BlockSpec((_D, _D), lambda i: (0, 0)),
            pl.BlockSpec((1, _D), lambda i: (0, 0)),
            pl.BlockSpec((_D, 3 * _D), lambda i: (0, 0)),
            pl.BlockSpec((_D, 3 * _D), lambda i: (0, 0)),
            pl.BlockSpec((1, 3 * _D), lambda i: (0, 0)),
            pl.BlockSpec((1, 3 * _D), lambda i: (0, 0)),
        ],
        out_specs=pl.BlockSpec((_TN, _D), lambda i: (i, 0)),
        out_shape=jax.ShapeDtypeStruct((_N, _D), jnp.float32),
    )(aggp, cnt_inv, state, root, cb.reshape(1, _D), Wih, Whh,
      bih.reshape(1, 3 * _D), bhh.reshape(1, 3 * _D))


def _hl_from_biases(bi, bh):
    g = bi + bh
    i_g = g[:, :_D]
    g_g = g[:, 2 * _D:3 * _D]
    o_g = g[:, 3 * _D:]
    cl = jax.nn.sigmoid(i_g) * jnp.tanh(g_g)
    return jax.nn.sigmoid(o_g) * jnp.tanh(cl)


def _tc_emax(state, batch2, bih, bhh):
    grid = _N // _TN

    def body(st_ref, b_ref, bi_ref, bh_ref, out_ref):
        i = pl.program_id(0)
        hl = _hl_from_biases(bi_ref[...], bh_ref[...])
        e = jnp.sum(st_ref[...] * hl, axis=1, keepdims=True)
        m = b_ref[...] == lax.broadcasted_iota(jnp.int32, (_TN, _NG), 1)
        vals = jnp.max(jnp.where(m, e, -1e30), axis=0, keepdims=True)

        @pl.when(i == 0)
        def _():
            out_ref[...] = jnp.full((1, _NG), -1e30, jnp.float32)

        out_ref[...] = jnp.maximum(out_ref[...], vals)

    return pl.pallas_call(
        body,
        grid=(grid,),
        in_specs=[
            pl.BlockSpec((_TN, _D), lambda i: (i, 0)),
            pl.BlockSpec((_TN, 1), lambda i: (i, 0)),
            pl.BlockSpec((1, 4 * _D), lambda i: (0, 0)),
            pl.BlockSpec((1, 4 * _D), lambda i: (0, 0)),
        ],
        out_specs=pl.BlockSpec((1, _NG), lambda i: (0, 0)),
        out_shape=jax.ShapeDtypeStruct((1, _NG), jnp.float32),
    )(state, batch2, bih, bhh)


def _tc_denom(state, batch2, bih, bhh, emax):
    grid = _N // _TN

    def body(st_ref, b_ref, bi_ref, bh_ref, em_ref, out_ref):
        i = pl.program_id(0)
        hl = _hl_from_biases(bi_ref[...], bh_ref[...])
        e = jnp.sum(st_ref[...] * hl, axis=1, keepdims=True)
        m = b_ref[...] == lax.broadcasted_iota(jnp.int32, (_TN, _NG), 1)
        em_n = jnp.sum(jnp.where(m, em_ref[...], 0.0), axis=1, keepdims=True)
        ex = jnp.exp(e - em_n)
        vals = jnp.sum(jnp.where(m, ex, 0.0), axis=0, keepdims=True)

        @pl.when(i == 0)
        def _():
            out_ref[...] = jnp.zeros((1, _NG), jnp.float32)

        out_ref[...] = out_ref[...] + vals

    return pl.pallas_call(
        body,
        grid=(grid,),
        in_specs=[
            pl.BlockSpec((_TN, _D), lambda i: (i, 0)),
            pl.BlockSpec((_TN, 1), lambda i: (i, 0)),
            pl.BlockSpec((1, 4 * _D), lambda i: (0, 0)),
            pl.BlockSpec((1, 4 * _D), lambda i: (0, 0)),
            pl.BlockSpec((1, _NG), lambda i: (0, 0)),
        ],
        out_specs=pl.BlockSpec((1, _NG), lambda i: (0, 0)),
        out_shape=jax.ShapeDtypeStruct((1, _NG), jnp.float32),
    )(state, batch2, bih, bhh, emax)


def _tc_rvec(state, batch2, bih, bhh, emax, denom):
    grid = _N // _TN

    def body(st_ref, b_ref, bi_ref, bh_ref, em_ref, dn_ref, out_ref):
        i = pl.program_id(0)
        hl = _hl_from_biases(bi_ref[...], bh_ref[...])
        st = st_ref[...]
        e = jnp.sum(st * hl, axis=1, keepdims=True)
        m = b_ref[...] == lax.broadcasted_iota(jnp.int32, (_TN, _NG), 1)
        em_n = jnp.sum(jnp.where(m, em_ref[...], 0.0), axis=1, keepdims=True)
        dn_n = jnp.sum(jnp.where(m, dn_ref[...], 0.0), axis=1, keepdims=True)
        a = jnp.exp(e - em_n) / dn_n
        mf = m.astype(jnp.float32)
        vals = jax.lax.dot_general(
            mf, a * st, (((0,), (0,)), ((), ())),
            preferred_element_type=jnp.float32)

        @pl.when(i == 0)
        def _():
            out_ref[...] = jnp.zeros((_NG, _D), jnp.float32)

        out_ref[...] = out_ref[...] + vals

    return pl.pallas_call(
        body,
        grid=(grid,),
        in_specs=[
            pl.BlockSpec((_TN, _D), lambda i: (i, 0)),
            pl.BlockSpec((_TN, 1), lambda i: (i, 0)),
            pl.BlockSpec((1, 4 * _D), lambda i: (0, 0)),
            pl.BlockSpec((1, 4 * _D), lambda i: (0, 0)),
            pl.BlockSpec((1, _NG), lambda i: (0, 0)),
            pl.BlockSpec((1, _NG), lambda i: (0, 0)),
        ],
        out_specs=pl.BlockSpec((_NG, _D), lambda i: (0, 0)),
        out_shape=jax.ShapeDtypeStruct((_NG, _D), jnp.float32),
    )(state, batch2, bih, bhh, emax, denom)


def _tc_final(rvec, ghead, J1, jb1, J2, jb2, S1, sb1, S2, sb2,
              bih, bhh, Wout, bout):
    def body(rv_ref, gh_ref, j1_ref, jb1_ref, j2_ref, jb2_ref,
             s1_ref, sb1_ref, s2_ref, sb2_ref, bi_ref, bh_ref,
             wo_ref, bo_ref, fin_ref, jb_ref, st_ref):
        hl = _hl_from_biases(bi_ref[...], bh_ref[...])
        q = jnp.broadcast_to(hl, (_NG, _D))
        qstar = jnp.concatenate([q, rv_ref[...]], axis=1)
        fin_ref[...] = jax.lax.dot_general(
            qstar, wo_ref[...], (((1,), (0,)), ((), ())),
            preferred_element_type=jnp.float32) + bo_ref[...]
        gj = gh_ref[:2 * _NJ]
        t = _lrelu(jax.lax.dot_general(
            gj, j1_ref[...], (((1,), (0,)), ((), ())),
            preferred_element_type=jnp.float32) + jb1_ref[...])
        t = jax.lax.dot_general(
            t, j2_ref[...], (((1,), (0,)), ((), ())),
            preferred_element_type=jnp.float32) + jb2_ref[...]
        jb_ref[...] = 0.5 * (t[:_NJ] + t[_NJ:])
        gs = gh_ref[2 * _NJ:]
        u = _lrelu(jax.lax.dot_general(
            gs, s1_ref[...], (((1,), (0,)), ((), ())),
            preferred_element_type=jnp.float32) + sb1_ref[...])
        st_ref[...] = jax.lax.dot_general(
            u, s2_ref[...], (((1,), (0,)), ((), ())),
            preferred_element_type=jnp.float32) + sb2_ref[...]

    return pl.pallas_call(
        body,
        out_shape=[
            jax.ShapeDtypeStruct((_NG, 2), jnp.float32),
            jax.ShapeDtypeStruct((_NJ, 1), jnp.float32),
            jax.ShapeDtypeStruct((_NS, _NOPS), jnp.float32),
        ],
    )(rvec, ghead, J1, jb1.reshape(1, _D), J2, jb2.reshape(1, 1),
      S1, sb1.reshape(1, _D), S2, sb2.reshape(1, _NOPS),
      bih, bhh, Wout, bout.reshape(1, 2))



def kernel(x, edge_index, edge_attr, jbond_atmidx, stem_atmidx, batch,
           W0, b0, A1, c1, A2, c2, root, cb,
           gru_Wih, gru_Whh, gru_bih, gru_bhh,
           S1, sb1, S2, sb2, J1, jb1, J2, jb2,
           lstm_Wih, lstm_Whh, lstm_bih, lstm_bhh, Wout, bout):
    src = edge_index[0]
    dst = edge_index[1]
    A2f = A2.reshape(_D * _D, _D)
    c2r = c2.reshape(_D, _D)
    batch2 = batch.reshape(_N, 1)
    lbih = lstm_bih.reshape(1, 4 * _D)
    lbhh = lstm_bhh.reshape(1, 4 * _D)
    zeros_n = jnp.zeros((_N, _D), jnp.float32)
    ones_e = jnp.ones((_E, _D), jnp.float32)
    eye = jnp.eye(_D, dtype=jnp.bfloat16)
    rep_he = jnp.repeat(eye, _D, axis=1)
    rep_s = jnp.tile(eye, (1, _D))
    A2f16 = A2f.astype(jnp.bfloat16)
    c2r16 = c2r.astype(jnp.bfloat16)

    cntp = _sc_scatter(ones_e, dst, zeros_n)
    state, cnt_inv = _tc_prologue(x, W0, b0, cntp)

    for _ in range(6):
        s = _sc_gather(state, src)
        msg = _tc_msg(edge_attr, s, A1, c1, A2f16, c2r16, rep_he, rep_s)
        aggp = _sc_scatter(msg, dst, zeros_n)
        state = _tc_update(aggp, cnt_inv, state, root, cb,
                           gru_Wih, gru_Whh, gru_bih, gru_bhh)

    hidx = jnp.concatenate(
        [jbond_atmidx[:, 0], jbond_atmidx[:, 1], stem_atmidx])
    ghead = _sc_gather(state, hidx)

    emax = _tc_emax(state, batch2, lbih, lbhh)
    denom = _tc_denom(state, batch2, lbih, lbhh, emax)
    rvec = _tc_rvec(state, batch2, lbih, lbhh, emax, denom)
    final, jb, stem = _tc_final(rvec, ghead, J1, jb1, J2, jb2,
                                S1, sb1, S2, sb2, lbih, lbhh, Wout, bout)
    return final, jb.reshape(_NJ), stem

# --- scband reference (transcript-rebuilt; emitter-appended) ---
"""Pipeline reference for scband-mpnnet-parametric-65970697667129 (READ-ONLY COPY).

The authoritative reference and input builder live on the scoring server;
editing this copy changes nothing except your own understanding.
"""

import jax, jax.numpy as jnp
import numpy as np

N = 10000
E = 160000
NF = 16
D = 32
NG = 128
NJ = 1024
NS = 2048
NOPS = 105


def _lin(k, fi, fo):
    return jax.random.normal(k, (fi, fo), dtype=jnp.float32) / np.sqrt(fi)


def setup_inputs(seed: int = 0) -> dict:
    key = jax.random.key(seed)
    ks = jax.random.split(key, 40)
    inp = {}
    inp["x"] = jax.random.normal(ks[0], (N, NF), dtype=jnp.float32)
    inp["edge_index"] = jax.random.randint(ks[1], (2, E), 0, N, dtype=jnp.int32)
    inp["edge_attr"] = jax.random.uniform(ks[2], (E, 4), dtype=jnp.float32)
    inp["jbond_atmidx"] = jax.random.randint(ks[3], (NJ, 2), 0, N, dtype=jnp.int32)
    inp["stem_atmidx"] = jax.random.randint(ks[4], (NS,), 0, N, dtype=jnp.int32)
    inp["batch"] = jnp.sort(jax.random.randint(ks[5], (N,), 0, NG, dtype=jnp.int32))
    inp["W0"] = _lin(ks[6], NF, D); inp["b0"] = jnp.zeros((D,), jnp.float32)
    inp["A1"] = _lin(ks[7], 4, D); inp["c1"] = jnp.zeros((D,), jnp.float32)
    inp["A2"] = _lin(ks[8], D, D * D); inp["c2"] = jnp.zeros((D * D,), jnp.float32)
    inp["root"] = _lin(ks[9], D, D); inp["cb"] = jnp.zeros((D,), jnp.float32)
    inp["gru_Wih"] = _lin(ks[10], D, 3 * D); inp["gru_Whh"] = _lin(ks[11], D, 3 * D)
    inp["gru_bih"] = jnp.zeros((3 * D,), jnp.float32); inp["gru_bhh"] = jnp.zeros((3 * D,), jnp.float32)
    inp["S1"] = _lin(ks[12], D, D); inp["sb1"] = jnp.zeros((D,), jnp.float32)
    inp["S2"] = _lin(ks[13], D, NOPS); inp["sb2"] = jnp.zeros((NOPS,), jnp.float32)
    inp["J1"] = _lin(ks[14], D, D); inp["jb1"] = jnp.zeros((D,), jnp.float32)
    inp["J2"] = _lin(ks[15], D, 1); inp["jb2"] = jnp.zeros((1,), jnp.float32)
    inp["lstm_Wih"] = _lin(ks[16], 2 * D, 4 * D); inp["lstm_Whh"] = _lin(ks[17], D, 4 * D)
    inp["lstm_bih"] = jnp.zeros((4 * D,), jnp.float32); inp["lstm_bhh"] = jnp.zeros((4 * D,), jnp.float32)
    inp["Wout"] = _lin(ks[18], 2 * D, 2); inp["bout"] = jnp.zeros((2,), jnp.float32)
    return inp


def reference(x, edge_index, edge_attr, jbond_atmidx, stem_atmidx, batch,
              W0, b0, A1, c1, A2, c2, root, cb,
              gru_Wih, gru_Whh, gru_bih, gru_bhh,
              S1, sb1, S2, sb2, J1, jb1, J2, jb2,
              lstm_Wih, lstm_Whh, lstm_bih, lstm_bhh, Wout, bout):
    lrelu = lambda v: jax.nn.leaky_relu(v, 0.01)
    src = edge_index[0]
    dst = edge_index[1]
    # NNConv edge network: per-edge [D, D] weight matrices (edge_attr is loop-invariant)
    We = (lrelu(edge_attr @ A1 + c1) @ A2 + c2).reshape(E, D, D)
    out = lrelu(x @ W0 + b0)
    h = out
    cnt = jnp.maximum(jax.ops.segment_sum(jnp.ones((E,), jnp.float32), dst, num_segments=N), 1.0)[:, None]
    for _ in range(6):
        msg = jnp.einsum('ed,edf->ef', out[src], We)
        agg = jax.ops.segment_sum(msg, dst, num_segments=N) / cnt  # aggr='mean'
        m = lrelu(agg + out @ root + cb)  # NNConv root weight + bias, then leaky_relu
        # GRU cell (seq_len 1)
        gi = m @ gru_Wih + gru_bih
        gh = h @ gru_Whh + gru_bhh
        ir, iz, inn = jnp.split(gi, 3, axis=-1)
        hr, hz, hn = jnp.split(gh, 3, axis=-1)
        r = jax.nn.sigmoid(ir + hr)
        z = jax.nn.sigmoid(iz + hz)
        n = jnp.tanh(inn + r * hn)
        h = (1.0 - z) * n + z * h
        out = h
    flat = jbond_atmidx.reshape(-1)
    jbond_preds = (lrelu(out[flat] @ J1 + jb1) @ J2 + jb2).reshape(jbond_atmidx.shape).mean(axis=1)
    stem_preds = lrelu(out[stem_atmidx] @ S1 + sb1) @ S2 + sb2
    # Set2Set, processing_steps=1
    hl = jnp.zeros((NG, D), jnp.float32)
    cl = jnp.zeros((NG, D), jnp.float32)
    q_star = jnp.zeros((NG, 2 * D), jnp.float32)
    for _ in range(1):
        g = q_star @ lstm_Wih + lstm_bih + hl @ lstm_Whh + lstm_bhh
        i_g, f_g, g_g, o_g = jnp.split(g, 4, axis=-1)
        cl = jax.nn.sigmoid(f_g) * cl + jax.nn.sigmoid(i_g) * jnp.tanh(g_g)
        hl = jax.nn.sigmoid(o_g) * jnp.tanh(cl)
        q = hl
        e = jnp.sum(out * q[batch], axis=-1)
        emax = jax.ops.segment_max(e, batch, num_segments=NG)
        ex = jnp.exp(e - emax[batch])
        denom = jax.ops.segment_sum(ex, batch, num_segments=NG)
        a = ex / denom[batch]
        rvec = jax.ops.segment_sum(a[:, None] * out, batch, num_segments=NG)
        q_star = jnp.concatenate([q, rvec], axis=-1)
    final = q_star @ Wout + bout
    return (final, jbond_preds, stem_preds)

if __name__ == "__main__":
    import jax
    _d = setup_inputs()
    print(jax.jit(kernel)(*tuple(_d.values())))

</pallas_src>

<mosaic_0001>
#map = affine_map<(d0, d1) -> (0, 0)>
#map1 = affine_map<(d0, d1) -> (0)>
module attributes {stable_mosaic.version = 14 : i64} {
  func.func @k(%arg0: i32, %arg1: i32, %arg2: memref<10000x32xf32, #tpu.memory_space<hbm>>, %arg3: memref<160000xi32, #tpu.memory_space<hbm>>, %arg4: memref<160000x32xf32, #tpu.memory_space<hbm>>, %arg5: memref<128xi32, #tpu.memory_space<vmem>>, %arg6: memref<128x32xf32, #tpu.memory_space<vmem>>, %arg7: memref<!tpu.dma_semaphore, #tpu.memory_space<semaphore_mem>>) attributes {dimension_semantics = [#tpu.dimension_semantics<core_parallel>, #tpu.dimension_semantics<subcore_parallel>], iteration_bounds = array<i64: 2, 16>, scalar_prefetch = 0 : i64, scratch_operands = 3 : i64, tpu.core_type = #tpu.core_type<sc_vector_subcore>, window_params = [{transform_indices = #map}, {transform_indices = #map1}, {transform_indices = #map}]} {
    %mul3A = arith.constant 2 : i32
    %mul3A_0 = arith.muli %arg1, %mul3A : i32
    %add3A = arith.addi %mul3A_0, %arg0 : i32
    %scan3A = arith.constant 0 : i32
    %scan3A_1 = arith.constant 0 : i32
    %scan3A_2 = arith.constant 40 : i32
    %scan3A_3 = arith.addi %scan3A_1, %scan3A_2 : i32
    %scan3A_4 = arith.constant 1 : i32
    scf.for %scan3A_6 = %scan3A_1 to %scan3A_3 step %scan3A_4  : i32 {
      %mul3A_7 = arith.constant 32 : i32
      %mul3A_8 = arith.muli %scan3A_6, %mul3A_7 : i32
      %add3A_9 = arith.addi %add3A, %mul3A_8 : i32
      %lt3A = arith.constant 1250 : i32
      %lt3A_10 = arith.cmpi slt, %add3A_9, %lt3A : i32
      %convert_element_type3A = arith.extui %lt3A_10 : i1 to i32
      %cond3A = arith.constant 0 : i32
      %cond3A_11 = arith.cmpi ne, %convert_element_type3A, %cond3A : i32
      scf.if %cond3A_11 {
        %mul3A_12 = arith.constant 128 : i32
        %mul3A_13 = arith.muli %add3A_9, %mul3A_12 : i32
        "tpu.region"() ({
          %run_scoped3A = tpu.sem_alloc : memref<!tpu.dma_semaphore, #tpu.memory_space<semaphore_mem>>
          %dma_start3A_18 = tpu.memref_slice %arg3[%mul3A_13] : memref<160000xi32, #tpu.memory_space<hbm>> -> memref<128xi32, #tpu.memory_space<hbm>>
          %dma_start3A_19 = tpu.memref_slice %arg3[%mul3A_13] : memref<160000xi32, #tpu.memory_space<hbm>> -> memref<128xi32, #tpu.memory_space<hbm>>
          tpu.enqueue_dma source(%dma_start3A_19 : memref<128xi32, #tpu.memory_space<hbm>>) target(%arg5 : memref<128xi32, #tpu.memory_space<vmem>>) target_semaphore(%run_scoped3A : memref<!tpu.dma_semaphore, #tpu.memory_space<semaphore_mem>>)
          %dma_wait3A_20 = tpu.memref_slice %arg3[%mul3A_13] : memref<160000xi32, #tpu.memory_space<hbm>> -> memref<128xi32, #tpu.memory_space<hbm>>
          %dma_wait3A_21 = tpu.memref_slice %arg3[%mul3A_13] : memref<160000xi32, #tpu.memory_space<hbm>> -> memref<128xi32, #tpu.memory_space<hbm>>
          tpu.wait_dma2 semaphore(%run_scoped3A : memref<!tpu.dma_semaphore, #tpu.memory_space<semaphore_mem>>) src(%dma_wait3A_21 : memref<128xi32, #tpu.memory_space<hbm>>) dst(%arg5 : memref<128xi32, #tpu.memory_space<vmem>>)
          tpu.yield
        }) : () -> ()
        %dma_start3A = arith.constant 0 : i32
        %dma_start3A_14 = arith.constant 0 : i32
        %dma_start3A_15 = tpu.memref_slice %arg2[%dma_start3A, %dma_start3A_14] : memref<10000x32xf32, #tpu.memory_space<hbm>> -> memref<10000x32xf32, #tpu.memory_space<hbm>>
        tpu.enqueue_indirect_dma source(%dma_start3A_15 : memref<10000x32xf32, #tpu.memory_space<hbm>>) target(%arg6 : memref<128x32xf32, #tpu.memory_space<vmem>>) offsets(%arg5 : memref<128xi32, #tpu.memory_space<vmem>>) semaphore(%arg7 : memref<!tpu.dma_semaphore, #tpu.memory_space<semaphore_mem>>)
        %dma_wait3A = arith.constant 0 : i32
        %dma_wait3A_16 = arith.constant 0 : i32
        %dma_wait3A_17 = tpu.memref_slice %arg2[%dma_wait3A, %dma_wait3A_16] : memref<10000x32xf32, #tpu.memory_space<hbm>> -> memref<10000x32xf32, #tpu.memory_space<hbm>>
        tpu.wait_indirect_dma semaphore(%arg7 : memref<!tpu.dma_semaphore, #tpu.memory_space<semaphore_mem>>) src(%dma_wait3A_17 : memref<10000x32xf32, #tpu.memory_space<hbm>>) dst(%arg6 : memref<128x32xf32, #tpu.memory_space<vmem>>)
        "tpu.region"() ({
          %run_scoped3A = tpu.sem_alloc : memref<!tpu.dma_semaphore, #tpu.memory_space<semaphore_mem>>
          %dma_start3A_18 = arith.constant 0 : i32
          %dma_start3A_19 = tpu.memref_slice %arg4[%mul3A_13, %dma_start3A_18] : memref<160000x32xf32, #tpu.memory_space<hbm>> -> memref<128x32xf32, #tpu.memory_space<hbm>>
          %dma_start3A_20 = arith.constant 0 : i32
          %dma_start3A_21 = tpu.memref_slice %arg4[%mul3A_13, %dma_start3A_20] : memref<160000x32xf32, #tpu.memory_space<hbm>> -> memref<128x32xf32, #tpu.memory_space<hbm>>
          tpu.enqueue_dma source(%arg6 : memref<128x32xf32, #tpu.memory_space<vmem>>) target(%dma_start3A_21 : memref<128x32xf32, #tpu.memory_space<hbm>>) target_semaphore(%run_scoped3A : memref<!tpu.dma_semaphore, #tpu.memory_space<semaphore_mem>>)
          %dma_wait3A_22 = arith.constant 0 : i32
          %dma_wait3A_23 = tpu.memref_slice %arg4[%mul3A_13, %dma_wait3A_22] : memref<160000x32xf32, #tpu.memory_space<hbm>> -> memref<128x32xf32, #tpu.memory_space<hbm>>
          %dma_wait3A_24 = arith.constant 0 : i32
          %dma_wait3A_25 = tpu.memref_slice %arg4[%mul3A_13, %dma_wait3A_24] : memref<160000x32xf32, #tpu.memory_space<hbm>> -> memref<128x32xf32, #tpu.memory_space<hbm>>
          tpu.wait_dma2 semaphore(%run_scoped3A : memref<!tpu.dma_semaphore, #tpu.memory_space<semaphore_mem>>) src(%arg6 : memref<128x32xf32, #tpu.memory_space<vmem>>) dst(%dma_wait3A_25 : memref<128x32xf32, #tpu.memory_space<hbm>>)
          tpu.yield
        }) : () -> ()
      } else {
      }
    }
    %scan3A_5 = arith.constant 40 : i32
    return
  }
}

#map = affine_map<(d0, d1) -> (0, 0)>
#map1 = affine_map<(d0, d1) -> (0)>
module attributes {stable_mosaic.version = 14 : i64} {
  func.func @k(%arg0: i32, %arg1: i32, %arg2: memref<10000x32xf32, #tpu.memory_space<hbm>>, %arg3: memref<160000xi32, #tpu.memory_space<hbm>>, %arg4: memref<160000x32xf32, #tpu.memory_space<hbm>>, %arg5: memref<128xi32, #tpu.memory_space<vmem>>, %arg6: memref<128x32xf32, #tpu.memory_space<vmem>>, %arg7: memref<!tpu.dma_semaphore, #tpu.memory_space<semaphore_mem>>) attributes {dimension_semantics = [#tpu.dimension_semantics<core_parallel>, #tpu.dimension_semantics<subcore_parallel>], iteration_bounds = array<i64: 2, 16>, scalar_prefetch = 0 : i64, scratch_operands = 3 : i64, tpu.core_type = #tpu.core_type<sc_vector_subcore>, window_params = [{transform_indices = #map}, {transform_indices = #map1}, {transform_indices = #map}]} {
    %mul3A = arith.constant 2 : i32
    %mul3A_0 = arith.muli %arg1, %mul3A : i32
    %add3A = arith.addi %mul3A_0, %arg0 : i32
    %scan3A = arith.constant 0 : i32
    %scan3A_1 = arith.constant 0 : i32
    %scan3A_2 = arith.constant 40 : i32
    %scan3A_3 = arith.addi %scan3A_1, %scan3A_2 : i32
    %scan3A_4 = arith.constant 1 : i32
    scf.for %scan3A_6 = %scan3A_1 to %scan3A_3 step %scan3A_4  : i32 {
      %mul3A_7 = arith.constant 32 : i32
      %mul3A_8 = arith.muli %scan3A_6, %mul3A_7 : i32
      %add3A_9 = arith.addi %add3A, %mul3A_8 : i32
      %lt3A = arith.constant 1250 : i32
      %lt3A_10 = arith.cmpi slt, %add3A_9, %lt3A : i32
      %convert_element_type3A = arith.extui %lt3A_10 : i1 to i32
      %cond3A = arith.constant 0 : i32
      %cond3A_11 = arith.cmpi ne, %convert_element_type3A, %cond3A : i32
      scf.if %cond3A_11 {
        %mul3A_12 = arith.constant 128 : i32
        %mul3A_13 = arith.muli %add3A_9, %mul3A_12 : i32
        "tpu.region"() ({
          %run_scoped3A = tpu.sem_alloc : memref<!tpu.dma_semaphore, #tpu.memory_space<semaphore_mem>>
          %dma_start3A_18 = tpu.memref_slice %arg3[%mul3A_13] : memref<160000xi32, #tpu.memory_space<hbm>> -> memref<128xi32, #tpu.memory_space<hbm>>
          %dma_start3A_19 = tpu.memref_slice %arg3[%mul3A_13] : memref<160000xi32, #tpu.memory_space<hbm>> -> memref<128xi32, #tpu.memory_space<hbm>>
          tpu.enqueue_dma source(%dma_start3A_19 : memref<128xi32, #tpu.memory_space<hbm>>) target(%arg5 : memref<128xi32, #tpu.memory_space<vmem>>) target_semaphore(%run_scoped3A : memref<!tpu.dma_semaphore, #tpu.memory_space<semaphore_mem>>)
          %dma_wait3A_20 = tpu.memref_slice %arg3[%mul3A_13] : memref<160000xi32, #tpu.memory_space<hbm>> -> memref<128xi32, #tpu.memory_space<hbm>>
          %dma_wait3A_21 = tpu.memref_slice %arg3[%mul3A_13] : memref<160000xi32, #tpu.memory_space<hbm>> -> memref<128xi32, #tpu.memory_space<hbm>>
          tpu.wait_dma2 semaphore(%run_scoped3A : memref<!tpu.dma_semaphore, #tpu.memory_space<semaphore_mem>>) src(%dma_wait3A_21 : memref<128xi32, #tpu.memory_space<hbm>>) dst(%arg5 : memref<128xi32, #tpu.memory_space<vmem>>)
          tpu.yield
        }) : () -> ()
        %dma_start3A = arith.constant 0 : i32
        %dma_start3A_14 = arith.constant 0 : i32
        %dma_start3A_15 = tpu.memref_slice %arg2[%dma_start3A, %dma_start3A_14] : memref<10000x32xf32, #tpu.memory_space<hbm>> -> memref<10000x32xf32, #tpu.memory_space<hbm>>
        tpu.enqueue_indirect_dma source(%dma_start3A_15 : memref<10000x32xf32, #tpu.memory_space<hbm>>) target(%arg6 : memref<128x32xf32, #tpu.memory_space<vmem>>) offsets(%arg5 : memref<128xi32, #tpu.memory_space<vmem>>) semaphore(%arg7 : memref<!tpu.dma_semaphore, #tpu.memory_space<semaphore_mem>>)
        %dma_wait3A = arith.constant 0 : i32
        %dma_wait3A_16 = arith.constant 0 : i32
        %dma_wait3A_17 = tpu.memref_slice %arg2[%dma_wait3A, %dma_wait3A_16] : memref<10000x32xf32, #tpu.memory_space<hbm>> -> memref<10000x32xf32, #tpu.memory_space<hbm>>
        tpu.wait_indirect_dma semaphore(%arg7 : memref<!tpu.dma_semaphore, #tpu.memory_space<semaphore_mem>>) src(%dma_wait3A_17 : memref<10000x32xf32, #tpu.memory_space<hbm>>) dst(%arg6 : memref<128x32xf32, #tpu.memory_space<vmem>>)
        "tpu.region"() ({
          %run_scoped3A = tpu.sem_alloc : memref<!tpu.dma_semaphore, #tpu.memory_space<semaphore_mem>>
          %dma_start3A_18 = arith.constant 0 : i32
          %dma_start3A_19 = tpu.memref_slice %arg4[%mul3A_13, %dma_start3A_18] : memref<160000x32xf32, #tpu.memory_space<hbm>> -> memref<128x32xf32, #tpu.memory_space<hbm>>
          %dma_start3A_20 = arith.constant 0 : i32
          %dma_start3A_21 = tpu.memref_slice %arg4[%mul3A_13, %dma_start3A_20] : memref<160000x32xf32, #tpu.memory_space<hbm>> -> memref<128x32xf32, #tpu.memory_space<hbm>>
          tpu.enqueue_dma source(%arg6 : memref<128x32xf32, #tpu.memory_space<vmem>>) target(%dma_start3A_21 : memref<128x32xf32, #tpu.memory_space<hbm>>) target_semaphore(%run_scoped3A : memref<!tpu.dma_semaphore, #tpu.memory_space<semaphore_mem>>)
          %dma_wait3A_22 = arith.constant 0 : i32
          %dma_wait3A_23 = tpu.memref_slice %arg4[%mul3A_13, %dma_wait3A_22] : memref<160000x32xf32, #tpu.memory_space<hbm>> -> memref<128x32xf32, #tpu.memory_space<hbm>>
          %dma_wait3A_24 = arith.constant 0 : i32
          %dma_wait3A_25 = tpu.memref_slice %arg4[%mul3A_13, %dma_wait3A_24] : memref<160000x32xf32, #tpu.memory_space<hbm>> -> memref<128x32xf32, #tpu.memory_space<hbm>>
          tpu.wait_dma2 semaphore(%run_scoped3A : memref<!tpu.dma_semaphore, #tpu.memory_space<semaphore_mem>>) src(%arg6 : memref<128x32xf32, #tpu.memory_space<vmem>>) dst(%dma_wait3A_25 : memref<128x32xf32, #tpu.memory_space<hbm>>)
          tpu.yield
        }) : () -> ()
      } else {
      }
    }
    %scan3A_5 = arith.constant 40 : i32
    return
  }
}

#map = affine_map<(d0, d1) -> (0, 0)>
#map1 = affine_map<(d0, d1) -> (0)>
#map2 = affine_map<(d0, d1) -> (0, 0, 0)>
module attributes {stable_mosaic.version = 14 : i64} {
  func.func @k(%arg0: i32, %arg1: i32, %arg2: memref<160000x32xf32, #tpu.memory_space<hbm>>, %arg3: memref<160000xi32, #tpu.memory_space<hbm>>, %arg4: memref<10000x32xf32, #tpu.memory_space<hbm>>, %arg5: memref<2x10000x32xf32, #tpu.memory_space<hbm>>, %arg6: memref<128xi32, #tpu.memory_space<vmem>>, %arg7: memref<128x32xf32, #tpu.memory_space<vmem>>, %arg8: memref<10000x32xf32, #tpu.memory_space<vmem_shared>>) attributes {dimension_semantics = [#tpu.dimension_semantics<core_parallel>, #tpu.dimension_semantics<subcore_parallel>], iteration_bounds = array<i64: 2, 16>, scalar_prefetch = 0 : i64, scratch_operands = 3 : i64, tpu.core_type = #tpu.core_type<sc_vector_subcore>, window_params = [{transform_indices = #map}, {transform_indices = #map1}, {transform_indices = #map}, {transform_indices = #map2}]} {
    %mul3A = arith.constant 624 : i32
    %mul3A_0 = arith.muli %arg1, %mul3A : i32
    %mul3A_1 = arith.constant 624 : i32
    %mul3A_2 = arith.muli %arg1, %mul3A_1 : i32
    "tpu.region"() ({
      %run_scoped3A = tpu.sem_alloc : memref<!tpu.dma_semaphore, #tpu.memory_space<semaphore_mem>>
      %dma_start3A = arith.constant 0 : i32
      %dma_start3A_20 = tpu.memref_slice %arg8[%mul3A_2, %dma_start3A] : memref<10000x32xf32, #tpu.memory_space<vmem_shared>> -> memref<624x32xf32, #tpu.memory_space<vmem_shared>>
      %dma_start3A_21 = arith.constant 0 : i32
      %dma_start3A_22 = tpu.memref_slice %arg4[%mul3A_0, %dma_start3A_21] : memref<10000x32xf32, #tpu.memory_space<hbm>> -> memref<624x32xf32, #tpu.memory_space<hbm>>
      tpu.enqueue_dma source(%dma_start3A_22 : memref<624x32xf32, #tpu.memory_space<hbm>>) target(%dma_start3A_20 : memref<624x32xf32, #tpu.memory_space<vmem_shared>>) target_semaphore(%run_scoped3A : memref<!tpu.dma_semaphore, #tpu.memory_space<semaphore_mem>>)
      %dma_wait3A = arith.constant 0 : i32
      %dma_wait3A_23 = tpu.memref_slice %arg8[%mul3A_2, %dma_wait3A] : memref<10000x32xf32, #tpu.memory_space<vmem_shared>> -> memref<624x32xf32, #tpu.memory_space<vmem_shared>>
      %dma_wait3A_24 = arith.constant 0 : i32
      %dma_wait3A_25 = tpu.memref_slice %arg4[%mul3A_0, %dma_wait3A_24] : memref<10000x32xf32, #tpu.memory_space<hbm>> -> memref<624x32xf32, #tpu.memory_space<hbm>>
      tpu.wait_dma2 semaphore(%run_scoped3A : memref<!tpu.dma_semaphore, #tpu.memory_space<semaphore_mem>>) src(%dma_wait3A_25 : memref<624x32xf32, #tpu.memory_space<hbm>>) dst(%dma_wait3A_23 : memref<624x32xf32, #tpu.memory_space<vmem_shared>>)
      tpu.yield
    }) : () -> ()
    %eq3A = arith.constant 15 : i32
    %eq3A_3 = arith.cmpi eq, %arg1, %eq3A : i32
    %convert_element_type3A = arith.extui %eq3A_3 : i1 to i32
    %cond3A = arith.constant 0 : i32
    %cond3A_4 = arith.cmpi ne, %convert_element_type3A, %cond3A : i32
    scf.if %cond3A_4 {
      "tpu.region"() ({
        %run_scoped3A = tpu.sem_alloc : memref<!tpu.dma_semaphore, #tpu.memory_space<semaphore_mem>>
        %dma_start3A = arith.constant 9984 : i32
        %dma_start3A_20 = arith.constant 0 : i32
        %dma_start3A_21 = tpu.memref_slice %arg8[%dma_start3A, %dma_start3A_20] : memref<10000x32xf32, #tpu.memory_space<vmem_shared>> -> memref<16x32xf32, #tpu.memory_space<vmem_shared>>
        %dma_start3A_22 = arith.constant 9984 : i32
        %dma_start3A_23 = arith.constant 0 : i32
        %dma_start3A_24 = tpu.memref_slice %arg4[%dma_start3A_22, %dma_start3A_23] : memref<10000x32xf32, #tpu.memory_space<hbm>> -> memref<16x32xf32, #tpu.memory_space<hbm>>
        tpu.enqueue_dma source(%dma_start3A_24 : memref<16x32xf32, #tpu.memory_space<hbm>>) target(%dma_start3A_21 : memref<16x32xf32, #tpu.memory_space<vmem_shared>>) target_semaphore(%run_scoped3A : memref<!tpu.dma_semaphore, #tpu.memory_space<semaphore_mem>>)
        %dma_wait3A = arith.constant 9984 : i32
        %dma_wait3A_25 = arith.constant 0 : i32
        %dma_wait3A_26 = tpu.memref_slice %arg8[%dma_wait3A, %dma_wait3A_25] : memref<10000x32xf32, #tpu.memory_space<vmem_shared>> -> memref<16x32xf32, #tpu.memory_space<vmem_shared>>
        %dma_wait3A_27 = arith.constant 9984 : i32
        %dma_wait3A_28 = arith.constant 0 : i32
        %dma_wait3A_29 = tpu.memref_slice %arg4[%dma_wait3A_27, %dma_wait3A_28] : memref<10000x32xf32, #tpu.memory_space<hbm>> -> memref<16x32xf32, #tpu.memory_space<hbm>>
        tpu.wait_dma2 semaphore(%run_scoped3A : memref<!tpu.dma_semaphore, #tpu.memory_space<semaphore_mem>>) src(%dma_wait3A_29 : memref<16x32xf32, #tpu.memory_space<hbm>>) dst(%dma_wait3A_26 : memref<16x32xf32, #tpu.memory_space<vmem_shared>>)
        tpu.yield
      }) : () -> ()
    } else {
    }
    %barrier3A = arith.constant 0 : index
    tpu.barrier barrier_id(%barrier3A)
    %scan3A = arith.constant 0 : i32
    %scan3A_5 = arith.constant 0 : i32
    %scan3A_6 = arith.constant 40 : i32
    %scan3A_7 = arith.addi %scan3A_5, %scan3A_6 : i32
    %scan3A_8 = arith.constant 1 : i32
    scf.for %scan3A_20 = %scan3A_5 to %scan3A_7 step %scan3A_8  : i32 {
      %mul3A_21 = arith.constant 16 : i32
      %mul3A_22 = arith.muli %scan3A_20, %mul3A_21 : i32
      %add3A = arith.addi %arg1, %mul3A_22 : i32
      %lt3A = arith.constant 625 : i32
      %lt3A_23 = arith.cmpi slt, %add3A, %lt3A : i32
      %convert_element_type3A_24 = arith.extui %lt3A_23 : i1 to i32
      %cond3A_25 = arith.constant 0 : i32
      %cond3A_26 = arith.cmpi ne, %convert_element_type3A_24, %cond3A_25 : i32
      scf.if %cond3A_26 {
        %mul3A_27 = arith.constant 625 : i32
        %mul3A_28 = arith.muli %arg0, %mul3A_27 : i32
        %add3A_29 = arith.addi %mul3A_28, %add3A : i32
        %mul3A_30 = arith.constant 128 : i32
        %mul3A_31 = arith.muli %add3A_29, %mul3A_30 : i32
        "tpu.region"() ({
          %run_scoped3A = tpu.sem_alloc : memref<!tpu.dma_semaphore, #tpu.memory_space<semaphore_mem>>
          %dma_start3A = tpu.memref_slice %arg3[%mul3A_31] : memref<160000xi32, #tpu.memory_space<hbm>> -> memref<128xi32, #tpu.memory_space<hbm>>
          %dma_start3A_32 = tpu.memref_slice %arg3[%mul3A_31] : memref<160000xi32, #tpu.memory_space<hbm>> -> memref<128xi32, #tpu.memory_space<hbm>>
          tpu.enqueue_dma source(%dma_start3A_32 : memref<128xi32, #tpu.memory_space<hbm>>) target(%arg6 : memref<128xi32, #tpu.memory_space<vmem>>) target_semaphore(%run_scoped3A : memref<!tpu.dma_semaphore, #tpu.memory_space<semaphore_mem>>)
          %dma_wait3A = tpu.memref_slice %arg3[%mul3A_31] : memref<160000xi32, #tpu.memory_space<hbm>> -> memref<128xi32, #tpu.memory_space<hbm>>
          %dma_wait3A_33 = tpu.memref_slice %arg3[%mul3A_31] : memref<160000xi32, #tpu.memory_space<hbm>> -> memref<128xi32, #tpu.memory_space<hbm>>
          tpu.wait_dma2 semaphore(%run_scoped3A : memref<!tpu.dma_semaphore, #tpu.memory_space<semaphore_mem>>) src(%dma_wait3A_33 : memref<128xi32, #tpu.memory_space<hbm>>) dst(%arg6 : memref<128xi32, #tpu.memory_space<vmem>>)
          tpu.yield
        }) : () -> ()
        "tpu.region"() ({
          %run_scoped3A = tpu.sem_alloc : memref<!tpu.dma_semaphore, #tpu.memory_space<semaphore_mem>>
          %dma_start3A = arith.constant 0 : i32
          %dma_start3A_32 = tpu.memref_slice %arg2[%mul3A_31, %dma_start3A] : memref<160000x32xf32, #tpu.memory_space<hbm>> -> memref<128x32xf32, #tpu.memory_space<hbm>>
          %dma_start3A_33 = arith.constant 0 : i32
          %dma_start3A_34 = tpu.memref_slice %arg2[%mul3A_31, %dma_start3A_33] : memref<160000x32xf32, #tpu.memory_space<hbm>> -> memref<128x32xf32, #tpu.memory_space<hbm>>
          tpu.enqueue_dma source(%dma_start3A_34 : memref<128x32xf32, #tpu.memory_space<hbm>>) target(%arg7 : memref<128x32xf32, #tpu.memory_space<vmem>>) target_semaphore(%run_scoped3A : memref<!tpu.dma_semaphore, #tpu.memory_space<semaphore_mem>>)
          %dma_wait3A = arith.constant 0 : i32
          %dma_wait3A_35 = tpu.memref_slice %arg2[%mul3A_31, %dma_wait3A] : memref<160000x32xf32, #tpu.memory_space<hbm>> -> memref<128x32xf32, #tpu.memory_space<hbm>>
          %dma_wait3A_36 = arith.constant 0 : i32
          %dma_wait3A_37 = tpu.memref_slice %arg2[%mul3A_31, %dma_wait3A_36] : memref<160000x32xf32, #tpu.memory_space<hbm>> -> memref<128x32xf32, #tpu.memory_space<hbm>>
          tpu.wait_dma2 semaphore(%run_scoped3A : memref<!tpu.dma_semaphore, #tpu.memory_space<semaphore_mem>>) src(%dma_wait3A_37 : memref<128x32xf32, #tpu.memory_space<hbm>>) dst(%arg7 : memref<128x32xf32, #tpu.memory_space<vmem>>)
          tpu.yield
        }) : () -> ()
        "tpu.region"() ({
          %run_scoped3A = tpu.sem_alloc : memref<!tpu.dma_semaphore, #tpu.memory_space<semaphore_mem>>
          %dma_start3A = arith.constant 0 : i32
          %dma_start3A_32 = arith.constant 0 : i32
          %dma_start3A_33 = tpu.memref_slice %arg8[%dma_start3A, %dma_start3A_32] : memref<10000x32xf32, #tpu.memory_space<vmem_shared>> -> memref<10000x32xf32, #tpu.memory_space<vmem_shared>>
          tpu.enqueue_indirect_dma source(%arg7 : memref<128x32xf32, #tpu.memory_space<vmem>>) target(%dma_start3A_33 : memref<10000x32xf32, #tpu.memory_space<vmem_shared>>) offsets(%arg6 : memref<128xi32, #tpu.memory_space<vmem>>) semaphore(%run_scoped3A : memref<!tpu.dma_semaphore, #tpu.memory_space<semaphore_mem>>) {add = true}
          %dma_wait3A = arith.constant 0 : i32
          %dma_wait3A_34 = arith.constant 0 : i32
          %dma_wait3A_35 = tpu.memref_slice %arg8[%dma_wait3A, %dma_wait3A_34] : memref<10000x32xf32, #tpu.memory_space<vmem_shared>> -> memref<10000x32xf32, #tpu.memory_space<vmem_shared>>
          tpu.wait_indirect_dma semaphore(%run_scoped3A : memref<!tpu.dma_semaphore, #tpu.memory_space<semaphore_mem>>) src(%arg7 : memref<128x32xf32, #tpu.memory_space<vmem>>) dst(%dma_wait3A_35 : memref<10000x32xf32, #tpu.memory_space<vmem_shared>>)
          tpu.yield
        }) : () -> ()
      } else {
      }
    }
    %scan3A_9 = arith.constant 40 : i32
    %barrier3A_10 = arith.constant 0 : index
    tpu.barrier barrier_id(%barrier3A_10)
    %mul3A_11 = arith.constant 624 : i32
    %mul3A_12 = arith.muli %arg1, %mul3A_11 : i32
    %mul3A_13 = arith.constant 624 : i32
    %mul3A_14 = arith.muli %arg1, %mul3A_13 : i32
    "tpu.region"() ({
      %run_scoped3A = tpu.sem_alloc : memref<!tpu.dma_semaphore, #tpu.memory_space<semaphore_mem>>
      %dma_start3A = arith.constant 0 : i32
      %dma_start3A_20 = arith.constant 0 : i32
      %dma_start3A_21 = tpu.memref_slice %arg5[%arg0, %dma_start3A, %dma_start3A_20] : memref<2x10000x32xf32, #tpu.memory_space<hbm>> -> memref<1x10000x32xf32, #tpu.memory_space<hbm>>
      %dma_start3A_22 = tpu.memref_squeeze %dma_start3A_21 : memref<1x10000x32xf32, #tpu.memory_space<hbm>> -> memref<10000x32xf32, #tpu.memory_space<hbm>>
      %dma_start3A_23 = arith.constant 0 : i32
      %dma_start3A_24 = tpu.memref_slice %dma_start3A_22[%mul3A_14, %dma_start3A_23] : memref<10000x32xf32, #tpu.memory_space<hbm>> -> memref<624x32xf32, #tpu.memory_space<hbm>>
      %dma_start3A_25 = arith.constant 0 : i32
      %dma_start3A_26 = tpu.memref_slice %arg8[%mul3A_12, %dma_start3A_25] : memref<10000x32xf32, #tpu.memory_space<vmem_shared>> -> memref<624x32xf32, #tpu.memory_space<vmem_shared>>
      tpu.enqueue_dma source(%dma_start3A_26 : memref<624x32xf32, #tpu.memory_space<vmem_shared>>) target(%dma_start3A_24 : memref<624x32xf32, #tpu.memory_space<hbm>>) target_semaphore(%run_scoped3A : memref<!tpu.dma_semaphore, #tpu.memory_space<semaphore_mem>>)
      %dma_wait3A = arith.constant 0 : i32
      %dma_wait3A_27 = arith.constant 0 : i32
      %dma_wait3A_28 = tpu.memref_slice %arg5[%arg0, %dma_wait3A, %dma_wait3A_27] : memref<2x10000x32xf32, #tpu.memory_space<hbm>> -> memref<1x10000x32xf32, #tpu.memory_space<hbm>>
      %dma_wait3A_29 = tpu.memref_squeeze %dma_wait3A_28 : memref<1x10000x32xf32, #tpu.memory_space<hbm>> -> memref<10000x32xf32, #tpu.memory_space<hbm>>
      %dma_wait3A_30 = arith.constant 0 : i32
      %dma_wait3A_31 = tpu.memref_slice %dma_wait3A_29[%mul3A_14, %dma_wait3A_30] : memref<10000x32xf32, #tpu.memory_space<hbm>> -> memref<624x32xf32, #tpu.memory_space<hbm>>
      %dma_wait3A_32 = arith.constant 0 : i32
      %dma_wait3A_33 = tpu.memref_slice %arg8[%mul3A_12, %dma_wait3A_32] : memref<10000x32xf32, #tpu.memory_space<vmem_shared>> -> memref<624x32xf32, #tpu.memory_space<vmem_shared>>
      tpu.wait_dma2 semaphore(%run_scoped3A : memref<!tpu.dma_semaphore, #tpu.memory_space<semaphore_mem>>) src(%dma_wait3A_33 : memref<624x32xf32, #tpu.memory_space<vmem_shared>>) dst(%dma_wait3A_31 : memref<624x32xf32, #tpu.memory_space<hbm>>)
      tpu.yield
    }) : () -> ()
    %eq3A_15 = arith.constant 15 : i32
    %eq3A_16 = arith.cmpi eq, %arg1, %eq3A_15 : i32
    %convert_element_type3A_17 = arith.extui %eq3A_16 : i1 to i32
    %cond3A_18 = arith.constant 0 : i32
    %cond3A_19 = arith.cmpi ne, %convert_element_type3A_17, %cond3A_18 : i32
    scf.if %cond3A_19 {
      "tpu.region"() ({
        %run_scoped3A = tpu.sem_alloc : memref<!tpu.dma_semaphore, #tpu.memory_space<semaphore_mem>>
        %dma_start3A = arith.constant 0 : i32
        %dma_start3A_20 = arith.constant 0 : i32
        %dma_start3A_21 = tpu.memref_slice %arg5[%arg0, %dma_start3A, %dma_start3A_20] : memref<2x10000x32xf32, #tpu.memory_space<hbm>> -> memref<1x10000x32xf32, #tpu.memory_space<hbm>>
        %dma_start3A_22 = tpu.memref_squeeze %dma_start3A_21 : memref<1x10000x32xf32, #tpu.memory_space<hbm>> -> memref<10000x32xf32, #tpu.memory_space<hbm>>
        %dma_start3A_23 = arith.constant 9984 : i32
        %dma_start3A_24 = arith.constant 0 : i32
        %dma_start3A_25 = tpu.memref_slice %dma_start3A_22[%dma_start3A_23, %dma_start3A_24] : memref<10000x32xf32, #tpu.memory_space<hbm>> -> memref<16x32xf32, #tpu.memory_space<hbm>>
        %dma_start3A_26 = arith.constant 9984 : i32
        %dma_start3A_27 = arith.constant 0 : i32
        %dma_start3A_28 = tpu.memref_slice %arg8[%dma_start3A_26, %dma_start3A_27] : memref<10000x32xf32, #tpu.memory_space<vmem_shared>> -> memref<16x32xf32, #tpu.memory_space<vmem_shared>>
        tpu.enqueue_dma source(%dma_start3A_28 : memref<16x32xf32, #tpu.memory_space<vmem_shared>>) target(%dma_start3A_25 : memref<16x32xf32, #tpu.memory_space<hbm>>) target_semaphore(%run_scoped3A : memref<!tpu.dma_semaphore, #tpu.memory_space<semaphore_mem>>)
        %dma_wait3A = arith.constant 0 : i32
        %dma_wait3A_29 = arith.constant 0 : i32
        %dma_wait3A_30 = tpu.memref_slice %arg5[%arg0, %dma_wait3A, %dma_wait3A_29] : memref<2x10000x32xf32, #tpu.memory_space<hbm>> -> memref<1x10000x32xf32, #tpu.memory_space<hbm>>
        %dma_wait3A_31 = tpu.memref_squeeze %dma_wait3A_30 : memref<1x10000x32xf32, #tpu.memory_space<hbm>> -> memref<10000x32xf32, #tpu.memory_space<hbm>>
        %dma_wait3A_32 = arith.constant 9984 : i32
        %dma_wait3A_33 = arith.constant 0 : i32
        %dma_wait3A_34 = tpu.memref_slice %dma_wait3A_31[%dma_wait3A_32, %dma_wait3A_33] : memref<10000x32xf32, #tpu.memory_space<hbm>> -> memref<16x32xf32, #tpu.memory_space<hbm>>
        %dma_wait3A_35 = arith.constant 9984 : i32
        %dma_wait3A_36 = arith.constant 0 : i32
        %dma_wait3A_37 = tpu.memref_slice %arg8[%dma_wait3A_35, %dma_wait3A_36] : memref<10000x32xf32, #tpu.memory_space<vmem_shared>> -> memref<16x32xf32, #tpu.memory_space<vmem_shared>>
        tpu.wait_dma2 semaphore(%run_scoped3A : memref<!tpu.dma_semaphore, #tpu.memory_space<semaphore_mem>>) src(%dma_wait3A_37 : memref<16x32xf32, #tpu.memory_space<vmem_shared>>) dst(%dma_wait3A_34 : memref<16x32xf32, #tpu.memory_space<hbm>>)
        tpu.yield
      }) : () -> ()
    } else {
    }
    return
  }
}

#map = affine_map<(d0, d1) -> (0, 0)>
#map1 = affine_map<(d0, d1) -> (0)>
#map2 = affine_map<(d0, d1) -> (0, 0, 0)>
module attributes {stable_mosaic.version = 14 : i64} {
  func.func @k(%arg0: i32, %arg1: i32, %arg2: memref<160000x32xf32, #tpu.memory_space<hbm>>, %arg3: memref<160000xi32, #tpu.memory_space<hbm>>, %arg4: memref<10000x32xf32, #tpu.memory_space<hbm>>, %arg5: memref<2x10000x32xf32, #tpu.memory_space<hbm>>, %arg6: memref<128xi32, #tpu.memory_space<vmem>>, %arg7: memref<128x32xf32, #tpu.memory_space<vmem>>, %arg8: memref<10000x32xf32, #tpu.memory_space<vmem_shared>>) attributes {dimension_semantics = [#tpu.dimension_semantics<core_parallel>, #tpu.dimension_semantics<subcore_parallel>], iteration_bounds = array<i64: 2, 16>, scalar_prefetch = 0 : i64, scratch_operands = 3 : i64, tpu.core_type = #tpu.core_type<sc_vector_subcore>, window_params = [{transform_indices = #map}, {transform_indices = #map1}, {transform_indices = #map}, {transform_indices = #map2}]} {
    %mul3A = arith.constant 624 : i32
    %mul3A_0 = arith.muli %arg1, %mul3A : i32
    %mul3A_1 = arith.constant 624 : i32
    %mul3A_2 = arith.muli %arg1, %mul3A_1 : i32
    "tpu.region"() ({
      %run_scoped3A = tpu.sem_alloc : memref<!tpu.dma_semaphore, #tpu.memory_space<semaphore_mem>>
      %dma_start3A = arith.constant 0 : i32
      %dma_start3A_20 = tpu.memref_slice %arg8[%mul3A_2, %dma_start3A] : memref<10000x32xf32, #tpu.memory_space<vmem_shared>> -> memref<624x32xf32, #tpu.memory_space<vmem_shared>>
      %dma_start3A_21 = arith.constant 0 : i32
      %dma_start3A_22 = tpu.memref_slice %arg4[%mul3A_0, %dma_start3A_21] : memref<10000x32xf32, #tpu.memory_space<hbm>> -> memref<624x32xf32, #tpu.memory_space<hbm>>
      tpu.enqueue_dma source(%dma_start3A_22 : memref<624x32xf32, #tpu.memory_space<hbm>>) target(%dma_start3A_20 : memref<624x32xf32, #tpu.memory_space<vmem_shared>>) target_semaphore(%run_scoped3A : memref<!tpu.dma_semaphore, #tpu.memory_space<semaphore_mem>>)
      %dma_wait3A = arith.constant 0 : i32
      %dma_wait3A_23 = tpu.memref_slice %arg8[%mul3A_2, %dma_wait3A] : memref<10000x32xf32, #tpu.memory_space<vmem_shared>> -> memref<624x32xf32, #tpu.memory_space<vmem_shared>>
      %dma_wait3A_24 = arith.constant 0 : i32
      %dma_wait3A_25 = tpu.memref_slice %arg4[%mul3A_0, %dma_wait3A_24] : memref<10000x32xf32, #tpu.memory_space<hbm>> -> memref<624x32xf32, #tpu.memory_space<hbm>>
      tpu.wait_dma2 semaphore(%run_scoped3A : memref<!tpu.dma_semaphore, #tpu.memory_space<semaphore_mem>>) src(%dma_wait3A_25 : memref<624x32xf32, #tpu.memory_space<hbm>>) dst(%dma_wait3A_23 : memref<624x32xf32, #tpu.memory_space<vmem_shared>>)
      tpu.yield
    }) : () -> ()
    %eq3A = arith.constant 15 : i32
    %eq3A_3 = arith.cmpi eq, %arg1, %eq3A : i32
    %convert_element_type3A = arith.extui %eq3A_3 : i1 to i32
    %cond3A = arith.constant 0 : i32
    %cond3A_4 = arith.cmpi ne, %convert_element_type3A, %cond3A : i32
    scf.if %cond3A_4 {
      "tpu.region"() ({
        %run_scoped3A = tpu.sem_alloc : memref<!tpu.dma_semaphore, #tpu.memory_space<semaphore_mem>>
        %dma_start3A = arith.constant 9984 : i32
        %dma_start3A_20 = arith.constant 0 : i32
        %dma_start3A_21 = tpu.memref_slice %arg8[%dma_start3A, %dma_start3A_20] : memref<10000x32xf32, #tpu.memory_space<vmem_shared>> -> memref<16x32xf32, #tpu.memory_space<vmem_shared>>
        %dma_start3A_22 = arith.constant 9984 : i32
        %dma_start3A_23 = arith.constant 0 : i32
        %dma_start3A_24 = tpu.memref_slice %arg4[%dma_start3A_22, %dma_start3A_23] : memref<10000x32xf32, #tpu.memory_space<hbm>> -> memref<16x32xf32, #tpu.memory_space<hbm>>
        tpu.enqueue_dma source(%dma_start3A_24 : memref<16x32xf32, #tpu.memory_space<hbm>>) target(%dma_start3A_21 : memref<16x32xf32, #tpu.memory_space<vmem_shared>>) target_semaphore(%run_scoped3A : memref<!tpu.dma_semaphore, #tpu.memory_space<semaphore_mem>>)
        %dma_wait3A = arith.constant 9984 : i32
        %dma_wait3A_25 = arith.constant 0 : i32
        %dma_wait3A_26 = tpu.memref_slice %arg8[%dma_wait3A, %dma_wait3A_25] : memref<10000x32xf32, #tpu.memory_space<vmem_shared>> -> memref<16x32xf32, #tpu.memory_space<vmem_shared>>
        %dma_wait3A_27 = arith.constant 9984 : i32
        %dma_wait3A_28 = arith.constant 0 : i32
        %dma_wait3A_29 = tpu.memref_slice %arg4[%dma_wait3A_27, %dma_wait3A_28] : memref<10000x32xf32, #tpu.memory_space<hbm>> -> memref<16x32xf32, #tpu.memory_space<hbm>>
        tpu.wait_dma2 semaphore(%run_scoped3A : memref<!tpu.dma_semaphore, #tpu.memory_space<semaphore_mem>>) src(%dma_wait3A_29 : memref<16x32xf32, #tpu.memory_space<hbm>>) dst(%dma_wait3A_26 : memref<16x32xf32, #tpu.memory_space<vmem_shared>>)
        tpu.yield
      }) : () -> ()
    } else {
    }
    %barrier3A = arith.constant 0 : index
    tpu.barrier barrier_id(%barrier3A)
    %scan3A = arith.constant 0 : i32
    %scan3A_5 = arith.constant 0 : i32
    %scan3A_6 = arith.constant 40 : i32
    %scan3A_7 = arith.addi %scan3A_5, %scan3A_6 : i32
    %scan3A_8 = arith.constant 1 : i32
    scf.for %scan3A_20 = %scan3A_5 to %scan3A_7 step %scan3A_8  : i32 {
      %mul3A_21 = arith.constant 16 : i32
      %mul3A_22 = arith.muli %scan3A_20, %mul3A_21 : i32
      %add3A = arith.addi %arg1, %mul3A_22 : i32
      %lt3A = arith.constant 625 : i32
      %lt3A_23 = arith.cmpi slt, %add3A, %lt3A : i32
      %convert_element_type3A_24 = arith.extui %lt3A_23 : i1 to i32
      %cond3A_25 = arith.constant 0 : i32
      %cond3A_26 = arith.cmpi ne, %convert_element_type3A_24, %cond3A_25 : i32
      scf.if %cond3A_26 {
        %mul3A_27 = arith.constant 625 : i32
        %mul3A_28 = arith.muli %arg0, %mul3A_27 : i32
        %add3A_29 = arith.addi %mul3A_28, %add3A : i32
        %mul3A_30 = arith.constant 128 : i32
        %mul3A_31 = arith.muli %add3A_29, %mul3A_30 : i32
        "tpu.region"() ({
          %run_scoped3A = tpu.sem_alloc : memref<!tpu.dma_semaphore, #tpu.memory_space<semaphore_mem>>
          %dma_start3A = tpu.memref_slice %arg3[%mul3A_31] : memref<160000xi32, #tpu.memory_space<hbm>> -> memref<128xi32, #tpu.memory_space<hbm>>
          %dma_start3A_32 = tpu.memref_slice %arg3[%mul3A_31] : memref<160000xi32, #tpu.memory_space<hbm>> -> memref<128xi32, #tpu.memory_space<hbm>>
          tpu.enqueue_dma source(%dma_start3A_32 : memref<128xi32, #tpu.memory_space<hbm>>) target(%arg6 : memref<128xi32, #tpu.memory_space<vmem>>) target_semaphore(%run_scoped3A : memref<!tpu.dma_semaphore, #tpu.memory_space<semaphore_mem>>)
          %dma_wait3A = tpu.memref_slice %arg3[%mul3A_31] : memref<160000xi32, #tpu.memory_space<hbm>> -> memref<128xi32, #tpu.memory_space<hbm>>
          %dma_wait3A_33 = tpu.memref_slice %arg3[%mul3A_31] : memref<160000xi32, #tpu.memory_space<hbm>> -> memref<128xi32, #tpu.memory_space<hbm>>
          tpu.wait_dma2 semaphore(%run_scoped3A : memref<!tpu.dma_semaphore, #tpu.memory_space<semaphore_mem>>) src(%dma_wait3A_33 : memref<128xi32, #tpu.memory_space<hbm>>) dst(%arg6 : memref<128xi32, #tpu.memory_space<vmem>>)
          tpu.yield
        }) : () -> ()
        "tpu.region"() ({
          %run_scoped3A = tpu.sem_alloc : memref<!tpu.dma_semaphore, #tpu.memory_space<semaphore_mem>>
          %dma_start3A = arith.constant 0 : i32
          %dma_start3A_32 = tpu.memref_slice %arg2[%mul3A_31, %dma_start3A] : memref<160000x32xf32, #tpu.memory_space<hbm>> -> memref<128x32xf32, #tpu.memory_space<hbm>>
          %dma_start3A_33 = arith.constant 0 : i32
          %dma_start3A_34 = tpu.memref_slice %arg2[%mul3A_31, %dma_start3A_33] : memref<160000x32xf32, #tpu.memory_space<hbm>> -> memref<128x32xf32, #tpu.memory_space<hbm>>
          tpu.enqueue_dma source(%dma_start3A_34 : memref<128x32xf32, #tpu.memory_space<hbm>>) target(%arg7 : memref<128x32xf32, #tpu.memory_space<vmem>>) target_semaphore(%run_scoped3A : memref<!tpu.dma_semaphore, #tpu.memory_space<semaphore_mem>>)
          %dma_wait3A = arith.constant 0 : i32
          %dma_wait3A_35 = tpu.memref_slice %arg2[%mul3A_31, %dma_wait3A] : memref<160000x32xf32, #tpu.memory_space<hbm>> -> memref<128x32xf32, #tpu.memory_space<hbm>>
          %dma_wait3A_36 = arith.constant 0 : i32
          %dma_wait3A_37 = tpu.memref_slice %arg2[%mul3A_31, %dma_wait3A_36] : memref<160000x32xf32, #tpu.memory_space<hbm>> -> memref<128x32xf32, #tpu.memory_space<hbm>>
          tpu.wait_dma2 semaphore(%run_scoped3A : memref<!tpu.dma_semaphore, #tpu.memory_space<semaphore_mem>>) src(%dma_wait3A_37 : memref<128x32xf32, #tpu.memory_space<hbm>>) dst(%arg7 : memref<128x32xf32, #tpu.memory_space<vmem>>)
          tpu.yield
        }) : () -> ()
        "tpu.region"() ({
          %run_scoped3A = tpu.sem_alloc : memref<!tpu.dma_semaphore, #tpu.memory_space<semaphore_mem>>
          %dma_start3A = arith.constant 0 : i32
          %dma_start3A_32 = arith.constant 0 : i32
          %dma_start3A_33 = tpu.memref_slice %arg8[%dma_start3A, %dma_start3A_32] : memref<10000x32xf32, #tpu.memory_space<vmem_shared>> -> memref<10000x32xf32, #tpu.memory_space<vmem_shared>>
          tpu.enqueue_indirect_dma source(%arg7 : memref<128x32xf32, #tpu.memory_space<vmem>>) target(%dma_start3A_33 : memref<10000x32xf32, #tpu.memory_space<vmem_shared>>) offsets(%arg6 : memref<128xi32, #tpu.memory_space<vmem>>) semaphore(%run_scoped3A : memref<!tpu.dma_semaphore, #tpu.memory_space<semaphore_mem>>) {add = true}
          %dma_wait3A = arith.constant 0 : i32
          %dma_wait3A_34 = arith.constant 0 : i32
          %dma_wait3A_35 = tpu.memref_slice %arg8[%dma_wait3A, %dma_wait3A_34] : memref<10000x32xf32, #tpu.memory_space<vmem_shared>> -> memref<10000x32xf32, #tpu.memory_space<vmem_shared>>
          tpu.wait_indirect_dma semaphore(%run_scoped3A : memref<!tpu.dma_semaphore, #tpu.memory_space<semaphore_mem>>) src(%arg7 : memref<128x32xf32, #tpu.memory_space<vmem>>) dst(%dma_wait3A_35 : memref<10000x32xf32, #tpu.memory_space<vmem_shared>>)
          tpu.yield
        }) : () -> ()
      } else {
      }
    }
    %scan3A_9 = arith.constant 40 : i32
    %barrier3A_10 = arith.constant 0 : index
    tpu.barrier barrier_id(%barrier3A_10)
    %mul3A_11 = arith.constant 624 : i32
    %mul3A_12 = arith.muli %arg1, %mul3A_11 : i32
    %mul3A_13 = arith.constant 624 : i32
    %mul3A_14 = arith.muli %arg1, %mul3A_13 : i32
    "tpu.region"() ({
      %run_scoped3A = tpu.sem_alloc : memref<!tpu.dma_semaphore, #tpu.memory_space<semaphore_mem>>
      %dma_start3A = arith.constant 0 : i32
      %dma_start3A_20 = arith.constant 0 : i32
      %dma_start3A_21 = tpu.memref_slice %arg5[%arg0, %dma_start3A, %dma_start3A_20] : memref<2x10000x32xf32, #tpu.memory_space<hbm>> -> memref<1x10000x32xf32, #tpu.memory_space<hbm>>
      %dma_start3A_22 = tpu.memref_squeeze %dma_start3A_21 : memref<1x10000x32xf32, #tpu.memory_space<hbm>> -> memref<10000x32xf32, #tpu.memory_space<hbm>>
      %dma_start3A_23 = arith.constant 0 : i32
      %dma_start3A_24 = tpu.memref_slice %dma_start3A_22[%mul3A_14, %dma_start3A_23] : memref<10000x32xf32, #tpu.memory_space<hbm>> -> memref<624x32xf32, #tpu.memory_space<hbm>>
      %dma_start3A_25 = arith.constant 0 : i32
      %dma_start3A_26 = tpu.memref_slice %arg8[%mul3A_12, %dma_start3A_25] : memref<10000x32xf32, #tpu.memory_space<vmem_shared>> -> memref<624x32xf32, #tpu.memory_space<vmem_shared>>
      tpu.enqueue_dma source(%dma_start3A_26 : memref<624x32xf32, #tpu.memory_space<vmem_shared>>) target(%dma_start3A_24 : memref<624x32xf32, #tpu.memory_space<hbm>>) target_semaphore(%run_scoped3A : memref<!tpu.dma_semaphore, #tpu.memory_space<semaphore_mem>>)
      %dma_wait3A = arith.constant 0 : i32
      %dma_wait3A_27 = arith.constant 0 : i32
      %dma_wait3A_28 = tpu.memref_slice %arg5[%arg0, %dma_wait3A, %dma_wait3A_27] : memref<2x10000x32xf32, #tpu.memory_space<hbm>> -> memref<1x10000x32xf32, #tpu.memory_space<hbm>>
      %dma_wait3A_29 = tpu.memref_squeeze %dma_wait3A_28 : memref<1x10000x32xf32, #tpu.memory_space<hbm>> -> memref<10000x32xf32, #tpu.memory_space<hbm>>
      %dma_wait3A_30 = arith.constant 0 : i32
      %dma_wait3A_31 = tpu.memref_slice %dma_wait3A_29[%mul3A_14, %dma_wait3A_30] : memref<10000x32xf32, #tpu.memory_space<hbm>> -> memref<624x32xf32, #tpu.memory_space<hbm>>
      %dma_wait3A_32 = arith.constant 0 : i32
      %dma_wait3A_33 = tpu.memref_slice %arg8[%mul3A_12, %dma_wait3A_32] : memref<10000x32xf32, #tpu.memory_space<vmem_shared>> -> memref<624x32xf32, #tpu.memory_space<vmem_shared>>
      tpu.wait_dma2 semaphore(%run_scoped3A : memref<!tpu.dma_semaphore, #tpu.memory_space<semaphore_mem>>) src(%dma_wait3A_33 : memref<624x32xf32, #tpu.memory_space<vmem_shared>>) dst(%dma_wait3A_31 : memref<624x32xf32, #tpu.memory_space<hbm>>)
      tpu.yield
    }) : () -> ()
    %eq3A_15 = arith.constant 15 : i32
    %eq3A_16 = arith.cmpi eq, %arg1, %eq3A_15 : i32
    %convert_element_type3A_17 = arith.extui %eq3A_16 : i1 to i32
    %cond3A_18 = arith.constant 0 : i32
    %cond3A_19 = arith.cmpi ne, %convert_element_type3A_17, %cond3A_18 : i32
    scf.if %cond3A_19 {
      "tpu.region"() ({
        %run_scoped3A = tpu.sem_alloc : memref<!tpu.dma_semaphore, #tpu.memory_space<semaphore_mem>>
        %dma_start3A = arith.constant 0 : i32
        %dma_start3A_20 = arith.constant 0 : i32
        %dma_start3A_21 = tpu.memref_slice %arg5[%arg0, %dma_start3A, %dma_start3A_20] : memref<2x10000x32xf32, #tpu.memory_space<hbm>> -> memref<1x10000x32xf32, #tpu.memory_space<hbm>>
        %dma_start3A_22 = tpu.memref_squeeze %dma_start3A_21 : memref<1x10000x32xf32, #tpu.memory_space<hbm>> -> memref<10000x32xf32, #tpu.memory_space<hbm>>
        %dma_start3A_23 = arith.constant 9984 : i32
        %dma_start3A_24 = arith.constant 0 : i32
        %dma_start3A_25 = tpu.memref_slice %dma_start3A_22[%dma_start3A_23, %dma_start3A_24] : memref<10000x32xf32, #tpu.memory_space<hbm>> -> memref<16x32xf32, #tpu.memory_space<hbm>>
        %dma_start3A_26 = arith.constant 9984 : i32
        %dma_start3A_27 = arith.constant 0 : i32
        %dma_start3A_28 = tpu.memref_slice %arg8[%dma_start3A_26, %dma_start3A_27] : memref<10000x32xf32, #tpu.memory_space<vmem_shared>> -> memref<16x32xf32, #tpu.memory_space<vmem_shared>>
        tpu.enqueue_dma source(%dma_start3A_28 : memref<16x32xf32, #tpu.memory_space<vmem_shared>>) target(%dma_start3A_25 : memref<16x32xf32, #tpu.memory_space<hbm>>) target_semaphore(%run_scoped3A : memref<!tpu.dma_semaphore, #tpu.memory_space<semaphore_mem>>)
        %dma_wait3A = arith.constant 0 : i32
        %dma_wait3A_29 = arith.constant 0 : i32
        %dma_wait3A_30 = tpu.memref_slice %arg5[%arg0, %dma_wait3A, %dma_wait3A_29] : memref<2x10000x32xf32, #tpu.memory_space<hbm>> -> memref<1x10000x32xf32, #tpu.memory_space<hbm>>
        %dma_wait3A_31 = tpu.memref_squeeze %dma_wait3A_30 : memref<1x10000x32xf32, #tpu.memory_space<hbm>> -> memref<10000x32xf32, #tpu.memory_space<hbm>>
        %dma_wait3A_32 = arith.constant 9984 : i32
        %dma_wait3A_33 = arith.constant 0 : i32
        %dma_wait3A_34 = tpu.memref_slice %dma_wait3A_31[%dma_wait3A_32, %dma_wait3A_33] : memref<10000x32xf32, #tpu.memory_space<hbm>> -> memref<16x32xf32, #tpu.memory_space<hbm>>
        %dma_wait3A_35 = arith.constant 9984 : i32
        %dma_wait3A_36 = arith.constant 0 : i32
        %dma_wait3A_37 = tpu.memref_slice %arg8[%dma_wait3A_35, %dma_wait3A_36] : memref<10000x32xf32, #tpu.memory_space<vmem_shared>> -> memref<16x32xf32, #tpu.memory_space<vmem_shared>>
        tpu.wait_dma2 semaphore(%run_scoped3A : memref<!tpu.dma_semaphore, #tpu.memory_space<semaphore_mem>>) src(%dma_wait3A_37 : memref<16x32xf32, #tpu.memory_space<vmem_shared>>) dst(%dma_wait3A_34 : memref<16x32xf32, #tpu.memory_space<hbm>>)
        tpu.yield
      }) : () -> ()
    } else {
    }
    return
  }
}

#map = affine_map<(d0, d1) -> (0, 0)>
#map1 = affine_map<(d0, d1) -> (0)>
#map2 = affine_map<(d0, d1) -> (0, 0, 0)>
module attributes {stable_mosaic.version = 14 : i64} {
  func.func @k(%arg0: i32, %arg1: i32, %arg2: memref<160000x32xf32, #tpu.memory_space<hbm>>, %arg3: memref<160000xi32, #tpu.memory_space<hbm>>, %arg4: memref<10000x32xf32, #tpu.memory_space<hbm>>, %arg5: memref<2x10000x32xf32, #tpu.memory_space<hbm>>, %arg6: memref<128xi32, #tpu.memory_space<vmem>>, %arg7: memref<128x32xf32, #tpu.memory_space<vmem>>, %arg8: memref<10000x32xf32, #tpu.memory_space<vmem_shared>>) attributes {dimension_semantics = [#tpu.dimension_semantics<core_parallel>, #tpu.dimension_semantics<subcore_parallel>], iteration_bounds = array<i64: 2, 16>, scalar_prefetch = 0 : i64, scratch_operands = 3 : i64, tpu.core_type = #tpu.core_type<sc_vector_subcore>, window_params = [{transform_indices = #map}, {transform_indices = #map1}, {transform_indices = #map}, {transform_indices = #map2}]} {
    %mul3A = arith.constant 624 : i32
    %mul3A_0 = arith.muli %arg1, %mul3A : i32
    %mul3A_1 = arith.constant 624 : i32
    %mul3A_2 = arith.muli %arg1, %mul3A_1 : i32
    "tpu.region"() ({
      %run_scoped3A = tpu.sem_alloc : memref<!tpu.dma_semaphore, #tpu.memory_space<semaphore_mem>>
      %dma_start3A = arith.constant 0 : i32
      %dma_start3A_20 = tpu.memref_slice %arg8[%mul3A_2, %dma_start3A] : memref<10000x32xf32, #tpu.memory_space<vmem_shared>> -> memref<624x32xf32, #tpu.memory_space<vmem_shared>>
      %dma_start3A_21 = arith.constant 0 : i32
      %dma_start3A_22 = tpu.memref_slice %arg4[%mul3A_0, %dma_start3A_21] : memref<10000x32xf32, #tpu.memory_space<hbm>> -> memref<624x32xf32, #tpu.memory_space<hbm>>
      tpu.enqueue_dma source(%dma_start3A_22 : memref<624x32xf32, #tpu.memory_space<hbm>>) target(%dma_start3A_20 : memref<624x32xf32, #tpu.memory_space<vmem_shared>>) target_semaphore(%run_scoped3A : memref<!tpu.dma_semaphore, #tpu.memory_space<semaphore_mem>>)
      %dma_wait3A = arith.constant 0 : i32
      %dma_wait3A_23 = tpu.memref_slice %arg8[%mul3A_2, %dma_wait3A] : memref<10000x32xf32, #tpu.memory_space<vmem_shared>> -> memref<624x32xf32, #tpu.memory_space<vmem_shared>>
      %dma_wait3A_24 = arith.constant 0 : i32
      %dma_wait3A_25 = tpu.memref_slice %arg4[%mul3A_0, %dma_wait3A_24] : memref<10000x32xf32, #tpu.memory_space<hbm>> -> memref<624x32xf32, #tpu.memory_space<hbm>>
      tpu.wait_dma2 semaphore(%run_scoped3A : memref<!tpu.dma_semaphore, #tpu.memory_space<semaphore_mem>>) src(%dma_wait3A_25 : memref<624x32xf32, #tpu.memory_space<hbm>>) dst(%dma_wait3A_23 : memref<624x32xf32, #tpu.memory_space<vmem_shared>>)
      tpu.yield
    }) : () -> ()
    %eq3A = arith.constant 15 : i32
    %eq3A_3 = arith.cmpi eq, %arg1, %eq3A : i32
    %convert_element_type3A = arith.extui %eq3A_3 : i1 to i32
    %cond3A = arith.constant 0 : i32
    %cond3A_4 = arith.cmpi ne, %convert_element_type3A, %cond3A : i32
    scf.if %cond3A_4 {
      "tpu.region"() ({
        %run_scoped3A = tpu.sem_alloc : memref<!tpu.dma_semaphore, #tpu.memory_space<semaphore_mem>>
        %dma_start3A = arith.constant 9984 : i32
        %dma_start3A_20 = arith.constant 0 : i32
        %dma_start3A_21 = tpu.memref_slice %arg8[%dma_start3A, %dma_start3A_20] : memref<10000x32xf32, #tpu.memory_space<vmem_shared>> -> memref<16x32xf32, #tpu.memory_space<vmem_shared>>
        %dma_start3A_22 = arith.constant 9984 : i32
        %dma_start3A_23 = arith.constant 0 : i32
        %dma_start3A_24 = tpu.memref_slice %arg4[%dma_start3A_22, %dma_start3A_23] : memref<10000x32xf32, #tpu.memory_space<hbm>> -> memref<16x32xf32, #tpu.memory_space<hbm>>
        tpu.enqueue_dma source(%dma_start3A_24 : memref<16x32xf32, #tpu.memory_space<hbm>>) target(%dma_start3A_21 : memref<16x32xf32, #tpu.memory_space<vmem_shared>>) target_semaphore(%run_scoped3A : memref<!tpu.dma_semaphore, #tpu.memory_space<semaphore_mem>>)
        %dma_wait3A = arith.constant 9984 : i32
        %dma_wait3A_25 = arith.constant 0 : i32
        %dma_wait3A_26 = tpu.memref_slice %arg8[%dma_wait3A, %dma_wait3A_25] : memref<10000x32xf32, #tpu.memory_space<vmem_shared>> -> memref<16x32xf32, #tpu.memory_space<vmem_shared>>
        %dma_wait3A_27 = arith.constant 9984 : i32
        %dma_wait3A_28 = arith.constant 0 : i32
        %dma_wait3A_29 = tpu.memref_slice %arg4[%dma_wait3A_27, %dma_wait3A_28] : memref<10000x32xf32, #tpu.memory_space<hbm>> -> memref<16x32xf32, #tpu.memory_space<hbm>>
        tpu.wait_dma2 semaphore(%run_scoped3A : memref<!tpu.dma_semaphore, #tpu.memory_space<semaphore_mem>>) src(%dma_wait3A_29 : memref<16x32xf32, #tpu.memory_space<hbm>>) dst(%dma_wait3A_26 : memref<16x32xf32, #tpu.memory_space<vmem_shared>>)
        tpu.yield
      }) : () -> ()
    } else {
    }
    %barrier3A = arith.constant 0 : index
    tpu.barrier barrier_id(%barrier3A)
    %scan3A = arith.constant 0 : i32
    %scan3A_5 = arith.constant 0 : i32
    %scan3A_6 = arith.constant 40 : i32
    %scan3A_7 = arith.addi %scan3A_5, %scan3A_6 : i32
    %scan3A_8 = arith.constant 1 : i32
    scf.for %scan3A_20 = %scan3A_5 to %scan3A_7 step %scan3A_8  : i32 {
      %mul3A_21 = arith.constant 16 : i32
      %mul3A_22 = arith.muli %scan3A_20, %mul3A_21 : i32
      %add3A = arith.addi %arg1, %mul3A_22 : i32
      %lt3A = arith.constant 625 : i32
      %lt3A_23 = arith.cmpi slt, %add3A, %lt3A : i32
      %convert_element_type3A_24 = arith.extui %lt3A_23 : i1 to i32
      %cond3A_25 = arith.constant 0 : i32
      %cond3A_26 = arith.cmpi ne, %convert_element_type3A_24, %cond3A_25 : i32
      scf.if %cond3A_26 {
        %mul3A_27 = arith.constant 625 : i32
        %mul3A_28 = arith.muli %arg0, %mul3A_27 : i32
        %add3A_29 = arith.addi %mul3A_28, %add3A : i32
        %mul3A_30 = arith.constant 128 : i32
        %mul3A_31 = arith.muli %add3A_29, %mul3A_30 : i32
        "tpu.region"() ({
          %run_scoped3A = tpu.sem_alloc : memref<!tpu.dma_semaphore, #tpu.memory_space<semaphore_mem>>
          %dma_start3A = tpu.memref_slice %arg3[%mul3A_31] : memref<160000xi32, #tpu.memory_space<hbm>> -> memref<128xi32, #tpu.memory_space<hbm>>
          %dma_start3A_32 = tpu.memref_slice %arg3[%mul3A_31] : memref<160000xi32, #tpu.memory_space<hbm>> -> memref<128xi32, #tpu.memory_space<hbm>>
          tpu.enqueue_dma source(%dma_start3A_32 : memref<128xi32, #tpu.memory_space<hbm>>) target(%arg6 : memref<128xi32, #tpu.memory_space<vmem>>) target_semaphore(%run_scoped3A : memref<!tpu.dma_semaphore, #tpu.memory_space<semaphore_mem>>)
          %dma_wait3A = tpu.memref_slice %arg3[%mul3A_31] : memref<160000xi32, #tpu.memory_space<hbm>> -> memref<128xi32, #tpu.memory_space<hbm>>
          %dma_wait3A_33 = tpu.memref_slice %arg3[%mul3A_31] : memref<160000xi32, #tpu.memory_space<hbm>> -> memref<128xi32, #tpu.memory_space<hbm>>
          tpu.wait_dma2 semaphore(%run_scoped3A : memref<!tpu.dma_semaphore, #tpu.memory_space<semaphore_mem>>) src(%dma_wait3A_33 : memref<128xi32, #tpu.memory_space<hbm>>) dst(%arg6 : memref<128xi32, #tpu.memory_space<vmem>>)
          tpu.yield
        }) : () -> ()
        "tpu.region"() ({
          %run_scoped3A = tpu.sem_alloc : memref<!tpu.dma_semaphore, #tpu.memory_space<semaphore_mem>>
          %dma_start3A = arith.constant 0 : i32
          %dma_start3A_32 = tpu.memref_slice %arg2[%mul3A_31, %dma_start3A] : memref<160000x32xf32, #tpu.memory_space<hbm>> -> memref<128x32xf32, #tpu.memory_space<hbm>>
          %dma_start3A_33 = arith.constant 0 : i32
          %dma_start3A_34 = tpu.memref_slice %arg2[%mul3A_31, %dma_start3A_33] : memref<160000x32xf32, #tpu.memory_space<hbm>> -> memref<128x32xf32, #tpu.memory_space<hbm>>
          tpu.enqueue_dma source(%dma_start3A_34 : memref<128x32xf32, #tpu.memory_space<hbm>>) target(%arg7 : memref<128x32xf32, #tpu.memory_space<vmem>>) target_semaphore(%run_scoped3A : memref<!tpu.dma_semaphore, #tpu.memory_space<semaphore_mem>>)
          %dma_wait3A = arith.constant 0 : i32
          %dma_wait3A_35 = tpu.memref_slice %arg2[%mul3A_31, %dma_wait3A] : memref<160000x32xf32, #tpu.memory_space<hbm>> -> memref<128x32xf32, #tpu.memory_space<hbm>>
          %dma_wait3A_36 = arith.constant 0 : i32
          %dma_wait3A_37 = tpu.memref_slice %arg2[%mul3A_31, %dma_wait3A_36] : memref<160000x32xf32, #tpu.memory_space<hbm>> -> memref<128x32xf32, #tpu.memory_space<hbm>>
          tpu.wait_dma2 semaphore(%run_scoped3A : memref<!tpu.dma_semaphore, #tpu.memory_space<semaphore_mem>>) src(%dma_wait3A_37 : memref<128x32xf32, #tpu.memory_space<hbm>>) dst(%arg7 : memref<128x32xf32, #tpu.memory_space<vmem>>)
          tpu.yield
        }) : () -> ()
        "tpu.region"() ({
          %run_scoped3A = tpu.sem_alloc : memref<!tpu.dma_semaphore, #tpu.memory_space<semaphore_mem>>
          %dma_start3A = arith.constant 0 : i32
          %dma_start3A_32 = arith.constant 0 : i32
          %dma_start3A_33 = tpu.memref_slice %arg8[%dma_start3A, %dma_start3A_32] : memref<10000x32xf32, #tpu.memory_space<vmem_shared>> -> memref<10000x32xf32, #tpu.memory_space<vmem_shared>>
          tpu.enqueue_indirect_dma source(%arg7 : memref<128x32xf32, #tpu.memory_space<vmem>>) target(%dma_start3A_33 : memref<10000x32xf32, #tpu.memory_space<vmem_shared>>) offsets(%arg6 : memref<128xi32, #tpu.memory_space<vmem>>) semaphore(%run_scoped3A : memref<!tpu.dma_semaphore, #tpu.memory_space<semaphore_mem>>) {add = true}
          %dma_wait3A = arith.constant 0 : i32
          %dma_wait3A_34 = arith.constant 0 : i32
          %dma_wait3A_35 = tpu.memref_slice %arg8[%dma_wait3A, %dma_wait3A_34] : memref<10000x32xf32, #tpu.memory_space<vmem_shared>> -> memref<10000x32xf32, #tpu.memory_space<vmem_shared>>
          tpu.wait_indirect_dma semaphore(%run_scoped3A : memref<!tpu.dma_semaphore, #tpu.memory_space<semaphore_mem>>) src(%arg7 : memref<128x32xf32, #tpu.memory_space<vmem>>) dst(%dma_wait3A_35 : memref<10000x32xf32, #tpu.memory_space<vmem_shared>>)
          tpu.yield
        }) : () -> ()
      } else {
      }
    }
    %scan3A_9 = arith.constant 40 : i32
    %barrier3A_10 = arith.constant 0 : index
    tpu.barrier barrier_id(%barrier3A_10)
    %mul3A_11 = arith.constant 624 : i32
    %mul3A_12 = arith.muli %arg1, %mul3A_11 : i32
    %mul3A_13 = arith.constant 624 : i32
    %mul3A_14 = arith.muli %arg1, %mul3A_13 : i32
    "tpu.region"() ({
      %run_scoped3A = tpu.sem_alloc : memref<!tpu.dma_semaphore, #tpu.memory_space<semaphore_mem>>
      %dma_start3A = arith.constant 0 : i32
      %dma_start3A_20 = arith.constant 0 : i32
      %dma_start3A_21 = tpu.memref_slice %arg5[%arg0, %dma_start3A, %dma_start3A_20] : memref<2x10000x32xf32, #tpu.memory_space<hbm>> -> memref<1x10000x32xf32, #tpu.memory_space<hbm>>
      %dma_start3A_22 = tpu.memref_squeeze %dma_start3A_21 : memref<1x10000x32xf32, #tpu.memory_space<hbm>> -> memref<10000x32xf32, #tpu.memory_space<hbm>>
      %dma_start3A_23 = arith.constant 0 : i32
      %dma_start3A_24 = tpu.memref_slice %dma_start3A_22[%mul3A_14, %dma_start3A_23] : memref<10000x32xf32, #tpu.memory_space<hbm>> -> memref<624x32xf32, #tpu.memory_space<hbm>>
      %dma_start3A_25 = arith.constant 0 : i32
      %dma_start3A_26 = tpu.memref_slice %arg8[%mul3A_12, %dma_start3A_25] : memref<10000x32xf32, #tpu.memory_space<vmem_shared>> -> memref<624x32xf32, #tpu.memory_space<vmem_shared>>
      tpu.enqueue_dma source(%dma_start3A_26 : memref<624x32xf32, #tpu.memory_space<vmem_shared>>) target(%dma_start3A_24 : memref<624x32xf32, #tpu.memory_space<hbm>>) target_semaphore(%run_scoped3A : memref<!tpu.dma_semaphore, #tpu.memory_space<semaphore_mem>>)
      %dma_wait3A = arith.constant 0 : i32
      %dma_wait3A_27 = arith.constant 0 : i32
      %dma_wait3A_28 = tpu.memref_slice %arg5[%arg0, %dma_wait3A, %dma_wait3A_27] : memref<2x10000x32xf32, #tpu.memory_space<hbm>> -> memref<1x10000x32xf32, #tpu.memory_space<hbm>>
      %dma_wait3A_29 = tpu.memref_squeeze %dma_wait3A_28 : memref<1x10000x32xf32, #tpu.memory_space<hbm>> -> memref<10000x32xf32, #tpu.memory_space<hbm>>
      %dma_wait3A_30 = arith.constant 0 : i32
      %dma_wait3A_31 = tpu.memref_slice %dma_wait3A_29[%mul3A_14, %dma_wait3A_30] : memref<10000x32xf32, #tpu.memory_space<hbm>> -> memref<624x32xf32, #tpu.memory_space<hbm>>
      %dma_wait3A_32 = arith.constant 0 : i32
      %dma_wait3A_33 = tpu.memref_slice %arg8[%mul3A_12, %dma_wait3A_32] : memref<10000x32xf32, #tpu.memory_space<vmem_shared>> -> memref<624x32xf32, #tpu.memory_space<vmem_shared>>
      tpu.wait_dma2 semaphore(%run_scoped3A : memref<!tpu.dma_semaphore, #tpu.memory_space<semaphore_mem>>) src(%dma_wait3A_33 : memref<624x32xf32, #tpu.memory_space<vmem_shared>>) dst(%dma_wait3A_31 : memref<624x32xf32, #tpu.memory_space<hbm>>)
      tpu.yield
    }) : () -> ()
    %eq3A_15 = arith.constant 15 : i32
    %eq3A_16 = arith.cmpi eq, %arg1, %eq3A_15 : i32
    %convert_element_type3A_17 = arith.extui %eq3A_16 : i1 to i32
    %cond3A_18 = arith.constant 0 : i32
    %cond3A_19 = arith.cmpi ne, %convert_element_type3A_17, %cond3A_18 : i32
    scf.if %cond3A_19 {
      "tpu.region"() ({
        %run_scoped3A = tpu.sem_alloc : memref<!tpu.dma_semaphore, #tpu.memory_space<semaphore_mem>>
        %dma_start3A = arith.constant 0 : i32
        %dma_start3A_20 = arith.constant 0 : i32
        %dma_start3A_21 = tpu.memref_slice %arg5[%arg0, %dma_start3A, %dma_start3A_20] : memref<2x10000x32xf32, #tpu.memory_space<hbm>> -> memref<1x10000x32xf32, #tpu.memory_space<hbm>>
        %dma_start3A_22 = tpu.memref_squeeze %dma_start3A_21 : memref<1x10000x32xf32, #tpu.memory_space<hbm>> -> memref<10000x32xf32, #tpu.memory_space<hbm>>
        %dma_start3A_23 = arith.constant 9984 : i32
        %dma_start3A_24 = arith.constant 0 : i32
        %dma_start3A_25 = tpu.memref_slice %dma_start3A_22[%dma_start3A_23, %dma_start3A_24] : memref<10000x32xf32, #tpu.memory_space<hbm>> -> memref<16x32xf32, #tpu.memory_space<hbm>>
        %dma_start3A_26 = arith.constant 9984 : i32
        %dma_start3A_27 = arith.constant 0 : i32
        %dma_start3A_28 = tpu.memref_slice %arg8[%dma_start3A_26, %dma_start3A_27] : memref<10000x32xf32, #tpu.memory_space<vmem_shared>> -> memref<16x32xf32, #tpu.memory_space<vmem_shared>>
        tpu.enqueue_dma source(%dma_start3A_28 : memref<16x32xf32, #tpu.memory_space<vmem_shared>>) target(%dma_start3A_25 : memref<16x32xf32, #tpu.memory_space<hbm>>) target_semaphore(%run_scoped3A : memref<!tpu.dma_semaphore, #tpu.memory_space<semaphore_mem>>)
        %dma_wait3A = arith.constant 0 : i32
        %dma_wait3A_29 = arith.constant 0 : i32
        %dma_wait3A_30 = tpu.memref_slice %arg5[%arg0, %dma_wait3A, %dma_wait3A_29] : memref<2x10000x32xf32, #tpu.memory_space<hbm>> -> memref<1x10000x32xf32, #tpu.memory_space<hbm>>
        %dma_wait3A_31 = tpu.memref_squeeze %dma_wait3A_30 : memref<1x10000x32xf32, #tpu.memory_space<hbm>> -> memref<10000x32xf32, #tpu.memory_space<hbm>>
        %dma_wait3A_32 = arith.constant 9984 : i32
        %dma_wait3A_33 = arith.constant 0 : i32
        %dma_wait3A_34 = tpu.memref_slice %dma_wait3A_31[%dma_wait3A_32, %dma_wait3A_33] : memref<10000x32xf32, #tpu.memory_space<hbm>> -> memref<16x32xf32, #tpu.memory_space<hbm>>
        %dma_wait3A_35 = arith.constant 9984 : i32
        %dma_wait3A_36 = arith.constant 0 : i32
        %dma_wait3A_37 = tpu.memref_slice %arg8[%dma_wait3A_35, %dma_wait3A_36] : memref<10000x32xf32, #tpu.memory_space<vmem_shared>> -> memref<16x32xf32, #tpu.memory_space<vmem_shared>>
        tpu.wait_dma2 semaphore(%run_scoped3A : memref<!tpu.dma_semaphore, #tpu.memory_space<semaphore_mem>>) src(%dma_wait3A_37 : memref<16x32xf32, #tpu.memory_space<vmem_shared>>) dst(%dma_wait3A_34 : memref<16x32xf32, #tpu.memory_space<hbm>>)
        tpu.yield
      }) : () -> ()
    } else {
    }
    return
  }
}

#map = affine_map<(d0, d1) -> (0, 0)>
#map1 = affine_map<(d0, d1) -> (0)>
module attributes {stable_mosaic.version = 14 : i64} {
  func.func @k(%arg0: i32, %arg1: i32, %arg2: memref<10000x32xf32, #tpu.memory_space<hbm>>, %arg3: memref<160000xi32, #tpu.memory_space<hbm>>, %arg4: memref<160000x32xf32, #tpu.memory_space<hbm>>, %arg5: memref<128xi32, #tpu.memory_space<vmem>>, %arg6: memref<128x32xf32, #tpu.memory_space<vmem>>, %arg7: memref<!tpu.dma_semaphore, #tpu.memory_space<semaphore_mem>>) attributes {dimension_semantics = [#tpu.dimension_semantics<core_parallel>, #tpu.dimension_semantics<subcore_parallel>], iteration_bounds = array<i64: 2, 16>, scalar_prefetch = 0 : i64, scratch_operands = 3 : i64, tpu.core_type = #tpu.core_type<sc_vector_subcore>, window_params = [{transform_indices = #map}, {transform_indices = #map1}, {transform_indices = #map}]} {
    %mul3A = arith.constant 2 : i32
    %mul3A_0 = arith.muli %arg1, %mul3A : i32
    %add3A = arith.addi %mul3A_0, %arg0 : i32
    %scan3A = arith.constant 0 : i32
    %scan3A_1 = arith.constant 0 : i32
    %scan3A_2 = arith.constant 40 : i32
    %scan3A_3 = arith.addi %scan3A_1, %scan3A_2 : i32
    %scan3A_4 = arith.constant 1 : i32
    scf.for %scan3A_6 = %scan3A_1 to %scan3A_3 step %scan3A_4  : i32 {
      %mul3A_7 = arith.constant 32 : i32
      %mul3A_8 = arith.muli %scan3A_6, %mul3A_7 : i32
      %add3A_9 = arith.addi %add3A, %mul3A_8 : i32
      %lt3A = arith.constant 1250 : i32
      %lt3A_10 = arith.cmpi slt, %add3A_9, %lt3A : i32
      %convert_element_type3A = arith.extui %lt3A_10 : i1 to i32
      %cond3A = arith.constant 0 : i32
      %cond3A_11 = arith.cmpi ne, %convert_element_type3A, %cond3A : i32
      scf.if %cond3A_11 {
        %mul3A_12 = arith.constant 128 : i32
        %mul3A_13 = arith.muli %add3A_9, %mul3A_12 : i32
        "tpu.region"() ({
          %run_scoped3A = tpu.sem_alloc : memref<!tpu.dma_semaphore, #tpu.memory_space<semaphore_mem>>
          %dma_start3A_18 = tpu.memref_slice %arg3[%mul3A_13] : memref<160000xi32, #tpu.memory_space<hbm>> -> memref<128xi32, #tpu.memory_space<hbm>>
          %dma_start3A_19 = tpu.memref_slice %arg3[%mul3A_13] : memref<160000xi32, #tpu.memory_space<hbm>> -> memref<128xi32, #tpu.memory_space<hbm>>
          tpu.enqueue_dma source(%dma_start3A_19 : memref<128xi32, #tpu.memory_space<hbm>>) target(%arg5 : memref<128xi32, #tpu.memory_space<vmem>>) target_semaphore(%run_scoped3A : memref<!tpu.dma_semaphore, #tpu.memory_space<semaphore_mem>>)
          %dma_wait3A_20 = tpu.memref_slice %arg3[%mul3A_13] : memref<160000xi32, #tpu.memory_space<hbm>> -> memref<128xi32, #tpu.memory_space<hbm>>
          %dma_wait3A_21 = tpu.memref_slice %arg3[%mul3A_13] : memref<160000xi32, #tpu.memory_space<hbm>> -> memref<128xi32, #tpu.memory_space<hbm>>
          tpu.wait_dma2 semaphore(%run_scoped3A : memref<!tpu.dma_semaphore, #tpu.memory_space<semaphore_mem>>) src(%dma_wait3A_21 : memref<128xi32, #tpu.memory_space<hbm>>) dst(%arg5 : memref<128xi32, #tpu.memory_space<vmem>>)
          tpu.yield
        }) : () -> ()
        %dma_start3A = arith.constant 0 : i32
        %dma_start3A_14 = arith.constant 0 : i32
        %dma_start3A_15 = tpu.memref_slice %arg2[%dma_start3A, %dma_start3A_14] : memref<10000x32xf32, #tpu.memory_space<hbm>> -> memref<10000x32xf32, #tpu.memory_space<hbm>>
        tpu.enqueue_indirect_dma source(%dma_start3A_15 : memref<10000x32xf32, #tpu.memory_space<hbm>>) target(%arg6 : memref<128x32xf32, #tpu.memory_space<vmem>>) offsets(%arg5 : memref<128xi32, #tpu.memory_space<vmem>>) semaphore(%arg7 : memref<!tpu.dma_semaphore, #tpu.memory_space<semaphore_mem>>)
        %dma_wait3A = arith.constant 0 : i32
        %dma_wait3A_16 = arith.constant 0 : i32
        %dma_wait3A_17 = tpu.memref_slice %arg2[%dma_wait3A, %dma_wait3A_16] : memref<10000x32xf32, #tpu.memory_space<hbm>> -> memref<10000x32xf32, #tpu.memory_space<hbm>>
        tpu.wait_indirect_dma semaphore(%arg7 : memref<!tpu.dma_semaphore, #tpu.memory_space<semaphore_mem>>) src(%dma_wait3A_17 : memref<10000x32xf32, #tpu.memory_space<hbm>>) dst(%arg6 : memref<128x32xf32, #tpu.memory_space<vmem>>)
        "tpu.region"() ({
          %run_scoped3A = tpu.sem_alloc : memref<!tpu.dma_semaphore, #tpu.memory_space<semaphore_mem>>
          %dma_start3A_18 = arith.constant 0 : i32
          %dma_start3A_19 = tpu.memref_slice %arg4[%mul3A_13, %dma_start3A_18] : memref<160000x32xf32, #tpu.memory_space<hbm>> -> memref<128x32xf32, #tpu.memory_space<hbm>>
          %dma_start3A_20 = arith.constant 0 : i32
          %dma_start3A_21 = tpu.memref_slice %arg4[%mul3A_13, %dma_start3A_20] : memref<160000x32xf32, #tpu.memory_space<hbm>> -> memref<128x32xf32, #tpu.memory_space<hbm>>
          tpu.enqueue_dma source(%arg6 : memref<128x32xf32, #tpu.memory_space<vmem>>) target(%dma_start3A_21 : memref<128x32xf32, #tpu.memory_space<hbm>>) target_semaphore(%run_scoped3A : memref<!tpu.dma_semaphore, #tpu.memory_space<semaphore_mem>>)
          %dma_wait3A_22 = arith.constant 0 : i32
          %dma_wait3A_23 = tpu.memref_slice %arg4[%mul3A_13, %dma_wait3A_22] : memref<160000x32xf32, #tpu.memory_space<hbm>> -> memref<128x32xf32, #tpu.memory_space<hbm>>
          %dma_wait3A_24 = arith.constant 0 : i32
          %dma_wait3A_25 = tpu.memref_slice %arg4[%mul3A_13, %dma_wait3A_24] : memref<160000x32xf32, #tpu.memory_space<hbm>> -> memref<128x32xf32, #tpu.memory_space<hbm>>
          tpu.wait_dma2 semaphore(%run_scoped3A : memref<!tpu.dma_semaphore, #tpu.memory_space<semaphore_mem>>) src(%arg6 : memref<128x32xf32, #tpu.memory_space<vmem>>) dst(%dma_wait3A_25 : memref<128x32xf32, #tpu.memory_space<hbm>>)
          tpu.yield
        }) : () -> ()
      } else {
      }
    }
    %scan3A_5 = arith.constant 40 : i32
    return
  }
}

#map = affine_map<(d0, d1) -> (0, 0)>
#map1 = affine_map<(d0, d1) -> (0)>
#map2 = affine_map<(d0, d1) -> (0, 0, 0)>
module attributes {stable_mosaic.version = 14 : i64} {
  func.func @k(%arg0: i32, %arg1: i32, %arg2: memref<160000x32xf32, #tpu.memory_space<hbm>>, %arg3: memref<160000xi32, #tpu.memory_space<hbm>>, %arg4: memref<10000x32xf32, #tpu.memory_space<hbm>>, %arg5: memref<2x10000x32xf32, #tpu.memory_space<hbm>>, %arg6: memref<128xi32, #tpu.memory_space<vmem>>, %arg7: memref<128x32xf32, #tpu.memory_space<vmem>>, %arg8: memref<10000x32xf32, #tpu.memory_space<vmem_shared>>) attributes {dimension_semantics = [#tpu.dimension_semantics<core_parallel>, #tpu.dimension_semantics<subcore_parallel>], iteration_bounds = array<i64: 2, 16>, scalar_prefetch = 0 : i64, scratch_operands = 3 : i64, tpu.core_type = #tpu.core_type<sc_vector_subcore>, window_params = [{transform_indices = #map}, {transform_indices = #map1}, {transform_indices = #map}, {transform_indices = #map2}]} {
    %mul3A = arith.constant 624 : i32
    %mul3A_0 = arith.muli %arg1, %mul3A : i32
    %mul3A_1 = arith.constant 624 : i32
    %mul3A_2 = arith.muli %arg1, %mul3A_1 : i32
    "tpu.region"() ({
      %run_scoped3A = tpu.sem_alloc : memref<!tpu.dma_semaphore, #tpu.memory_space<semaphore_mem>>
      %dma_start3A = arith.constant 0 : i32
      %dma_start3A_20 = tpu.memref_slice %arg8[%mul3A_2, %dma_start3A] : memref<10000x32xf32, #tpu.memory_space<vmem_shared>> -> memref<624x32xf32, #tpu.memory_space<vmem_shared>>
      %dma_start3A_21 = arith.constant 0 : i32
      %dma_start3A_22 = tpu.memref_slice %arg4[%mul3A_0, %dma_start3A_21] : memref<10000x32xf32, #tpu.memory_space<hbm>> -> memref<624x32xf32, #tpu.memory_space<hbm>>
      tpu.enqueue_dma source(%dma_start3A_22 : memref<624x32xf32, #tpu.memory_space<hbm>>) target(%dma_start3A_20 : memref<624x32xf32, #tpu.memory_space<vmem_shared>>) target_semaphore(%run_scoped3A : memref<!tpu.dma_semaphore, #tpu.memory_space<semaphore_mem>>)
      %dma_wait3A = arith.constant 0 : i32
      %dma_wait3A_23 = tpu.memref_slice %arg8[%mul3A_2, %dma_wait3A] : memref<10000x32xf32, #tpu.memory_space<vmem_shared>> -> memref<624x32xf32, #tpu.memory_space<vmem_shared>>
      %dma_wait3A_24 = arith.constant 0 : i32
      %dma_wait3A_25 = tpu.memref_slice %arg4[%mul3A_0, %dma_wait3A_24] : memref<10000x32xf32, #tpu.memory_space<hbm>> -> memref<624x32xf32, #tpu.memory_space<hbm>>
      tpu.wait_dma2 semaphore(%run_scoped3A : memref<!tpu.dma_semaphore, #tpu.memory_space<semaphore_mem>>) src(%dma_wait3A_25 : memref<624x32xf32, #tpu.memory_space<hbm>>) dst(%dma_wait3A_23 : memref<624x32xf32, #tpu.memory_space<vmem_shared>>)
      tpu.yield
    }) : () -> ()
    %eq3A = arith.constant 15 : i32
    %eq3A_3 = arith.cmpi eq, %arg1, %eq3A : i32
    %convert_element_type3A = arith.extui %eq3A_3 : i1 to i32
    %cond3A = arith.constant 0 : i32
    %cond3A_4 = arith.cmpi ne, %convert_element_type3A, %cond3A : i32
    scf.if %cond3A_4 {
      "tpu.region"() ({
        %run_scoped3A = tpu.sem_alloc : memref<!tpu.dma_semaphore, #tpu.memory_space<semaphore_mem>>
        %dma_start3A = arith.constant 9984 : i32
        %dma_start3A_20 = arith.constant 0 : i32
        %dma_start3A_21 = tpu.memref_slice %arg8[%dma_start3A, %dma_start3A_20] : memref<10000x32xf32, #tpu.memory_space<vmem_shared>> -> memref<16x32xf32, #tpu.memory_space<vmem_shared>>
        %dma_start3A_22 = arith.constant 9984 : i32
        %dma_start3A_23 = arith.constant 0 : i32
        %dma_start3A_24 = tpu.memref_slice %arg4[%dma_start3A_22, %dma_start3A_23] : memref<10000x32xf32, #tpu.memory_space<hbm>> -> memref<16x32xf32, #tpu.memory_space<hbm>>
        tpu.enqueue_dma source(%dma_start3A_24 : memref<16x32xf32, #tpu.memory_space<hbm>>) target(%dma_start3A_21 : memref<16x32xf32, #tpu.memory_space<vmem_shared>>) target_semaphore(%run_scoped3A : memref<!tpu.dma_semaphore, #tpu.memory_space<semaphore_mem>>)
        %dma_wait3A = arith.constant 9984 : i32
        %dma_wait3A_25 = arith.constant 0 : i32
        %dma_wait3A_26 = tpu.memref_slice %arg8[%dma_wait3A, %dma_wait3A_25] : memref<10000x32xf32, #tpu.memory_space<vmem_shared>> -> memref<16x32xf32, #tpu.memory_space<vmem_shared>>
        %dma_wait3A_27 = arith.constant 9984 : i32
        %dma_wait3A_28 = arith.constant 0 : i32
        %dma_wait3A_29 = tpu.memref_slice %arg4[%dma_wait3A_27, %dma_wait3A_28] : memref<10000x32xf32, #tpu.memory_space<hbm>> -> memref<16x32xf32, #tpu.memory_space<hbm>>
        tpu.wait_dma2 semaphore(%run_scoped3A : memref<!tpu.dma_semaphore, #tpu.memory_space<semaphore_mem>>) src(%dma_wait3A_29 : memref<16x32xf32, #tpu.memory_space<hbm>>) dst(%dma_wait3A_26 : memref<16x32xf32, #tpu.memory_space<vmem_shared>>)
        tpu.yield
      }) : () -> ()
    } else {
    }
    %barrier3A = arith.constant 0 : index
    tpu.barrier barrier_id(%barrier3A)
    %scan3A = arith.constant 0 : i32
    %scan3A_5 = arith.constant 0 : i32
    %scan3A_6 = arith.constant 40 : i32
    %scan3A_7 = arith.addi %scan3A_5, %scan3A_6 : i32
    %scan3A_8 = arith.constant 1 : i32
    scf.for %scan3A_20 = %scan3A_5 to %scan3A_7 step %scan3A_8  : i32 {
      %mul3A_21 = arith.constant 16 : i32
      %mul3A_22 = arith.muli %scan3A_20, %mul3A_21 : i32
      %add3A = arith.addi %arg1, %mul3A_22 : i32
      %lt3A = arith.constant 625 : i32
      %lt3A_23 = arith.cmpi slt, %add3A, %lt3A : i32
      %convert_element_type3A_24 = arith.extui %lt3A_23 : i1 to i32
      %cond3A_25 = arith.constant 0 : i32
      %cond3A_26 = arith.cmpi ne, %convert_element_type3A_24, %cond3A_25 : i32
      scf.if %cond3A_26 {
        %mul3A_27 = arith.constant 625 : i32
        %mul3A_28 = arith.muli %arg0, %mul3A_27 : i32
        %add3A_29 = arith.addi %mul3A_28, %add3A : i32
        %mul3A_30 = arith.constant 128 : i32
        %mul3A_31 = arith.muli %add3A_29, %mul3A_30 : i32
        "tpu.region"() ({
          %run_scoped3A = tpu.sem_alloc : memref<!tpu.dma_semaphore, #tpu.memory_space<semaphore_mem>>
          %dma_start3A = tpu.memref_slice %arg3[%mul3A_31] : memref<160000xi32, #tpu.memory_space<hbm>> -> memref<128xi32, #tpu.memory_space<hbm>>
          %dma_start3A_32 = tpu.memref_slice %arg3[%mul3A_31] : memref<160000xi32, #tpu.memory_space<hbm>> -> memref<128xi32, #tpu.memory_space<hbm>>
          tpu.enqueue_dma source(%dma_start3A_32 : memref<128xi32, #tpu.memory_space<hbm>>) target(%arg6 : memref<128xi32, #tpu.memory_space<vmem>>) target_semaphore(%run_scoped3A : memref<!tpu.dma_semaphore, #tpu.memory_space<semaphore_mem>>)
          %dma_wait3A = tpu.memref_slice %arg3[%mul3A_31] : memref<160000xi32, #tpu.memory_space<hbm>> -> memref<128xi32, #tpu.memory_space<hbm>>
          %dma_wait3A_33 = tpu.memref_slice %arg3[%mul3A_31] : memref<160000xi32, #tpu.memory_space<hbm>> -> memref<128xi32, #tpu.memory_space<hbm>>
          tpu.wait_dma2 semaphore(%run_scoped3A : memref<!tpu.dma_semaphore, #tpu.memory_space<semaphore_mem>>) src(%dma_wait3A_33 : memref<128xi32, #tpu.memory_space<hbm>>) dst(%arg6 : memref<128xi32, #tpu.memory_space<vmem>>)
          tpu.yield
        }) : () -> ()
        "tpu.region"() ({
          %run_scoped3A = tpu.sem_alloc : memref<!tpu.dma_semaphore, #tpu.memory_space<semaphore_mem>>
          %dma_start3A = arith.constant 0 : i32
          %dma_start3A_32 = tpu.memref_slice %arg2[%mul3A_31, %dma_start3A] : memref<160000x32xf32, #tpu.memory_space<hbm>> -> memref<128x32xf32, #tpu.memory_space<hbm>>
          %dma_start3A_33 = arith.constant 0 : i32
          %dma_start3A_34 = tpu.memref_slice %arg2[%mul3A_31, %dma_start3A_33] : memref<160000x32xf32, #tpu.memory_space<hbm>> -> memref<128x32xf32, #tpu.memory_space<hbm>>
          tpu.enqueue_dma source(%dma_start3A_34 : memref<128x32xf32, #tpu.memory_space<hbm>>) target(%arg7 : memref<128x32xf32, #tpu.memory_space<vmem>>) target_semaphore(%run_scoped3A : memref<!tpu.dma_semaphore, #tpu.memory_space<semaphore_mem>>)
          %dma_wait3A = arith.constant 0 : i32
          %dma_wait3A_35 = tpu.memref_slice %arg2[%mul3A_31, %dma_wait3A] : memref<160000x32xf32, #tpu.memory_space<hbm>> -> memref<128x32xf32, #tpu.memory_space<hbm>>
          %dma_wait3A_36 = arith.constant 0 : i32
          %dma_wait3A_37 = tpu.memref_slice %arg2[%mul3A_31, %dma_wait3A_36] : memref<160000x32xf32, #tpu.memory_space<hbm>> -> memref<128x32xf32, #tpu.memory_space<hbm>>
          tpu.wait_dma2 semaphore(%run_scoped3A : memref<!tpu.dma_semaphore, #tpu.memory_space<semaphore_mem>>) src(%dma_wait3A_37 : memref<128x32xf32, #tpu.memory_space<hbm>>) dst(%arg7 : memref<128x32xf32, #tpu.memory_space<vmem>>)
          tpu.yield
        }) : () -> ()
        "tpu.region"() ({
          %run_scoped3A = tpu.sem_alloc : memref<!tpu.dma_semaphore, #tpu.memory_space<semaphore_mem>>
          %dma_start3A = arith.constant 0 : i32
          %dma_start3A_32 = arith.constant 0 : i32
          %dma_start3A_33 = tpu.memref_slice %arg8[%dma_start3A, %dma_start3A_32] : memref<10000x32xf32, #tpu.memory_space<vmem_shared>> -> memref<10000x32xf32, #tpu.memory_space<vmem_shared>>
          tpu.enqueue_indirect_dma source(%arg7 : memref<128x32xf32, #tpu.memory_space<vmem>>) target(%dma_start3A_33 : memref<10000x32xf32, #tpu.memory_space<vmem_shared>>) offsets(%arg6 : memref<128xi32, #tpu.memory_space<vmem>>) semaphore(%run_scoped3A : memref<!tpu.dma_semaphore, #tpu.memory_space<semaphore_mem>>) {add = true}
          %dma_wait3A = arith.constant 0 : i32
          %dma_wait3A_34 = arith.constant 0 : i32
          %dma_wait3A_35 = tpu.memref_slice %arg8[%dma_wait3A, %dma_wait3A_34] : memref<10000x32xf32, #tpu.memory_space<vmem_shared>> -> memref<10000x32xf32, #tpu.memory_space<vmem_shared>>
          tpu.wait_indirect_dma semaphore(%run_scoped3A : memref<!tpu.dma_semaphore, #tpu.memory_space<semaphore_mem>>) src(%arg7 : memref<128x32xf32, #tpu.memory_space<vmem>>) dst(%dma_wait3A_35 : memref<10000x32xf32, #tpu.memory_space<vmem_shared>>)
          tpu.yield
        }) : () -> ()
      } else {
      }
    }
    %scan3A_9 = arith.constant 40 : i32
    %barrier3A_10 = arith.constant 0 : index
    tpu.barrier barrier_id(%barrier3A_10)
    %mul3A_11 = arith.constant 624 : i32
    %mul3A_12 = arith.muli %arg1, %mul3A_11 : i32
    %mul3A_13 = arith.constant 624 : i32
    %mul3A_14 = arith.muli %arg1, %mul3A_13 : i32
    "tpu.region"() ({
      %run_scoped3A = tpu.sem_alloc : memref<!tpu.dma_semaphore, #tpu.memory_space<semaphore_mem>>
      %dma_start3A = arith.constant 0 : i32
      %dma_start3A_20 = arith.constant 0 : i32
      %dma_start3A_21 = tpu.memref_slice %arg5[%arg0, %dma_start3A, %dma_start3A_20] : memref<2x10000x32xf32, #tpu.memory_space<hbm>> -> memref<1x10000x32xf32, #tpu.memory_space<hbm>>
      %dma_start3A_22 = tpu.memref_squeeze %dma_start3A_21 : memref<1x10000x32xf32, #tpu.memory_space<hbm>> -> memref<10000x32xf32, #tpu.memory_space<hbm>>
      %dma_start3A_23 = arith.constant 0 : i32
      %dma_start3A_24 = tpu.memref_slice %dma_start3A_22[%mul3A_14, %dma_start3A_23] : memref<10000x32xf32, #tpu.memory_space<hbm>> -> memref<624x32xf32, #tpu.memory_space<hbm>>
      %dma_start3A_25 = arith.constant 0 : i32
      %dma_start3A_26 = tpu.memref_slice %arg8[%mul3A_12, %dma_start3A_25] : memref<10000x32xf32, #tpu.memory_space<vmem_shared>> -> memref<624x32xf32, #tpu.memory_space<vmem_shared>>
      tpu.enqueue_dma source(%dma_start3A_26 : memref<624x32xf32, #tpu.memory_space<vmem_shared>>) target(%dma_start3A_24 : memref<624x32xf32, #tpu.memory_space<hbm>>) target_semaphore(%run_scoped3A : memref<!tpu.dma_semaphore, #tpu.memory_space<semaphore_mem>>)
      %dma_wait3A = arith.constant 0 : i32
      %dma_wait3A_27 = arith.constant 0 : i32
      %dma_wait3A_28 = tpu.memref_slice %arg5[%arg0, %dma_wait3A, %dma_wait3A_27] : memref<2x10000x32xf32, #tpu.memory_space<hbm>> -> memref<1x10000x32xf32, #tpu.memory_space<hbm>>
      %dma_wait3A_29 = tpu.memref_squeeze %dma_wait3A_28 : memref<1x10000x32xf32, #tpu.memory_space<hbm>> -> memref<10000x32xf32, #tpu.memory_space<hbm>>
      %dma_wait3A_30 = arith.constant 0 : i32
      %dma_wait3A_31 = tpu.memref_slice %dma_wait3A_29[%mul3A_14, %dma_wait3A_30] : memref<10000x32xf32, #tpu.memory_space<hbm>> -> memref<624x32xf32, #tpu.memory_space<hbm>>
      %dma_wait3A_32 = arith.constant 0 : i32
      %dma_wait3A_33 = tpu.memref_slice %arg8[%mul3A_12, %dma_wait3A_32] : memref<10000x32xf32, #tpu.memory_space<vmem_shared>> -> memref<624x32xf32, #tpu.memory_space<vmem_shared>>
      tpu.wait_dma2 semaphore(%run_scoped3A : memref<!tpu.dma_semaphore, #tpu.memory_space<semaphore_mem>>) src(%dma_wait3A_33 : memref<624x32xf32, #tpu.memory_space<vmem_shared>>) dst(%dma_wait3A_31 : memref<624x32xf32, #tpu.memory_space<hbm>>)
      tpu.yield
    }) : () -> ()
    %eq3A_15 = arith.constant 15 : i32
    %eq3A_16 = arith.cmpi eq, %arg1, %eq3A_15 : i32
    %convert_element_type3A_17 = arith.extui %eq3A_16 : i1 to i32
    %cond3A_18 = arith.constant 0 : i32
    %cond3A_19 = arith.cmpi ne, %convert_element_type3A_17, %cond3A_18 : i32
    scf.if %cond3A_19 {
      "tpu.region"() ({
        %run_scoped3A = tpu.sem_alloc : memref<!tpu.dma_semaphore, #tpu.memory_space<semaphore_mem>>
        %dma_start3A = arith.constant 0 : i32
        %dma_start3A_20 = arith.constant 0 : i32
        %dma_start3A_21 = tpu.memref_slice %arg5[%arg0, %dma_start3A, %dma_start3A_20] : memref<2x10000x32xf32, #tpu.memory_space<hbm>> -> memref<1x10000x32xf32, #tpu.memory_space<hbm>>
        %dma_start3A_22 = tpu.memref_squeeze %dma_start3A_21 : memref<1x10000x32xf32, #tpu.memory_space<hbm>> -> memref<10000x32xf32, #tpu.memory_space<hbm>>
        %dma_start3A_23 = arith.constant 9984 : i32
        %dma_start3A_24 = arith.constant 0 : i32
        %dma_start3A_25 = tpu.memref_slice %dma_start3A_22[%dma_start3A_23, %dma_start3A_24] : memref<10000x32xf32, #tpu.memory_space<hbm>> -> memref<16x32xf32, #tpu.memory_space<hbm>>
        %dma_start3A_26 = arith.constant 9984 : i32
        %dma_start3A_27 = arith.constant 0 : i32
        %dma_start3A_28 = tpu.memref_slice %arg8[%dma_start3A_26, %dma_start3A_27] : memref<10000x32xf32, #tpu.memory_space<vmem_shared>> -> memref<16x32xf32, #tpu.memory_space<vmem_shared>>
        tpu.enqueue_dma source(%dma_start3A_28 : memref<16x32xf32, #tpu.memory_space<vmem_shared>>) target(%dma_start3A_25 : memref<16x32xf32, #tpu.memory_space<hbm>>) target_semaphore(%run_scoped3A : memref<!tpu.dma_semaphore, #tpu.memory_space<semaphore_mem>>)
        %dma_wait3A = arith.constant 0 : i32
        %dma_wait3A_29 = arith.constant 0 : i32
        %dma_wait3A_30 = tpu.memref_slice %arg5[%arg0, %dma_wait3A, %dma_wait3A_29] : memref<2x10000x32xf32, #tpu.memory_space<hbm>> -> memref<1x10000x32xf32, #tpu.memory_space<hbm>>
        %dma_wait3A_31 = tpu.memref_squeeze %dma_wait3A_30 : memref<1x10000x32xf32, #tpu.memory_space<hbm>> -> memref<10000x32xf32, #tpu.memory_space<hbm>>
        %dma_wait3A_32 = arith.constant 9984 : i32
        %dma_wait3A_33 = arith.constant 0 : i32
        %dma_wait3A_34 = tpu.memref_slice %dma_wait3A_31[%dma_wait3A_32, %dma_wait3A_33] : memref<10000x32xf32, #tpu.memory_space<hbm>> -> memref<16x32xf32, #tpu.memory_space<hbm>>
        %dma_wait3A_35 = arith.constant 9984 : i32
        %dma_wait3A_36 = arith.constant 0 : i32
        %dma_wait3A_37 = tpu.memref_slice %arg8[%dma_wait3A_35, %dma_wait3A_36] : memref<10000x32xf32, #tpu.memory_space<vmem_shared>> -> memref<16x32xf32, #tpu.memory_space<vmem_shared>>
        tpu.wait_dma2 semaphore(%run_scoped3A : memref<!tpu.dma_semaphore, #tpu.memory_space<semaphore_mem>>) src(%dma_wait3A_37 : memref<16x32xf32, #tpu.memory_space<vmem_shared>>) dst(%dma_wait3A_34 : memref<16x32xf32, #tpu.memory_space<hbm>>)
        tpu.yield
      }) : () -> ()
    } else {
    }
    return
  }
}

#map = affine_map<(d0, d1) -> (0, 0)>
#map1 = affine_map<(d0, d1) -> (0)>
module attributes {stable_mosaic.version = 14 : i64} {
  func.func @k(%arg0: i32, %arg1: i32, %arg2: memref<10000x32xf32, #tpu.memory_space<hbm>>, %arg3: memref<160000xi32, #tpu.memory_space<hbm>>, %arg4: memref<160000x32xf32, #tpu.memory_space<hbm>>, %arg5: memref<128xi32, #tpu.memory_space<vmem>>, %arg6: memref<128x32xf32, #tpu.memory_space<vmem>>, %arg7: memref<!tpu.dma_semaphore, #tpu.memory_space<semaphore_mem>>) attributes {dimension_semantics = [#tpu.dimension_semantics<core_parallel>, #tpu.dimension_semantics<subcore_parallel>], iteration_bounds = array<i64: 2, 16>, scalar_prefetch = 0 : i64, scratch_operands = 3 : i64, tpu.core_type = #tpu.core_type<sc_vector_subcore>, window_params = [{transform_indices = #map}, {transform_indices = #map1}, {transform_indices = #map}]} {
    %mul3A = arith.constant 2 : i32
    %mul3A_0 = arith.muli %arg1, %mul3A : i32
    %add3A = arith.addi %mul3A_0, %arg0 : i32
    %scan3A = arith.constant 0 : i32
    %scan3A_1 = arith.constant 0 : i32
    %scan3A_2 = arith.constant 40 : i32
    %scan3A_3 = arith.addi %scan3A_1, %scan3A_2 : i32
    %scan3A_4 = arith.constant 1 : i32
    scf.for %scan3A_6 = %scan3A_1 to %scan3A_3 step %scan3A_4  : i32 {
      %mul3A_7 = arith.constant 32 : i32
      %mul3A_8 = arith.muli %scan3A_6, %mul3A_7 : i32
      %add3A_9 = arith.addi %add3A, %mul3A_8 : i32
      %lt3A = arith.constant 1250 : i32
      %lt3A_10 = arith.cmpi slt, %add3A_9, %lt3A : i32
      %convert_element_type3A = arith.extui %lt3A_10 : i1 to i32
      %cond3A = arith.constant 0 : i32
      %cond3A_11 = arith.cmpi ne, %convert_element_type3A, %cond3A : i32
      scf.if %cond3A_11 {
        %mul3A_12 = arith.constant 128 : i32
        %mul3A_13 = arith.muli %add3A_9, %mul3A_12 : i32
        "tpu.region"() ({
          %run_scoped3A = tpu.sem_alloc : memref<!tpu.dma_semaphore, #tpu.memory_space<semaphore_mem>>
          %dma_start3A_18 = tpu.memref_slice %arg3[%mul3A_13] : memref<160000xi32, #tpu.memory_space<hbm>> -> memref<128xi32, #tpu.memory_space<hbm>>
          %dma_start3A_19 = tpu.memref_slice %arg3[%mul3A_13] : memref<160000xi32, #tpu.memory_space<hbm>> -> memref<128xi32, #tpu.memory_space<hbm>>
          tpu.enqueue_dma source(%dma_start3A_19 : memref<128xi32, #tpu.memory_space<hbm>>) target(%arg5 : memref<128xi32, #tpu.memory_space<vmem>>) target_semaphore(%run_scoped3A : memref<!tpu.dma_semaphore, #tpu.memory_space<semaphore_mem>>)
          %dma_wait3A_20 = tpu.memref_slice %arg3[%mul3A_13] : memref<160000xi32, #tpu.memory_space<hbm>> -> memref<128xi32, #tpu.memory_space<hbm>>
          %dma_wait3A_21 = tpu.memref_slice %arg3[%mul3A_13] : memref<160000xi32, #tpu.memory_space<hbm>> -> memref<128xi32, #tpu.memory_space<hbm>>
          tpu.wait_dma2 semaphore(%run_scoped3A : memref<!tpu.dma_semaphore, #tpu.memory_space<semaphore_mem>>) src(%dma_wait3A_21 : memref<128xi32, #tpu.memory_space<hbm>>) dst(%arg5 : memref<128xi32, #tpu.memory_space<vmem>>)
          tpu.yield
        }) : () -> ()
        %dma_start3A = arith.constant 0 : i32
        %dma_start3A_14 = arith.constant 0 : i32
        %dma_start3A_15 = tpu.memref_slice %arg2[%dma_start3A, %dma_start3A_14] : memref<10000x32xf32, #tpu.memory_space<hbm>> -> memref<10000x32xf32, #tpu.memory_space<hbm>>
        tpu.enqueue_indirect_dma source(%dma_start3A_15 : memref<10000x32xf32, #tpu.memory_space<hbm>>) target(%arg6 : memref<128x32xf32, #tpu.memory_space<vmem>>) offsets(%arg5 : memref<128xi32, #tpu.memory_space<vmem>>) semaphore(%arg7 : memref<!tpu.dma_semaphore, #tpu.memory_space<semaphore_mem>>)
        %dma_wait3A = arith.constant 0 : i32
        %dma_wait3A_16 = arith.constant 0 : i32
        %dma_wait3A_17 = tpu.memref_slice %arg2[%dma_wait3A, %dma_wait3A_16] : memref<10000x32xf32, #tpu.memory_space<hbm>> -> memref<10000x32xf32, #tpu.memory_space<hbm>>
        tpu.wait_indirect_dma semaphore(%arg7 : memref<!tpu.dma_semaphore, #tpu.memory_space<semaphore_mem>>) src(%dma_wait3A_17 : memref<10000x32xf32, #tpu.memory_space<hbm>>) dst(%arg6 : memref<128x32xf32, #tpu.memory_space<vmem>>)
        "tpu.region"() ({
          %run_scoped3A = tpu.sem_alloc : memref<!tpu.dma_semaphore, #tpu.memory_space<semaphore_mem>>
          %dma_start3A_18 = arith.constant 0 : i32
          %dma_start3A_19 = tpu.memref_slice %arg4[%mul3A_13, %dma_start3A_18] : memref<160000x32xf32, #tpu.memory_space<hbm>> -> memref<128x32xf32, #tpu.memory_space<hbm>>
          %dma_start3A_20 = arith.constant 0 : i32
          %dma_start3A_21 = tpu.memref_slice %arg4[%mul3A_13, %dma_start3A_20] : memref<160000x32xf32, #tpu.memory_space<hbm>> -> memref<128x32xf32, #tpu.memory_space<hbm>>
          tpu.enqueue_dma source(%arg6 : memref<128x32xf32, #tpu.memory_space<vmem>>) target(%dma_start3A_21 : memref<128x32xf32, #tpu.memory_space<hbm>>) target_semaphore(%run_scoped3A : memref<!tpu.dma_semaphore, #tpu.memory_space<semaphore_mem>>)
          %dma_wait3A_22 = arith.constant 0 : i32
          %dma_wait3A_23 = tpu.memref_slice %arg4[%mul3A_13, %dma_wait3A_22] : memref<160000x32xf32, #tpu.memory_space<hbm>> -> memref<128x32xf32, #tpu.memory_space<hbm>>
          %dma_wait3A_24 = arith.constant 0 : i32
          %dma_wait3A_25 = tpu.memref_slice %arg4[%mul3A_13, %dma_wait3A_24] : memref<160000x32xf32, #tpu.memory_space<hbm>> -> memref<128x32xf32, #tpu.memory_space<hbm>>
          tpu.wait_dma2 semaphore(%run_scoped3A : memref<!tpu.dma_semaphore, #tpu.memory_space<semaphore_mem>>) src(%arg6 : memref<128x32xf32, #tpu.memory_space<vmem>>) dst(%dma_wait3A_25 : memref<128x32xf32, #tpu.memory_space<hbm>>)
          tpu.yield
        }) : () -> ()
      } else {
      }
    }
    %scan3A_5 = arith.constant 40 : i32
    return
  }
}

#map = affine_map<(d0, d1) -> (0, 0)>
#map1 = affine_map<(d0, d1) -> (0)>
#map2 = affine_map<(d0, d1) -> (0, 0, 0)>
module attributes {stable_mosaic.version = 14 : i64} {
  func.func @k(%arg0: i32, %arg1: i32, %arg2: memref<160000x32xf32, #tpu.memory_space<hbm>>, %arg3: memref<160000xi32, #tpu.memory_space<hbm>>, %arg4: memref<10000x32xf32, #tpu.memory_space<hbm>>, %arg5: memref<2x10000x32xf32, #tpu.memory_space<hbm>>, %arg6: memref<128xi32, #tpu.memory_space<vmem>>, %arg7: memref<128x32xf32, #tpu.memory_space<vmem>>, %arg8: memref<10000x32xf32, #tpu.memory_space<vmem_shared>>) attributes {dimension_semantics = [#tpu.dimension_semantics<core_parallel>, #tpu.dimension_semantics<subcore_parallel>], iteration_bounds = array<i64: 2, 16>, scalar_prefetch = 0 : i64, scratch_operands = 3 : i64, tpu.core_type = #tpu.core_type<sc_vector_subcore>, window_params = [{transform_indices = #map}, {transform_indices = #map1}, {transform_indices = #map}, {transform_indices = #map2}]} {
    %mul3A = arith.constant 624 : i32
    %mul3A_0 = arith.muli %arg1, %mul3A : i32
    %mul3A_1 = arith.constant 624 : i32
    %mul3A_2 = arith.muli %arg1, %mul3A_1 : i32
    "tpu.region"() ({
      %run_scoped3A = tpu.sem_alloc : memref<!tpu.dma_semaphore, #tpu.memory_space<semaphore_mem>>
      %dma_start3A = arith.constant 0 : i32
      %dma_start3A_20 = tpu.memref_slice %arg8[%mul3A_2, %dma_start3A] : memref<10000x32xf32, #tpu.memory_space<vmem_shared>> -> memref<624x32xf32, #tpu.memory_space<vmem_shared>>
      %dma_start3A_21 = arith.constant 0 : i32
      %dma_start3A_22 = tpu.memref_slice %arg4[%mul3A_0, %dma_start3A_21] : memref<10000x32xf32, #tpu.memory_space<hbm>> -> memref<624x32xf32, #tpu.memory_space<hbm>>
      tpu.enqueue_dma source(%dma_start3A_22 : memref<624x32xf32, #tpu.memory_space<hbm>>) target(%dma_start3A_20 : memref<624x32xf32, #tpu.memory_space<vmem_shared>>) target_semaphore(%run_scoped3A : memref<!tpu.dma_semaphore, #tpu.memory_space<semaphore_mem>>)
      %dma_wait3A = arith.constant 0 : i32
      %dma_wait3A_23 = tpu.memref_slice %arg8[%mul3A_2, %dma_wait3A] : memref<10000x32xf32, #tpu.memory_space<vmem_shared>> -> memref<624x32xf32, #tpu.memory_space<vmem_shared>>
      %dma_wait3A_24 = arith.constant 0 : i32
      %dma_wait3A_25 = tpu.memref_slice %arg4[%mul3A_0, %dma_wait3A_24] : memref<10000x32xf32, #tpu.memory_space<hbm>> -> memref<624x32xf32, #tpu.memory_space<hbm>>
      tpu.wait_dma2 semaphore(%run_scoped3A : memref<!tpu.dma_semaphore, #tpu.memory_space<semaphore_mem>>) src(%dma_wait3A_25 : memref<624x32xf32, #tpu.memory_space<hbm>>) dst(%dma_wait3A_23 : memref<624x32xf32, #tpu.memory_space<vmem_shared>>)
      tpu.yield
    }) : () -> ()
    %eq3A = arith.constant 15 : i32
    %eq3A_3 = arith.cmpi eq, %arg1, %eq3A : i32
    %convert_element_type3A = arith.extui %eq3A_3 : i1 to i32
    %cond3A = arith.constant 0 : i32
    %cond3A_4 = arith.cmpi ne, %convert_element_type3A, %cond3A : i32
    scf.if %cond3A_4 {
      "tpu.region"() ({
        %run_scoped3A = tpu.sem_alloc : memref<!tpu.dma_semaphore, #tpu.memory_space<semaphore_mem>>
        %dma_start3A = arith.constant 9984 : i32
        %dma_start3A_20 = arith.constant 0 : i32
        %dma_start3A_21 = tpu.memref_slice %arg8[%dma_start3A, %dma_start3A_20] : memref<10000x32xf32, #tpu.memory_space<vmem_shared>> -> memref<16x32xf32, #tpu.memory_space<vmem_shared>>
        %dma_start3A_22 = arith.constant 9984 : i32
        %dma_start3A_23 = arith.constant 0 : i32
        %dma_start3A_24 = tpu.memref_slice %arg4[%dma_start3A_22, %dma_start3A_23] : memref<10000x32xf32, #tpu.memory_space<hbm>> -> memref<16x32xf32, #tpu.memory_space<hbm>>
        tpu.enqueue_dma source(%dma_start3A_24 : memref<16x32xf32, #tpu.memory_space<hbm>>) target(%dma_start3A_21 : memref<16x32xf32, #tpu.memory_space<vmem_shared>>) target_semaphore(%run_scoped3A : memref<!tpu.dma_semaphore, #tpu.memory_space<semaphore_mem>>)
        %dma_wait3A = arith.constant 9984 : i32
        %dma_wait3A_25 = arith.constant 0 : i32
        %dma_wait3A_26 = tpu.memref_slice %arg8[%dma_wait3A, %dma_wait3A_25] : memref<10000x32xf32, #tpu.memory_space<vmem_shared>> -> memref<16x32xf32, #tpu.memory_space<vmem_shared>>
        %dma_wait3A_27 = arith.constant 9984 : i32
        %dma_wait3A_28 = arith.constant 0 : i32
        %dma_wait3A_29 = tpu.memref_slice %arg4[%dma_wait3A_27, %dma_wait3A_28] : memref<10000x32xf32, #tpu.memory_space<hbm>> -> memref<16x32xf32, #tpu.memory_space<hbm>>
        tpu.wait_dma2 semaphore(%run_scoped3A : memref<!tpu.dma_semaphore, #tpu.memory_space<semaphore_mem>>) src(%dma_wait3A_29 : memref<16x32xf32, #tpu.memory_space<hbm>>) dst(%dma_wait3A_26 : memref<16x32xf32, #tpu.memory_space<vmem_shared>>)
        tpu.yield
      }) : () -> ()
    } else {
    }
    %barrier3A = arith.constant 0 : index
    tpu.barrier barrier_id(%barrier3A)
    %scan3A = arith.constant 0 : i32
    %scan3A_5 = arith.constant 0 : i32
    %scan3A_6 = arith.constant 40 : i32
    %scan3A_7 = arith.addi %scan3A_5, %scan3A_6 : i32
    %scan3A_8 = arith.constant 1 : i32
    scf.for %scan3A_20 = %scan3A_5 to %scan3A_7 step %scan3A_8  : i32 {
      %mul3A_21 = arith.constant 16 : i32
      %mul3A_22 = arith.muli %scan3A_20, %mul3A_21 : i32
      %add3A = arith.addi %arg1, %mul3A_22 : i32
      %lt3A = arith.constant 625 : i32
      %lt3A_23 = arith.cmpi slt, %add3A, %lt3A : i32
      %convert_element_type3A_24 = arith.extui %lt3A_23 : i1 to i32
      %cond3A_25 = arith.constant 0 : i32
      %cond3A_26 = arith.cmpi ne, %convert_element_type3A_24, %cond3A_25 : i32
      scf.if %cond3A_26 {
        %mul3A_27 = arith.constant 625 : i32
        %mul3A_28 = arith.muli %arg0, %mul3A_27 : i32
        %add3A_29 = arith.addi %mul3A_28, %add3A : i32
        %mul3A_30 = arith.constant 128 : i32
        %mul3A_31 = arith.muli %add3A_29, %mul3A_30 : i32
        "tpu.region"() ({
          %run_scoped3A = tpu.sem_alloc : memref<!tpu.dma_semaphore, #tpu.memory_space<semaphore_mem>>
          %dma_start3A = tpu.memref_slice %arg3[%mul3A_31] : memref<160000xi32, #tpu.memory_space<hbm>> -> memref<128xi32, #tpu.memory_space<hbm>>
          %dma_start3A_32 = tpu.memref_slice %arg3[%mul3A_31] : memref<160000xi32, #tpu.memory_space<hbm>> -> memref<128xi32, #tpu.memory_space<hbm>>
          tpu.enqueue_dma source(%dma_start3A_32 : memref<128xi32, #tpu.memory_space<hbm>>) target(%arg6 : memref<128xi32, #tpu.memory_space<vmem>>) target_semaphore(%run_scoped3A : memref<!tpu.dma_semaphore, #tpu.memory_space<semaphore_mem>>)
          %dma_wait3A = tpu.memref_slice %arg3[%mul3A_31] : memref<160000xi32, #tpu.memory_space<hbm>> -> memref<128xi32, #tpu.memory_space<hbm>>
          %dma_wait3A_33 = tpu.memref_slice %arg3[%mul3A_31] : memref<160000xi32, #tpu.memory_space<hbm>> -> memref<128xi32, #tpu.memory_space<hbm>>
          tpu.wait_dma2 semaphore(%run_scoped3A : memref<!tpu.dma_semaphore, #tpu.memory_space<semaphore_mem>>) src(%dma_wait3A_33 : memref<128xi32, #tpu.memory_space<hbm>>) dst(%arg6 : memref<128xi32, #tpu.memory_space<vmem>>)
          tpu.yield
        }) : () -> ()
        "tpu.region"() ({
          %run_scoped3A = tpu.sem_alloc : memref<!tpu.dma_semaphore, #tpu.memory_space<semaphore_mem>>
          %dma_start3A = arith.constant 0 : i32
          %dma_start3A_32 = tpu.memref_slice %arg2[%mul3A_31, %dma_start3A] : memref<160000x32xf32, #tpu.memory_space<hbm>> -> memref<128x32xf32, #tpu.memory_space<hbm>>
          %dma_start3A_33 = arith.constant 0 : i32
          %dma_start3A_34 = tpu.memref_slice %arg2[%mul3A_31, %dma_start3A_33] : memref<160000x32xf32, #tpu.memory_space<hbm>> -> memref<128x32xf32, #tpu.memory_space<hbm>>
          tpu.enqueue_dma source(%dma_start3A_34 : memref<128x32xf32, #tpu.memory_space<hbm>>) target(%arg7 : memref<128x32xf32, #tpu.memory_space<vmem>>) target_semaphore(%run_scoped3A : memref<!tpu.dma_semaphore, #tpu.memory_space<semaphore_mem>>)
          %dma_wait3A = arith.constant 0 : i32
          %dma_wait3A_35 = tpu.memref_slice %arg2[%mul3A_31, %dma_wait3A] : memref<160000x32xf32, #tpu.memory_space<hbm>> -> memref<128x32xf32, #tpu.memory_space<hbm>>
          %dma_wait3A_36 = arith.constant 0 : i32
          %dma_wait3A_37 = tpu.memref_slice %arg2[%mul3A_31, %dma_wait3A_36] : memref<160000x32xf32, #tpu.memory_space<hbm>> -> memref<128x32xf32, #tpu.memory_space<hbm>>
          tpu.wait_dma2 semaphore(%run_scoped3A : memref<!tpu.dma_semaphore, #tpu.memory_space<semaphore_mem>>) src(%dma_wait3A_37 : memref<128x32xf32, #tpu.memory_space<hbm>>) dst(%arg7 : memref<128x32xf32, #tpu.memory_space<vmem>>)
          tpu.yield
        }) : () -> ()
        "tpu.region"() ({
          %run_scoped3A = tpu.sem_alloc : memref<!tpu.dma_semaphore, #tpu.memory_space<semaphore_mem>>
          %dma_start3A = arith.constant 0 : i32
          %dma_start3A_32 = arith.constant 0 : i32
          %dma_start3A_33 = tpu.memref_slice %arg8[%dma_start3A, %dma_start3A_32] : memref<10000x32xf32, #tpu.memory_space<vmem_shared>> -> memref<10000x32xf32, #tpu.memory_space<vmem_shared>>
          tpu.enqueue_indirect_dma source(%arg7 : memref<128x32xf32, #tpu.memory_space<vmem>>) target(%dma_start3A_33 : memref<10000x32xf32, #tpu.memory_space<vmem_shared>>) offsets(%arg6 : memref<128xi32, #tpu.memory_space<vmem>>) semaphore(%run_scoped3A : memref<!tpu.dma_semaphore, #tpu.memory_space<semaphore_mem>>) {add = true}
          %dma_wait3A = arith.constant 0 : i32
          %dma_wait3A_34 = arith.constant 0 : i32
          %dma_wait3A_35 = tpu.memref_slice %arg8[%dma_wait3A, %dma_wait3A_34] : memref<10000x32xf32, #tpu.memory_space<vmem_shared>> -> memref<10000x32xf32, #tpu.memory_space<vmem_shared>>
          tpu.wait_indirect_dma semaphore(%run_scoped3A : memref<!tpu.dma_semaphore, #tpu.memory_space<semaphore_mem>>) src(%arg7 : memref<128x32xf32, #tpu.memory_space<vmem>>) dst(%dma_wait3A_35 : memref<10000x32xf32, #tpu.memory_space<vmem_shared>>)
          tpu.yield
        }) : () -> ()
      } else {
      }
    }
    %scan3A_9 = arith.constant 40 : i32
    %barrier3A_10 = arith.constant 0 : index
    tpu.barrier barrier_id(%barrier3A_10)
    %mul3A_11 = arith.constant 624 : i32
    %mul3A_12 = arith.muli %arg1, %mul3A_11 : i32
    %mul3A_13 = arith.constant 624 : i32
    %mul3A_14 = arith.muli %arg1, %mul3A_13 : i32
    "tpu.region"() ({
      %run_scoped3A = tpu.sem_alloc : memref<!tpu.dma_semaphore, #tpu.memory_space<semaphore_mem>>
      %dma_start3A = arith.constant 0 : i32
      %dma_start3A_20 = arith.constant 0 : i32
      %dma_start3A_21 = tpu.memref_slice %arg5[%arg0, %dma_start3A, %dma_start3A_20] : memref<2x10000x32xf32, #tpu.memory_space<hbm>> -> memref<1x10000x32xf32, #tpu.memory_space<hbm>>
      %dma_start3A_22 = tpu.memref_squeeze %dma_start3A_21 : memref<1x10000x32xf32, #tpu.memory_space<hbm>> -> memref<10000x32xf32, #tpu.memory_space<hbm>>
      %dma_start3A_23 = arith.constant 0 : i32
      %dma_start3A_24 = tpu.memref_slice %dma_start3A_22[%mul3A_14, %dma_start3A_23] : memref<10000x32xf32, #tpu.memory_space<hbm>> -> memref<624x32xf32, #tpu.memory_space<hbm>>
      %dma_start3A_25 = arith.constant 0 : i32
      %dma_start3A_26 = tpu.memref_slice %arg8[%mul3A_12, %dma_start3A_25] : memref<10000x32xf32, #tpu.memory_space<vmem_shared>> -> memref<624x32xf32, #tpu.memory_space<vmem_shared>>
      tpu.enqueue_dma source(%dma_start3A_26 : memref<624x32xf32, #tpu.memory_space<vmem_shared>>) target(%dma_start3A_24 : memref<624x32xf32, #tpu.memory_space<hbm>>) target_semaphore(%run_scoped3A : memref<!tpu.dma_semaphore, #tpu.memory_space<semaphore_mem>>)
      %dma_wait3A = arith.constant 0 : i32
      %dma_wait3A_27 = arith.constant 0 : i32
      %dma_wait3A_28 = tpu.memref_slice %arg5[%arg0, %dma_wait3A, %dma_wait3A_27] : memref<2x10000x32xf32, #tpu.memory_space<hbm>> -> memref<1x10000x32xf32, #tpu.memory_space<hbm>>
      %dma_wait3A_29 = tpu.memref_squeeze %dma_wait3A_28 : memref<1x10000x32xf32, #tpu.memory_space<hbm>> -> memref<10000x32xf32, #tpu.memory_space<hbm>>
      %dma_wait3A_30 = arith.constant 0 : i32
      %dma_wait3A_31 = tpu.memref_slice %dma_wait3A_29[%mul3A_14, %dma_wait3A_30] : memref<10000x32xf32, #tpu.memory_space<hbm>> -> memref<624x32xf32, #tpu.memory_space<hbm>>
      %dma_wait3A_32 = arith.constant 0 : i32
      %dma_wait3A_33 = tpu.memref_slice %arg8[%mul3A_12, %dma_wait3A_32] : memref<10000x32xf32, #tpu.memory_space<vmem_shared>> -> memref<624x32xf32, #tpu.memory_space<vmem_shared>>
      tpu.wait_dma2 semaphore(%run_scoped3A : memref<!tpu.dma_semaphore, #tpu.memory_space<semaphore_mem>>) src(%dma_wait3A_33 : memref<624x32xf32, #tpu.memory_space<vmem_shared>>) dst(%dma_wait3A_31 : memref<624x32xf32, #tpu.memory_space<hbm>>)
      tpu.yield
    }) : () -> ()
    %eq3A_15 = arith.constant 15 : i32
    %eq3A_16 = arith.cmpi eq, %arg1, %eq3A_15 : i32
    %convert_element_type3A_17 = arith.extui %eq3A_16 : i1 to i32
    %cond3A_18 = arith.constant 0 : i32
    %cond3A_19 = arith.cmpi ne, %convert_element_type3A_17, %cond3A_18 : i32
    scf.if %cond3A_19 {
      "tpu.region"() ({
        %run_scoped3A = tpu.sem_alloc : memref<!tpu.dma_semaphore, #tpu.memory_space<semaphore_mem>>
        %dma_start3A = arith.constant 0 : i32
        %dma_start3A_20 = arith.constant 0 : i32
        %dma_start3A_21 = tpu.memref_slice %arg5[%arg0, %dma_start3A, %dma_start3A_20] : memref<2x10000x32xf32, #tpu.memory_space<hbm>> -> memref<1x10000x32xf32, #tpu.memory_space<hbm>>
        %dma_start3A_22 = tpu.memref_squeeze %dma_start3A_21 : memref<1x10000x32xf32, #tpu.memory_space<hbm>> -> memref<10000x32xf32, #tpu.memory_space<hbm>>
        %dma_start3A_23 = arith.constant 9984 : i32
        %dma_start3A_24 = arith.constant 0 : i32
        %dma_start3A_25 = tpu.memref_slice %dma_start3A_22[%dma_start3A_23, %dma_start3A_24] : memref<10000x32xf32, #tpu.memory_space<hbm>> -> memref<16x32xf32, #tpu.memory_space<hbm>>
        %dma_start3A_26 = arith.constant 9984 : i32
        %dma_start3A_27 = arith.constant 0 : i32
        %dma_start3A_28 = tpu.memref_slice %arg8[%dma_start3A_26, %dma_start3A_27] : memref<10000x32xf32, #tpu.memory_space<vmem_shared>> -> memref<16x32xf32, #tpu.memory_space<vmem_shared>>
        tpu.enqueue_dma source(%dma_start3A_28 : memref<16x32xf32, #tpu.memory_space<vmem_shared>>) target(%dma_start3A_25 : memref<16x32xf32, #tpu.memory_space<hbm>>) target_semaphore(%run_scoped3A : memref<!tpu.dma_semaphore, #tpu.memory_space<semaphore_mem>>)
        %dma_wait3A = arith.constant 0 : i32
        %dma_wait3A_29 = arith.constant 0 : i32
        %dma_wait3A_30 = tpu.memref_slice %arg5[%arg0, %dma_wait3A, %dma_wait3A_29] : memref<2x10000x32xf32, #tpu.memory_space<hbm>> -> memref<1x10000x32xf32, #tpu.memory_space<hbm>>
        %dma_wait3A_31 = tpu.memref_squeeze %dma_wait3A_30 : memref<1x10000x32xf32, #tpu.memory_space<hbm>> -> memref<10000x32xf32, #tpu.memory_space<hbm>>
        %dma_wait3A_32 = arith.constant 9984 : i32
        %dma_wait3A_33 = arith.constant 0 : i32
        %dma_wait3A_34 = tpu.memref_slice %dma_wait3A_31[%dma_wait3A_32, %dma_wait3A_33] : memref<10000x32xf32, #tpu.memory_space<hbm>> -> memref<16x32xf32, #tpu.memory_space<hbm>>
        %dma_wait3A_35 = arith.constant 9984 : i32
        %dma_wait3A_36 = arith.constant 0 : i32
        %dma_wait3A_37 = tpu.memref_slice %arg8[%dma_wait3A_35, %dma_wait3A_36] : memref<10000x32xf32, #tpu.memory_space<vmem_shared>> -> memref<16x32xf32, #tpu.memory_space<vmem_shared>>
        tpu.wait_dma2 semaphore(%run_scoped3A : memref<!tpu.dma_semaphore, #tpu.memory_space<semaphore_mem>>) src(%dma_wait3A_37 : memref<16x32xf32, #tpu.memory_space<vmem_shared>>) dst(%dma_wait3A_34 : memref<16x32xf32, #tpu.memory_space<hbm>>)
        tpu.yield
      }) : () -> ()
    } else {
    }
    return
  }
}

#map = affine_map<(d0, d1) -> (0, 0)>
#map1 = affine_map<(d0, d1) -> (0)>
module attributes {stable_mosaic.version = 14 : i64} {
  func.func @k(%arg0: i32, %arg1: i32, %arg2: memref<10000x32xf32, #tpu.memory_space<hbm>>, %arg3: memref<160000xi32, #tpu.memory_space<hbm>>, %arg4: memref<160000x32xf32, #tpu.memory_space<hbm>>, %arg5: memref<128xi32, #tpu.memory_space<vmem>>, %arg6: memref<128x32xf32, #tpu.memory_space<vmem>>, %arg7: memref<!tpu.dma_semaphore, #tpu.memory_space<semaphore_mem>>) attributes {dimension_semantics = [#tpu.dimension_semantics<core_parallel>, #tpu.dimension_semantics<subcore_parallel>], iteration_bounds = array<i64: 2, 16>, scalar_prefetch = 0 : i64, scratch_operands = 3 : i64, tpu.core_type = #tpu.core_type<sc_vector_subcore>, window_params = [{transform_indices = #map}, {transform_indices = #map1}, {transform_indices = #map}]} {
    %mul3A = arith.constant 2 : i32
    %mul3A_0 = arith.muli %arg1, %mul3A : i32
    %add3A = arith.addi %mul3A_0, %arg0 : i32
    %scan3A = arith.constant 0 : i32
    %scan3A_1 = arith.constant 0 : i32
    %scan3A_2 = arith.constant 40 : i32
    %scan3A_3 = arith.addi %scan3A_1, %scan3A_2 : i32
    %scan3A_4 = arith.constant 1 : i32
    scf.for %scan3A_6 = %scan3A_1 to %scan3A_3 step %scan3A_4  : i32 {
      %mul3A_7 = arith.constant 32 : i32
      %mul3A_8 = arith.muli %scan3A_6, %mul3A_7 : i32
      %add3A_9 = arith.addi %add3A, %mul3A_8 : i32
      %lt3A = arith.constant 1250 : i32
      %lt3A_10 = arith.cmpi slt, %add3A_9, %lt3A : i32
      %convert_element_type3A = arith.extui %lt3A_10 : i1 to i32
      %cond3A = arith.constant 0 : i32
      %cond3A_11 = arith.cmpi ne, %convert_element_type3A, %cond3A : i32
      scf.if %cond3A_11 {
        %mul3A_12 = arith.constant 128 : i32
        %mul3A_13 = arith.muli %add3A_9, %mul3A_12 : i32
        "tpu.region"() ({
          %run_scoped3A = tpu.sem_alloc : memref<!tpu.dma_semaphore, #tpu.memory_space<semaphore_mem>>
          %dma_start3A_18 = tpu.memref_slice %arg3[%mul3A_13] : memref<160000xi32, #tpu.memory_space<hbm>> -> memref<128xi32, #tpu.memory_space<hbm>>
          %dma_start3A_19 = tpu.memref_slice %arg3[%mul3A_13] : memref<160000xi32, #tpu.memory_space<hbm>> -> memref<128xi32, #tpu.memory_space<hbm>>
          tpu.enqueue_dma source(%dma_start3A_19 : memref<128xi32, #tpu.memory_space<hbm>>) target(%arg5 : memref<128xi32, #tpu.memory_space<vmem>>) target_semaphore(%run_scoped3A : memref<!tpu.dma_semaphore, #tpu.memory_space<semaphore_mem>>)
          %dma_wait3A_20 = tpu.memref_slice %arg3[%mul3A_13] : memref<160000xi32, #tpu.memory_space<hbm>> -> memref<128xi32, #tpu.memory_space<hbm>>
          %dma_wait3A_21 = tpu.memref_slice %arg3[%mul3A_13] : memref<160000xi32, #tpu.memory_space<hbm>> -> memref<128xi32, #tpu.memory_space<hbm>>
          tpu.wait_dma2 semaphore(%run_scoped3A : memref<!tpu.dma_semaphore, #tpu.memory_space<semaphore_mem>>) src(%dma_wait3A_21 : memref<128xi32, #tpu.memory_space<hbm>>) dst(%arg5 : memref<128xi32, #tpu.memory_space<vmem>>)
          tpu.yield
        }) : () -> ()
        %dma_start3A = arith.constant 0 : i32
        %dma_start3A_14 = arith.constant 0 : i32
        %dma_start3A_15 = tpu.memref_slice %arg2[%dma_start3A, %dma_start3A_14] : memref<10000x32xf32, #tpu.memory_space<hbm>> -> memref<10000x32xf32, #tpu.memory_space<hbm>>
        tpu.enqueue_indirect_dma source(%dma_start3A_15 : memref<10000x32xf32, #tpu.memory_space<hbm>>) target(%arg6 : memref<128x32xf32, #tpu.memory_space<vmem>>) offsets(%arg5 : memref<128xi32, #tpu.memory_space<vmem>>) semaphore(%arg7 : memref<!tpu.dma_semaphore, #tpu.memory_space<semaphore_mem>>)
        %dma_wait3A = arith.constant 0 : i32
        %dma_wait3A_16 = arith.constant 0 : i32
        %dma_wait3A_17 = tpu.memref_slice %arg2[%dma_wait3A, %dma_wait3A_16] : memref<10000x32xf32, #tpu.memory_space<hbm>> -> memref<10000x32xf32, #tpu.memory_space<hbm>>
        tpu.wait_indirect_dma semaphore(%arg7 : memref<!tpu.dma_semaphore, #tpu.memory_space<semaphore_mem>>) src(%dma_wait3A_17 : memref<10000x32xf32, #tpu.memory_space<hbm>>) dst(%arg6 : memref<128x32xf32, #tpu.memory_space<vmem>>)
        "tpu.region"() ({
          %run_scoped3A = tpu.sem_alloc : memref<!tpu.dma_semaphore, #tpu.memory_space<semaphore_mem>>
          %dma_start3A_18 = arith.constant 0 : i32
          %dma_start3A_19 = tpu.memref_slice %arg4[%mul3A_13, %dma_start3A_18] : memref<160000x32xf32, #tpu.memory_space<hbm>> -> memref<128x32xf32, #tpu.memory_space<hbm>>
          %dma_start3A_20 = arith.constant 0 : i32
          %dma_start3A_21 = tpu.memref_slice %arg4[%mul3A_13, %dma_start3A_20] : memref<160000x32xf32, #tpu.memory_space<hbm>> -> memref<128x32xf32, #tpu.memory_space<hbm>>
          tpu.enqueue_dma source(%arg6 : memref<128x32xf32, #tpu.memory_space<vmem>>) target(%dma_start3A_21 : memref<128x32xf32, #tpu.memory_space<hbm>>) target_semaphore(%run_scoped3A : memref<!tpu.dma_semaphore, #tpu.memory_space<semaphore_mem>>)
          %dma_wait3A_22 = arith.constant 0 : i32
          %dma_wait3A_23 = tpu.memref_slice %arg4[%mul3A_13, %dma_wait3A_22] : memref<160000x32xf32, #tpu.memory_space<hbm>> -> memref<128x32xf32, #tpu.memory_space<hbm>>
          %dma_wait3A_24 = arith.constant 0 : i32
          %dma_wait3A_25 = tpu.memref_slice %arg4[%mul3A_13, %dma_wait3A_24] : memref<160000x32xf32, #tpu.memory_space<hbm>> -> memref<128x32xf32, #tpu.memory_space<hbm>>
          tpu.wait_dma2 semaphore(%run_scoped3A : memref<!tpu.dma_semaphore, #tpu.memory_space<semaphore_mem>>) src(%arg6 : memref<128x32xf32, #tpu.memory_space<vmem>>) dst(%dma_wait3A_25 : memref<128x32xf32, #tpu.memory_space<hbm>>)
          tpu.yield
        }) : () -> ()
      } else {
      }
    }
    %scan3A_5 = arith.constant 40 : i32
    return
  }
}

#map = affine_map<(d0, d1) -> (0, 0)>
#map1 = affine_map<(d0, d1) -> (0)>
#map2 = affine_map<(d0, d1) -> (0, 0, 0)>
module attributes {stable_mosaic.version = 14 : i64} {
  func.func @k(%arg0: i32, %arg1: i32, %arg2: memref<160000x32xf32, #tpu.memory_space<hbm>>, %arg3: memref<160000xi32, #tpu.memory_space<hbm>>, %arg4: memref<10000x32xf32, #tpu.memory_space<hbm>>, %arg5: memref<2x10000x32xf32, #tpu.memory_space<hbm>>, %arg6: memref<128xi32, #tpu.memory_space<vmem>>, %arg7: memref<128x32xf32, #tpu.memory_space<vmem>>, %arg8: memref<10000x32xf32, #tpu.memory_space<vmem_shared>>) attributes {dimension_semantics = [#tpu.dimension_semantics<core_parallel>, #tpu.dimension_semantics<subcore_parallel>], iteration_bounds = array<i64: 2, 16>, scalar_prefetch = 0 : i64, scratch_operands = 3 : i64, tpu.core_type = #tpu.core_type<sc_vector_subcore>, window_params = [{transform_indices = #map}, {transform_indices = #map1}, {transform_indices = #map}, {transform_indices = #map2}]} {
    %mul3A = arith.constant 624 : i32
    %mul3A_0 = arith.muli %arg1, %mul3A : i32
    %mul3A_1 = arith.constant 624 : i32
    %mul3A_2 = arith.muli %arg1, %mul3A_1 : i32
    "tpu.region"() ({
      %run_scoped3A = tpu.sem_alloc : memref<!tpu.dma_semaphore, #tpu.memory_space<semaphore_mem>>
      %dma_start3A = arith.constant 0 : i32
      %dma_start3A_20 = tpu.memref_slice %arg8[%mul3A_2, %dma_start3A] : memref<10000x32xf32, #tpu.memory_space<vmem_shared>> -> memref<624x32xf32, #tpu.memory_space<vmem_shared>>
      %dma_start3A_21 = arith.constant 0 : i32
      %dma_start3A_22 = tpu.memref_slice %arg4[%mul3A_0, %dma_start3A_21] : memref<10000x32xf32, #tpu.memory_space<hbm>> -> memref<624x32xf32, #tpu.memory_space<hbm>>
      tpu.enqueue_dma source(%dma_start3A_22 : memref<624x32xf32, #tpu.memory_space<hbm>>) target(%dma_start3A_20 : memref<624x32xf32, #tpu.memory_space<vmem_shared>>) target_semaphore(%run_scoped3A : memref<!tpu.dma_semaphore, #tpu.memory_space<semaphore_mem>>)
      %dma_wait3A = arith.constant 0 : i32
      %dma_wait3A_23 = tpu.memref_slice %arg8[%mul3A_2, %dma_wait3A] : memref<10000x32xf32, #tpu.memory_space<vmem_shared>> -> memref<624x32xf32, #tpu.memory_space<vmem_shared>>
      %dma_wait3A_24 = arith.constant 0 : i32
      %dma_wait3A_25 = tpu.memref_slice %arg4[%mul3A_0, %dma_wait3A_24] : memref<10000x32xf32, #tpu.memory_space<hbm>> -> memref<624x32xf32, #tpu.memory_space<hbm>>
      tpu.wait_dma2 semaphore(%run_scoped3A : memref<!tpu.dma_semaphore, #tpu.memory_space<semaphore_mem>>) src(%dma_wait3A_25 : memref<624x32xf32, #tpu.memory_space<hbm>>) dst(%dma_wait3A_23 : memref<624x32xf32, #tpu.memory_space<vmem_shared>>)
      tpu.yield
    }) : () -> ()
    %eq3A = arith.constant 15 : i32
    %eq3A_3 = arith.cmpi eq, %arg1, %eq3A : i32
    %convert_element_type3A = arith.extui %eq3A_3 : i1 to i32
    %cond3A = arith.constant 0 : i32
    %cond3A_4 = arith.cmpi ne, %convert_element_type3A, %cond3A : i32
    scf.if %cond3A_4 {
      "tpu.region"() ({
        %run_scoped3A = tpu.sem_alloc : memref<!tpu.dma_semaphore, #tpu.memory_space<semaphore_mem>>
        %dma_start3A = arith.constant 9984 : i32
        %dma_start3A_20 = arith.constant 0 : i32
        %dma_start3A_21 = tpu.memref_slice %arg8[%dma_start3A, %dma_start3A_20] : memref<10000x32xf32, #tpu.memory_space<vmem_shared>> -> memref<16x32xf32, #tpu.memory_space<vmem_shared>>
        %dma_start3A_22 = arith.constant 9984 : i32
        %dma_start3A_23 = arith.constant 0 : i32
        %dma_start3A_24 = tpu.memref_slice %arg4[%dma_start3A_22, %dma_start3A_23] : memref<10000x32xf32, #tpu.memory_space<hbm>> -> memref<16x32xf32, #tpu.memory_space<hbm>>
        tpu.enqueue_dma source(%dma_start3A_24 : memref<16x32xf32, #tpu.memory_space<hbm>>) target(%dma_start3A_21 : memref<16x32xf32, #tpu.memory_space<vmem_shared>>) target_semaphore(%run_scoped3A : memref<!tpu.dma_semaphore, #tpu.memory_space<semaphore_mem>>)
        %dma_wait3A = arith.constant 9984 : i32
        %dma_wait3A_25 = arith.constant 0 : i32
        %dma_wait3A_26 = tpu.memref_slice %arg8[%dma_wait3A, %dma_wait3A_25] : memref<10000x32xf32, #tpu.memory_space<vmem_shared>> -> memref<16x32xf32, #tpu.memory_space<vmem_shared>>
        %dma_wait3A_27 = arith.constant 9984 : i32
        %dma_wait3A_28 = arith.constant 0 : i32
        %dma_wait3A_29 = tpu.memref_slice %arg4[%dma_wait3A_27, %dma_wait3A_28] : memref<10000x32xf32, #tpu.memory_space<hbm>> -> memref<16x32xf32, #tpu.memory_space<hbm>>
        tpu.wait_dma2 semaphore(%run_scoped3A : memref<!tpu.dma_semaphore, #tpu.memory_space<semaphore_mem>>) src(%dma_wait3A_29 : memref<16x32xf32, #tpu.memory_space<hbm>>) dst(%dma_wait3A_26 : memref<16x32xf32, #tpu.memory_space<vmem_shared>>)
        tpu.yield
      }) : () -> ()
    } else {
    }
    %barrier3A = arith.constant 0 : index
    tpu.barrier barrier_id(%barrier3A)
    %scan3A = arith.constant 0 : i32
    %scan3A_5 = arith.constant 0 : i32
    %scan3A_6 = arith.constant 40 : i32
    %scan3A_7 = arith.addi %scan3A_5, %scan3A_6 : i32
    %scan3A_8 = arith.constant 1 : i32
    scf.for %scan3A_20 = %scan3A_5 to %scan3A_7 step %scan3A_8  : i32 {
      %mul3A_21 = arith.constant 16 : i32
      %mul3A_22 = arith.muli %scan3A_20, %mul3A_21 : i32
      %add3A = arith.addi %arg1, %mul3A_22 : i32
      %lt3A = arith.constant 625 : i32
      %lt3A_23 = arith.cmpi slt, %add3A, %lt3A : i32
      %convert_element_type3A_24 = arith.extui %lt3A_23 : i1 to i32
      %cond3A_25 = arith.constant 0 : i32
      %cond3A_26 = arith.cmpi ne, %convert_element_type3A_24, %cond3A_25 : i32
      scf.if %cond3A_26 {
        %mul3A_27 = arith.constant 625 : i32
        %mul3A_28 = arith.muli %arg0, %mul3A_27 : i32
        %add3A_29 = arith.addi %mul3A_28, %add3A : i32
        %mul3A_30 = arith.constant 128 : i32
        %mul3A_31 = arith.muli %add3A_29, %mul3A_30 : i32
        "tpu.region"() ({
          %run_scoped3A = tpu.sem_alloc : memref<!tpu.dma_semaphore, #tpu.memory_space<semaphore_mem>>
          %dma_start3A = tpu.memref_slice %arg3[%mul3A_31] : memref<160000xi32, #tpu.memory_space<hbm>> -> memref<128xi32, #tpu.memory_space<hbm>>
          %dma_start3A_32 = tpu.memref_slice %arg3[%mul3A_31] : memref<160000xi32, #tpu.memory_space<hbm>> -> memref<128xi32, #tpu.memory_space<hbm>>
          tpu.enqueue_dma source(%dma_start3A_32 : memref<128xi32, #tpu.memory_space<hbm>>) target(%arg6 : memref<128xi32, #tpu.memory_space<vmem>>) target_semaphore(%run_scoped3A : memref<!tpu.dma_semaphore, #tpu.memory_space<semaphore_mem>>)
          %dma_wait3A = tpu.memref_slice %arg3[%mul3A_31] : memref<160000xi32, #tpu.memory_space<hbm>> -> memref<128xi32, #tpu.memory_space<hbm>>
          %dma_wait3A_33 = tpu.memref_slice %arg3[%mul3A_31] : memref<160000xi32, #tpu.memory_space<hbm>> -> memref<128xi32, #tpu.memory_space<hbm>>
          tpu.wait_dma2 semaphore(%run_scoped3A : memref<!tpu.dma_semaphore, #tpu.memory_space<semaphore_mem>>) src(%dma_wait3A_33 : memref<128xi32, #tpu.memory_space<hbm>>) dst(%arg6 : memref<128xi32, #tpu.memory_space<vmem>>)
          tpu.yield
        }) : () -> ()
        "tpu.region"() ({
          %run_scoped3A = tpu.sem_alloc : memref<!tpu.dma_semaphore, #tpu.memory_space<semaphore_mem>>
          %dma_start3A = arith.constant 0 : i32
          %dma_start3A_32 = tpu.memref_slice %arg2[%mul3A_31, %dma_start3A] : memref<160000x32xf32, #tpu.memory_space<hbm>> -> memref<128x32xf32, #tpu.memory_space<hbm>>
          %dma_start3A_33 = arith.constant 0 : i32
          %dma_start3A_34 = tpu.memref_slice %arg2[%mul3A_31, %dma_start3A_33] : memref<160000x32xf32, #tpu.memory_space<hbm>> -> memref<128x32xf32, #tpu.memory_space<hbm>>
          tpu.enqueue_dma source(%dma_start3A_34 : memref<128x32xf32, #tpu.memory_space<hbm>>) target(%arg7 : memref<128x32xf32, #tpu.memory_space<vmem>>) target_semaphore(%run_scoped3A : memref<!tpu.dma_semaphore, #tpu.memory_space<semaphore_mem>>)
          %dma_wait3A = arith.constant 0 : i32
          %dma_wait3A_35 = tpu.memref_slice %arg2[%mul3A_31, %dma_wait3A] : memref<160000x32xf32, #tpu.memory_space<hbm>> -> memref<128x32xf32, #tpu.memory_space<hbm>>
          %dma_wait3A_36 = arith.constant 0 : i32
          %dma_wait3A_37 = tpu.memref_slice %arg2[%mul3A_31, %dma_wait3A_36] : memref<160000x32xf32, #tpu.memory_space<hbm>> -> memref<128x32xf32, #tpu.memory_space<hbm>>
          tpu.wait_dma2 semaphore(%run_scoped3A : memref<!tpu.dma_semaphore, #tpu.memory_space<semaphore_mem>>) src(%dma_wait3A_37 : memref<128x32xf32, #tpu.memory_space<hbm>>) dst(%arg7 : memref<128x32xf32, #tpu.memory_space<vmem>>)
          tpu.yield
        }) : () -> ()
        "tpu.region"() ({
          %run_scoped3A = tpu.sem_alloc : memref<!tpu.dma_semaphore, #tpu.memory_space<semaphore_mem>>
          %dma_start3A = arith.constant 0 : i32
          %dma_start3A_32 = arith.constant 0 : i32
          %dma_start3A_33 = tpu.memref_slice %arg8[%dma_start3A, %dma_start3A_32] : memref<10000x32xf32, #tpu.memory_space<vmem_shared>> -> memref<10000x32xf32, #tpu.memory_space<vmem_shared>>
          tpu.enqueue_indirect_dma source(%arg7 : memref<128x32xf32, #tpu.memory_space<vmem>>) target(%dma_start3A_33 : memref<10000x32xf32, #tpu.memory_space<vmem_shared>>) offsets(%arg6 : memref<128xi32, #tpu.memory_space<vmem>>) semaphore(%run_scoped3A : memref<!tpu.dma_semaphore, #tpu.memory_space<semaphore_mem>>) {add = true}
          %dma_wait3A = arith.constant 0 : i32
          %dma_wait3A_34 = arith.constant 0 : i32
          %dma_wait3A_35 = tpu.memref_slice %arg8[%dma_wait3A, %dma_wait3A_34] : memref<10000x32xf32, #tpu.memory_space<vmem_shared>> -> memref<10000x32xf32, #tpu.memory_space<vmem_shared>>
          tpu.wait_indirect_dma semaphore(%run_scoped3A : memref<!tpu.dma_semaphore, #tpu.memory_space<semaphore_mem>>) src(%arg7 : memref<128x32xf32, #tpu.memory_space<vmem>>) dst(%dma_wait3A_35 : memref<10000x32xf32, #tpu.memory_space<vmem_shared>>)
          tpu.yield
        }) : () -> ()
      } else {
      }
    }
    %scan3A_9 = arith.constant 40 : i32
    %barrier3A_10 = arith.constant 0 : index
    tpu.barrier barrier_id(%barrier3A_10)
    %mul3A_11 = arith.constant 624 : i32
    %mul3A_12 = arith.muli %arg1, %mul3A_11 : i32
    %mul3A_13 = arith.constant 624 : i32
    %mul3A_14 = arith.muli %arg1, %mul3A_13 : i32
    "tpu.region"() ({
      %run_scoped3A = tpu.sem_alloc : memref<!tpu.dma_semaphore, #tpu.memory_space<semaphore_mem>>
      %dma_start3A = arith.constant 0 : i32
      %dma_start3A_20 = arith.constant 0 : i32
      %dma_start3A_21 = tpu.memref_slice %arg5[%arg0, %dma_start3A, %dma_start3A_20] : memref<2x10000x32xf32, #tpu.memory_space<hbm>> -> memref<1x10000x32xf32, #tpu.memory_space<hbm>>
      %dma_start3A_22 = tpu.memref_squeeze %dma_start3A_21 : memref<1x10000x32xf32, #tpu.memory_space<hbm>> -> memref<10000x32xf32, #tpu.memory_space<hbm>>
      %dma_start3A_23 = arith.constant 0 : i32
      %dma_start3A_24 = tpu.memref_slice %dma_start3A_22[%mul3A_14, %dma_start3A_23] : memref<10000x32xf32, #tpu.memory_space<hbm>> -> memref<624x32xf32, #tpu.memory_space<hbm>>
      %dma_start3A_25 = arith.constant 0 : i32
      %dma_start3A_26 = tpu.memref_slice %arg8[%mul3A_12, %dma_start3A_25] : memref<10000x32xf32, #tpu.memory_space<vmem_shared>> -> memref<624x32xf32, #tpu.memory_space<vmem_shared>>
      tpu.enqueue_dma source(%dma_start3A_26 : memref<624x32xf32, #tpu.memory_space<vmem_shared>>) target(%dma_start3A_24 : memref<624x32xf32, #tpu.memory_space<hbm>>) target_semaphore(%run_scoped3A : memref<!tpu.dma_semaphore, #tpu.memory_space<semaphore_mem>>)
      %dma_wait3A = arith.constant 0 : i32
      %dma_wait3A_27 = arith.constant 0 : i32
      %dma_wait3A_28 = tpu.memref_slice %arg5[%arg0, %dma_wait3A, %dma_wait3A_27] : memref<2x10000x32xf32, #tpu.memory_space<hbm>> -> memref<1x10000x32xf32, #tpu.memory_space<hbm>>
      %dma_wait3A_29 = tpu.memref_squeeze %dma_wait3A_28 : memref<1x10000x32xf32, #tpu.memory_space<hbm>> -> memref<10000x32xf32, #tpu.memory_space<hbm>>
      %dma_wait3A_30 = arith.constant 0 : i32
      %dma_wait3A_31 = tpu.memref_slice %dma_wait3A_29[%mul3A_14, %dma_wait3A_30] : memref<10000x32xf32, #tpu.memory_space<hbm>> -> memref<624x32xf32, #tpu.memory_space<hbm>>
      %dma_wait3A_32 = arith.constant 0 : i32
      %dma_wait3A_33 = tpu.memref_slice %arg8[%mul3A_12, %dma_wait3A_32] : memref<10000x32xf32, #tpu.memory_space<vmem_shared>> -> memref<624x32xf32, #tpu.memory_space<vmem_shared>>
      tpu.wait_dma2 semaphore(%run_scoped3A : memref<!tpu.dma_semaphore, #tpu.memory_space<semaphore_mem>>) src(%dma_wait3A_33 : memref<624x32xf32, #tpu.memory_space<vmem_shared>>) dst(%dma_wait3A_31 : memref<624x32xf32, #tpu.memory_space<hbm>>)
      tpu.yield
    }) : () -> ()
    %eq3A_15 = arith.constant 15 : i32
    %eq3A_16 = arith.cmpi eq, %arg1, %eq3A_15 : i32
    %convert_element_type3A_17 = arith.extui %eq3A_16 : i1 to i32
    %cond3A_18 = arith.constant 0 : i32
    %cond3A_19 = arith.cmpi ne, %convert_element_type3A_17, %cond3A_18 : i32
    scf.if %cond3A_19 {
      "tpu.region"() ({
        %run_scoped3A = tpu.sem_alloc : memref<!tpu.dma_semaphore, #tpu.memory_space<semaphore_mem>>
        %dma_start3A = arith.constant 0 : i32
        %dma_start3A_20 = arith.constant 0 : i32
        %dma_start3A_21 = tpu.memref_slice %arg5[%arg0, %dma_start3A, %dma_start3A_20] : memref<2x10000x32xf32, #tpu.memory_space<hbm>> -> memref<1x10000x32xf32, #tpu.memory_space<hbm>>
        %dma_start3A_22 = tpu.memref_squeeze %dma_start3A_21 : memref<1x10000x32xf32, #tpu.memory_space<hbm>> -> memref<10000x32xf32, #tpu.memory_space<hbm>>
        %dma_start3A_23 = arith.constant 9984 : i32
        %dma_start3A_24 = arith.constant 0 : i32
        %dma_start3A_25 = tpu.memref_slice %dma_start3A_22[%dma_start3A_23, %dma_start3A_24] : memref<10000x32xf32, #tpu.memory_space<hbm>> -> memref<16x32xf32, #tpu.memory_space<hbm>>
        %dma_start3A_26 = arith.constant 9984 : i32
        %dma_start3A_27 = arith.constant 0 : i32
        %dma_start3A_28 = tpu.memref_slice %arg8[%dma_start3A_26, %dma_start3A_27] : memref<10000x32xf32, #tpu.memory_space<vmem_shared>> -> memref<16x32xf32, #tpu.memory_space<vmem_shared>>
        tpu.enqueue_dma source(%dma_start3A_28 : memref<16x32xf32, #tpu.memory_space<vmem_shared>>) target(%dma_start3A_25 : memref<16x32xf32, #tpu.memory_space<hbm>>) target_semaphore(%run_scoped3A : memref<!tpu.dma_semaphore, #tpu.memory_space<semaphore_mem>>)
        %dma_wait3A = arith.constant 0 : i32
        %dma_wait3A_29 = arith.constant 0 : i32
        %dma_wait3A_30 = tpu.memref_slice %arg5[%arg0, %dma_wait3A, %dma_wait3A_29] : memref<2x10000x32xf32, #tpu.memory_space<hbm>> -> memref<1x10000x32xf32, #tpu.memory_space<hbm>>
        %dma_wait3A_31 = tpu.memref_squeeze %dma_wait3A_30 : memref<1x10000x32xf32, #tpu.memory_space<hbm>> -> memref<10000x32xf32, #tpu.memory_space<hbm>>
        %dma_wait3A_32 = arith.constant 9984 : i32
        %dma_wait3A_33 = arith.constant 0 : i32
        %dma_wait3A_34 = tpu.memref_slice %dma_wait3A_31[%dma_wait3A_32, %dma_wait3A_33] : memref<10000x32xf32, #tpu.memory_space<hbm>> -> memref<16x32xf32, #tpu.memory_space<hbm>>
        %dma_wait3A_35 = arith.constant 9984 : i32
        %dma_wait3A_36 = arith.constant 0 : i32
        %dma_wait3A_37 = tpu.memref_slice %arg8[%dma_wait3A_35, %dma_wait3A_36] : memref<10000x32xf32, #tpu.memory_space<vmem_shared>> -> memref<16x32xf32, #tpu.memory_space<vmem_shared>>
        tpu.wait_dma2 semaphore(%run_scoped3A : memref<!tpu.dma_semaphore, #tpu.memory_space<semaphore_mem>>) src(%dma_wait3A_37 : memref<16x32xf32, #tpu.memory_space<vmem_shared>>) dst(%dma_wait3A_34 : memref<16x32xf32, #tpu.memory_space<hbm>>)
        tpu.yield
      }) : () -> ()
    } else {
    }
    return
  }
}

#map = affine_map<(d0, d1) -> (0, 0)>
#map1 = affine_map<(d0, d1) -> (0)>
module attributes {stable_mosaic.version = 14 : i64} {
  func.func @k(%arg0: i32, %arg1: i32, %arg2: memref<10000x32xf32, #tpu.memory_space<hbm>>, %arg3: memref<160000xi32, #tpu.memory_space<hbm>>, %arg4: memref<160000x32xf32, #tpu.memory_space<hbm>>, %arg5: memref<128xi32, #tpu.memory_space<vmem>>, %arg6: memref<128x32xf32, #tpu.memory_space<vmem>>, %arg7: memref<!tpu.dma_semaphore, #tpu.memory_space<semaphore_mem>>) attributes {dimension_semantics = [#tpu.dimension_semantics<core_parallel>, #tpu.dimension_semantics<subcore_parallel>], iteration_bounds = array<i64: 2, 16>, scalar_prefetch = 0 : i64, scratch_operands = 3 : i64, tpu.core_type = #tpu.core_type<sc_vector_subcore>, window_params = [{transform_indices = #map}, {transform_indices = #map1}, {transform_indices = #map}]} {
    %mul3A = arith.constant 2 : i32
    %mul3A_0 = arith.muli %arg1, %mul3A : i32
    %add3A = arith.addi %mul3A_0, %arg0 : i32
    %scan3A = arith.constant 0 : i32
    %scan3A_1 = arith.constant 0 : i32
    %scan3A_2 = arith.constant 40 : i32
    %scan3A_3 = arith.addi %scan3A_1, %scan3A_2 : i32
    %scan3A_4 = arith.constant 1 : i32
    scf.for %scan3A_6 = %scan3A_1 to %scan3A_3 step %scan3A_4  : i32 {
      %mul3A_7 = arith.constant 32 : i32
      %mul3A_8 = arith.muli %scan3A_6, %mul3A_7 : i32
      %add3A_9 = arith.addi %add3A, %mul3A_8 : i32
      %lt3A = arith.constant 1250 : i32
      %lt3A_10 = arith.cmpi slt, %add3A_9, %lt3A : i32
      %convert_element_type3A = arith.extui %lt3A_10 : i1 to i32
      %cond3A = arith.constant 0 : i32
      %cond3A_11 = arith.cmpi ne, %convert_element_type3A, %cond3A : i32
      scf.if %cond3A_11 {
        %mul3A_12 = arith.constant 128 : i32
        %mul3A_13 = arith.muli %add3A_9, %mul3A_12 : i32
        "tpu.region"() ({
          %run_scoped3A = tpu.sem_alloc : memref<!tpu.dma_semaphore, #tpu.memory_space<semaphore_mem>>
          %dma_start3A_18 = tpu.memref_slice %arg3[%mul3A_13] : memref<160000xi32, #tpu.memory_space<hbm>> -> memref<128xi32, #tpu.memory_space<hbm>>
          %dma_start3A_19 = tpu.memref_slice %arg3[%mul3A_13] : memref<160000xi32, #tpu.memory_space<hbm>> -> memref<128xi32, #tpu.memory_space<hbm>>
          tpu.enqueue_dma source(%dma_start3A_19 : memref<128xi32, #tpu.memory_space<hbm>>) target(%arg5 : memref<128xi32, #tpu.memory_space<vmem>>) target_semaphore(%run_scoped3A : memref<!tpu.dma_semaphore, #tpu.memory_space<semaphore_mem>>)
          %dma_wait3A_20 = tpu.memref_slice %arg3[%mul3A_13] : memref<160000xi32, #tpu.memory_space<hbm>> -> memref<128xi32, #tpu.memory_space<hbm>>
          %dma_wait3A_21 = tpu.memref_slice %arg3[%mul3A_13] : memref<160000xi32, #tpu.memory_space<hbm>> -> memref<128xi32, #tpu.memory_space<hbm>>
          tpu.wait_dma2 semaphore(%run_scoped3A : memref<!tpu.dma_semaphore, #tpu.memory_space<semaphore_mem>>) src(%dma_wait3A_21 : memref<128xi32, #tpu.memory_space<hbm>>) dst(%arg5 : memref<128xi32, #tpu.memory_space<vmem>>)
          tpu.yield
        }) : () -> ()
        %dma_start3A = arith.constant 0 : i32
        %dma_start3A_14 = arith.constant 0 : i32
        %dma_start3A_15 = tpu.memref_slice %arg2[%dma_start3A, %dma_start3A_14] : memref<10000x32xf32, #tpu.memory_space<hbm>> -> memref<10000x32xf32, #tpu.memory_space<hbm>>
        tpu.enqueue_indirect_dma source(%dma_start3A_15 : memref<10000x32xf32, #tpu.memory_space<hbm>>) target(%arg6 : memref<128x32xf32, #tpu.memory_space<vmem>>) offsets(%arg5 : memref<128xi32, #tpu.memory_space<vmem>>) semaphore(%arg7 : memref<!tpu.dma_semaphore, #tpu.memory_space<semaphore_mem>>)
        %dma_wait3A = arith.constant 0 : i32
        %dma_wait3A_16 = arith.constant 0 : i32
        %dma_wait3A_17 = tpu.memref_slice %arg2[%dma_wait3A, %dma_wait3A_16] : memref<10000x32xf32, #tpu.memory_space<hbm>> -> memref<10000x32xf32, #tpu.memory_space<hbm>>
        tpu.wait_indirect_dma semaphore(%arg7 : memref<!tpu.dma_semaphore, #tpu.memory_space<semaphore_mem>>) src(%dma_wait3A_17 : memref<10000x32xf32, #tpu.memory_space<hbm>>) dst(%arg6 : memref<128x32xf32, #tpu.memory_space<vmem>>)
        "tpu.region"() ({
          %run_scoped3A = tpu.sem_alloc : memref<!tpu.dma_semaphore, #tpu.memory_space<semaphore_mem>>
          %dma_start3A_18 = arith.constant 0 : i32
          %dma_start3A_19 = tpu.memref_slice %arg4[%mul3A_13, %dma_start3A_18] : memref<160000x32xf32, #tpu.memory_space<hbm>> -> memref<128x32xf32, #tpu.memory_space<hbm>>
          %dma_start3A_20 = arith.constant 0 : i32
          %dma_start3A_21 = tpu.memref_slice %arg4[%mul3A_13, %dma_start3A_20] : memref<160000x32xf32, #tpu.memory_space<hbm>> -> memref<128x32xf32, #tpu.memory_space<hbm>>
          tpu.enqueue_dma source(%arg6 : memref<128x32xf32, #tpu.memory_space<vmem>>) target(%dma_start3A_21 : memref<128x32xf32, #tpu.memory_space<hbm>>) target_semaphore(%run_scoped3A : memref<!tpu.dma_semaphore, #tpu.memory_space<semaphore_mem>>)
          %dma_wait3A_22 = arith.constant 0 : i32
          %dma_wait3A_23 = tpu.memref_slice %arg4[%mul3A_13, %dma_wait3A_22] : memref<160000x32xf32, #tpu.memory_space<hbm>> -> memref<128x32xf32, #tpu.memory_space<hbm>>
          %dma_wait3A_24 = arith.constant 0 : i32
          %dma_wait3A_25 = tpu.memref_slice %arg4[%mul3A_13, %dma_wait3A_24] : memref<160000x32xf32, #tpu.memory_space<hbm>> -> memref<128x32xf32, #tpu.memory_space<hbm>>
          tpu.wait_dma2 semaphore(%run_scoped3A : memref<!tpu.dma_semaphore, #tpu.memory_space<semaphore_mem>>) src(%arg6 : memref<128x32xf32, #tpu.memory_space<vmem>>) dst(%dma_wait3A_25 : memref<128x32xf32, #tpu.memory_space<hbm>>)
          tpu.yield
        }) : () -> ()
      } else {
      }
    }
    %scan3A_5 = arith.constant 40 : i32
    return
  }
}

#map = affine_map<(d0, d1) -> (0, 0)>
#map1 = affine_map<(d0, d1) -> (0)>
#map2 = affine_map<(d0, d1) -> (0, 0, 0)>
module attributes {stable_mosaic.version = 14 : i64} {
  func.func @k(%arg0: i32, %arg1: i32, %arg2: memref<160000x32xf32, #tpu.memory_space<hbm>>, %arg3: memref<160000xi32, #tpu.memory_space<hbm>>, %arg4: memref<10000x32xf32, #tpu.memory_space<hbm>>, %arg5: memref<2x10000x32xf32, #tpu.memory_space<hbm>>, %arg6: memref<128xi32, #tpu.memory_space<vmem>>, %arg7: memref<128x32xf32, #tpu.memory_space<vmem>>, %arg8: memref<10000x32xf32, #tpu.memory_space<vmem_shared>>) attributes {dimension_semantics = [#tpu.dimension_semantics<core_parallel>, #tpu.dimension_semantics<subcore_parallel>], iteration_bounds = array<i64: 2, 16>, scalar_prefetch = 0 : i64, scratch_operands = 3 : i64, tpu.core_type = #tpu.core_type<sc_vector_subcore>, window_params = [{transform_indices = #map}, {transform_indices = #map1}, {transform_indices = #map}, {transform_indices = #map2}]} {
    %mul3A = arith.constant 624 : i32
    %mul3A_0 = arith.muli %arg1, %mul3A : i32
    %mul3A_1 = arith.constant 624 : i32
    %mul3A_2 = arith.muli %arg1, %mul3A_1 : i32
    "tpu.region"() ({
      %run_scoped3A = tpu.sem_alloc : memref<!tpu.dma_semaphore, #tpu.memory_space<semaphore_mem>>
      %dma_start3A = arith.constant 0 : i32
      %dma_start3A_20 = tpu.memref_slice %arg8[%mul3A_2, %dma_start3A] : memref<10000x32xf32, #tpu.memory_space<vmem_shared>> -> memref<624x32xf32, #tpu.memory_space<vmem_shared>>
      %dma_start3A_21 = arith.constant 0 : i32
      %dma_start3A_22 = tpu.memref_slice %arg4[%mul3A_0, %dma_start3A_21] : memref<10000x32xf32, #tpu.memory_space<hbm>> -> memref<624x32xf32, #tpu.memory_space<hbm>>
      tpu.enqueue_dma source(%dma_start3A_22 : memref<624x32xf32, #tpu.memory_space<hbm>>) target(%dma_start3A_20 : memref<624x32xf32, #tpu.memory_space<vmem_shared>>) target_semaphore(%run_scoped3A : memref<!tpu.dma_semaphore, #tpu.memory_space<semaphore_mem>>)
      %dma_wait3A = arith.constant 0 : i32
      %dma_wait3A_23 = tpu.memref_slice %arg8[%mul3A_2, %dma_wait3A] : memref<10000x32xf32, #tpu.memory_space<vmem_shared>> -> memref<624x32xf32, #tpu.memory_space<vmem_shared>>
      %dma_wait3A_24 = arith.constant 0 : i32
      %dma_wait3A_25 = tpu.memref_slice %arg4[%mul3A_0, %dma_wait3A_24] : memref<10000x32xf32, #tpu.memory_space<hbm>> -> memref<624x32xf32, #tpu.memory_space<hbm>>
      tpu.wait_dma2 semaphore(%run_scoped3A : memref<!tpu.dma_semaphore, #tpu.memory_space<semaphore_mem>>) src(%dma_wait3A_25 : memref<624x32xf32, #tpu.memory_space<hbm>>) dst(%dma_wait3A_23 : memref<624x32xf32, #tpu.memory_space<vmem_shared>>)
      tpu.yield
    }) : () -> ()
    %eq3A = arith.constant 15 : i32
    %eq3A_3 = arith.cmpi eq, %arg1, %eq3A : i32
    %convert_element_type3A = arith.extui %eq3A_3 : i1 to i32
    %cond3A = arith.constant 0 : i32
    %cond3A_4 = arith.cmpi ne, %convert_element_type3A, %cond3A : i32
    scf.if %cond3A_4 {
      "tpu.region"() ({
        %run_scoped3A = tpu.sem_alloc : memref<!tpu.dma_semaphore, #tpu.memory_space<semaphore_mem>>
        %dma_start3A = arith.constant 9984 : i32
        %dma_start3A_20 = arith.constant 0 : i32
        %dma_start3A_21 = tpu.memref_slice %arg8[%dma_start3A, %dma_start3A_20] : memref<10000x32xf32, #tpu.memory_space<vmem_shared>> -> memref<16x32xf32, #tpu.memory_space<vmem_shared>>
        %dma_start3A_22 = arith.constant 9984 : i32
        %dma_start3A_23 = arith.constant 0 : i32
        %dma_start3A_24 = tpu.memref_slice %arg4[%dma_start3A_22, %dma_start3A_23] : memref<10000x32xf32, #tpu.memory_space<hbm>> -> memref<16x32xf32, #tpu.memory_space<hbm>>
        tpu.enqueue_dma source(%dma_start3A_24 : memref<16x32xf32, #tpu.memory_space<hbm>>) target(%dma_start3A_21 : memref<16x32xf32, #tpu.memory_space<vmem_shared>>) target_semaphore(%run_scoped3A : memref<!tpu.dma_semaphore, #tpu.memory_space<semaphore_mem>>)
        %dma_wait3A = arith.constant 9984 : i32
        %dma_wait3A_25 = arith.constant 0 : i32
        %dma_wait3A_26 = tpu.memref_slice %arg8[%dma_wait3A, %dma_wait3A_25] : memref<10000x32xf32, #tpu.memory_space<vmem_shared>> -> memref<16x32xf32, #tpu.memory_space<vmem_shared>>
        %dma_wait3A_27 = arith.constant 9984 : i32
        %dma_wait3A_28 = arith.constant 0 : i32
        %dma_wait3A_29 = tpu.memref_slice %arg4[%dma_wait3A_27, %dma_wait3A_28] : memref<10000x32xf32, #tpu.memory_space<hbm>> -> memref<16x32xf32, #tpu.memory_space<hbm>>
        tpu.wait_dma2 semaphore(%run_scoped3A : memref<!tpu.dma_semaphore, #tpu.memory_space<semaphore_mem>>) src(%dma_wait3A_29 : memref<16x32xf32, #tpu.memory_space<hbm>>) dst(%dma_wait3A_26 : memref<16x32xf32, #tpu.memory_space<vmem_shared>>)
        tpu.yield
      }) : () -> ()
    } else {
    }
    %barrier3A = arith.constant 0 : index
    tpu.barrier barrier_id(%barrier3A)
    %scan3A = arith.constant 0 : i32
    %scan3A_5 = arith.constant 0 : i32
    %scan3A_6 = arith.constant 40 : i32
    %scan3A_7 = arith.addi %scan3A_5, %scan3A_6 : i32
    %scan3A_8 = arith.constant 1 : i32
    scf.for %scan3A_20 = %scan3A_5 to %scan3A_7 step %scan3A_8  : i32 {
      %mul3A_21 = arith.constant 16 : i32
      %mul3A_22 = arith.muli %scan3A_20, %mul3A_21 : i32
      %add3A = arith.addi %arg1, %mul3A_22 : i32
      %lt3A = arith.constant 625 : i32
      %lt3A_23 = arith.cmpi slt, %add3A, %lt3A : i32
      %convert_element_type3A_24 = arith.extui %lt3A_23 : i1 to i32
      %cond3A_25 = arith.constant 0 : i32
      %cond3A_26 = arith.cmpi ne, %convert_element_type3A_24, %cond3A_25 : i32
      scf.if %cond3A_26 {
        %mul3A_27 = arith.constant 625 : i32
        %mul3A_28 = arith.muli %arg0, %mul3A_27 : i32
        %add3A_29 = arith.addi %mul3A_28, %add3A : i32
        %mul3A_30 = arith.constant 128 : i32
        %mul3A_31 = arith.muli %add3A_29, %mul3A_30 : i32
        "tpu.region"() ({
          %run_scoped3A = tpu.sem_alloc : memref<!tpu.dma_semaphore, #tpu.memory_space<semaphore_mem>>
          %dma_start3A = tpu.memref_slice %arg3[%mul3A_31] : memref<160000xi32, #tpu.memory_space<hbm>> -> memref<128xi32, #tpu.memory_space<hbm>>
          %dma_start3A_32 = tpu.memref_slice %arg3[%mul3A_31] : memref<160000xi32, #tpu.memory_space<hbm>> -> memref<128xi32, #tpu.memory_space<hbm>>
          tpu.enqueue_dma source(%dma_start3A_32 : memref<128xi32, #tpu.memory_space<hbm>>) target(%arg6 : memref<128xi32, #tpu.memory_space<vmem>>) target_semaphore(%run_scoped3A : memref<!tpu.dma_semaphore, #tpu.memory_space<semaphore_mem>>)
          %dma_wait3A = tpu.memref_slice %arg3[%mul3A_31] : memref<160000xi32, #tpu.memory_space<hbm>> -> memref<128xi32, #tpu.memory_space<hbm>>
          %dma_wait3A_33 = tpu.memref_slice %arg3[%mul3A_31] : memref<160000xi32, #tpu.memory_space<hbm>> -> memref<128xi32, #tpu.memory_space<hbm>>
          tpu.wait_dma2 semaphore(%run_scoped3A : memref<!tpu.dma_semaphore, #tpu.memory_space<semaphore_mem>>) src(%dma_wait3A_33 : memref<128xi32, #tpu.memory_space<hbm>>) dst(%arg6 : memref<128xi32, #tpu.memory_space<vmem>>)
          tpu.yield
        }) : () -> ()
        "tpu.region"() ({
          %run_scoped3A = tpu.sem_alloc : memref<!tpu.dma_semaphore, #tpu.memory_space<semaphore_mem>>
          %dma_start3A = arith.constant 0 : i32
          %dma_start3A_32 = tpu.memref_slice %arg2[%mul3A_31, %dma_start3A] : memref<160000x32xf32, #tpu.memory_space<hbm>> -> memref<128x32xf32, #tpu.memory_space<hbm>>
          %dma_start3A_33 = arith.constant 0 : i32
          %dma_start3A_34 = tpu.memref_slice %arg2[%mul3A_31, %dma_start3A_33] : memref<160000x32xf32, #tpu.memory_space<hbm>> -> memref<128x32xf32, #tpu.memory_space<hbm>>
          tpu.enqueue_dma source(%dma_start3A_34 : memref<128x32xf32, #tpu.memory_space<hbm>>) target(%arg7 : memref<128x32xf32, #tpu.memory_space<vmem>>) target_semaphore(%run_scoped3A : memref<!tpu.dma_semaphore, #tpu.memory_space<semaphore_mem>>)
          %dma_wait3A = arith.constant 0 : i32
          %dma_wait3A_35 = tpu.memref_slice %arg2[%mul3A_31, %dma_wait3A] : memref<160000x32xf32, #tpu.memory_space<hbm>> -> memref<128x32xf32, #tpu.memory_space<hbm>>
          %dma_wait3A_36 = arith.constant 0 : i32
          %dma_wait3A_37 = tpu.memref_slice %arg2[%mul3A_31, %dma_wait3A_36] : memref<160000x32xf32, #tpu.memory_space<hbm>> -> memref<128x32xf32, #tpu.memory_space<hbm>>
          tpu.wait_dma2 semaphore(%run_scoped3A : memref<!tpu.dma_semaphore, #tpu.memory_space<semaphore_mem>>) src(%dma_wait3A_37 : memref<128x32xf32, #tpu.memory_space<hbm>>) dst(%arg7 : memref<128x32xf32, #tpu.memory_space<vmem>>)
          tpu.yield
        }) : () -> ()
        "tpu.region"() ({
          %run_scoped3A = tpu.sem_alloc : memref<!tpu.dma_semaphore, #tpu.memory_space<semaphore_mem>>
          %dma_start3A = arith.constant 0 : i32
          %dma_start3A_32 = arith.constant 0 : i32
          %dma_start3A_33 = tpu.memref_slice %arg8[%dma_start3A, %dma_start3A_32] : memref<10000x32xf32, #tpu.memory_space<vmem_shared>> -> memref<10000x32xf32, #tpu.memory_space<vmem_shared>>
          tpu.enqueue_indirect_dma source(%arg7 : memref<128x32xf32, #tpu.memory_space<vmem>>) target(%dma_start3A_33 : memref<10000x32xf32, #tpu.memory_space<vmem_shared>>) offsets(%arg6 : memref<128xi32, #tpu.memory_space<vmem>>) semaphore(%run_scoped3A : memref<!tpu.dma_semaphore, #tpu.memory_space<semaphore_mem>>) {add = true}
          %dma_wait3A = arith.constant 0 : i32
          %dma_wait3A_34 = arith.constant 0 : i32
          %dma_wait3A_35 = tpu.memref_slice %arg8[%dma_wait3A, %dma_wait3A_34] : memref<10000x32xf32, #tpu.memory_space<vmem_shared>> -> memref<10000x32xf32, #tpu.memory_space<vmem_shared>>
          tpu.wait_indirect_dma semaphore(%run_scoped3A : memref<!tpu.dma_semaphore, #tpu.memory_space<semaphore_mem>>) src(%arg7 : memref<128x32xf32, #tpu.memory_space<vmem>>) dst(%dma_wait3A_35 : memref<10000x32xf32, #tpu.memory_space<vmem_shared>>)
          tpu.yield
        }) : () -> ()
      } else {
      }
    }
    %scan3A_9 = arith.constant 40 : i32
    %barrier3A_10 = arith.constant 0 : index
    tpu.barrier barrier_id(%barrier3A_10)
    %mul3A_11 = arith.constant 624 : i32
    %mul3A_12 = arith.muli %arg1, %mul3A_11 : i32
    %mul3A_13 = arith.constant 624 : i32
    %mul3A_14 = arith.muli %arg1, %mul3A_13 : i32
    "tpu.region"() ({
      %run_scoped3A = tpu.sem_alloc : memref<!tpu.dma_semaphore, #tpu.memory_space<semaphore_mem>>
      %dma_start3A = arith.constant 0 : i32
      %dma_start3A_20 = arith.constant 0 : i32
      %dma_start3A_21 = tpu.memref_slice %arg5[%arg0, %dma_start3A, %dma_start3A_20] : memref<2x10000x32xf32, #tpu.memory_space<hbm>> -> memref<1x10000x32xf32, #tpu.memory_space<hbm>>
      %dma_start3A_22 = tpu.memref_squeeze %dma_start3A_21 : memref<1x10000x32xf32, #tpu.memory_space<hbm>> -> memref<10000x32xf32, #tpu.memory_space<hbm>>
      %dma_start3A_23 = arith.constant 0 : i32
      %dma_start3A_24 = tpu.memref_slice %dma_start3A_22[%mul3A_14, %dma_start3A_23] : memref<10000x32xf32, #tpu.memory_space<hbm>> -> memref<624x32xf32, #tpu.memory_space<hbm>>
      %dma_start3A_25 = arith.constant 0 : i32
      %dma_start3A_26 = tpu.memref_slice %arg8[%mul3A_12, %dma_start3A_25] : memref<10000x32xf32, #tpu.memory_space<vmem_shared>> -> memref<624x32xf32, #tpu.memory_space<vmem_shared>>
      tpu.enqueue_dma source(%dma_start3A_26 : memref<624x32xf32, #tpu.memory_space<vmem_shared>>) target(%dma_start3A_24 : memref<624x32xf32, #tpu.memory_space<hbm>>) target_semaphore(%run_scoped3A : memref<!tpu.dma_semaphore, #tpu.memory_space<semaphore_mem>>)
      %dma_wait3A = arith.constant 0 : i32
      %dma_wait3A_27 = arith.constant 0 : i32
      %dma_wait3A_28 = tpu.memref_slice %arg5[%arg0, %dma_wait3A, %dma_wait3A_27] : memref<2x10000x32xf32, #tpu.memory_space<hbm>> -> memref<1x10000x32xf32, #tpu.memory_space<hbm>>
      %dma_wait3A_29 = tpu.memref_squeeze %dma_wait3A_28 : memref<1x10000x32xf32, #tpu.memory_space<hbm>> -> memref<10000x32xf32, #tpu.memory_space<hbm>>
      %dma_wait3A_30 = arith.constant 0 : i32
      %dma_wait3A_31 = tpu.memref_slice %dma_wait3A_29[%mul3A_14, %dma_wait3A_30] : memref<10000x32xf32, #tpu.memory_space<hbm>> -> memref<624x32xf32, #tpu.memory_space<hbm>>
      %dma_wait3A_32 = arith.constant 0 : i32
      %dma_wait3A_33 = tpu.memref_slice %arg8[%mul3A_12, %dma_wait3A_32] : memref<10000x32xf32, #tpu.memory_space<vmem_shared>> -> memref<624x32xf32, #tpu.memory_space<vmem_shared>>
      tpu.wait_dma2 semaphore(%run_scoped3A : memref<!tpu.dma_semaphore, #tpu.memory_space<semaphore_mem>>) src(%dma_wait3A_33 : memref<624x32xf32, #tpu.memory_space<vmem_shared>>) dst(%dma_wait3A_31 : memref<624x32xf32, #tpu.memory_space<hbm>>)
      tpu.yield
    }) : () -> ()
    %eq3A_15 = arith.constant 15 : i32
    %eq3A_16 = arith.cmpi eq, %arg1, %eq3A_15 : i32
    %convert_element_type3A_17 = arith.extui %eq3A_16 : i1 to i32
    %cond3A_18 = arith.constant 0 : i32
    %cond3A_19 = arith.cmpi ne, %convert_element_type3A_17, %cond3A_18 : i32
    scf.if %cond3A_19 {
      "tpu.region"() ({
        %run_scoped3A = tpu.sem_alloc : memref<!tpu.dma_semaphore, #tpu.memory_space<semaphore_mem>>
        %dma_start3A = arith.constant 0 : i32
        %dma_start3A_20 = arith.constant 0 : i32
        %dma_start3A_21 = tpu.memref_slice %arg5[%arg0, %dma_start3A, %dma_start3A_20] : memref<2x10000x32xf32, #tpu.memory_space<hbm>> -> memref<1x10000x32xf32, #tpu.memory_space<hbm>>
        %dma_start3A_22 = tpu.memref_squeeze %dma_start3A_21 : memref<1x10000x32xf32, #tpu.memory_space<hbm>> -> memref<10000x32xf32, #tpu.memory_space<hbm>>
        %dma_start3A_23 = arith.constant 9984 : i32
        %dma_start3A_24 = arith.constant 0 : i32
        %dma_start3A_25 = tpu.memref_slice %dma_start3A_22[%dma_start3A_23, %dma_start3A_24] : memref<10000x32xf32, #tpu.memory_space<hbm>> -> memref<16x32xf32, #tpu.memory_space<hbm>>
        %dma_start3A_26 = arith.constant 9984 : i32
        %dma_start3A_27 = arith.constant 0 : i32
        %dma_start3A_28 = tpu.memref_slice %arg8[%dma_start3A_26, %dma_start3A_27] : memref<10000x32xf32, #tpu.memory_space<vmem_shared>> -> memref<16x32xf32, #tpu.memory_space<vmem_shared>>
        tpu.enqueue_dma source(%dma_start3A_28 : memref<16x32xf32, #tpu.memory_space<vmem_shared>>) target(%dma_start3A_25 : memref<16x32xf32, #tpu.memory_space<hbm>>) target_semaphore(%run_scoped3A : memref<!tpu.dma_semaphore, #tpu.memory_space<semaphore_mem>>)
        %dma_wait3A = arith.constant 0 : i32
        %dma_wait3A_29 = arith.constant 0 : i32
        %dma_wait3A_30 = tpu.memref_slice %arg5[%arg0, %dma_wait3A, %dma_wait3A_29] : memref<2x10000x32xf32, #tpu.memory_space<hbm>> -> memref<1x10000x32xf32, #tpu.memory_space<hbm>>
        %dma_wait3A_31 = tpu.memref_squeeze %dma_wait3A_30 : memref<1x10000x32xf32, #tpu.memory_space<hbm>> -> memref<10000x32xf32, #tpu.memory_space<hbm>>
        %dma_wait3A_32 = arith.constant 9984 : i32
        %dma_wait3A_33 = arith.constant 0 : i32
        %dma_wait3A_34 = tpu.memref_slice %dma_wait3A_31[%dma_wait3A_32, %dma_wait3A_33] : memref<10000x32xf32, #tpu.memory_space<hbm>> -> memref<16x32xf32, #tpu.memory_space<hbm>>
        %dma_wait3A_35 = arith.constant 9984 : i32
        %dma_wait3A_36 = arith.constant 0 : i32
        %dma_wait3A_37 = tpu.memref_slice %arg8[%dma_wait3A_35, %dma_wait3A_36] : memref<10000x32xf32, #tpu.memory_space<vmem_shared>> -> memref<16x32xf32, #tpu.memory_space<vmem_shared>>
        tpu.wait_dma2 semaphore(%run_scoped3A : memref<!tpu.dma_semaphore, #tpu.memory_space<semaphore_mem>>) src(%dma_wait3A_37 : memref<16x32xf32, #tpu.memory_space<vmem_shared>>) dst(%dma_wait3A_34 : memref<16x32xf32, #tpu.memory_space<hbm>>)
        tpu.yield
      }) : () -> ()
    } else {
    }
    return
  }
}

#map = affine_map<(d0, d1) -> (0, 0)>
#map1 = affine_map<(d0, d1) -> (0)>
module attributes {stable_mosaic.version = 14 : i64} {
  func.func @k(%arg0: i32, %arg1: i32, %arg2: memref<10000x32xf32, #tpu.memory_space<hbm>>, %arg3: memref<4096xi32, #tpu.memory_space<hbm>>, %arg4: memref<4096x32xf32, #tpu.memory_space<hbm>>, %arg5: memref<128xi32, #tpu.memory_space<vmem>>, %arg6: memref<128x32xf32, #tpu.memory_space<vmem>>, %arg7: memref<!tpu.dma_semaphore, #tpu.memory_space<semaphore_mem>>) attributes {dimension_semantics = [#tpu.dimension_semantics<core_parallel>, #tpu.dimension_semantics<subcore_parallel>], iteration_bounds = array<i64: 2, 16>, scalar_prefetch = 0 : i64, scratch_operands = 3 : i64, tpu.core_type = #tpu.core_type<sc_vector_subcore>, window_params = [{transform_indices = #map}, {transform_indices = #map1}, {transform_indices = #map}]} {
    %mul3A = arith.constant 2 : i32
    %mul3A_0 = arith.muli %arg1, %mul3A : i32
    %add3A = arith.addi %mul3A_0, %arg0 : i32
    %scan3A = arith.constant 0 : i32
    %scan3A_1 = arith.constant 0 : i32
    %mul3A_2 = arith.constant 32 : i32
    %mul3A_3 = arith.muli %scan3A_1, %mul3A_2 : i32
    %add3A_4 = arith.addi %add3A, %mul3A_3 : i32
    %lt3A = arith.constant 32 : i32
    %lt3A_5 = arith.cmpi slt, %add3A_4, %lt3A : i32
    %convert_element_type3A = arith.extui %lt3A_5 : i1 to i32
    %cond3A = arith.constant 0 : i32
    %cond3A_6 = arith.cmpi ne, %convert_element_type3A, %cond3A : i32
    scf.if %cond3A_6 {
      %mul3A_8 = arith.constant 128 : i32
      %mul3A_9 = arith.muli %add3A_4, %mul3A_8 : i32
      "tpu.region"() ({
        %run_scoped3A = tpu.sem_alloc : memref<!tpu.dma_semaphore, #tpu.memory_space<semaphore_mem>>
        %dma_start3A_14 = tpu.memref_slice %arg3[%mul3A_9] : memref<4096xi32, #tpu.memory_space<hbm>> -> memref<128xi32, #tpu.memory_space<hbm>>
        %dma_start3A_15 = tpu.memref_slice %arg3[%mul3A_9] : memref<4096xi32, #tpu.memory_space<hbm>> -> memref<128xi32, #tpu.memory_space<hbm>>
        tpu.enqueue_dma source(%dma_start3A_15 : memref<128xi32, #tpu.memory_space<hbm>>) target(%arg5 : memref<128xi32, #tpu.memory_space<vmem>>) target_semaphore(%run_scoped3A : memref<!tpu.dma_semaphore, #tpu.memory_space<semaphore_mem>>)
        %dma_wait3A_16 = tpu.memref_slice %arg3[%mul3A_9] : memref<4096xi32, #tpu.memory_space<hbm>> -> memref<128xi32, #tpu.memory_space<hbm>>
        %dma_wait3A_17 = tpu.memref_slice %arg3[%mul3A_9] : memref<4096xi32, #tpu.memory_space<hbm>> -> memref<128xi32, #tpu.memory_space<hbm>>
        tpu.wait_dma2 semaphore(%run_scoped3A : memref<!tpu.dma_semaphore, #tpu.memory_space<semaphore_mem>>) src(%dma_wait3A_17 : memref<128xi32, #tpu.memory_space<hbm>>) dst(%arg5 : memref<128xi32, #tpu.memory_space<vmem>>)
        tpu.yield
      }) : () -> ()
      %dma_start3A = arith.constant 0 : i32
      %dma_start3A_10 = arith.constant 0 : i32
      %dma_start3A_11 = tpu.memref_slice %arg2[%dma_start3A, %dma_start3A_10] : memref<10000x32xf32, #tpu.memory_space<hbm>> -> memref<10000x32xf32, #tpu.memory_space<hbm>>
      tpu.enqueue_indirect_dma source(%dma_start3A_11 : memref<10000x32xf32, #tpu.memory_space<hbm>>) target(%arg6 : memref<128x32xf32, #tpu.memory_space<vmem>>) offsets(%arg5 : memref<128xi32, #tpu.memory_space<vmem>>) semaphore(%arg7 : memref<!tpu.dma_semaphore, #tpu.memory_space<semaphore_mem>>)
      %dma_wait3A = arith.constant 0 : i32
      %dma_wait3A_12 = arith.constant 0 : i32
      %dma_wait3A_13 = tpu.memref_slice %arg2[%dma_wait3A, %dma_wait3A_12] : memref<10000x32xf32, #tpu.memory_space<hbm>> -> memref<10000x32xf32, #tpu.memory_space<hbm>>
      tpu.wait_indirect_dma semaphore(%arg7 : memref<!tpu.dma_semaphore, #tpu.memory_space<semaphore_mem>>) src(%dma_wait3A_13 : memref<10000x32xf32, #tpu.memory_space<hbm>>) dst(%arg6 : memref<128x32xf32, #tpu.memory_space<vmem>>)
      "tpu.region"() ({
        %run_scoped3A = tpu.sem_alloc : memref<!tpu.dma_semaphore, #tpu.memory_space<semaphore_mem>>
        %dma_start3A_14 = arith.constant 0 : i32
        %dma_start3A_15 = tpu.memref_slice %arg4[%mul3A_9, %dma_start3A_14] : memref<4096x32xf32, #tpu.memory_space<hbm>> -> memref<128x32xf32, #tpu.memory_space<hbm>>
        %dma_start3A_16 = arith.constant 0 : i32
        %dma_start3A_17 = tpu.memref_slice %arg4[%mul3A_9, %dma_start3A_16] : memref<4096x32xf32, #tpu.memory_space<hbm>> -> memref<128x32xf32, #tpu.memory_space<hbm>>
        tpu.enqueue_dma source(%arg6 : memref<128x32xf32, #tpu.memory_space<vmem>>) target(%dma_start3A_17 : memref<128x32xf32, #tpu.memory_space<hbm>>) target_semaphore(%run_scoped3A : memref<!tpu.dma_semaphore, #tpu.memory_space<semaphore_mem>>)
        %dma_wait3A_18 = arith.constant 0 : i32
        %dma_wait3A_19 = tpu.memref_slice %arg4[%mul3A_9, %dma_wait3A_18] : memref<4096x32xf32, #tpu.memory_space<hbm>> -> memref<128x32xf32, #tpu.memory_space<hbm>>
        %dma_wait3A_20 = arith.constant 0 : i32
        %dma_wait3A_21 = tpu.memref_slice %arg4[%mul3A_9, %dma_wait3A_20] : memref<4096x32xf32, #tpu.memory_space<hbm>> -> memref<128x32xf32, #tpu.memory_space<hbm>>
        tpu.wait_dma2 semaphore(%run_scoped3A : memref<!tpu.dma_semaphore, #tpu.memory_space<semaphore_mem>>) src(%arg6 : memref<128x32xf32, #tpu.memory_space<vmem>>) dst(%dma_wait3A_21 : memref<128x32xf32, #tpu.memory_space<hbm>>)
        tpu.yield
      }) : () -> ()
    } else {
    }
    %scan3A_7 = arith.constant 1 : i32
    return
  }
}

module attributes {stable_mosaic.version = 14 : i64} {
  func.func @body(%arg0: i32, %arg1: memref<1000x16xf32, #tpu.memory_space<vmem>>, %arg2: memref<16x32xf32, #tpu.memory_space<vmem>>, %arg3: memref<1x32xf32, #tpu.memory_space<vmem>>, %arg4: memref<2x1000x32xf32, #tpu.memory_space<vmem>>, %arg5: memref<1000x32xf32, #tpu.memory_space<vmem>>, %arg6: memref<1000x32xf32, #tpu.memory_space<vmem>>) attributes {dimension_semantics = [#tpu.dimension_semantics<arbitrary>], iteration_bounds = array<i64: 10>, scalar_prefetch = 0 : i64, scratch_operands = 0 : i64, tpu.core_type = #tpu.core_type<tc>, window_params = [{transform_indices = @transform_0, window_bounds = array<i64: 1000, 16>}, {pipeline_mode = #tpu.pipeline_mode<synchronous>, transform_indices = @transform_1, window_bounds = array<i64: 16, 32>}, {pipeline_mode = #tpu.pipeline_mode<synchronous>, transform_indices = @transform_2, window_bounds = array<i64: 1, 32>}, {transform_indices = @transform_3, window_bounds = array<i64: 2, 1000, 32>}, {transform_indices = @transform_4, window_bounds = array<i64: 1000, 32>}, {transform_indices = @transform_5, window_bounds = array<i64: 1000, 32>}]} {
    %get3A = arith.constant 0 : index
    %get3A_0 = arith.constant 0 : index
    %get3A_1 = vector.load %arg1[%get3A, %get3A_0] : memref<1000x16xf32, #tpu.memory_space<vmem>>, vector<1000x16xf32>
    %get3A_2 = arith.constant 0 : index
    %get3A_3 = arith.constant 0 : index
    %get3A_4 = vector.load %arg2[%get3A_2, %get3A_3] : memref<16x32xf32, #tpu.memory_space<vmem>>, vector<16x32xf32>
    %dot_general3A = arith.constant dense<0.000000e+00> : vector<1000x32xf32>
    %dot_general3A_5 = tpu.matmul %get3A_1, %get3A_4, %dot_general3A {dimension_numbers = #tpu.dot_dimension_numbers<[1], [0], [0], [1], [0, 0, 1, 1], [], []>, transpose_lhs_hint = false} : vector<1000x16xf32>, vector<16x32xf32>, vector<1000x32xf32> -> vector<1000x32xf32>
    %get3A_6 = arith.constant 0 : index
    %get3A_7 = arith.constant 0 : index
    %get3A_8 = vector.load %arg3[%get3A_6, %get3A_7] : memref<1x32xf32, #tpu.memory_space<vmem>>, vector<1x32xf32>
    %add3A = vector.broadcast %get3A_8 : vector<1x32xf32> to vector<1000x32xf32>
    %add3A_9 = arith.addf %dot_general3A_5, %add3A : vector<1000x32xf32>
    %ge3A = arith.constant 0.000000e+00 : f32
    %ge3A_10 = vector.broadcast %ge3A : f32 to vector<1000x32xf32>
    %ge3A_11 = arith.cmpf oge, %add3A_9, %ge3A_10 : vector<1000x32xf32>
    %mul3A = arith.constant 0.00999999977 : f32
    %mul3A_12 = vector.broadcast %mul3A : f32 to vector<1000x32xf32>
    %mul3A_13 = arith.mulf %mul3A_12, %add3A_9 : vector<1000x32xf32>
    %select_n3A = arith.select %ge3A_11, %add3A_9, %mul3A_13 : vector<1000x32xi1>, vector<1000x32xf32>
    %swap3A = arith.constant 0 : index
    %swap3A_14 = arith.constant 0 : index
    %swap3A_15 = vector.load %arg5[%swap3A, %swap3A_14] : memref<1000x32xf32, #tpu.memory_space<vmem>>, vector<1000x32xf32>
    tpu.vector_store %arg5[%swap3A, %swap3A_14], %select_n3A {strides = array<i32>} : memref<1000x32xf32, #tpu.memory_space<vmem>>, vector<1000x32xf32>,
    %get3A_16 = arith.constant 0 : index
    %get3A_17 = arith.constant 0 : index
    %get3A_18 = arith.constant 0 : index
    %get3A_19 = vector.load %arg4[%get3A_16, %get3A_17, %get3A_18] : memref<2x1000x32xf32, #tpu.memory_space<vmem>>, vector<1x1000x32xf32>
    %get3A_20 = vector.shape_cast %get3A_19 : vector<1x1000x32xf32> to vector<1000x32xf32>
    %get3A_21 = arith.constant 1 : index
    %get3A_22 = arith.constant 0 : index
    %get3A_23 = arith.constant 0 : index
    %get3A_24 = vector.load %arg4[%get3A_21, %get3A_22, %get3A_23] : memref<2x1000x32xf32, #tpu.memory_space<vmem>>, vector<1x1000x32xf32>
    %get3A_25 = vector.shape_cast %get3A_24 : vector<1x1000x32xf32> to vector<1000x32xf32>
    %add3A_26 = arith.addf %get3A_20, %get3A_25 : vector<1000x32xf32>
    %max3A = arith.constant 1.000000e+00 : f32
    %max3A_27 = vector.broadcast %max3A : f32 to vector<1000x32xf32>
    %max3A_28 = arith.maximumf %add3A_26, %max3A_27 : vector<1000x32xf32>
    %div3A = arith.constant 1.000000e+00 : f32
    %div3A_29 = vector.broadcast %div3A : f32 to vector<1000x32xf32>
    %div3A_30 = arith.divf %div3A_29, %max3A_28 : vector<1000x32xf32>
    %swap3A_31 = arith.constant 0 : index
    %swap3A_32 = arith.constant 0 : index
    %swap3A_33 = vector.load %arg6[%swap3A_31, %swap3A_32] : memref<1000x32xf32, #tpu.memory_space<vmem>>, vector<1000x32xf32>
    tpu.vector_store %arg6[%swap3A_31, %swap3A_32], %div3A_30 {strides = array<i32>} : memref<1000x32xf32, #tpu.memory_space<vmem>>, vector<1000x32xf32>,
    return
  }
  func.func @transform_0(%arg0: i32) -> (i32, i32) {
    %c0_i32 = arith.constant 0 : i32
    %c0_i32_0 = arith.constant 0 : i32
    return %arg0, %c0_i32 : i32, i32
  }
  func.func @transform_1(%arg0: i32) -> (i32, i32) {
    %c0_i32 = arith.constant 0 : i32
    %c0_i32_0 = arith.constant 0 : i32
    %c0_i32_1 = arith.constant 0 : i32
    return %c0_i32, %c0_i32_0 : i32, i32
  }
  func.func @transform_2(%arg0: i32) -> (i32, i32) {
    %c0_i32 = arith.constant 0 : i32
    %c0_i32_0 = arith.constant 0 : i32
    %c0_i32_1 = arith.constant 0 : i32
    return %c0_i32, %c0_i32_0 : i32, i32
  }
  func.func @transform_3(%arg0: i32) -> (i32, i32, i32) {
    %c0_i32 = arith.constant 0 : i32
    %c0_i32_0 = arith.constant 0 : i32
    %c0_i32_1 = arith.constant 0 : i32
    return %c0_i32, %arg0, %c0_i32_0 : i32, i32, i32
  }
  func.func @transform_4(%arg0: i32) -> (i32, i32) {
    %c0_i32 = arith.constant 0 : i32
    %c0_i32_0 = arith.constant 0 : i32
    return %arg0, %c0_i32 : i32, i32
  }
  func.func @transform_5(%arg0: i32) -> (i32, i32) {
    %c0_i32 = arith.constant 0 : i32
    %c0_i32_0 = arith.constant 0 : i32
    return %arg0, %c0_i32 : i32, i32
  }
}

module attributes {stable_mosaic.version = 14 : i64} {
  func.func @body(%arg0: i32, %arg1: memref<1000x4xf32, #tpu.memory_space<vmem>>, %arg2: memref<1000x32xf32, #tpu.memory_space<vmem>>, %arg3: memref<4x32xf32, #tpu.memory_space<vmem>>, %arg4: memref<1x32xf32, #tpu.memory_space<vmem>>, %arg5: memref<1024x32xbf16, #tpu.memory_space<vmem>>, %arg6: memref<32x32xbf16, #tpu.memory_space<vmem>>, %arg7: memref<32x1024xbf16, #tpu.memory_space<vmem>>, %arg8: memref<32x1024xbf16, #tpu.memory_space<vmem>>, %arg9: memref<1000x32xf32, #tpu.memory_space<vmem>>) attributes {dimension_semantics = [#tpu.dimension_semantics<arbitrary>], iteration_bounds = array<i64: 160>, scalar_prefetch = 0 : i64, scratch_operands = 0 : i64, tpu.core_type = #tpu.core_type<tc>, window_params = [{transform_indices = @transform_0, window_bounds = array<i64: 1000, 4>}, {transform_indices = @transform_1, window_bounds = array<i64: 1000, 32>}, {pipeline_mode = #tpu.pipeline_mode<synchronous>, transform_indices = @transform_2, window_bounds = array<i64: 4, 32>}, {pipeline_mode = #tpu.pipeline_mode<synchronous>, transform_indices = @transform_3, window_bounds = array<i64: 1, 32>}, {pipeline_mode = #tpu.pipeline_mode<synchronous>, transform_indices = @transform_4, window_bounds = array<i64: 1024, 32>}, {pipeline_mode = #tpu.pipeline_mode<synchronous>, transform_indices = @transform_5, window_bounds = array<i64: 32, 32>}, {pipeline_mode = #tpu.pipeline_mode<synchronous>, transform_indices = @transform_6, window_bounds = array<i64: 32, 1024>}, {pipeline_mode = #tpu.pipeline_mode<synchronous>, transform_indices = @transform_7, window_bounds = array<i64: 32, 1024>}, {transform_indices = @transform_8, window_bounds = array<i64: 1000, 32>}]} {
    %get3A = arith.constant 0 : index
    %get3A_0 = arith.constant 0 : index
    %get3A_1 = vector.load %arg2[%get3A, %get3A_0] : memref<1000x32xf32, #tpu.memory_space<vmem>>, vector<1000x32xf32>
    %get3A_2 = arith.constant 0 : index
    %get3A_3 = arith.constant 0 : index
    %get3A_4 = vector.load %arg1[%get3A_2, %get3A_3] : memref<1000x4xf32, #tpu.memory_space<vmem>>, vector<1000x4xf32>
    %get3A_5 = arith.constant 0 : index
    %get3A_6 = arith.constant 0 : index
    %get3A_7 = vector.load %arg3[%get3A_5, %get3A_6] : memref<4x32xf32, #tpu.memory_space<vmem>>, vector<4x32xf32>
    %dot_general3A = arith.constant dense<0.000000e+00> : vector<1000x32xf32>
    %dot_general3A_8 = tpu.matmul %get3A_4, %get3A_7, %dot_general3A {dimension_numbers = #tpu.dot_dimension_numbers<[1], [0], [0], [1], [0, 0, 1, 1], [], []>, transpose_lhs_hint = false} : vector<1000x4xf32>, vector<4x32xf32>, vector<1000x32xf32> -> vector<1000x32xf32>
    %get3A_9 = arith.constant 0 : index
    %get3A_10 = arith.constant 0 : index
    %get3A_11 = vector.load %arg4[%get3A_9, %get3A_10] : memref<1x32xf32, #tpu.memory_space<vmem>>, vector<1x32xf32>
    %add3A = vector.broadcast %get3A_11 : vector<1x32xf32> to vector<1000x32xf32>
    %add3A_12 = arith.addf %dot_general3A_8, %add3A : vector<1000x32xf32>
    %ge3A = arith.constant 0.000000e+00 : f32
    %ge3A_13 = vector.broadcast %ge3A : f32 to vector<1000x32xf32>
    %ge3A_14 = arith.cmpf oge, %add3A_12, %ge3A_13 : vector<1000x32xf32>
    %mul3A = arith.constant 0.00999999977 : f32
    %mul3A_15 = vector.broadcast %mul3A : f32 to vector<1000x32xf32>
    %mul3A_16 = arith.mulf %mul3A_15, %add3A_12 : vector<1000x32xf32>
    %select_n3A = arith.select %ge3A_14, %add3A_12, %mul3A_16 : vector<1000x32xi1>, vector<1000x32xf32>
    %convert_element_type3A = arith.truncf %select_n3A : vector<1000x32xf32> to vector<1000x32xbf16>
    %convert_element_type3A_17 = arith.truncf %get3A_1 : vector<1000x32xf32> to vector<1000x32xbf16>
    %get3A_18 = arith.constant 0 : index
    %get3A_19 = arith.constant 0 : index
    %get3A_20 = vector.load %arg7[%get3A_18, %get3A_19] : memref<32x1024xbf16, #tpu.memory_space<vmem>>, vector<32x1024xbf16>
    %dot_general3A_21 = arith.constant dense<0.000000e+00> : vector<1000x1024xf32>
    %dot_general3A_22 = tpu.matmul %convert_element_type3A, %get3A_20, %dot_general3A_21 {dimension_numbers = #tpu.dot_dimension_numbers<[1], [0], [0], [1], [0, 0, 1, 1], [], []>, transpose_lhs_hint = false} : vector<1000x32xbf16>, vector<32x1024xbf16>, vector<1000x1024xf32> -> vector<1000x1024xf32>
    %get3A_23 = arith.constant 0 : index
    %get3A_24 = arith.constant 0 : index
    %get3A_25 = vector.load %arg8[%get3A_23, %get3A_24] : memref<32x1024xbf16, #tpu.memory_space<vmem>>, vector<32x1024xbf16>
    %dot_general3A_26 = arith.constant dense<0.000000e+00> : vector<1000x1024xf32>
    %dot_general3A_27 = tpu.matmul %convert_element_type3A_17, %get3A_25, %dot_general3A_26 {dimension_numbers = #tpu.dot_dimension_numbers<[1], [0], [0], [1], [0, 0, 1, 1], [], []>, transpose_lhs_hint = false} : vector<1000x32xbf16>, vector<32x1024xbf16>, vector<1000x1024xf32> -> vector<1000x1024xf32>
    %mul3A_28 = arith.mulf %dot_general3A_22, %dot_general3A_27 : vector<1000x1024xf32>
    %convert_element_type3A_29 = arith.truncf %mul3A_28 : vector<1000x1024xf32> to vector<1000x1024xbf16>
    %get3A_30 = arith.constant 0 : index
    %get3A_31 = arith.constant 0 : index
    %get3A_32 = vector.load %arg5[%get3A_30, %get3A_31] : memref<1024x32xbf16, #tpu.memory_space<vmem>>, vector<1024x32xbf16>
    %dot_general3A_33 = arith.constant dense<0.000000e+00> : vector<1000x32xf32>
    %dot_general3A_34 = tpu.matmul %convert_element_type3A_29, %get3A_32, %dot_general3A_33 {dimension_numbers = #tpu.dot_dimension_numbers<[1], [0], [0], [1], [0, 0, 1, 1], [], []>, transpose_lhs_hint = false} : vector<1000x1024xbf16>, vector<1024x32xbf16>, vector<1000x32xf32> -> vector<1000x32xf32>
    %get3A_35 = arith.constant 0 : index
    %get3A_36 = arith.constant 0 : index
    %get3A_37 = vector.load %arg6[%get3A_35, %get3A_36] : memref<32x32xbf16, #tpu.memory_space<vmem>>, vector<32x32xbf16>
    %dot_general3A_38 = arith.constant dense<0.000000e+00> : vector<1000x32xf32>
    %dot_general3A_39 = tpu.matmul %convert_element_type3A_17, %get3A_37, %dot_general3A_38 {dimension_numbers = #tpu.dot_dimension_numbers<[1], [0], [0], [1], [0, 0, 1, 1], [], []>, transpose_lhs_hint = false} : vector<1000x32xbf16>, vector<32x32xbf16>, vector<1000x32xf32> -> vector<1000x32xf32>
    %add3A_40 = arith.addf %dot_general3A_34, %dot_general3A_39 : vector<1000x32xf32>
    %swap3A = arith.constant 0 : index
    %swap3A_41 = arith.constant 0 : index
    %swap3A_42 = vector.load %arg9[%swap3A, %swap3A_41] : memref<1000x32xf32, #tpu.memory_space<vmem>>, vector<1000x32xf32>
    tpu.vector_store %arg9[%swap3A, %swap3A_41], %add3A_40 {strides = array<i32>} : memref<1000x32xf32, #tpu.memory_space<vmem>>, vector<1000x32xf32>,
    return
  }
  func.func @transform_0(%arg0: i32) -> (i32, i32) {
    %c0_i32 = arith.constant 0 : i32
    %c0_i32_0 = arith.constant 0 : i32
    return %arg0, %c0_i32 : i32, i32
  }
  func.func @transform_1(%arg0: i32) -> (i32, i32) {
    %c0_i32 = arith.constant 0 : i32
    %c0_i32_0 = arith.constant 0 : i32
    return %arg0, %c0_i32 : i32, i32
  }
  func.func @transform_2(%arg0: i32) -> (i32, i32) {
    %c0_i32 = arith.constant 0 : i32
    %c0_i32_0 = arith.constant 0 : i32
    %c0_i32_1 = arith.constant 0 : i32
    return %c0_i32, %c0_i32_0 : i32, i32
  }
  func.func @transform_3(%arg0: i32) -> (i32, i32) {
    %c0_i32 = arith.constant 0 : i32
    %c0_i32_0 = arith.constant 0 : i32
    %c0_i32_1 = arith.constant 0 : i32
    return %c0_i32, %c0_i32_0 : i32, i32
  }
  func.func @transform_4(%arg0: i32) -> (i32, i32) {
    %c0_i32 = arith.constant 0 : i32
    %c0_i32_0 = arith.constant 0 : i32
    %c0_i32_1 = arith.constant 0 : i32
    return %c0_i32, %c0_i32_0 : i32, i32
  }
  func.func @transform_5(%arg0: i32) -> (i32, i32) {
    %c0_i32 = arith.constant 0 : i32
    %c0_i32_0 = arith.constant 0 : i32
    %c0_i32_1 = arith.constant 0 : i32
    return %c0_i32, %c0_i32_0 : i32, i32
  }
  func.func @transform_6(%arg0: i32) -> (i32, i32) {
    %c0_i32 = arith.constant 0 : i32
    %c0_i32_0 = arith.constant 0 : i32
    %c0_i32_1 = arith.constant 0 : i32
    return %c0_i32, %c0_i32_0 : i32, i32
  }
  func.func @transform_7(%arg0: i32) -> (i32, i32) {
    %c0_i32 = arith.constant 0 : i32
    %c0_i32_0 = arith.constant 0 : i32
    %c0_i32_1 = arith.constant 0 : i32
    return %c0_i32, %c0_i32_0 : i32, i32
  }
  func.func @transform_8(%arg0: i32) -> (i32, i32) {
    %c0_i32 = arith.constant 0 : i32
    %c0_i32_0 = arith.constant 0 : i32
    return %arg0, %c0_i32 : i32, i32
  }
}

module attributes {stable_mosaic.version = 14 : i64} {
  func.func @body(%arg0: i32, %arg1: memref<2x1000x32xf32, #tpu.memory_space<vmem>>, %arg2: memref<1000x32xf32, #tpu.memory_space<vmem>>, %arg3: memref<1000x32xf32, #tpu.memory_space<vmem>>, %arg4: memref<32x32xf32, #tpu.memory_space<vmem>>, %arg5: memref<1x32xf32, #tpu.memory_space<vmem>>, %arg6: memref<32x96xf32, #tpu.memory_space<vmem>>, %arg7: memref<32x96xf32, #tpu.memory_space<vmem>>, %arg8: memref<1x96xf32, #tpu.memory_space<vmem>>, %arg9: memref<1x96xf32, #tpu.memory_space<vmem>>, %arg10: memref<1000x32xf32, #tpu.memory_space<vmem>>) attributes {dimension_semantics = [#tpu.dimension_semantics<arbitrary>], iteration_bounds = array<i64: 10>, scalar_prefetch = 0 : i64, scratch_operands = 0 : i64, tpu.core_type = #tpu.core_type<tc>, window_params = [{transform_indices = @transform_0, window_bounds = array<i64: 2, 1000, 32>}, {transform_indices = @transform_1, window_bounds = array<i64: 1000, 32>}, {transform_indices = @transform_2, window_bounds = array<i64: 1000, 32>}, {pipeline_mode = #tpu.pipeline_mode<synchronous>, transform_indices = @transform_3, window_bounds = array<i64: 32, 32>}, {pipeline_mode = #tpu.pipeline_mode<synchronous>, transform_indices = @transform_4, window_bounds = array<i64: 1, 32>}, {pipeline_mode = #tpu.pipeline_mode<synchronous>, transform_indices = @transform_5, window_bounds = array<i64: 32, 96>}, {pipeline_mode = #tpu.pipeline_mode<synchronous>, transform_indices = @transform_6, window_bounds = array<i64: 32, 96>}, {pipeline_mode = #tpu.pipeline_mode<synchronous>, transform_indices = @transform_7, window_bounds = array<i64: 1, 96>}, {pipeline_mode = #tpu.pipeline_mode<synchronous>, transform_indices = @transform_8, window_bounds = array<i64: 1, 96>}, {transform_indices = @transform_9, window_bounds = array<i64: 1000, 32>}]} {
    %get3A = arith.constant 0 : index
    %get3A_0 = arith.constant 0 : index
    %get3A_1 = vector.load %arg3[%get3A, %get3A_0] : memref<1000x32xf32, #tpu.memory_space<vmem>>, vector<1000x32xf32>
    %get3A_2 = arith.constant 0 : index
    %get3A_3 = arith.constant 0 : index
    %get3A_4 = arith.constant 0 : index
    %get3A_5 = vector.load %arg1[%get3A_2, %get3A_3, %get3A_4] : memref<2x1000x32xf32, #tpu.memory_space<vmem>>, vector<1x1000x32xf32>
    %get3A_6 = vector.shape_cast %get3A_5 : vector<1x1000x32xf32> to vector<1000x32xf32>
    %get3A_7 = arith.constant 1 : index
    %get3A_8 = arith.constant 0 : index
    %get3A_9 = arith.constant 0 : index
    %get3A_10 = vector.load %arg1[%get3A_7, %get3A_8, %get3A_9] : memref<2x1000x32xf32, #tpu.memory_space<vmem>>, vector<1x1000x32xf32>
    %get3A_11 = vector.shape_cast %get3A_10 : vector<1x1000x32xf32> to vector<1000x32xf32>
    %add3A = arith.addf %get3A_6, %get3A_11 : vector<1000x32xf32>
    %get3A_12 = arith.constant 0 : index
    %get3A_13 = arith.constant 0 : index
    %get3A_14 = vector.load %arg2[%get3A_12, %get3A_13] : memref<1000x32xf32, #tpu.memory_space<vmem>>, vector<1000x32xf32>
    %mul3A = arith.mulf %add3A, %get3A_14 : vector<1000x32xf32>
    %get3A_15 = arith.constant 0 : index
    %get3A_16 = arith.constant 0 : index
    %get3A_17 = vector.load %arg4[%get3A_15, %get3A_16] : memref<32x32xf32, #tpu.memory_space<vmem>>, vector<32x32xf32>
    %dot_general3A = arith.constant dense<0.000000e+00> : vector<1000x32xf32>
    %dot_general3A_18 = tpu.matmul %get3A_1, %get3A_17, %dot_general3A {dimension_numbers = #tpu.dot_dimension_numbers<[1], [0], [0], [1], [0, 0, 1, 1], [], []>, transpose_lhs_hint = false} : vector<1000x32xf32>, vector<32x32xf32>, vector<1000x32xf32> -> vector<1000x32xf32>
    %add3A_19 = arith.addf %mul3A, %dot_general3A_18 : vector<1000x32xf32>
    %get3A_20 = arith.constant 0 : index
    %get3A_21 = arith.constant 0 : index
    %get3A_22 = vector.load %arg5[%get3A_20, %get3A_21] : memref<1x32xf32, #tpu.memory_space<vmem>>, vector<1x32xf32>
    %add3A_23 = vector.broadcast %get3A_22 : vector<1x32xf32> to vector<1000x32xf32>
    %add3A_24 = arith.addf %add3A_19, %add3A_23 : vector<1000x32xf32>
    %ge3A = arith.constant 0.000000e+00 : f32
    %ge3A_25 = vector.broadcast %ge3A : f32 to vector<1000x32xf32>
    %ge3A_26 = arith.cmpf oge, %add3A_24, %ge3A_25 : vector<1000x32xf32>
    %mul3A_27 = arith.constant 0.00999999977 : f32
    %mul3A_28 = vector.broadcast %mul3A_27 : f32 to vector<1000x32xf32>
    %mul3A_29 = arith.mulf %mul3A_28, %add3A_24 : vector<1000x32xf32>
    %select_n3A = arith.select %ge3A_26, %add3A_24, %mul3A_29 : vector<1000x32xi1>, vector<1000x32xf32>
    %get3A_30 = arith.constant 0 : index
    %get3A_31 = arith.constant 0 : index
    %get3A_32 = vector.load %arg6[%get3A_30, %get3A_31] : memref<32x96xf32, #tpu.memory_space<vmem>>, vector<32x96xf32>
    %dot_general3A_33 = arith.constant dense<0.000000e+00> : vector<1000x96xf32>
    %dot_general3A_34 = tpu.matmul %select_n3A, %get3A_32, %dot_general3A_33 {dimension_numbers = #tpu.dot_dimension_numbers<[1], [0], [0], [1], [0, 0, 1, 1], [], []>, transpose_lhs_hint = false} : vector<1000x32xf32>, vector<32x96xf32>, vector<1000x96xf32> -> vector<1000x96xf32>
    %get3A_35 = arith.constant 0 : index
    %get3A_36 = arith.constant 0 : index
    %get3A_37 = vector.load %arg8[%get3A_35, %get3A_36] : memref<1x96xf32, #tpu.memory_space<vmem>>, vector<1x96xf32>
    %add3A_38 = vector.broadcast %get3A_37 : vector<1x96xf32> to vector<1000x96xf32>
    %add3A_39 = arith.addf %dot_general3A_34, %add3A_38 : vector<1000x96xf32>
    %get3A_40 = arith.constant 0 : index
    %get3A_41 = arith.constant 0 : index
    %get3A_42 = vector.load %arg7[%get3A_40, %get3A_41] : memref<32x96xf32, #tpu.memory_space<vmem>>, vector<32x96xf32>
    %dot_general3A_43 = arith.constant dense<0.000000e+00> : vector<1000x96xf32>
    %dot_general3A_44 = tpu.matmul %get3A_1, %get3A_42, %dot_general3A_43 {dimension_numbers = #tpu.dot_dimension_numbers<[1], [0], [0], [1], [0, 0, 1, 1], [], []>, transpose_lhs_hint = false} : vector<1000x32xf32>, vector<32x96xf32>, vector<1000x96xf32> -> vector<1000x96xf32>
    %get3A_45 = arith.constant 0 : index
    %get3A_46 = arith.constant 0 : index
    %get3A_47 = vector.load %arg9[%get3A_45, %get3A_46] : memref<1x96xf32, #tpu.memory_space<vmem>>, vector<1x96xf32>
    %add3A_48 = vector.broadcast %get3A_47 : vector<1x96xf32> to vector<1000x96xf32>
    %add3A_49 = arith.addf %dot_general3A_44, %add3A_48 : vector<1000x96xf32>
    %slice3A = vector.extract_strided_slice %add3A_39 {offsets = [0, 0], sizes = [1000, 32], strides = [1, 1]} : vector<1000x96xf32> to vector<1000x32xf32>
    %slice3A_50 = vector.extract_strided_slice %add3A_49 {offsets = [0, 0], sizes = [1000, 32], strides = [1, 1]} : vector<1000x96xf32> to vector<1000x32xf32>
    %add3A_51 = arith.addf %slice3A, %slice3A_50 : vector<1000x32xf32>
    %logistic3A = arith.negf %add3A_51 : vector<1000x32xf32>
    %logistic3A_52 = math.exp %logistic3A : vector<1000x32xf32>
    %logistic3A_53 = arith.constant 1.000000e+00 : f32
    %logistic3A_54 = vector.broadcast %logistic3A_53 : f32 to vector<1000x32xf32>
    %logistic3A_55 = arith.addf %logistic3A_54, %logistic3A_52 : vector<1000x32xf32>
    %logistic3A_56 = arith.divf %logistic3A_54, %logistic3A_55 : vector<1000x32xf32>
    %slice3A_57 = vector.extract_strided_slice %add3A_39 {offsets = [0, 32], sizes = [1000, 32], strides = [1, 1]} : vector<1000x96xf32> to vector<1000x32xf32>
    %slice3A_58 = vector.extract_strided_slice %add3A_49 {offsets = [0, 32], sizes = [1000, 32], strides = [1, 1]} : vector<1000x96xf32> to vector<1000x32xf32>
    %add3A_59 = arith.addf %slice3A_57, %slice3A_58 : vector<1000x32xf32>
    %logistic3A_60 = arith.negf %add3A_59 : vector<1000x32xf32>
    %logistic3A_61 = math.exp %logistic3A_60 : vector<1000x32xf32>
    %logistic3A_62 = arith.constant 1.000000e+00 : f32
    %logistic3A_63 = vector.broadcast %logistic3A_62 : f32 to vector<1000x32xf32>
    %logistic3A_64 = arith.addf %logistic3A_63, %logistic3A_61 : vector<1000x32xf32>
    %logistic3A_65 = arith.divf %logistic3A_63, %logistic3A_64 : vector<1000x32xf32>
    %slice3A_66 = vector.extract_strided_slice %add3A_39 {offsets = [0, 64], sizes = [1000, 32], strides = [1, 1]} : vector<1000x96xf32> to vector<1000x32xf32>
    %slice3A_67 = vector.extract_strided_slice %add3A_49 {offsets = [0, 64], sizes = [1000, 32], strides = [1, 1]} : vector<1000x96xf32> to vector<1000x32xf32>
    %mul3A_68 = arith.mulf %logistic3A_56, %slice3A_67 : vector<1000x32xf32>
    %add3A_69 = arith.addf %slice3A_66, %mul3A_68 : vector<1000x32xf32>
    %tanh3A = math.tanh %add3A_69 : vector<1000x32xf32>
    %sub3A = arith.constant 1.000000e+00 : f32
    %sub3A_70 = vector.broadcast %sub3A : f32 to vector<1000x32xf32>
    %sub3A_71 = arith.subf %sub3A_70, %logistic3A_65 : vector<1000x32xf32>
    %mul3A_72 = arith.mulf %sub3A_71, %tanh3A : vector<1000x32xf32>
    %mul3A_73 = arith.mulf %logistic3A_65, %get3A_1 : vector<1000x32xf32>
    %add3A_74 = arith.addf %mul3A_72, %mul3A_73 : vector<1000x32xf32>
    %swap3A = arith.constant 0 : index
    %swap3A_75 = arith.constant 0 : index
    %swap3A_76 = vector.load %arg10[%swap3A, %swap3A_75] : memref<1000x32xf32, #tpu.memory_space<vmem>>, vector<1000x32xf32>
    tpu.vector_store %arg10[%swap3A, %swap3A_75], %add3A_74 {strides = array<i32>} : memref<1000x32xf32, #tpu.memory_space<vmem>>, vector<1000x32xf32>,
    return
  }
  func.func @transform_0(%arg0: i32) -> (i32, i32, i32) {
    %c0_i32 = arith.constant 0 : i32
    %c0_i32_0 = arith.constant 0 : i32
    %c0_i32_1 = arith.constant 0 : i32
    return %c0_i32, %arg0, %c0_i32_0 : i32, i32, i32
  }
  func.func @transform_1(%arg0: i32) -> (i32, i32) {
    %c0_i32 = arith.constant 0 : i32
    %c0_i32_0 = arith.constant 0 : i32
    return %arg0, %c0_i32 : i32, i32
  }
  func.func @transform_2(%arg0: i32) -> (i32, i32) {
    %c0_i32 = arith.constant 0 : i32
    %c0_i32_0 = arith.constant 0 : i32
    return %arg0, %c0_i32 : i32, i32
  }
  func.func @transform_3(%arg0: i32) -> (i32, i32) {
    %c0_i32 = arith.constant 0 : i32
    %c0_i32_0 = arith.constant 0 : i32
    %c0_i32_1 = arith.constant 0 : i32
    return %c0_i32, %c0_i32_0 : i32, i32
  }
  func.func @transform_4(%arg0: i32) -> (i32, i32) {
    %c0_i32 = arith.constant 0 : i32
    %c0_i32_0 = arith.constant 0 : i32
    %c0_i32_1 = arith.constant 0 : i32
    return %c0_i32, %c0_i32_0 : i32, i32
  }
  func.func @transform_5(%arg0: i32) -> (i32, i32) {
    %c0_i32 = arith.constant 0 : i32
    %c0_i32_0 = arith.constant 0 : i32
    %c0_i32_1 = arith.constant 0 : i32
    return %c0_i32, %c0_i32_0 : i32, i32
  }
  func.func @transform_6(%arg0: i32) -> (i32, i32) {
    %c0_i32 = arith.constant 0 : i32
    %c0_i32_0 = arith.constant 0 : i32
    %c0_i32_1 = arith.constant 0 : i32
    return %c0_i32, %c0_i32_0 : i32, i32
  }
  func.func @transform_7(%arg0: i32) -> (i32, i32) {
    %c0_i32 = arith.constant 0 : i32
    %c0_i32_0 = arith.constant 0 : i32
    %c0_i32_1 = arith.constant 0 : i32
    return %c0_i32, %c0_i32_0 : i32, i32
  }
  func.func @transform_8(%arg0: i32) -> (i32, i32) {
    %c0_i32 = arith.constant 0 : i32
    %c0_i32_0 = arith.constant 0 : i32
    %c0_i32_1 = arith.constant 0 : i32
    return %c0_i32, %c0_i32_0 : i32, i32
  }
  func.func @transform_9(%arg0: i32) -> (i32, i32) {
    %c0_i32 = arith.constant 0 : i32
    %c0_i32_0 = arith.constant 0 : i32
    return %arg0, %c0_i32 : i32, i32
  }
}

module attributes {stable_mosaic.version = 14 : i64} {
  func.func @body(%arg0: i32, %arg1: memref<1000x32xf32, #tpu.memory_space<vmem>>, %arg2: memref<1000x1xi32, #tpu.memory_space<vmem>>, %arg3: memref<1x128xf32, #tpu.memory_space<vmem>>, %arg4: memref<1x128xf32, #tpu.memory_space<vmem>>, %arg5: memref<1x128xf32, #tpu.memory_space<vmem>>) attributes {dimension_semantics = [#tpu.dimension_semantics<arbitrary>], iteration_bounds = array<i64: 10>, scalar_prefetch = 0 : i64, scratch_operands = 0 : i64, tpu.core_type = #tpu.core_type<tc>, window_params = [{transform_indices = @transform_0, window_bounds = array<i64: 1000, 32>}, {transform_indices = @transform_1, window_bounds = array<i64: 1000, 1>}, {pipeline_mode = #tpu.pipeline_mode<synchronous>, transform_indices = @transform_2, window_bounds = array<i64: 1, 128>}, {pipeline_mode = #tpu.pipeline_mode<synchronous>, transform_indices = @transform_3, window_bounds = array<i64: 1, 128>}, {pipeline_mode = #tpu.pipeline_mode<synchronous>, transform_indices = @transform_4, window_bounds = array<i64: 1, 128>}]} {
    %get3A = arith.constant 0 : index
    %get3A_0 = arith.constant 0 : index
    %get3A_1 = vector.load %arg3[%get3A, %get3A_0] : memref<1x128xf32, #tpu.memory_space<vmem>>, vector<1x128xf32>
    %get3A_2 = arith.constant 0 : index
    %get3A_3 = arith.constant 0 : index
    %get3A_4 = vector.load %arg4[%get3A_2, %get3A_3] : memref<1x128xf32, #tpu.memory_space<vmem>>, vector<1x128xf32>
    %add3A = arith.addf %get3A_1, %get3A_4 : vector<1x128xf32>
    %slice3A = vector.extract_strided_slice %add3A {offsets = [0, 0], sizes = [1, 32], strides = [1, 1]} : vector<1x128xf32> to vector<1x32xf32>
    %slice3A_5 = vector.extract_strided_slice %add3A {offsets = [0, 64], sizes = [1, 32], strides = [1, 1]} : vector<1x128xf32> to vector<1x32xf32>
    %slice3A_6 = vector.extract_strided_slice %add3A {offsets = [0, 96], sizes = [1, 32], strides = [1, 1]} : vector<1x128xf32> to vector<1x32xf32>
    %logistic3A = arith.negf %slice3A : vector<1x32xf32>
    %logistic3A_7 = math.exp %logistic3A : vector<1x32xf32>
    %logistic3A_8 = arith.constant 1.000000e+00 : f32
    %logistic3A_9 = vector.broadcast %logistic3A_8 : f32 to vector<1x32xf32>
    %logistic3A_10 = arith.addf %logistic3A_9, %logistic3A_7 : vector<1x32xf32>
    %logistic3A_11 = arith.divf %logistic3A_9, %logistic3A_10 : vector<1x32xf32>
    %tanh3A = math.tanh %slice3A_5 : vector<1x32xf32>
    %mul3A = arith.mulf %logistic3A_11, %tanh3A : vector<1x32xf32>
    %logistic3A_12 = arith.negf %slice3A_6 : vector<1x32xf32>
    %logistic3A_13 = math.exp %logistic3A_12 : vector<1x32xf32>
    %logistic3A_14 = arith.constant 1.000000e+00 : f32
    %logistic3A_15 = vector.broadcast %logistic3A_14 : f32 to vector<1x32xf32>
    %logistic3A_16 = arith.addf %logistic3A_15, %logistic3A_13 : vector<1x32xf32>
    %logistic3A_17 = arith.divf %logistic3A_15, %logistic3A_16 : vector<1x32xf32>
    %tanh3A_18 = math.tanh %mul3A : vector<1x32xf32>
    %mul3A_19 = arith.mulf %logistic3A_17, %tanh3A_18 : vector<1x32xf32>
    %get3A_20 = arith.constant 0 : index
    %get3A_21 = arith.constant 0 : index
    %get3A_22 = vector.load %arg1[%get3A_20, %get3A_21] : memref<1000x32xf32, #tpu.memory_space<vmem>>, vector<1000x32xf32>
    %mul3A_23 = vector.broadcast %mul3A_19 : vector<1x32xf32> to vector<1000x32xf32>
    %mul3A_24 = arith.mulf %get3A_22, %mul3A_23 : vector<1000x32xf32>
    %reduce_sum3A = arith.constant dense<0.000000e+00> : vector<1000xf32>
    %reduce_sum3A_25 = vector.multi_reduction <add>, %mul3A_24, %reduce_sum3A [1] : vector<1000x32xf32> to vector<1000xf32>
    %broadcast_in_dim3A = vector.shape_cast %reduce_sum3A_25 : vector<1000xf32> to vector<1000x1xf32>
    %get3A_26 = arith.constant 0 : index
    %get3A_27 = arith.constant 0 : index
    %get3A_28 = vector.load %arg2[%get3A_26, %get3A_27] : memref<1000x1xi32, #tpu.memory_space<vmem>>, vector<1000x1xi32>
    %iota3A = tpu.iota {dimensions = array<i32: 1>} : vector<1000x128xi32>
    %eq3A = vector.broadcast %get3A_28 : vector<1000x1xi32> to vector<1000x128xi32>
    %eq3A_29 = arith.cmpi eq, %eq3A, %iota3A : vector<1000x128xi32>
    %jit3A = arith.constant -1.000000e+30 : f32
    %broadcast_in_dim3A_30 = vector.shape_cast %broadcast_in_dim3A : vector<1000x1xf32> to vector<1000x1xf32>
    %broadcast_in_dim3A_31 = vector.broadcast %broadcast_in_dim3A_30 : vector<1000x1xf32> to vector<1000x128xf32>
    %broadcast_in_dim3A_32 = vector.broadcast %jit3A : f32 to vector<1000x128xf32>
    %select_n3A = arith.select %eq3A_29, %broadcast_in_dim3A_31, %broadcast_in_dim3A_32 : vector<1000x128xi1>, vector<1000x128xf32>
    %reduce_max3A = arith.constant dense<0xFF800000> : vector<128xf32>
    %reduce_max3A_33 = vector.multi_reduction <maximumf>, %select_n3A, %reduce_max3A [0] : vector<1000x128xf32> to vector<128xf32>
    %broadcast_in_dim3A_34 = vector.shape_cast %reduce_max3A_33 : vector<128xf32> to vector<1x128xf32>
    %eq3A_35 = arith.constant 0 : i32
    %eq3A_36 = arith.cmpi eq, %arg0, %eq3A_35 : i32
    %convert_element_type3A = arith.extui %eq3A_36 : i1 to i32
    %cond3A = arith.constant 0 : i32
    %cond3A_37 = arith.cmpi ne, %convert_element_type3A, %cond3A : i32
    scf.if %cond3A_37 {
      %broadcast_in_dim3A_43 = arith.constant -1.000000e+30 : f32
      %broadcast_in_dim3A_44 = vector.broadcast %broadcast_in_dim3A_43 : f32 to vector<1x128xf32>
      %swap3A_45 = arith.constant 0 : index
      %swap3A_46 = arith.constant 0 : index
      %swap3A_47 = vector.load %arg5[%swap3A_45, %swap3A_46] : memref<1x128xf32, #tpu.memory_space<vmem>>, vector<1x128xf32>
      tpu.vector_store %arg5[%swap3A_45, %swap3A_46], %broadcast_in_dim3A_44 {strides = array<i32>} : memref<1x128xf32, #tpu.memory_space<vmem>>, vector<1x128xf32>,
    } else {
    }
    %get3A_38 = arith.constant 0 : index
    %get3A_39 = arith.constant 0 : index
    %get3A_40 = vector.load %arg5[%get3A_38, %get3A_39] : memref<1x128xf32, #tpu.memory_space<vmem>>, vector<1x128xf32>
    %max3A = arith.maximumf %get3A_40, %broadcast_in_dim3A_34 : vector<1x128xf32>
    %swap3A = arith.constant 0 : index
    %swap3A_41 = arith.constant 0 : index
    %swap3A_42 = vector.load %arg5[%swap3A, %swap3A_41] : memref<1x128xf32, #tpu.memory_space<vmem>>, vector<1x128xf32>
    tpu.vector_store %arg5[%swap3A, %swap3A_41], %max3A {strides = array<i32>} : memref<1x128xf32, #tpu.memory_space<vmem>>, vector<1x128xf32>,
    return
  }
  func.func @transform_0(%arg0: i32) -> (i32, i32) {
    %c0_i32 = arith.constant 0 : i32
    %c0_i32_0 = arith.constant 0 : i32
    return %arg0, %c0_i32 : i32, i32
  }
  func.func @transform_1(%arg0: i32) -> (i32, i32) {
    %c0_i32 = arith.constant 0 : i32
    %c0_i32_0 = arith.constant 0 : i32
    return %arg0, %c0_i32 : i32, i32
  }
  func.func @transform_2(%arg0: i32) -> (i32, i32) {
    %c0_i32 = arith.constant 0 : i32
    %c0_i32_0 = arith.constant 0 : i32
    %c0_i32_1 = arith.constant 0 : i32
    return %c0_i32, %c0_i32_0 : i32, i32
  }
  func.func @transform_3(%arg0: i32) -> (i32, i32) {
    %c0_i32 = arith.constant 0 : i32
    %c0_i32_0 = arith.constant 0 : i32
    %c0_i32_1 = arith.constant 0 : i32
    return %c0_i32, %c0_i32_0 : i32, i32
  }
  func.func @transform_4(%arg0: i32) -> (i32, i32) {
    %c0_i32 = arith.constant 0 : i32
    %c0_i32_0 = arith.constant 0 : i32
    %c0_i32_1 = arith.constant 0 : i32
    return %c0_i32, %c0_i32_0 : i32, i32
  }
}

module attributes {stable_mosaic.version = 14 : i64} {
  func.func @body(%arg0: i32, %arg1: memref<1000x32xf32, #tpu.memory_space<vmem>>, %arg2: memref<1000x1xi32, #tpu.memory_space<vmem>>, %arg3: memref<1x128xf32, #tpu.memory_space<vmem>>, %arg4: memref<1x128xf32, #tpu.memory_space<vmem>>, %arg5: memref<1x128xf32, #tpu.memory_space<vmem>>, %arg6: memref<1x128xf32, #tpu.memory_space<vmem>>) attributes {dimension_semantics = [#tpu.dimension_semantics<arbitrary>], iteration_bounds = array<i64: 10>, scalar_prefetch = 0 : i64, scratch_operands = 0 : i64, tpu.core_type = #tpu.core_type<tc>, window_params = [{transform_indices = @transform_0, window_bounds = array<i64: 1000, 32>}, {transform_indices = @transform_1, window_bounds = array<i64: 1000, 1>}, {pipeline_mode = #tpu.pipeline_mode<synchronous>, transform_indices = @transform_2, window_bounds = array<i64: 1, 128>}, {pipeline_mode = #tpu.pipeline_mode<synchronous>, transform_indices = @transform_3, window_bounds = array<i64: 1, 128>}, {pipeline_mode = #tpu.pipeline_mode<synchronous>, transform_indices = @transform_4, window_bounds = array<i64: 1, 128>}, {pipeline_mode = #tpu.pipeline_mode<synchronous>, transform_indices = @transform_5, window_bounds = array<i64: 1, 128>}]} {
    %get3A = arith.constant 0 : index
    %get3A_0 = arith.constant 0 : index
    %get3A_1 = vector.load %arg3[%get3A, %get3A_0] : memref<1x128xf32, #tpu.memory_space<vmem>>, vector<1x128xf32>
    %get3A_2 = arith.constant 0 : index
    %get3A_3 = arith.constant 0 : index
    %get3A_4 = vector.load %arg4[%get3A_2, %get3A_3] : memref<1x128xf32, #tpu.memory_space<vmem>>, vector<1x128xf32>
    %add3A = arith.addf %get3A_1, %get3A_4 : vector<1x128xf32>
    %slice3A = vector.extract_strided_slice %add3A {offsets = [0, 0], sizes = [1, 32], strides = [1, 1]} : vector<1x128xf32> to vector<1x32xf32>
    %slice3A_5 = vector.extract_strided_slice %add3A {offsets = [0, 64], sizes = [1, 32], strides = [1, 1]} : vector<1x128xf32> to vector<1x32xf32>
    %slice3A_6 = vector.extract_strided_slice %add3A {offsets = [0, 96], sizes = [1, 32], strides = [1, 1]} : vector<1x128xf32> to vector<1x32xf32>
    %logistic3A = arith.negf %slice3A : vector<1x32xf32>
    %logistic3A_7 = math.exp %logistic3A : vector<1x32xf32>
    %logistic3A_8 = arith.constant 1.000000e+00 : f32
    %logistic3A_9 = vector.broadcast %logistic3A_8 : f32 to vector<1x32xf32>
    %logistic3A_10 = arith.addf %logistic3A_9, %logistic3A_7 : vector<1x32xf32>
    %logistic3A_11 = arith.divf %logistic3A_9, %logistic3A_10 : vector<1x32xf32>
    %tanh3A = math.tanh %slice3A_5 : vector<1x32xf32>
    %mul3A = arith.mulf %logistic3A_11, %tanh3A : vector<1x32xf32>
    %logistic3A_12 = arith.negf %slice3A_6 : vector<1x32xf32>
    %logistic3A_13 = math.exp %logistic3A_12 : vector<1x32xf32>
    %logistic3A_14 = arith.constant 1.000000e+00 : f32
    %logistic3A_15 = vector.broadcast %logistic3A_14 : f32 to vector<1x32xf32>
    %logistic3A_16 = arith.addf %logistic3A_15, %logistic3A_13 : vector<1x32xf32>
    %logistic3A_17 = arith.divf %logistic3A_15, %logistic3A_16 : vector<1x32xf32>
    %tanh3A_18 = math.tanh %mul3A : vector<1x32xf32>
    %mul3A_19 = arith.mulf %logistic3A_17, %tanh3A_18 : vector<1x32xf32>
    %get3A_20 = arith.constant 0 : index
    %get3A_21 = arith.constant 0 : index
    %get3A_22 = vector.load %arg1[%get3A_20, %get3A_21] : memref<1000x32xf32, #tpu.memory_space<vmem>>, vector<1000x32xf32>
    %mul3A_23 = vector.broadcast %mul3A_19 : vector<1x32xf32> to vector<1000x32xf32>
    %mul3A_24 = arith.mulf %get3A_22, %mul3A_23 : vector<1000x32xf32>
    %reduce_sum3A = arith.constant dense<0.000000e+00> : vector<1000xf32>
    %reduce_sum3A_25 = vector.multi_reduction <add>, %mul3A_24, %reduce_sum3A [1] : vector<1000x32xf32> to vector<1000xf32>
    %broadcast_in_dim3A = vector.shape_cast %reduce_sum3A_25 : vector<1000xf32> to vector<1000x1xf32>
    %get3A_26 = arith.constant 0 : index
    %get3A_27 = arith.constant 0 : index
    %get3A_28 = vector.load %arg2[%get3A_26, %get3A_27] : memref<1000x1xi32, #tpu.memory_space<vmem>>, vector<1000x1xi32>
    %iota3A = tpu.iota {dimensions = array<i32: 1>} : vector<1000x128xi32>
    %eq3A = vector.broadcast %get3A_28 : vector<1000x1xi32> to vector<1000x128xi32>
    %eq3A_29 = arith.cmpi eq, %eq3A, %iota3A : vector<1000x128xi32>
    %get3A_30 = arith.constant 0 : index
    %get3A_31 = arith.constant 0 : index
    %get3A_32 = vector.load %arg5[%get3A_30, %get3A_31] : memref<1x128xf32, #tpu.memory_space<vmem>>, vector<1x128xf32>
    %jit3A = arith.constant 0.000000e+00 : f32
    %broadcast_in_dim3A_33 = vector.shape_cast %get3A_32 : vector<1x128xf32> to vector<1x128xf32>
    %broadcast_in_dim3A_34 = vector.broadcast %broadcast_in_dim3A_33 : vector<1x128xf32> to vector<1000x128xf32>
    %broadcast_in_dim3A_35 = vector.broadcast %jit3A : f32 to vector<1000x128xf32>
    %select_n3A = arith.select %eq3A_29, %broadcast_in_dim3A_34, %broadcast_in_dim3A_35 : vector<1000x128xi1>, vector<1000x128xf32>
    %reduce_sum3A_36 = arith.constant dense<0.000000e+00> : vector<1000xf32>
    %reduce_sum3A_37 = vector.multi_reduction <add>, %select_n3A, %reduce_sum3A_36 [1] : vector<1000x128xf32> to vector<1000xf32>
    %broadcast_in_dim3A_38 = vector.shape_cast %reduce_sum3A_37 : vector<1000xf32> to vector<1000x1xf32>
    %sub3A = arith.subf %broadcast_in_dim3A, %broadcast_in_dim3A_38 : vector<1000x1xf32>
    %exp3A = math.exp %sub3A : vector<1000x1xf32>
    %jit3A_39 = arith.constant 0.000000e+00 : f32
    %broadcast_in_dim3A_40 = vector.shape_cast %exp3A : vector<1000x1xf32> to vector<1000x1xf32>
    %broadcast_in_dim3A_41 = vector.broadcast %broadcast_in_dim3A_40 : vector<1000x1xf32> to vector<1000x128xf32>
    %broadcast_in_dim3A_42 = vector.broadcast %jit3A_39 : f32 to vector<1000x128xf32>
    %select_n3A_43 = arith.select %eq3A_29, %broadcast_in_dim3A_41, %broadcast_in_dim3A_42 : vector<1000x128xi1>, vector<1000x128xf32>
    %reduce_sum3A_44 = arith.constant dense<0.000000e+00> : vector<128xf32>
    %reduce_sum3A_45 = vector.multi_reduction <add>, %select_n3A_43, %reduce_sum3A_44 [0] : vector<1000x128xf32> to vector<128xf32>
    %broadcast_in_dim3A_46 = vector.shape_cast %reduce_sum3A_45 : vector<128xf32> to vector<1x128xf32>
    %eq3A_47 = arith.constant 0 : i32
    %eq3A_48 = arith.cmpi eq, %arg0, %eq3A_47 : i32
    %convert_element_type3A = arith.extui %eq3A_48 : i1 to i32
    %cond3A = arith.constant 0 : i32
    %cond3A_49 = arith.cmpi ne, %convert_element_type3A, %cond3A : i32
    scf.if %cond3A_49 {
      %broadcast_in_dim3A_56 = arith.constant 0.000000e+00 : f32
      %broadcast_in_dim3A_57 = vector.broadcast %broadcast_in_dim3A_56 : f32 to vector<1x128xf32>
      %swap3A_58 = arith.constant 0 : index
      %swap3A_59 = arith.constant 0 : index
      %swap3A_60 = vector.load %arg6[%swap3A_58, %swap3A_59] : memref<1x128xf32, #tpu.memory_space<vmem>>, vector<1x128xf32>
      tpu.vector_store %arg6[%swap3A_58, %swap3A_59], %broadcast_in_dim3A_57 {strides = array<i32>} : memref<1x128xf32, #tpu.memory_space<vmem>>, vector<1x128xf32>,
    } else {
    }
    %get3A_50 = arith.constant 0 : index
    %get3A_51 = arith.constant 0 : index
    %get3A_52 = vector.load %arg6[%get3A_50, %get3A_51] : memref<1x128xf32, #tpu.memory_space<vmem>>, vector<1x128xf32>
    %add3A_53 = arith.addf %get3A_52, %broadcast_in_dim3A_46 : vector<1x128xf32>
    %swap3A = arith.constant 0 : index
    %swap3A_54 = arith.constant 0 : index
    %swap3A_55 = vector.load %arg6[%swap3A, %swap3A_54] : memref<1x128xf32, #tpu.memory_space<vmem>>, vector<1x128xf32>
    tpu.vector_store %arg6[%swap3A, %swap3A_54], %add3A_53 {strides = array<i32>} : memref<1x128xf32, #tpu.memory_space<vmem>>, vector<1x128xf32>,
    return
  }
  func.func @transform_0(%arg0: i32) -> (i32, i32) {
    %c0_i32 = arith.constant 0 : i32
    %c0_i32_0 = arith.constant 0 : i32
    return %arg0, %c0_i32 : i32, i32
  }
  func.func @transform_1(%arg0: i32) -> (i32, i32) {
    %c0_i32 = arith.constant 0 : i32
    %c0_i32_0 = arith.constant 0 : i32
    return %arg0, %c0_i32 : i32, i32
  }
  func.func @transform_2(%arg0: i32) -> (i32, i32) {
    %c0_i32 = arith.constant 0 : i32
    %c0_i32_0 = arith.constant 0 : i32
    %c0_i32_1 = arith.constant 0 : i32
    return %c0_i32, %c0_i32_0 : i32, i32
  }
  func.func @transform_3(%arg0: i32) -> (i32, i32) {
    %c0_i32 = arith.constant 0 : i32
    %c0_i32_0 = arith.constant 0 : i32
    %c0_i32_1 = arith.constant 0 : i32
    return %c0_i32, %c0_i32_0 : i32, i32
  }
  func.func @transform_4(%arg0: i32) -> (i32, i32) {
    %c0_i32 = arith.constant 0 : i32
    %c0_i32_0 = arith.constant 0 : i32
    %c0_i32_1 = arith.constant 0 : i32
    return %c0_i32, %c0_i32_0 : i32, i32
  }
  func.func @transform_5(%arg0: i32) -> (i32, i32) {
    %c0_i32 = arith.constant 0 : i32
    %c0_i32_0 = arith.constant 0 : i32
    %c0_i32_1 = arith.constant 0 : i32
    return %c0_i32, %c0_i32_0 : i32, i32
  }
}

module attributes {stable_mosaic.version = 14 : i64} {
  func.func @body(%arg0: i32, %arg1: memref<1000x32xf32, #tpu.memory_space<vmem>>, %arg2: memref<1000x1xi32, #tpu.memory_space<vmem>>, %arg3: memref<1x128xf32, #tpu.memory_space<vmem>>, %arg4: memref<1x128xf32, #tpu.memory_space<vmem>>, %arg5: memref<1x128xf32, #tpu.memory_space<vmem>>, %arg6: memref<1x128xf32, #tpu.memory_space<vmem>>, %arg7: memref<128x32xf32, #tpu.memory_space<vmem>>) attributes {dimension_semantics = [#tpu.dimension_semantics<arbitrary>], iteration_bounds = array<i64: 10>, scalar_prefetch = 0 : i64, scratch_operands = 0 : i64, tpu.core_type = #tpu.core_type<tc>, window_params = [{transform_indices = @transform_0, window_bounds = array<i64: 1000, 32>}, {transform_indices = @transform_1, window_bounds = array<i64: 1000, 1>}, {pipeline_mode = #tpu.pipeline_mode<synchronous>, transform_indices = @transform_2, window_bounds = array<i64: 1, 128>}, {pipeline_mode = #tpu.pipeline_mode<synchronous>, transform_indices = @transform_3, window_bounds = array<i64: 1, 128>}, {pipeline_mode = #tpu.pipeline_mode<synchronous>, transform_indices = @transform_4, window_bounds = array<i64: 1, 128>}, {pipeline_mode = #tpu.pipeline_mode<synchronous>, transform_indices = @transform_5, window_bounds = array<i64: 1, 128>}, {pipeline_mode = #tpu.pipeline_mode<synchronous>, transform_indices = @transform_6, window_bounds = array<i64: 128, 32>}]} {
    %get3A = arith.constant 0 : index
    %get3A_0 = arith.constant 0 : index
    %get3A_1 = vector.load %arg3[%get3A, %get3A_0] : memref<1x128xf32, #tpu.memory_space<vmem>>, vector<1x128xf32>
    %get3A_2 = arith.constant 0 : index
    %get3A_3 = arith.constant 0 : index
    %get3A_4 = vector.load %arg4[%get3A_2, %get3A_3] : memref<1x128xf32, #tpu.memory_space<vmem>>, vector<1x128xf32>
    %add3A = arith.addf %get3A_1, %get3A_4 : vector<1x128xf32>
    %slice3A = vector.extract_strided_slice %add3A {offsets = [0, 0], sizes = [1, 32], strides = [1, 1]} : vector<1x128xf32> to vector<1x32xf32>
    %slice3A_5 = vector.extract_strided_slice %add3A {offsets = [0, 64], sizes = [1, 32], strides = [1, 1]} : vector<1x128xf32> to vector<1x32xf32>
    %slice3A_6 = vector.extract_strided_slice %add3A {offsets = [0, 96], sizes = [1, 32], strides = [1, 1]} : vector<1x128xf32> to vector<1x32xf32>
    %logistic3A = arith.negf %slice3A : vector<1x32xf32>
    %logistic3A_7 = math.exp %logistic3A : vector<1x32xf32>
    %logistic3A_8 = arith.constant 1.000000e+00 : f32
    %logistic3A_9 = vector.broadcast %logistic3A_8 : f32 to vector<1x32xf32>
    %logistic3A_10 = arith.addf %logistic3A_9, %logistic3A_7 : vector<1x32xf32>
    %logistic3A_11 = arith.divf %logistic3A_9, %logistic3A_10 : vector<1x32xf32>
    %tanh3A = math.tanh %slice3A_5 : vector<1x32xf32>
    %mul3A = arith.mulf %logistic3A_11, %tanh3A : vector<1x32xf32>
    %logistic3A_12 = arith.negf %slice3A_6 : vector<1x32xf32>
    %logistic3A_13 = math.exp %logistic3A_12 : vector<1x32xf32>
    %logistic3A_14 = arith.constant 1.000000e+00 : f32
    %logistic3A_15 = vector.broadcast %logistic3A_14 : f32 to vector<1x32xf32>
    %logistic3A_16 = arith.addf %logistic3A_15, %logistic3A_13 : vector<1x32xf32>
    %logistic3A_17 = arith.divf %logistic3A_15, %logistic3A_16 : vector<1x32xf32>
    %tanh3A_18 = math.tanh %mul3A : vector<1x32xf32>
    %mul3A_19 = arith.mulf %logistic3A_17, %tanh3A_18 : vector<1x32xf32>
    %get3A_20 = arith.constant 0 : index
    %get3A_21 = arith.constant 0 : index
    %get3A_22 = vector.load %arg1[%get3A_20, %get3A_21] : memref<1000x32xf32, #tpu.memory_space<vmem>>, vector<1000x32xf32>
    %mul3A_23 = vector.broadcast %mul3A_19 : vector<1x32xf32> to vector<1000x32xf32>
    %mul3A_24 = arith.mulf %get3A_22, %mul3A_23 : vector<1000x32xf32>
    %reduce_sum3A = arith.constant dense<0.000000e+00> : vector<1000xf32>
    %reduce_sum3A_25 = vector.multi_reduction <add>, %mul3A_24, %reduce_sum3A [1] : vector<1000x32xf32> to vector<1000xf32>
    %broadcast_in_dim3A = vector.shape_cast %reduce_sum3A_25 : vector<1000xf32> to vector<1000x1xf32>
    %get3A_26 = arith.constant 0 : index
    %get3A_27 = arith.constant 0 : index
    %get3A_28 = vector.load %arg2[%get3A_26, %get3A_27] : memref<1000x1xi32, #tpu.memory_space<vmem>>, vector<1000x1xi32>
    %iota3A = tpu.iota {dimensions = array<i32: 1>} : vector<1000x128xi32>
    %eq3A = vector.broadcast %get3A_28 : vector<1000x1xi32> to vector<1000x128xi32>
    %eq3A_29 = arith.cmpi eq, %eq3A, %iota3A : vector<1000x128xi32>
    %get3A_30 = arith.constant 0 : index
    %get3A_31 = arith.constant 0 : index
    %get3A_32 = vector.load %arg5[%get3A_30, %get3A_31] : memref<1x128xf32, #tpu.memory_space<vmem>>, vector<1x128xf32>
    %jit3A = arith.constant 0.000000e+00 : f32
    %broadcast_in_dim3A_33 = vector.shape_cast %get3A_32 : vector<1x128xf32> to vector<1x128xf32>
    %broadcast_in_dim3A_34 = vector.broadcast %broadcast_in_dim3A_33 : vector<1x128xf32> to vector<1000x128xf32>
    %broadcast_in_dim3A_35 = vector.broadcast %jit3A : f32 to vector<1000x128xf32>
    %select_n3A = arith.select %eq3A_29, %broadcast_in_dim3A_34, %broadcast_in_dim3A_35 : vector<1000x128xi1>, vector<1000x128xf32>
    %reduce_sum3A_36 = arith.constant dense<0.000000e+00> : vector<1000xf32>
    %reduce_sum3A_37 = vector.multi_reduction <add>, %select_n3A, %reduce_sum3A_36 [1] : vector<1000x128xf32> to vector<1000xf32>
    %broadcast_in_dim3A_38 = vector.shape_cast %reduce_sum3A_37 : vector<1000xf32> to vector<1000x1xf32>
    %get3A_39 = arith.constant 0 : index
    %get3A_40 = arith.constant 0 : index
    %get3A_41 = vector.load %arg6[%get3A_39, %get3A_40] : memref<1x128xf32, #tpu.memory_space<vmem>>, vector<1x128xf32>
    %jit3A_42 = arith.constant 0.000000e+00 : f32
    %broadcast_in_dim3A_43 = vector.shape_cast %get3A_41 : vector<1x128xf32> to vector<1x128xf32>
    %broadcast_in_dim3A_44 = vector.broadcast %broadcast_in_dim3A_43 : vector<1x128xf32> to vector<1000x128xf32>
    %broadcast_in_dim3A_45 = vector.broadcast %jit3A_42 : f32 to vector<1000x128xf32>
    %select_n3A_46 = arith.select %eq3A_29, %broadcast_in_dim3A_44, %broadcast_in_dim3A_45 : vector<1000x128xi1>, vector<1000x128xf32>
    %reduce_sum3A_47 = arith.constant dense<0.000000e+00> : vector<1000xf32>
    %reduce_sum3A_48 = vector.multi_reduction <add>, %select_n3A_46, %reduce_sum3A_47 [1] : vector<1000x128xf32> to vector<1000xf32>
    %broadcast_in_dim3A_49 = vector.shape_cast %reduce_sum3A_48 : vector<1000xf32> to vector<1000x1xf32>
    %sub3A = arith.subf %broadcast_in_dim3A, %broadcast_in_dim3A_38 : vector<1000x1xf32>
    %exp3A = math.exp %sub3A : vector<1000x1xf32>
    %div3A = arith.divf %exp3A, %broadcast_in_dim3A_49 : vector<1000x1xf32>
    %convert_element_type3A = arith.extui %eq3A_29 : vector<1000x128xi1> to vector<1000x128xi32>
    %convert_element_type3A_50 = arith.sitofp %convert_element_type3A : vector<1000x128xi32> to vector<1000x128xf32>
    %mul3A_51 = vector.broadcast %div3A : vector<1000x1xf32> to vector<1000x32xf32>
    %mul3A_52 = arith.mulf %mul3A_51, %get3A_22 : vector<1000x32xf32>
    %dot_general3A = arith.constant dense<0.000000e+00> : vector<128x32xf32>
    %dot_general3A_53 = tpu.matmul %convert_element_type3A_50, %mul3A_52, %dot_general3A {dimension_numbers = #tpu.dot_dimension_numbers<[0], [0], [1], [1], [0, 1, 1, 1], [], []>, transpose_lhs_hint = false} : vector<1000x128xf32>, vector<1000x32xf32>, vector<128x32xf32> -> vector<128x32xf32>
    %eq3A_54 = arith.constant 0 : i32
    %eq3A_55 = arith.cmpi eq, %arg0, %eq3A_54 : i32
    %convert_element_type3A_56 = arith.extui %eq3A_55 : i1 to i32
    %cond3A = arith.constant 0 : i32
    %cond3A_57 = arith.cmpi ne, %convert_element_type3A_56, %cond3A : i32
    scf.if %cond3A_57 {
      %broadcast_in_dim3A_64 = arith.constant 0.000000e+00 : f32
      %broadcast_in_dim3A_65 = vector.broadcast %broadcast_in_dim3A_64 : f32 to vector<128x32xf32>
      %swap3A_66 = arith.constant 0 : index
      %swap3A_67 = arith.constant 0 : index
      %swap3A_68 = vector.load %arg7[%swap3A_66, %swap3A_67] : memref<128x32xf32, #tpu.memory_space<vmem>>, vector<128x32xf32>
      tpu.vector_store %arg7[%swap3A_66, %swap3A_67], %broadcast_in_dim3A_65 {strides = array<i32>} : memref<128x32xf32, #tpu.memory_space<vmem>>, vector<128x32xf32>,
    } else {
    }
    %get3A_58 = arith.constant 0 : index
    %get3A_59 = arith.constant 0 : index
    %get3A_60 = vector.load %arg7[%get3A_58, %get3A_59] : memref<128x32xf32, #tpu.memory_space<vmem>>, vector<128x32xf32>
    %add3A_61 = arith.addf %get3A_60, %dot_general3A_53 : vector<128x32xf32>
    %swap3A = arith.constant 0 : index
    %swap3A_62 = arith.constant 0 : index
    %swap3A_63 = vector.load %arg7[%swap3A, %swap3A_62] : memref<128x32xf32, #tpu.memory_space<vmem>>, vector<128x32xf32>
    tpu.vector_store %arg7[%swap3A, %swap3A_62], %add3A_61 {strides = array<i32>} : memref<128x32xf32, #tpu.memory_space<vmem>>, vector<128x32xf32>,
    return
  }
  func.func @transform_0(%arg0: i32) -> (i32, i32) {
    %c0_i32 = arith.constant 0 : i32
    %c0_i32_0 = arith.constant 0 : i32
    return %arg0, %c0_i32 : i32, i32
  }
  func.func @transform_1(%arg0: i32) -> (i32, i32) {
    %c0_i32 = arith.constant 0 : i32
    %c0_i32_0 = arith.constant 0 : i32
    return %arg0, %c0_i32 : i32, i32
  }
  func.func @transform_2(%arg0: i32) -> (i32, i32) {
    %c0_i32 = arith.constant 0 : i32
    %c0_i32_0 = arith.constant 0 : i32
    %c0_i32_1 = arith.constant 0 : i32
    return %c0_i32, %c0_i32_0 : i32, i32
  }
  func.func @transform_3(%arg0: i32) -> (i32, i32) {
    %c0_i32 = arith.constant 0 : i32
    %c0_i32_0 = arith.constant 0 : i32
    %c0_i32_1 = arith.constant 0 : i32
    return %c0_i32, %c0_i32_0 : i32, i32
  }
  func.func @transform_4(%arg0: i32) -> (i32, i32) {
    %c0_i32 = arith.constant 0 : i32
    %c0_i32_0 = arith.constant 0 : i32
    %c0_i32_1 = arith.constant 0 : i32
    return %c0_i32, %c0_i32_0 : i32, i32
  }
  func.func @transform_5(%arg0: i32) -> (i32, i32) {
    %c0_i32 = arith.constant 0 : i32
    %c0_i32_0 = arith.constant 0 : i32
    %c0_i32_1 = arith.constant 0 : i32
    return %c0_i32, %c0_i32_0 : i32, i32
  }
  func.func @transform_6(%arg0: i32) -> (i32, i32) {
    %c0_i32 = arith.constant 0 : i32
    %c0_i32_0 = arith.constant 0 : i32
    %c0_i32_1 = arith.constant 0 : i32
    return %c0_i32, %c0_i32_0 : i32, i32
  }
}

module attributes {stable_mosaic.version = 14 : i64} {
  func.func @body(%arg0: memref<128x32xf32, #tpu.memory_space<vmem>>, %arg1: memref<4096x32xf32, #tpu.memory_space<vmem>>, %arg2: memref<32x32xf32, #tpu.memory_space<vmem>>, %arg3: memref<1x32xf32, #tpu.memory_space<vmem>>, %arg4: memref<32x1xf32, #tpu.memory_space<vmem>>, %arg5: memref<1x1xf32, #tpu.memory_space<vmem>>, %arg6: memref<32x32xf32, #tpu.memory_space<vmem>>, %arg7: memref<1x32xf32, #tpu.memory_space<vmem>>, %arg8: memref<32x105xf32, #tpu.memory_space<vmem>>, %arg9: memref<1x105xf32, #tpu.memory_space<vmem>>, %arg10: memref<1x128xf32, #tpu.memory_space<vmem>>, %arg11: memref<1x128xf32, #tpu.memory_space<vmem>>, %arg12: memref<64x2xf32, #tpu.memory_space<vmem>>, %arg13: memref<1x2xf32, #tpu.memory_space<vmem>>, %arg14: memref<128x2xf32, #tpu.memory_space<vmem>>, %arg15: memref<1024x1xf32, #tpu.memory_space<vmem>>, %arg16: memref<2048x105xf32, #tpu.memory_space<vmem>>) attributes {dimension_semantics = [], scalar_prefetch = 0 : i64, scratch_operands = 0 : i64, tpu.core_type = #tpu.core_type<tc>} {
    %get3A = arith.constant 0 : index
    %get3A_0 = arith.constant 0 : index
    %get3A_1 = vector.load %arg10[%get3A, %get3A_0] : memref<1x128xf32, #tpu.memory_space<vmem>>, vector<1x128xf32>
    %get3A_2 = arith.constant 0 : index
    %get3A_3 = arith.constant 0 : index
    %get3A_4 = vector.load %arg11[%get3A_2, %get3A_3] : memref<1x128xf32, #tpu.memory_space<vmem>>, vector<1x128xf32>
    %add3A = arith.addf %get3A_1, %get3A_4 : vector<1x128xf32>
    %slice3A = vector.extract_strided_slice %add3A {offsets = [0, 0], sizes = [1, 32], strides = [1, 1]} : vector<1x128xf32> to vector<1x32xf32>
    %slice3A_5 = vector.extract_strided_slice %add3A {offsets = [0, 64], sizes = [1, 32], strides = [1, 1]} : vector<1x128xf32> to vector<1x32xf32>
    %slice3A_6 = vector.extract_strided_slice %add3A {offsets = [0, 96], sizes = [1, 32], strides = [1, 1]} : vector<1x128xf32> to vector<1x32xf32>
    %logistic3A = arith.negf %slice3A : vector<1x32xf32>
    %logistic3A_7 = math.exp %logistic3A : vector<1x32xf32>
    %logistic3A_8 = arith.constant 1.000000e+00 : f32
    %logistic3A_9 = vector.broadcast %logistic3A_8 : f32 to vector<1x32xf32>
    %logistic3A_10 = arith.addf %logistic3A_9, %logistic3A_7 : vector<1x32xf32>
    %logistic3A_11 = arith.divf %logistic3A_9, %logistic3A_10 : vector<1x32xf32>
    %tanh3A = math.tanh %slice3A_5 : vector<1x32xf32>
    %mul3A = arith.mulf %logistic3A_11, %tanh3A : vector<1x32xf32>
    %logistic3A_12 = arith.negf %slice3A_6 : vector<1x32xf32>
    %logistic3A_13 = math.exp %logistic3A_12 : vector<1x32xf32>
    %logistic3A_14 = arith.constant 1.000000e+00 : f32
    %logistic3A_15 = vector.broadcast %logistic3A_14 : f32 to vector<1x32xf32>
    %logistic3A_16 = arith.addf %logistic3A_15, %logistic3A_13 : vector<1x32xf32>
    %logistic3A_17 = arith.divf %logistic3A_15, %logistic3A_16 : vector<1x32xf32>
    %tanh3A_18 = math.tanh %mul3A : vector<1x32xf32>
    %mul3A_19 = arith.mulf %logistic3A_17, %tanh3A_18 : vector<1x32xf32>
    %broadcast_in_dim3A = vector.shape_cast %mul3A_19 : vector<1x32xf32> to vector<1x32xf32>
    %broadcast_in_dim3A_20 = vector.broadcast %broadcast_in_dim3A : vector<1x32xf32> to vector<128x32xf32>
    %get3A_21 = arith.constant 0 : index
    %get3A_22 = arith.constant 0 : index
    %get3A_23 = vector.load %arg0[%get3A_21, %get3A_22] : memref<128x32xf32, #tpu.memory_space<vmem>>, vector<128x32xf32>
    %concatenate3A = tpu.concatenate %broadcast_in_dim3A_20, %get3A_23 in 1 : vector<128x32xf32>, vector<128x32xf32> -> vector<128x64xf32>
    %get3A_24 = arith.constant 0 : index
    %get3A_25 = arith.constant 0 : index
    %get3A_26 = vector.load %arg12[%get3A_24, %get3A_25] : memref<64x2xf32, #tpu.memory_space<vmem>>, vector<64x2xf32>
    %dot_general3A = arith.constant dense<0.000000e+00> : vector<128x2xf32>
    %dot_general3A_27 = tpu.matmul %concatenate3A, %get3A_26, %dot_general3A {dimension_numbers = #tpu.dot_dimension_numbers<[1], [0], [0], [1], [0, 0, 1, 1], [], []>, transpose_lhs_hint = false} : vector<128x64xf32>, vector<64x2xf32>, vector<128x2xf32> -> vector<128x2xf32>
    %get3A_28 = arith.constant 0 : index
    %get3A_29 = arith.constant 0 : index
    %get3A_30 = vector.load %arg13[%get3A_28, %get3A_29] : memref<1x2xf32, #tpu.memory_space<vmem>>, vector<1x2xf32>
    %add3A_31 = vector.broadcast %get3A_30 : vector<1x2xf32> to vector<128x2xf32>
    %add3A_32 = arith.addf %dot_general3A_27, %add3A_31 : vector<128x2xf32>
    %swap3A = arith.constant 0 : index
    %swap3A_33 = arith.constant 0 : index
    %swap3A_34 = vector.load %arg14[%swap3A, %swap3A_33] : memref<128x2xf32, #tpu.memory_space<vmem>>, vector<128x2xf32>
    tpu.vector_store %arg14[%swap3A, %swap3A_33], %add3A_32 {strides = array<i32>} : memref<128x2xf32, #tpu.memory_space<vmem>>, vector<128x2xf32>,
    %get3A_35 = arith.constant 0 : index
    %get3A_36 = arith.constant 0 : index
    %get3A_37 = vector.load %arg1[%get3A_35, %get3A_36] : memref<4096x32xf32, #tpu.memory_space<vmem>>, vector<2048x32xf32>
    %get3A_38 = arith.constant 0 : index
    %get3A_39 = arith.constant 0 : index
    %get3A_40 = vector.load %arg2[%get3A_38, %get3A_39] : memref<32x32xf32, #tpu.memory_space<vmem>>, vector<32x32xf32>
    %dot_general3A_41 = arith.constant dense<0.000000e+00> : vector<2048x32xf32>
    %dot_general3A_42 = tpu.matmul %get3A_37, %get3A_40, %dot_general3A_41 {dimension_numbers = #tpu.dot_dimension_numbers<[1], [0], [0], [1], [0, 0, 1, 1], [], []>, transpose_lhs_hint = false} : vector<2048x32xf32>, vector<32x32xf32>, vector<2048x32xf32> -> vector<2048x32xf32>
    %get3A_43 = arith.constant 0 : index
    %get3A_44 = arith.constant 0 : index
    %get3A_45 = vector.load %arg3[%get3A_43, %get3A_44] : memref<1x32xf32, #tpu.memory_space<vmem>>, vector<1x32xf32>
    %add3A_46 = vector.broadcast %get3A_45 : vector<1x32xf32> to vector<2048x32xf32>
    %add3A_47 = arith.addf %dot_general3A_42, %add3A_46 : vector<2048x32xf32>
    %ge3A = arith.constant 0.000000e+00 : f32
    %ge3A_48 = vector.broadcast %ge3A : f32 to vector<2048x32xf32>
    %ge3A_49 = arith.cmpf oge, %add3A_47, %ge3A_48 : vector<2048x32xf32>
    %mul3A_50 = arith.constant 0.00999999977 : f32
    %mul3A_51 = vector.broadcast %mul3A_50 : f32 to vector<2048x32xf32>
    %mul3A_52 = arith.mulf %mul3A_51, %add3A_47 : vector<2048x32xf32>
    %select_n3A = arith.select %ge3A_49, %add3A_47, %mul3A_52 : vector<2048x32xi1>, vector<2048x32xf32>
    %get3A_53 = arith.constant 0 : index
    %get3A_54 = arith.constant 0 : index
    %get3A_55 = vector.load %arg4[%get3A_53, %get3A_54] : memref<32x1xf32, #tpu.memory_space<vmem>>, vector<32x1xf32>
    %dot_general3A_56 = arith.constant dense<0.000000e+00> : vector<2048x1xf32>
    %dot_general3A_57 = tpu.matmul %select_n3A, %get3A_55, %dot_general3A_56 {dimension_numbers = #tpu.dot_dimension_numbers<[1], [0], [0], [1], [0, 0, 1, 1], [], []>, transpose_lhs_hint = false} : vector<2048x32xf32>, vector<32x1xf32>, vector<2048x1xf32> -> vector<2048x1xf32>
    %get3A_58 = arith.constant 0 : index
    %get3A_59 = arith.constant 0 : index
    %get3A_60 = vector.load %arg5[%get3A_58, %get3A_59] : memref<1x1xf32, #tpu.memory_space<vmem>>, vector<1x1xf32>
    %add3A_61 = vector.broadcast %get3A_60 : vector<1x1xf32> to vector<2048x1xf32>
    %add3A_62 = arith.addf %dot_general3A_57, %add3A_61 : vector<2048x1xf32>
    %slice3A_63 = vector.extract_strided_slice %add3A_62 {offsets = [0, 0], sizes = [1024, 1], strides = [1, 1]} : vector<2048x1xf32> to vector<1024x1xf32>
    %slice3A_64 = vector.extract_strided_slice %add3A_62 {offsets = [1024, 0], sizes = [1024, 1], strides = [1, 1]} : vector<2048x1xf32> to vector<1024x1xf32>
    %add3A_65 = arith.addf %slice3A_63, %slice3A_64 : vector<1024x1xf32>
    %mul3A_66 = arith.constant 5.000000e-01 : f32
    %mul3A_67 = vector.broadcast %mul3A_66 : f32 to vector<1024x1xf32>
    %mul3A_68 = arith.mulf %mul3A_67, %add3A_65 : vector<1024x1xf32>
    %swap3A_69 = arith.constant 0 : index
    %swap3A_70 = arith.constant 0 : index
    %swap3A_71 = vector.load %arg15[%swap3A_69, %swap3A_70] : memref<1024x1xf32, #tpu.memory_space<vmem>>, vector<1024x1xf32>
    tpu.vector_store %arg15[%swap3A_69, %swap3A_70], %mul3A_68 {strides = array<i32>} : memref<1024x1xf32, #tpu.memory_space<vmem>>, vector<1024x1xf32>,
    %get3A_72 = arith.constant 2048 : index
    %get3A_73 = arith.constant 0 : index
    %get3A_74 = vector.load %arg1[%get3A_72, %get3A_73] : memref<4096x32xf32, #tpu.memory_space<vmem>>, vector<2048x32xf32>
    %get3A_75 = arith.constant 0 : index
    %get3A_76 = arith.constant 0 : index
    %get3A_77 = vector.load %arg6[%get3A_75, %get3A_76] : memref<32x32xf32, #tpu.memory_space<vmem>>, vector<32x32xf32>
    %dot_general3A_78 = arith.constant dense<0.000000e+00> : vector<2048x32xf32>
    %dot_general3A_79 = tpu.matmul %get3A_74, %get3A_77, %dot_general3A_78 {dimension_numbers = #tpu.dot_dimension_numbers<[1], [0], [0], [1], [0, 0, 1, 1], [], []>, transpose_lhs_hint = false} : vector<2048x32xf32>, vector<32x32xf32>, vector<2048x32xf32> -> vector<2048x32xf32>
    %get3A_80 = arith.constant 0 : index
    %get3A_81 = arith.constant 0 : index
    %get3A_82 = vector.load %arg7[%get3A_80, %get3A_81] : memref<1x32xf32, #tpu.memory_space<vmem>>, vector<1x32xf32>
    %add3A_83 = vector.broadcast %get3A_82 : vector<1x32xf32> to vector<2048x32xf32>
    %add3A_84 = arith.addf %dot_general3A_79, %add3A_83 : vector<2048x32xf32>
    %ge3A_85 = arith.constant 0.000000e+00 : f32
    %ge3A_86 = vector.broadcast %ge3A_85 : f32 to vector<2048x32xf32>
    %ge3A_87 = arith.cmpf oge, %add3A_84, %ge3A_86 : vector<2048x32xf32>
    %mul3A_88 = arith.constant 0.00999999977 : f32
    %mul3A_89 = vector.broadcast %mul3A_88 : f32 to vector<2048x32xf32>
    %mul3A_90 = arith.mulf %mul3A_89, %add3A_84 : vector<2048x32xf32>
    %select_n3A_91 = arith.select %ge3A_87, %add3A_84, %mul3A_90 : vector<2048x32xi1>, vector<2048x32xf32>
    %get3A_92 = arith.constant 0 : index
    %get3A_93 = arith.constant 0 : index
    %get3A_94 = vector.load %arg8[%get3A_92, %get3A_93] : memref<32x105xf32, #tpu.memory_space<vmem>>, vector<32x105xf32>
    %dot_general3A_95 = arith.constant dense<0.000000e+00> : vector<2048x105xf32>
    %dot_general3A_96 = tpu.matmul %select_n3A_91, %get3A_94, %dot_general3A_95 {dimension_numbers = #tpu.dot_dimension_numbers<[1], [0], [0], [1], [0, 0, 1, 1], [], []>, transpose_lhs_hint = false} : vector<2048x32xf32>, vector<32x105xf32>, vector<2048x105xf32> -> vector<2048x105xf32>
    %get3A_97 = arith.constant 0 : index
    %get3A_98 = arith.constant 0 : index
    %get3A_99 = vector.load %arg9[%get3A_97, %get3A_98] : memref<1x105xf32, #tpu.memory_space<vmem>>, vector<1x105xf32>
    %add3A_100 = vector.broadcast %get3A_99 : vector<1x105xf32> to vector<2048x105xf32>
    %add3A_101 = arith.addf %dot_general3A_96, %add3A_100 : vector<2048x105xf32>
    %swap3A_102 = arith.constant 0 : index
    %swap3A_103 = arith.constant 0 : index
    %swap3A_104 = vector.load %arg16[%swap3A_102, %swap3A_103] : memref<2048x105xf32, #tpu.memory_space<vmem>>, vector<2048x105xf32>
    tpu.vector_store %arg16[%swap3A_102, %swap3A_103], %add3A_101 {strides = array<i32>} : memref<2048x105xf32, #tpu.memory_space<vmem>>, vector<2048x105xf32>,
    return
  }
}

</mosaic_0001>

<sc_bundles>
// kernel: kernel.33.cloned.1.call-start
scs
__scs_entry_jumppad:
0x0: {  	(pc) =	sbr.rel $0x88, $3  }
0x1: {  	(tag) =	ssettag $0x0;
	lr =	simm.s32 $0x1  }
0x2: {  	[smem:$0x3F83] =	sst lr;
	_ =	strace $0xD0000000  }
0x3: {  	_ = 	snop  }
0x4: {  	_ = 	snop  }
0x5: {  	_ = 	snop  }
0x6: {  	_ = 	snop  }
0x7: {  	_ = 	snop  }
__scs_overlays_trampoline_lowered:
0x8: {  	[smem:$0x3F92] =	sst s0  }
0x9: {  	[smem:$0x3F93] =	sst s1  }
0xa: {  	[smem:$0x3F94] =	sst s2  }
0xb: {  	[smem:$0x3F95] =	sst s3  }
0xc: {  	[smem:$0x3F96] =	sst s4  }
0xd: {  	[smem:$0x3F97] =	sst s5  }
0xe: {  	[smem:$0x3F98] =	sst s6  }
0xf: {  	[smem:$0x3F99] =	sst s7  }
0x10: {  	[smem:$0x3F9A] =	sst s8  }
0x11: {  	[smem:$0x3F9B] =	sst s9;
	s0 =	simm.s32 @!p0 $0x0  }
0x12: {  	s1 =	sld [smem:$0x3F81];
	s0 =	simm.s32 @p0 $0x1  }
0x13: {  	[smem:$0x3F9C] =	sst s0;
	s0 =	simm.s32 @!p1 $0x0  }
0x14: {  	s2 =	sld [smem:$0x3F80];
	s0 =	simm.s32 @p1 $0x1  }
0x15: {  	[smem:$0x3F9D] =	sst s0;
	s0 =	simm.s32 @!p2 $0x0  }
0x16: {  	s3 =	sld [smem:$0x3FDB];
	s0 =	simm.s32 @p2 $0x1  }
0x17: {  	s4 =	simm.s32 $0x1BF5;
	[smem:$0x3F9F] =	sst s0  }
0x18: {  	s0 =	sld [smem:$0x3F82];
	_ =	swait.ge [sflag:s4], $0x0  }
0x19: {  	s7 =	sld [smem:$0x3F83]  }
0x1a: {  	s8 =	sadd.s32 $0xFFFFE003, lr  }
0x1b: {  	s9 =	sadd.s32 $0xFFFFFEF7, lr;
	s5 =	simm.s32 $0xFFFFFFFF;
	p2 =	slt.u32 s8, $0xFFFFF086  }
0x1c: {  	p1 =	slt.u32 s9, $0xF7A;
	s5 =	simm.s32 @!p2 $0x0  }
0x1d: {  	s5 =	simm.s32 @p1 $0x1;
	p0 =	seq.s32 s7, s2  }
0x1e: {  	s7 =	smul.u32 @!p0 $0xF7A, s2;
	p2 =	seq.s32 @!p0 s5, $0x0  }
0x1f: {  	s9 =	smul.u32 $0xF7A, s1;
	s8 =	simm.s32 @!p0 $0x1BF5;
	p2 =	por !p2, p0  }
0x20: {  	[sflag:s8] =	ssyncset.s32 @!p0 $0xFFFFF086;
	s6 =	sadd.s32 @!p0 s3, s7;
	s7 =	simm.s32 @!p0 $0x108  }
0x21: {  	s3 =	sadd.s32 s3, s9;
	s6 =	sadd.s32 @!p0 $0x88, s6;
	s7 =	simm.s32 @p2 $0x1082  }
0x22: {  	[simem:s7], [sflag:s8] =	dma.local @!p0 [hbm:s6], $0xF7A  }
0x23: {  	s9 =	sor.u32 $0xD0000000, s2;
	s6 =	simm.s32 $0x108;
	_ =	swait.ge @!p0 [sflag:s8], $0x0  }
0x24: {  	s3 =	sadd.s32 $0x88, s3;
	s6 =	simm.s32 @!p1 $0x1082;
	[sflag:s4] =	ssyncset.s32 $0xFFFFF086  }
0x25: {  	[simem:s6], [sflag:s4] =	dma.local [hbm:s3], $0xF7A  }
0x26: {  	[smem:$0x3F83] =	sst s1;
	(tag) =	ssettag s2;
	_ =	strace s9  }
0x27: {  	s1 =	sld [smem:$0x3F93]  }
0x28: {  	s2 =	sld [smem:$0x3F94]  }
0x29: {  	s4 =	sld [smem:$0x3F96]  }
0x2a: {  	p0 =	seq.s32 s5, $0x0;
	s5 =	sld [smem:$0x3F97]  }
0x2b: {  	s6 =	sld [smem:$0x3F98]  }
0x2c: {  	s7 =	sld [smem:$0x3F99]  }
0x2d: {  	s3 =	simm.s32 $0x108;
	s8 =	sld [smem:$0x3F9A]  }
0x2e: {  	s3 =	simm.s32 @!p0 $0x1082;
	s9 =	sld [smem:$0x3F9B]  }
0x2f: {  	lr =	sadd.s32 s0, s3;
	s0 =	sld [smem:$0x3F92]  }
0x30: {  	s3 =	sld [smem:$0x3F95]  }
0x31: {  	[smem:$0x3F9E] =	sst s10  }
0x32: {  	s10 =	sld [smem:$0x3F9C];
	_ =	sdelay $0x3  }
0x33: {  	p0 =	seq.s32 s10, $0x1;
	s10 =	sld [smem:$0x3F9E];
	_ =	sdelay $0x3  }
0x34: {  	[smem:$0x3F9E] =	sst s10  }
0x35: {  	s10 =	sld [smem:$0x3F9D];
	_ =	sdelay $0x3  }
0x36: {  	p1 =	seq.s32 s10, $0x1;
	s10 =	sld [smem:$0x3F9E];
	_ =	sdelay $0x3  }
0x37: {  	[smem:$0x3F9E] =	sst s10  }
0x38: {  	s10 =	sld [smem:$0x3F9F]  }
0x39: {  	_ = 	snop;
	(pc) =	sbr.ind lr, $3  }
0x3a: {  	_ = 	snop  }
0x3b: {  	_ = 	snop  }
0x3c: {  	p2 =	seq.s32 s10, $0x1;
	s10 =	sld [smem:$0x3F9E]  }
0x3d: {  	_ =	shalt  }
0x3e: {  	_ =	shalt  }
0x3f: {  	_ =	shalt  }
0x40: {  	_ =	shalt  }
0x41: {  	_ =	shalt  }
0x42: {  	_ =	shalt  }
0x43: {  	_ =	shalt  }
0x44: {  	_ =	shalt  }
0x45: {  	_ =	shalt  }
0x46: {  	_ =	shalt  }
0x47: {  	_ =	shalt  }
0x48: {  	_ =	shalt  }
0x49: {  	_ =	shalt  }
0x4a: {  	_ =	shalt  }
0x4b: {  	_ =	shalt  }
0x4c: {  	_ =	shalt  }
0x4d: {  	_ =	shalt  }
0x4e: {  	_ =	shalt  }
0x4f: {  	_ =	shalt  }
0x50: {  	_ =	shalt  }
0x51: {  	_ =	shalt  }
0x52: {  	_ =	shalt  }
0x53: {  	_ =	shalt  }
0x54: {  	_ =	shalt  }
0x55: {  	_ =	shalt  }
0x56: {  	_ =	shalt  }
0x57: {  	_ =	shalt  }
0x58: {  	_ =	shalt  }
0x59: {  	_ =	shalt  }
0x5a: {  	_ =	shalt  }
0x5b: {  	_ =	shalt  }
0x5c: {  	_ =	shalt  }
0x5d: {  	_ =	shalt  }
0x5e: {  	_ =	shalt  }
0x5f: {  	_ =	shalt  }
0x60: {  	_ =	shalt  }
0x61: {  	_ =	shalt  }
0x62: {  	_ =	shalt  }
0x63: {  	_ =	shalt  }
0x64: {  	_ =	shalt  }
0x65: {  	_ =	shalt  }
0x66: {  	_ =	shalt  }
0x67: {  	_ =	shalt  }
0x68: {  	_ =	shalt  }
0x69: {  	_ =	shalt  }
0x6a: {  	_ =	shalt  }
0x6b: {  	_ =	shalt  }
0x6c: {  	_ =	shalt  }
0x6d: {  	_ =	shalt  }
0x6e: {  	_ =	shalt  }
0x6f: {  	_ =	shalt  }
0x70: {  	_ =	shalt  }
0x71: {  	_ =	shalt  }
0x72: {  	_ =	shalt  }
0x73: {  	_ =	shalt  }
0x74: {  	_ =	shalt  }
0x75: {  	_ =	shalt  }
0x76: {  	_ =	shalt  }
0x77: {  	_ =	shalt  }
0x78: {  	_ =	shalt  }
0x79: {  	_ =	shalt  }
0x7a: {  	_ =	shalt  }
0x7b: {  	_ =	shalt  }
0x7c: {  	_ =	shalt  }
0x7d: {  	_ =	shalt  }
0x7e: {  	_ =	shalt  }
0x7f: {  	_ =	shalt  }
0x80: {  	_ =	shalt  }
0x81: {  	_ =	shalt  }
0x82: {  	_ =	shalt  }
0x83: {  	_ =	shalt  }
0x84: {  	_ =	shalt  }
0x85: {  	_ =	shalt  }
0x86: {  	_ =	shalt  }
0x87: {  	_ =	shalt  }
.Lfunc_end0:
.L_simem_size_0:
called_computation_lowered:
.L_overlay_start_0:
0x88: {  	s2 =	sld [smem:$0x3FD9]  }
0x89: {  	s3 =	sld [smem:$0x3FFE];
	_ =	sdelay $0x1  }
0x8a: {  	s1 =	srdreg.scid  }
0x8b: {  	s0 =	sand.u32 $0x1, s1  }
0x8c: {  	s16 =	sshll.u32 s0, $0xA;
	s2 =	sadd.s32 s3, s2  }
0x8d: {  	s2 =	sadd.s32 s2, s16  }
0x8e: {  	[smem:$0x3FAA] =	sst s2  }
0x8f: {  	_ = 	snop  }
0x90: {  	(tm) =	ssettm $0x1  }
0x91: {  	s17 =	sld [smem:$0x3FFB];
	_ =	sdelay $0x3  }
0x92: {  	_ =	strace s17  }
0x93: {  	s2 =	sld [smem:$0x3FFC];
	_ =	sdelay $0x3  }
0x94: {  	_ =	strace s2  }
0x95: {  	s2 =	sld [smem:$0x3FFD];
	_ =	sdelay $0x3  }
0x96: {  	_ =	strace s2  }
0x97: {  	_ =	strace $0x8FFFFFFF  }
0x98: {  	s18 =	sld [smem:$0x3FDB];
	_ =	sdelay $0x1  }
0x99: {  	s19 =	simm.s32 $_scs_section_size  }
0x9a: {  	s4 =	simm.s32 $_size__tile_overlayer_lowered;
	s5 =	simm.s32 $_tile_overlayer_lowered  }
0x9b: {  	s22 =	simm.s32 $0x1BFF;
	s21 =	sshll.u32 s5, $0x1;
	s2 =	sadd.s32 s19, s18  }
0x9c: {  	s6 =	simm.s32 $0x0;
	s20 =	sshll.u32 s4, $0x1;
	s4 =	sadd.s32 s21, s2  }
0x9d: {  	[timem:s6], [sflag:s22] =	dma.local [hbm:s4], s20  }
0x9e: {  	_ =	swait.ge [sflag:s22], s20  }
0x9f: {  	s3 =	ssub.s32 $0x0, s20;
	[sflag:s22] =	ssyncset.done $0x0  }
0xa0: {  	[sflag:s22] =	ssyncadd.s32 s3;
	_ =	sdelay $0x1  }
0xa1: {  	s23 =	simm.s32 $0x1B8B  }
0xa2: {  	_ =	swait.ge [sflag:s23], $0x1  }
0xa3: {  	[sflag:s23] =	ssyncset.done $0x0  }
0xa4: {  	s25 =	simm.s32 $0x1B8E;
	s24 =	sld [smem:$0x3FFE];
	[sflag:s23] =	ssyncadd.s32 $0xFFFFFFFF  }
0xa5: {  	s26 =	simm.s32 $execute0_lowered;
	[smem:$0x3FD2] =	sst s25  }
0xa6: {  	s4 =	sshll.u32 s26, $0x1;
	_ =	strace $0x80000046;
	[dreg:$0x1] =	wrdreg $0xFFFFFFFF  }
0xa7: {  	s28 =	simm.s32 $_size_execute0_lowered;
	s2 =	sadd.s32 s2, s4;
	[dreg:$0x0] =	wrdreg $0x0  }
0xa8: {  	s4 =	sshll.u32 s28, $0x1;
	[dreg:$0x2] =	wrdreg s2  }
0xa9: {  	[dreg:$0x3] =	wrdreg s4  }
0xaa: {  	[dreg:$0x4] =	wrdreg $0xC0  }
0xab: {  	_ =	task [dreg:s6], $0x5FFFF  }
0xac: {  	[dreg:$0x1] =	wrdreg $0xFFFFFFFF  }
0xad: {  	[dreg:$0x0] =	wrdreg $0x60  }
0xae: {  	[dreg:$0x2] =	wrdreg s24  }
0xaf: {  	[dreg:$0x3] =	wrdreg $0x10800  }
0xb0: {  	[dreg:$0x4] =	wrdreg $0x9  }
0xb1: {  	_ =	task.clear_ibuf [dreg:s6], $0x5FFFF;
	_ =	strace $0x90000046  }
0xb2: {  	s29 =	simm.s32 $0x9;
	_ =	strace $0x80000048  }
0xb3: {  	_ =	swait.ge [sflag:s29], $0x1  }
0xb4: {  	[sflag:s29] =	ssyncadd.s32 $0xFFFFFFFF  }
0xb5: {  	_ =	strace $0x90000048  }
0xb6: {  	_ =	sfence  }
0xb7: {  	s30 =	sld [smem:$0x0];
	_ =	sdelay $0x2  }
0xb8: {  	s31 =	sshll.u32 s1, $0xD;
	s1 =	sshrl.u32 s1, $0x2  }
0xb9: {  	s3 =	sand.u32 $0x4000, s31;
	s1 =	sadd.s32 s1, s30  }
0xba: {  	s0 =	sor.u32 s3, s0;
	s1 =	sshll.u32 s1, $0x11  }
0xbb: {  	s0 =	sor.u32 s1, s0  }
0xbc: {  	s0 =	sadd.s32 $0x8F2B, s0  }
0xbd: {  	[sflag:s0] =	ssyncadd.remote.s32 $0x1  }
0xbe: {  	_ =	sfence.sel $0xFFFF  }
0xbf: {  	[dreg:$0x0] =	wrdreg $0xFFFFFFFF;
	(pc) =	sbr.abs _section_cstart, $3  }
0xc0: {  	[dreg:$0x1] =	wrdreg $0xFFFFFFFF  }
0xc1: {  	_ =	task.clear_ibuf [dreg:s6], $0x2FFFF;
	_ =	strace $0x9FFFFFFF  }
0xc2: {  	(tm) =	ssettm $0x7FFFFFFF  }
0xc3: {  	_ =	shalt  }
tec
execute0_lowered:
.L_overlay_start_1:
0x0: {  	(tag) =	ssettag $0x1  }
0x1: {  	s6 =	rddreg [dreg:$0x0]  }
0x2: {  	s1 =	rddreg [dreg:$0x1];
	s2 =	srdreg.scid  }
0x3: {  	s0 =	rddreg [dreg:$0x2];
	s4 =	sand.u32 $0x1, s2  }
0x4: {  	s3 =	simm.s32 $0x0;
	s2 =	stileid.u32;
	s5 =	smul.u32 $0x4E200, s4  }
0x5: {  	[smem:$0x7FF] =	sst s3;
	s7 =	smul.u32 $0x4E00, s2  }
0x6: {  	s15 =	sadd.s32 $0x4E000, s1;
	_ =	strace $0x80000047;
	s26 =	smul.u32 $0x2710, s4  }
0x7: {  	s9 =	smul.u32 $0x9C40, s4;
	s4 =	ssub.s32 $0x2, s4;
	s12 =	sshll.u32 s2, $0x6  }
0x8: {  	s29 =	sshll.u32 s2, $0x9;
	s31 =	sshll.u32 s2, $0x4;
	p0 =	sne.s32 s2, $0xF  }
0x9: {  	s11 =	sshrl.u32 s4, $0x1;
	s8 =	sadd.s32 s5, s6;
	s14 =	sshrl.u32 s7, $0x3  }
0xa: {  	s10 =	sadd.s32 s26, s6;
	s9 =	sadd.s32 s9, s6;
	s11 =	ssub.s32 s4, s11  }
0xb: {  	s13 =	sadd.s32 s7, s1;
	s5 =	sor.u32 $0x1C01, s12;
	s12 =	simm.s32 $0x1  }
0xc: {  	s28 =	sadd.s32 s14, s6;
	s6 =	sadd.s32 $0x1FE00, s6;
	s7 =	sadd.s32 $0xBC400, s9  }
0xd: {  	s30 =	sadd.s32 s29, s8;
	s8 =	smax.u32 s11, $0x1;
	s10 =	sadd.s32 s31, s10  }
0xe: {  	s11 =	sshrl.u32 s13, $0x3;
	s13 =	sshrl.u32 @!p0 s15, $0x3;
	s4 =	sadd.s32 $0x16200, s28  }
0xf: {  	s9 =	sadd.s32 $0x20000, s30;
	s10 =	sadd.s32 $0x11200, s10;
	s14 =	sadd.s32 s14, s7  }
.LBB2_1:
0x10: {  	[spmem:s11], [sflag:s5] =	dma.local [hbm:s4], $0x9C0  }
0x11: {  	_ =	swait.ge [sflag:s12], $0x9C0  }
0x12: {  	[sflag:s12] =	ssyncset.done $0x0  }
0x13: {  	s15 =	simm.s32 @!p0 $0x1;
	[sflag:s12] =	ssyncadd.s32 $0xFFFFF640  }
0x14: {  	[spmem:s13], [sflag:s5] =	dma.local @!p0 [hbm:s6], $0x40  }
0x15: {  	_ =	swait.ge @!p0 [sflag:s15], $0x40  }
0x16: {  	s16 =	sadd.s32 $0x0, s2;
	[sflag:s15] =	ssyncset.done @!p0 $0x0  }
0x17: {  	p1 =	sgt.u32 s16, $0x270;
	[sflag:s15] =	ssyncadd.s32 @!p0 $0xFFFFFFC0  }
0x18: {  	s17 =	simm.s32 @!p1 $0x2;
	s15 =	simm.s32 @!p1 $0x0;
	[bflag:$0x0] =	sbarrier.arrive $0xFFFF  }
0x19: {  	[tilespmem:s15], [sflag:$0x2] =	stream.linear.gather @!p1 [hbm4b:s10+s15], $0x80, $0x38;
	[tilespmem:$0x5EA0] =	vst v63  }
0x1a: {  	_ =	swait.ge @!p1 [sflag:s17], $0x80  }
0x1b: {  	[sflag:s17] =	ssyncset.done @!p1 $0x0;
	p1 =	por p1, p1  }
0x1c: {  	[sflag:s17] =	ssyncadd.s32 @!p1 $0xFFFFFF80;
	s19 =	simm.s32 @!p1 $0x80  }
0x1d: {  	[tilespmem:s19], [sflag:$0x2] =	stream.linear.gather @!p1 [hbm4b:s9+s15], $0x1000, $0x38;
	[tilespmem:$0x5EA0] =	vst v63  }
0x1e: {  	_ =	swait.ge @!p1 [sflag:s17], $0x1000  }
0x1f: {  	[sflag:s17] =	ssyncset.done @!p1 $0x0  }
0x20: {  	s31 =	sadd.s32 $0x10, s2;
	s18 =	simm.s32 @!p1 $0x1;
	[sflag:s17] =	ssyncadd.s32 @!p1 $0xFFFFF000  }
0x21: {  	[spmem:s1] =	stream.indirect.scatter.add.f32 @!p1 [tilespmem:s19], [sflag:$0x1], $0x20, s15, s19, $0xb8;
	[tilespmem:$0x5EA0] =	vst v63  }
0x22: {  	s16 =	simm.s32 $0x20;
	p2 =	sgt.u32 s31, $0x270;
	_ =	swait.ge @!p1 [sflag:s18], $0x1000  }
0x23: {  	s17 =	sadd.s32 $0x100, s10;
	s15 =	sadd.s32 $0x2000, s9;
	[sflag:s18] =	ssyncset.done @!p1 $0x0  }
.LBB2_2:
0x24: {  	s19 =	simm.s32 @!p2 $0x0;
	s20 =	simm.s32 @!p2 $0x2;
	[sflag:s18] =	ssyncadd.s32 @!p1 $0xFFFFF000  }
0x25: {  	[tilespmem:s19], [sflag:$0x2] =	stream.linear.gather @!p2 [hbm4b:s17+s19], $0x80, $0x38;
	[tilespmem:$0x5EA0] =	vst v63  }
0x26: {  	s21 =	smov.u32 s16;
	s16 =	sadd.s32 $0x10, s16;
	_ =	swait.ge @!p2 [sflag:s20], $0x80  }
0x27: {  	p1 =	por p2, p2;
	p3 =	sne.s32 s16, $0x280;
	[sflag:s20] =	ssyncset.done @!p2 $0x0  }
0x28: {  	s22 =	simm.s32 @!p1 $0x80;
	[sflag:s20] =	ssyncadd.s32 @!p1 $0xFFFFFF80  }
0x29: {  	[tilespmem:s22], [sflag:$0x2] =	stream.linear.gather @!p1 [hbm4b:s15+s19], $0x1000, $0x38;
	[tilespmem:$0x5EA0] =	vst v63  }
0x2a: {  	_ =	swait.ge @!p1 [sflag:s20], $0x1000  }
.Ltmp0:
0x2b: {  	[sflag:s20] =	ssyncset.done @!p1 $0x0;
	(pc) =	sbr.rel @p3 .LBB2_2-.Ltmp0, $4  }
0x2c: {  	s18 =	simm.s32 @!p1 $0x1;
	[sflag:s20] =	ssyncadd.s32 @!p1 $0xFFFFF000  }
0x2d: {  	[spmem:s1] =	stream.indirect.scatter.add.f32 @!p1 [tilespmem:s22], [sflag:$0x1], $0x20, s19, s22, $0xb8;
	[tilespmem:$0x5EA0] =	vst v63  }
0x2e: {  	s17 =	sadd.s32 $0x100, s17;
	s19 =	sadd.s32 s21, s2;
	_ =	swait.ge @!p1 [sflag:s18], $0x1000  }
0x2f: {  	s15 =	sadd.s32 $0x2000, s15;
	p2 =	sgt.u32 s19, $0x270;
	[sflag:s18] =	ssyncset.done @!p1 $0x0  }
0x30: {  	s16 =	simm.s32 @!p2 $0x0;
	s19 =	simm.s32 @!p2 $0x2;
	[sflag:s18] =	ssyncadd.s32 @!p1 $0xFFFFF000  }
0x31: {  	[tilespmem:s16], [sflag:$0x2] =	stream.linear.gather @!p2 [hbm4b:s17+s16], $0x80, $0x38;
	[tilespmem:$0x5EA0] =	vst v63  }
0x32: {  	_ =	swait.ge @!p2 [sflag:s19], $0x80  }
0x33: {  	p1 =	por p2, p2;
	[sflag:s19] =	ssyncset.done @!p2 $0x0  }
0x34: {  	s17 =	simm.s32 @!p1 $0x80;
	[sflag:s19] =	ssyncadd.s32 @!p1 $0xFFFFFF80  }
0x35: {  	[tilespmem:s17], [sflag:$0x2] =	stream.linear.gather @!p1 [hbm4b:s15+s16], $0x1000, $0x38;
	[tilespmem:$0x5EA0] =	vst v63  }
0x36: {  	_ =	swait.ge @!p1 [sflag:s19], $0x1000  }
0x37: {  	[sflag:s19] =	ssyncset.done @!p1 $0x0  }
0x38: {  	s15 =	simm.s32 @!p1 $0x1;
	[sflag:s19] =	ssyncadd.s32 @!p1 $0xFFFFF000  }
0x39: {  	[spmem:s1] =	stream.indirect.scatter.add.f32 @!p1 [tilespmem:s17], [sflag:$0x1], $0x20, s16, s17, $0xb8;
	[tilespmem:$0x5EA0] =	vst v63  }
0x3a: {  	_ =	swait.ge @!p1 [sflag:s15], $0x1000  }
0x3b: {  	[sflag:s15] =	ssyncset.done @!p1 $0x0  }
0x3c: {  	[sflag:s15] =	ssyncadd.s32 @!p1 $0xFFFFF000  }
0x3d: {  	[bflag:$0x0] =	sbarrier.arrive $0xFFFF  }
0x3e: {  	[hbm:s14], [sflag:s5] =	dma.local [spmem:s11], $0x9C0  }
0x3f: {  	_ =	swait.ge [sflag:s12], $0x9C0  }
0x40: {  	s3 =	sadd.s32 $0x1, s3;
	[sflag:s12] =	ssyncset.done $0x0  }
0x41: {  	s15 =	sadd.s32 @!p0 $0x9C00, s7;
	p1 =	sne.s32 s3, s8;
	[sflag:s12] =	ssyncadd.s32 $0xFFFFF640  }
0x42: {  	[hbm:s15], [sflag:s5] =	dma.local @!p0 [spmem:s13], $0x40  }
.Ltmp1:
0x43: {  	_ = 	snop;
	(pc) =	sbr.rel @p1 .LBB2_1-.Ltmp1, $4  }
0x44: {  	s15 =	simm.s32 @!p0 $0x1  }
0x45: {  	_ =	swait.ge @!p0 [sflag:s15], $0x40  }
0x46: {  	[sflag:s15] =	ssyncset.done @!p0 $0x0  }
0x47: {  	[sflag:s15] =	ssyncadd.s32 @!p0 $0xFFFFFFC0  }
0x48: {  	_ =	sfence.sel $0x180000  }
0x49: {  	[bflag:$0x0] =	sbarrier.arrive $0xFFFF  }
0x4a: {  	p0 =	sne.s32 s2, $0x0;
	_ =	strace $0x90000047  }
0x4b: {  	s0 =	sadd.s32 @!p0 $0x100000, s0;
	[bflag:$0x2] =	sbarrier.arrive $0xFFFF  }
0x4c: {  	[sflag:s0] =	ssyncadd.tile.s32 @!p0 $0x1;
	_ =	shalt  }
.Lfunc_end2:
_tile_overlayer_lowered:
.L_overlay_start_2:
0x4d: {  	(tag) =	ssettag $0x2  }
0x4e: {  	s0 =	rddreg [dreg:$0x0];
	s2 =	stileid.u32  }
0x4f: {  	s1 =	rddreg [dreg:$0x1];
	p0 =	sne.s32 s2, $0x0  }
0x50: {  	s3 =	rddreg [dreg:$0x2];
	[bflag:$0x3] =	sbarrier.arrive $0xFFFF;
	s2 =	simm.s32 @!p0 $0x1C01  }
0x51: {  	[timem:s3], [sflag:s2] =	dma.local @!p0 [hbm:s0], s1  }
0x52: {  	s0 =	simm.s32 @!p0 $0x1  }
0x53: {  	_ =	swait.ge @!p0 [sflag:s0], s1  }
0x54: {  	s1 =	ssub.s32 @!p0 $0x0, s1;
	[sflag:s0] =	ssyncset.done @!p0 $0x0  }
0x55: {  	[sflag:s0] =	ssyncadd.s32 @!p0 s1  }
0x56: {  	[bflag:$0x3] =	sbarrier.arrive $0xFFFF  }
0x57: {  	_ =	shalt  }

// kernel: kernel.36.cloned.1.call-start
scs
__scs_entry_jumppad:
0x0: {  	(pc) =	sbr.rel $0x88, $3  }
0x1: {  	(tag) =	ssettag $0x0;
	lr =	simm.s32 $0x1  }
0x2: {  	[smem:$0x3F83] =	sst lr;
	_ =	strace $0xD0000000  }
0x3: {  	_ = 	snop  }
0x4: {  	_ = 	snop  }
0x5: {  	_ = 	snop  }
0x6: {  	_ = 	snop  }
0x7: {  	_ = 	snop  }
__scs_overlays_trampoline_lowered:
0x8: {  	[smem:$0x3F92] =	sst s0  }
0x9: {  	[smem:$0x3F93] =	sst s1  }
0xa: {  	[smem:$0x3F94] =	sst s2  }
0xb: {  	[smem:$0x3F95] =	sst s3  }
0xc: {  	[smem:$0x3F96] =	sst s4  }
0xd: {  	[smem:$0x3F97] =	sst s5  }
0xe: {  	[smem:$0x3F98] =	sst s6  }
0xf: {  	[smem:$0x3F99] =	sst s7  }
0x10: {  	[smem:$0x3F9A] =	sst s8  }
0x11: {  	[smem:$0x3F9B] =	sst s9;
	s0 =	simm.s32 @!p0 $0x0  }
0x12: {  	s1 =	sld [smem:$0x3F81];
	s0 =	simm.s32 @p0 $0x1  }
0x13: {  	[smem:$0x3F9C] =	sst s0;
	s0 =	simm.s32 @!p1 $0x0  }
0x14: {  	s2 =	sld [smem:$0x3F80];
	s0 =	simm.s32 @p1 $0x1  }
0x15: {  	[smem:$0x3F9D] =	sst s0;
	s0 =	simm.s32 @!p2 $0x0  }
0x16: {  	s3 =	sld [smem:$0x3FDB];
	s0 =	simm.s32 @p2 $0x1  }
0x17: {  	s4 =	simm.s32 $0x1BF5;
	[smem:$0x3F9F] =	sst s0  }
0x18: {  	s0 =	sld [smem:$0x3F82];
	_ =	swait.ge [sflag:s4], $0x0  }
0x19: {  	s7 =	sld [smem:$0x3F83]  }
0x1a: {  	s8 =	sadd.s32 $0xFFFFE003, lr  }
0x1b: {  	s9 =	sadd.s32 $0xFFFFFEF7, lr;
	s5 =	simm.s32 $0xFFFFFFFF;
	p2 =	slt.u32 s8, $0xFFFFF086  }
0x1c: {  	p1 =	slt.u32 s9, $0xF7A;
	s5 =	simm.s32 @!p2 $0x0  }
0x1d: {  	s5 =	simm.s32 @p1 $0x1;
	p0 =	seq.s32 s7, s2  }
0x1e: {  	s7 =	smul.u32 @!p0 $0xF7A, s2;
	p2 =	seq.s32 @!p0 s5, $0x0  }
0x1f: {  	s9 =	smul.u32 $0xF7A, s1;
	s8 =	simm.s32 @!p0 $0x1BF5;
	p2 =	por !p2, p0  }
0x20: {  	[sflag:s8] =	ssyncset.s32 @!p0 $0xFFFFF086;
	s6 =	sadd.s32 @!p0 s3, s7;
	s7 =	simm.s32 @!p0 $0x108  }
0x21: {  	s3 =	sadd.s32 s3, s9;
	s6 =	sadd.s32 @!p0 $0x88, s6;
	s7 =	simm.s32 @p2 $0x1082  }
0x22: {  	[simem:s7], [sflag:s8] =	dma.local @!p0 [hbm:s6], $0xF7A  }
0x23: {  	s9 =	sor.u32 $0xD0000000, s2;
	s6 =	simm.s32 $0x108;
	_ =	swait.ge @!p0 [sflag:s8], $0x0  }
0x24: {  	s3 =	sadd.s32 $0x88, s3;
	s6 =	simm.s32 @!p1 $0x1082;
	[sflag:s4] =	ssyncset.s32 $0xFFFFF086  }
0x25: {  	[simem:s6], [sflag:s4] =	dma.local [hbm:s3], $0xF7A  }
0x26: {  	[smem:$0x3F83] =	sst s1;
	(tag) =	ssettag s2;
	_ =	strace s9  }
0x27: {  	s1 =	sld [smem:$0x3F93]  }
0x28: {  	s2 =	sld [smem:$0x3F94]  }
0x29: {  	s4 =	sld [smem:$0x3F96]  }
0x2a: {  	p0 =	seq.s32 s5, $0x0;
	s5 =	sld [smem:$0x3F97]  }
0x2b: {  	s6 =	sld [smem:$0x3F98]  }
0x2c: {  	s7 =	sld [smem:$0x3F99]  }
0x2d: {  	s3 =	simm.s32 $0x108;
	s8 =	sld [smem:$0x3F9A]  }
0x2e: {  	s3 =	simm.s32 @!p0 $0x1082;
	s9 =	sld [smem:$0x3F9B]  }
0x2f: {  	lr =	sadd.s32 s0, s3;
	s0 =	sld [smem:$0x3F92]  }
0x30: {  	s3 =	sld [smem:$0x3F95]  }
0x31: {  	[smem:$0x3F9E] =	sst s10  }
0x32: {  	s10 =	sld [smem:$0x3F9C];
	_ =	sdelay $0x3  }
0x33: {  	p0 =	seq.s32 s10, $0x1;
	s10 =	sld [smem:$0x3F9E];
	_ =	sdelay $0x3  }
0x34: {  	[smem:$0x3F9E] =	sst s10  }
0x35: {  	s10 =	sld [smem:$0x3F9D];
	_ =	sdelay $0x3  }
0x36: {  	p1 =	seq.s32 s10, $0x1;
	s10 =	sld [smem:$0x3F9E];
	_ =	sdelay $0x3  }
0x37: {  	[smem:$0x3F9E] =	sst s10  }
0x38: {  	s10 =	sld [smem:$0x3F9F]  }
0x39: {  	_ = 	snop;
	(pc) =	sbr.ind lr, $3  }
0x3a: {  	_ = 	snop  }
0x3b: {  	_ = 	snop  }
0x3c: {  	p2 =	seq.s32 s10, $0x1;
	s10 =	sld [smem:$0x3F9E]  }
0x3d: {  	_ =	shalt  }
0x3e: {  	_ =	shalt  }
0x3f: {  	_ =	shalt  }
0x40: {  	_ =	shalt  }
0x41: {  	_ =	shalt  }
0x42: {  	_ =	shalt  }
0x43: {  	_ =	shalt  }
0x44: {  	_ =	shalt  }
0x45: {  	_ =	shalt  }
0x46: {  	_ =	shalt  }
0x47: {  	_ =	shalt  }
0x48: {  	_ =	shalt  }
0x49: {  	_ =	shalt  }
0x4a: {  	_ =	shalt  }
0x4b: {  	_ =	shalt  }
0x4c: {  	_ =	shalt  }
0x4d: {  	_ =	shalt  }
0x4e: {  	_ =	shalt  }
0x4f: {  	_ =	shalt  }
0x50: {  	_ =	shalt  }
0x51: {  	_ =	shalt  }
0x52: {  	_ =	shalt  }
0x53: {  	_ =	shalt  }
0x54: {  	_ =	shalt  }
0x55: {  	_ =	shalt  }
0x56: {  	_ =	shalt  }
0x57: {  	_ =	shalt  }
0x58: {  	_ =	shalt  }
0x59: {  	_ =	shalt  }
0x5a: {  	_ =	shalt  }
0x5b: {  	_ =	shalt  }
0x5c: {  	_ =	shalt  }
0x5d: {  	_ =	shalt  }
0x5e: {  	_ =	shalt  }
0x5f: {  	_ =	shalt  }
0x60: {  	_ =	shalt  }
0x61: {  	_ =	shalt  }
0x62: {  	_ =	shalt  }
0x63: {  	_ =	shalt  }
0x64: {  	_ =	shalt  }
0x65: {  	_ =	shalt  }
0x66: {  	_ =	shalt  }
0x67: {  	_ =	shalt  }
0x68: {  	_ =	shalt  }
0x69: {  	_ =	shalt  }
0x6a: {  	_ =	shalt  }
0x6b: {  	_ =	shalt  }
0x6c: {  	_ =	shalt  }
0x6d: {  	_ =	shalt  }
0x6e: {  	_ =	shalt  }
0x6f: {  	_ =	shalt  }
0x70: {  	_ =	shalt  }
0x71: {  	_ =	shalt  }
0x72: {  	_ =	shalt  }
0x73: {  	_ =	shalt  }
0x74: {  	_ =	shalt  }
0x75: {  	_ =	shalt  }
0x76: {  	_ =	shalt  }
0x77: {  	_ =	shalt  }
0x78: {  	_ =	shalt  }
0x79: {  	_ =	shalt  }
0x7a: {  	_ =	shalt  }
0x7b: {  	_ =	shalt  }
0x7c: {  	_ =	shalt  }
0x7d: {  	_ =	shalt  }
0x7e: {  	_ =	shalt  }
0x7f: {  	_ =	shalt  }
0x80: {  	_ =	shalt  }
0x81: {  	_ =	shalt  }
0x82: {  	_ =	shalt  }
0x83: {  	_ =	shalt  }
0x84: {  	_ =	shalt  }
0x85: {  	_ =	shalt  }
0x86: {  	_ =	shalt  }
0x87: {  	_ =	shalt  }
.Lfunc_end0:
.L_simem_size_0:
called_computation.1_lowered:
.L_overlay_start_0:
0x88: {  	s2 =	sld [smem:$0x3FD9]  }
0x89: {  	s3 =	sld [smem:$0x3FFE];
	_ =	sdelay $0x1  }
0x8a: {  	s1 =	srdreg.scid  }
0x8b: {  	s0 =	sand.u32 $0x1, s1  }
0x8c: {  	s14 =	sshll.u32 s0, $0xA;
	s2 =	sadd.s32 s3, s2  }
0x8d: {  	s2 =	sadd.s32 s2, s14  }
0x8e: {  	[smem:$0x3FAA] =	sst s2  }
0x8f: {  	_ = 	snop  }
0x90: {  	s2 =	sld [smem:$0x3FD0];
	_ =	sdelay $0x2  }
0x91: {  	s15 =	simm.s32 $0xA;
	s4 =	simm.s32 $0x10  }
0x92: {  	[smem:s4], [sflag:s15] =	dma.local [hbm:s2], $0x1  }
0x93: {  	_ =	swait.eq [sflag:s15], $0x1  }
0x94: {  	[sflag:s15] =	ssyncset.done $0x0  }
0x95: {  	[sflag:s15] =	ssyncadd.s32 $0xFFFFFFFF  }
0x96: {  	s16 =	sld [smem:$0x12];
	(tm) =	ssettm $0x1  }
0x97: {  	s17 =	sld [smem:$0x3FFB];
	_ =	sdelay $0x3  }
0x98: {  	_ =	strace s17  }
0x99: {  	s3 =	sld [smem:$0x3FFC];
	_ =	sdelay $0x3  }
0x9a: {  	_ =	strace s3  }
0x9b: {  	s3 =	sld [smem:$0x3FFD];
	_ =	sdelay $0x3  }
0x9c: {  	_ =	strace s3  }
0x9d: {  	_ =	strace $0x8FFFFFFF  }
0x9e: {  	s18 =	sld [smem:$0x3FDB];
	_ =	sdelay $0x1  }
0x9f: {  	s19 =	simm.s32 $_scs_section_size  }
0xa0: {  	s5 =	simm.s32 $_size__tile_overlayer_lowered;
	s6 =	simm.s32 $_tile_overlayer_lowered  }
0xa1: {  	s22 =	simm.s32 $0x1BFF;
	s21 =	sshll.u32 s6, $0x1;
	s3 =	sadd.s32 s19, s18  }
0xa2: {  	s7 =	simm.s32 $0x0;
	s20 =	sshll.u32 s5, $0x1;
	s5 =	sadd.s32 s21, s3  }
0xa3: {  	[timem:s7], [sflag:s22] =	dma.local [hbm:s5], s20  }
0xa4: {  	_ =	swait.ge [sflag:s22], s20  }
0xa5: {  	s4 =	ssub.s32 $0x0, s20;
	[sflag:s22] =	ssyncset.done $0x0  }
0xa6: {  	[sflag:s22] =	ssyncadd.s32 s4;
	_ =	sdelay $0x1  }
0xa7: {  	s23 =	simm.s32 $0x1B8B  }
0xa8: {  	_ =	swait.ge [sflag:s23], $0x1  }
0xa9: {  	[sflag:s23] =	ssyncset.done $0x0  }
0xaa: {  	s25 =	simm.s32 $0x1B8E;
	s24 =	sld [smem:$0x3FFE];
	[sflag:s23] =	ssyncadd.s32 $0xFFFFFFFF  }
0xab: {  	s26 =	simm.s32 $execute0_lowered;
	[smem:$0x3FD2] =	sst s25  }
0xac: {  	s5 =	sshll.u32 s26, $0x1;
	_ =	strace $0x80000049;
	[dreg:$0x1] =	wrdreg $0xFFFFFFFF  }
0xad: {  	s28 =	simm.s32 $_size_execute0_lowered;
	s3 =	sadd.s32 s3, s5;
	[dreg:$0x0] =	wrdreg $0x0  }
0xae: {  	s5 =	sshll.u32 s28, $0x1;
	[dreg:$0x2] =	wrdreg s3  }
0xaf: {  	[dreg:$0x3] =	wrdreg s5  }
0xb0: {  	[dreg:$0x4] =	wrdreg $0xC0  }
0xb1: {  	_ =	task [dreg:s7], $0x5FFFF  }
0xb2: {  	[dreg:$0x1] =	wrdreg $0xFFFFFFFF  }
0xb3: {  	[dreg:$0x0] =	wrdreg $0x60  }
0xb4: {  	[dreg:$0x2] =	wrdreg s24  }
0xb5: {  	[dreg:$0x3] =	wrdreg s16  }
0xb6: {  	[dreg:$0x4] =	wrdreg $0x9  }
0xb7: {  	_ =	task.clear_ibuf [dreg:s7], $0x5FFFF;
	_ =	strace $0x90000049  }
0xb8: {  	s29 =	simm.s32 $0x9;
	_ =	strace $0x8000004B  }
0xb9: {  	_ =	swait.ge [sflag:s29], $0x1  }
0xba: {  	[sflag:s29] =	ssyncadd.s32 $0xFFFFFFFF  }
0xbb: {  	_ =	strace $0x9000004B  }
0xbc: {  	_ =	sfence  }
0xbd: {  	s30 =	sld [smem:$0x0];
	_ =	sdelay $0x2  }
0xbe: {  	s31 =	sshll.u32 s1, $0xD;
	s1 =	sshrl.u32 s1, $0x2  }
0xbf: {  	s3 =	sand.u32 $0x4000, s31;
	s1 =	sadd.s32 s1, s30  }
0xc0: {  	s0 =	sor.u32 s3, s0;
	s1 =	sshll.u32 s1, $0x11  }
0xc1: {  	s0 =	sor.u32 s1, s0  }
0xc2: {  	s0 =	sadd.s32 $0x8F2B, s0  }
0xc3: {  	[sflag:s0] =	ssyncadd.remote.s32 $0x1  }
0xc4: {  	_ =	sfence.sel $0xFFFF  }
0xc5: {  	[dreg:$0x0] =	wrdreg $0xFFFFFFFF;
	(pc) =	sbr.abs _section_cstart, $3  }
0xc6: {  	[dreg:$0x1] =	wrdreg $0xFFFFFFFF  }
0xc7: {  	_ =	task.clear_ibuf [dreg:s7], $0x2FFFF;
	_ =	strace $0x9FFFFFFF  }
0xc8: {  	(tm) =	ssettm $0x7FFFFFFF  }
0xc9: {  	_ =	shalt  }
tec
execute0_lowered:
.L_overlay_start_1:
0x0: {  	(tag) =	ssettag $0x1  }
0x1: {  	s4 =	rddreg [dreg:$0x0]  }
0x2: {  	s5 =	rddreg [dreg:$0x1]  }
0x3: {  	s0 =	rddreg [dreg:$0x2]  }
0x4: {  	s2 =	simm.s32 $0x0;
	s3 =	srdreg.scid;
	s1 =	stileid.u32  }
0x5: {  	[smem:$0x7FF] =	sst s2;
	s6 =	sand.u32 $0x1, s3;
	s3 =	sadd.s32 $0x6E400, s4  }
0x6: {  	s7 =	sshll.u32 s1, $0xA;
	s31 =	sshll.u32 s1, $0x5;
	_ =	strace $0x8000004A  }
0x7: {  	s8 =	ssub.s32 $0x2, s6;
	s4 =	sadd.s32 s7, s4;
	s9 =	sshll.u32 s6, $0x9  }
0x8: {  	s10 =	sshll.u32 s6, $0x4;
	s29 =	sshrl.u32 s8, $0x1;
	s30 =	sadd.s32 s9, s4  }
0x9: {  	s4 =	sshll.u32 s1, $0x1;
	s9 =	sadd.s32 s31, s5;
	s7 =	ssub.s32 s8, s29  }
0xa: {  	s6 =	sadd.s32 $0x78200, s30;
	s5 =	smax.u32 s7, $0x1;
	s7 =	sadd.s32 s10, s9  }
.LBB2_1:
0xb: {  	s8 =	sadd.s32 $0x0, s4  }
0xc: {  	p0 =	sgt.u32 s8, $0x4E1  }
0xd: {  	s8 =	simm.s32 @!p0 $0x0;
	s9 =	simm.s32 @!p0 $0x3  }
0xe: {  	[tilespmem:s8], [sflag:$0x3] =	stream.linear.gather @!p0 [hbm4b:s7+s8], $0x80, $0x38;
	[tilespmem:$0x1080] =	vst v63  }
0xf: {  	_ =	swait.ge @!p0 [sflag:s9], $0x80  }
0x10: {  	[sflag:s9] =	ssyncset.done @!p0 $0x0;
	p0 =	por p0, p0  }
0x11: {  	[sflag:s9] =	ssyncadd.s32 @!p0 $0xFFFFFF80;
	s10 =	simm.s32 @!p0 $0x80;
	s11 =	simm.s32 @!p0 $0x1  }
0x12: {  	[tilespmem:s10], [sflag:$0x1] =	stream.indirect.gather @!p0 [hbm4b:s3+s10], $0x20, s8, s10, $0xb8;
	[tilespmem:$0x1080] =	vst v63  }
0x13: {  	_ =	swait.ge @!p0 [sflag:s11], $0x1000  }
0x14: {  	[sflag:s11] =	ssyncset.done @!p0 $0x0  }
0x15: {  	s31 =	sadd.s32 $0x20, s4;
	[sflag:s11] =	ssyncadd.s32 @!p0 $0xFFFFF000;
	s11 =	simm.s32 @!p0 $0x2  }
0x16: {  	[hbm4b:s6+s8] =	stream.linear.scatter @!p0 [tilespmem:s10], [sflag:$0x2], $0x1000, $0x38;
	[tilespmem:$0x1080] =	vst v63  }
0x17: {  	p1 =	sgt.u32 s31, $0x4E1;
	s9 =	simm.s32 $0x40;
	_ =	swait.ge @!p0 [sflag:s11], $0x1000  }
0x18: {  	s10 =	sadd.s32 $0x200, s7;
	s8 =	sadd.s32 $0x4000, s6;
	[sflag:s11] =	ssyncset.done @!p0 $0x0  }
.LBB2_2:
0x19: {  	s12 =	simm.s32 @!p1 $0x0;
	s13 =	simm.s32 @!p1 $0x3;
	[sflag:s11] =	ssyncadd.s32 @!p0 $0xFFFFF000  }
0x1a: {  	[tilespmem:s12], [sflag:$0x3] =	stream.linear.gather @!p1 [hbm4b:s10+s12], $0x80, $0x38;
	[tilespmem:$0x1080] =	vst v63  }
0x1b: {  	s14 =	smov.u32 s9;
	s9 =	sadd.s32 $0x20, s9;
	_ =	swait.ge @!p1 [sflag:s13], $0x80  }
0x1c: {  	p0 =	por p1, p1;
	p2 =	sne.s32 s9, $0x500;
	[sflag:s13] =	ssyncset.done @!p1 $0x0  }
0x1d: {  	s11 =	simm.s32 @!p0 $0x1;
	[sflag:s13] =	ssyncadd.s32 @!p0 $0xFFFFFF80;
	s13 =	simm.s32 @!p0 $0x80  }
0x1e: {  	[tilespmem:s13], [sflag:$0x1] =	stream.indirect.gather @!p0 [hbm4b:s3+s13], $0x20, s12, s13, $0xb8;
	[tilespmem:$0x1080] =	vst v63  }
0x1f: {  	_ =	swait.ge @!p0 [sflag:s11], $0x1000  }
.Ltmp0:
0x20: {  	[sflag:s11] =	ssyncset.done @!p0 $0x0;
	(pc) =	sbr.rel @p2 .LBB2_2-.Ltmp0, $4  }
0x21: {  	[sflag:s11] =	ssyncadd.s32 @!p0 $0xFFFFF000;
	s11 =	simm.s32 @!p0 $0x2  }
0x22: {  	[hbm4b:s8+s12] =	stream.linear.scatter @!p0 [tilespmem:s13], [sflag:$0x2], $0x1000, $0x38;
	[tilespmem:$0x1080] =	vst v63  }
0x23: {  	s10 =	sadd.s32 $0x200, s10;
	s12 =	sadd.s32 s14, s4;
	_ =	swait.ge @!p0 [sflag:s11], $0x1000  }
0x24: {  	s8 =	sadd.s32 $0x4000, s8;
	p1 =	sgt.u32 s12, $0x4E1;
	[sflag:s11] =	ssyncset.done @!p0 $0x0  }
0x25: {  	s9 =	simm.s32 @!p1 $0x0;
	s12 =	simm.s32 @!p1 $0x3;
	[sflag:s11] =	ssyncadd.s32 @!p0 $0xFFFFF000  }
0x26: {  	[tilespmem:s9], [sflag:$0x3] =	stream.linear.gather @!p1 [hbm4b:s10+s9], $0x80, $0x38;
	[tilespmem:$0x1080] =	vst v63  }
0x27: {  	_ =	swait.ge @!p1 [sflag:s12], $0x80  }
0x28: {  	p0 =	por p1, p1;
	[sflag:s12] =	ssyncset.done @!p1 $0x0  }
0x29: {  	s10 =	simm.s32 @!p0 $0x80;
	s11 =	simm.s32 @!p0 $0x1;
	[sflag:s12] =	ssyncadd.s32 @!p0 $0xFFFFFF80  }
0x2a: {  	[tilespmem:s10], [sflag:$0x1] =	stream.indirect.gather @!p0 [hbm4b:s3+s10], $0x20, s9, s10, $0xb8;
	[tilespmem:$0x1080] =	vst v63  }
0x2b: {  	s2 =	sadd.s32 $0x1, s2;
	_ =	swait.ge @!p0 [sflag:s11], $0x1000  }
0x2c: {  	p1 =	sne.s32 s2, s5;
	[sflag:s11] =	ssyncset.done @!p0 $0x0  }
.Ltmp1:
0x2d: {  	[sflag:s11] =	ssyncadd.s32 @!p0 $0xFFFFF000;
	s11 =	simm.s32 @!p0 $0x2;
	(pc) =	sbr.rel @p1 .LBB2_1-.Ltmp1, $4  }
0x2e: {  	[hbm4b:s8+s9] =	stream.linear.scatter @!p0 [tilespmem:s10], [sflag:$0x2], $0x1000, $0x38;
	[tilespmem:$0x1080] =	vst v63  }
0x2f: {  	_ =	swait.ge @!p0 [sflag:s11], $0x1000  }
0x30: {  	[sflag:s11] =	ssyncset.done @!p0 $0x0  }
0x31: {  	[sflag:s11] =	ssyncadd.s32 @!p0 $0xFFFFF000  }
0x32: {  	_ =	sfence.sel $0x180000  }
0x33: {  	[bflag:$0x0] =	sbarrier.arrive $0xFFFF  }
0x34: {  	p0 =	sne.s32 s1, $0x0;
	_ =	strace $0x9000004A  }
0x35: {  	s0 =	sadd.s32 @!p0 $0x100000, s0;
	[bflag:$0x2] =	sbarrier.arrive $0xFFFF  }
0x36: {  	[sflag:s0] =	ssyncadd.tile.s32 @!p0 $0x1;
	_ =	shalt  }
.Lfunc_end2:
_tile_overlayer_lowered:
.L_overlay_start_2:
0x37: {  	(tag) =	ssettag $0x2  }
0x38: {  	s0 =	rddreg [dreg:$0x0];
	s2 =	stileid.u32  }
0x39: {  	s1 =	rddreg [dreg:$0x1];
	p0 =	sne.s32 s2, $0x0  }
0x3a: {  	s3 =	rddreg [dreg:$0x2];
	[bflag:$0x3] =	sbarrier.arrive $0xFFFF;
	s2 =	simm.s32 @!p0 $0x1C02  }
0x3b: {  	[timem:s3], [sflag:s2] =	dma.local @!p0 [hbm:s0], s1  }
0x3c: {  	s0 =	simm.s32 @!p0 $0x2  }
0x3d: {  	_ =	swait.ge @!p0 [sflag:s0], s1  }
0x3e: {  	s1 =	ssub.s32 @!p0 $0x0, s1;
	[sflag:s0] =	ssyncset.done @!p0 $0x0  }
0x3f: {  	[sflag:s0] =	ssyncadd.s32 @!p0 s1  }
0x40: {  	[bflag:$0x3] =	sbarrier.arrive $0xFFFF  }
0x41: {  	_ =	shalt  }

// kernel: kernel.39.cloned.1.call-start
scs
__scs_entry_jumppad:
0x0: {  	(pc) =	sbr.rel $0x88, $3  }
0x1: {  	(tag) =	ssettag $0x0;
	lr =	simm.s32 $0x1  }
0x2: {  	[smem:$0x3F83] =	sst lr;
	_ =	strace $0xD0000000  }
0x3: {  	_ = 	snop  }
0x4: {  	_ = 	snop  }
0x5: {  	_ = 	snop  }
0x6: {  	_ = 	snop  }
0x7: {  	_ = 	snop  }
__scs_overlays_trampoline_lowered:
0x8: {  	[smem:$0x3F92] =	sst s0  }
0x9: {  	[smem:$0x3F93] =	sst s1  }
0xa: {  	[smem:$0x3F94] =	sst s2  }
0xb: {  	[smem:$0x3F95] =	sst s3  }
0xc: {  	[smem:$0x3F96] =	sst s4  }
0xd: {  	[smem:$0x3F97] =	sst s5  }
0xe: {  	[smem:$0x3F98] =	sst s6  }
0xf: {  	[smem:$0x3F99] =	sst s7  }
0x10: {  	[smem:$0x3F9A] =	sst s8  }
0x11: {  	[smem:$0x3F9B] =	sst s9;
	s0 =	simm.s32 @!p0 $0x0  }
0x12: {  	s1 =	sld [smem:$0x3F81];
	s0 =	simm.s32 @p0 $0x1  }
0x13: {  	[smem:$0x3F9C] =	sst s0;
	s0 =	simm.s32 @!p1 $0x0  }
0x14: {  	s2 =	sld [smem:$0x3F80];
	s0 =	simm.s32 @p1 $0x1  }
0x15: {  	[smem:$0x3F9D] =	sst s0;
	s0 =	simm.s32 @!p2 $0x0  }
0x16: {  	s3 =	sld [smem:$0x3FDB];
	s0 =	simm.s32 @p2 $0x1  }
0x17: {  	s4 =	simm.s32 $0x1BF5;
	[smem:$0x3F9F] =	sst s0  }
0x18: {  	s0 =	sld [smem:$0x3F82];
	_ =	swait.ge [sflag:s4], $0x0  }
0x19: {  	s7 =	sld [smem:$0x3F83]  }
0x1a: {  	s8 =	sadd.s32 $0xFFFFE003, lr  }
0x1b: {  	s9 =	sadd.s32 $0xFFFFFEF7, lr;
	s5 =	simm.s32 $0xFFFFFFFF;
	p2 =	slt.u32 s8, $0xFFFFF086  }
0x1c: {  	p1 =	slt.u32 s9, $0xF7A;
	s5 =	simm.s32 @!p2 $0x0  }
0x1d: {  	s5 =	simm.s32 @p1 $0x1;
	p0 =	seq.s32 s7, s2  }
0x1e: {  	s7 =	smul.u32 @!p0 $0xF7A, s2;
	p2 =	seq.s32 @!p0 s5, $0x0  }
0x1f: {  	s9 =	smul.u32 $0xF7A, s1;
	s8 =	simm.s32 @!p0 $0x1BF5;
	p2 =	por !p2, p0  }
0x20: {  	[sflag:s8] =	ssyncset.s32 @!p0 $0xFFFFF086;
	s6 =	sadd.s32 @!p0 s3, s7;
	s7 =	simm.s32 @!p0 $0x108  }
0x21: {  	s3 =	sadd.s32 s3, s9;
	s6 =	sadd.s32 @!p0 $0x88, s6;
	s7 =	simm.s32 @p2 $0x1082  }
0x22: {  	[simem:s7], [sflag:s8] =	dma.local @!p0 [hbm:s6], $0xF7A  }
0x23: {  	s9 =	sor.u32 $0xD0000000, s2;
	s6 =	simm.s32 $0x108;
	_ =	swait.ge @!p0 [sflag:s8], $0x0  }
0x24: {  	s3 =	sadd.s32 $0x88, s3;
	s6 =	simm.s32 @!p1 $0x1082;
	[sflag:s4] =	ssyncset.s32 $0xFFFFF086  }
0x25: {  	[simem:s6], [sflag:s4] =	dma.local [hbm:s3], $0xF7A  }
0x26: {  	[smem:$0x3F83] =	sst s1;
	(tag) =	ssettag s2;
	_ =	strace s9  }
0x27: {  	s1 =	sld [smem:$0x3F93]  }
0x28: {  	s2 =	sld [smem:$0x3F94]  }
0x29: {  	s4 =	sld [smem:$0x3F96]  }
0x2a: {  	p0 =	seq.s32 s5, $0x0;
	s5 =	sld [smem:$0x3F97]  }
0x2b: {  	s6 =	sld [smem:$0x3F98]  }
0x2c: {  	s7 =	sld [smem:$0x3F99]  }
0x2d: {  	s3 =	simm.s32 $0x108;
	s8 =	sld [smem:$0x3F9A]  }
0x2e: {  	s3 =	simm.s32 @!p0 $0x1082;
	s9 =	sld [smem:$0x3F9B]  }
0x2f: {  	lr =	sadd.s32 s0, s3;
	s0 =	sld [smem:$0x3F92]  }
0x30: {  	s3 =	sld [smem:$0x3F95]  }
0x31: {  	[smem:$0x3F9E] =	sst s10  }
0x32: {  	s10 =	sld [smem:$0x3F9C];
	_ =	sdelay $0x3  }
0x33: {  	p0 =	seq.s32 s10, $0x1;
	s10 =	sld [smem:$0x3F9E];
	_ =	sdelay $0x3  }
0x34: {  	[smem:$0x3F9E] =	sst s10  }
0x35: {  	s10 =	sld [smem:$0x3F9D];
	_ =	sdelay $0x3  }
0x36: {  	p1 =	seq.s32 s10, $0x1;
	s10 =	sld [smem:$0x3F9E];
	_ =	sdelay $0x3  }
0x37: {  	[smem:$0x3F9E] =	sst s10  }
0x38: {  	s10 =	sld [smem:$0x3F9F]  }
0x39: {  	_ = 	snop;
	(pc) =	sbr.ind lr, $3  }
0x3a: {  	_ = 	snop  }
0x3b: {  	_ = 	snop  }
0x3c: {  	p2 =	seq.s32 s10, $0x1;
	s10 =	sld [smem:$0x3F9E]  }
0x3d: {  	_ =	shalt  }
0x3e: {  	_ =	shalt  }
0x3f: {  	_ =	shalt  }
0x40: {  	_ =	shalt  }
0x41: {  	_ =	shalt  }
0x42: {  	_ =	shalt  }
0x43: {  	_ =	shalt  }
0x44: {  	_ =	shalt  }
0x45: {  	_ =	shalt  }
0x46: {  	_ =	shalt  }
0x47: {  	_ =	shalt  }
0x48: {  	_ =	shalt  }
0x49: {  	_ =	shalt  }
0x4a: {  	_ =	shalt  }
0x4b: {  	_ =	shalt  }
0x4c: {  	_ =	shalt  }
0x4d: {  	_ =	shalt  }
0x4e: {  	_ =	shalt  }
0x4f: {  	_ =	shalt  }
0x50: {  	_ =	shalt  }
0x51: {  	_ =	shalt  }
0x52: {  	_ =	shalt  }
0x53: {  	_ =	shalt  }
0x54: {  	_ =	shalt  }
0x55: {  	_ =	shalt  }
0x56: {  	_ =	shalt  }
0x57: {  	_ =	shalt  }
0x58: {  	_ =	shalt  }
0x59: {  	_ =	shalt  }
0x5a: {  	_ =	shalt  }
0x5b: {  	_ =	shalt  }
0x5c: {  	_ =	shalt  }
0x5d: {  	_ =	shalt  }
0x5e: {  	_ =	shalt  }
0x5f: {  	_ =	shalt  }
0x60: {  	_ =	shalt  }
0x61: {  	_ =	shalt  }
0x62: {  	_ =	shalt  }
0x63: {  	_ =	shalt  }
0x64: {  	_ =	shalt  }
0x65: {  	_ =	shalt  }
0x66: {  	_ =	shalt  }
0x67: {  	_ =	shalt  }
0x68: {  	_ =	shalt  }
0x69: {  	_ =	shalt  }
0x6a: {  	_ =	shalt  }
0x6b: {  	_ =	shalt  }
0x6c: {  	_ =	shalt  }
0x6d: {  	_ =	shalt  }
0x6e: {  	_ =	shalt  }
0x6f: {  	_ =	shalt  }
0x70: {  	_ =	shalt  }
0x71: {  	_ =	shalt  }
0x72: {  	_ =	shalt  }
0x73: {  	_ =	shalt  }
0x74: {  	_ =	shalt  }
0x75: {  	_ =	shalt  }
0x76: {  	_ =	shalt  }
0x77: {  	_ =	shalt  }
0x78: {  	_ =	shalt  }
0x79: {  	_ =	shalt  }
0x7a: {  	_ =	shalt  }
0x7b: {  	_ =	shalt  }
0x7c: {  	_ =	shalt  }
0x7d: {  	_ =	shalt  }
0x7e: {  	_ =	shalt  }
0x7f: {  	_ =	shalt  }
0x80: {  	_ =	shalt  }
0x81: {  	_ =	shalt  }
0x82: {  	_ =	shalt  }
0x83: {  	_ =	shalt  }
0x84: {  	_ =	shalt  }
0x85: {  	_ =	shalt  }
0x86: {  	_ =	shalt  }
0x87: {  	_ =	shalt  }
.Lfunc_end0:
.L_simem_size_0:
called_computation.2_lowered:
.L_overlay_start_0:
0x88: {  	s2 =	sld [smem:$0x3FD9]  }
0x89: {  	s3 =	sld [smem:$0x3FFE];
	_ =	sdelay $0x1  }
0x8a: {  	s1 =	srdreg.scid  }
0x8b: {  	s0 =	sand.u32 $0x1, s1  }
0x8c: {  	s16 =	sshll.u32 s0, $0xA;
	s2 =	sadd.s32 s3, s2  }
0x8d: {  	s2 =	sadd.s32 s2, s16  }
0x8e: {  	[smem:$0x3FAA] =	sst s2  }
0x8f: {  	_ = 	snop  }
0x90: {  	(tm) =	ssettm $0x1  }
0x91: {  	s17 =	sld [smem:$0x3FFB];
	_ =	sdelay $0x3  }
0x92: {  	_ =	strace s17  }
0x93: {  	s2 =	sld [smem:$0x3FFC];
	_ =	sdelay $0x3  }
0x94: {  	_ =	strace s2  }
0x95: {  	s2 =	sld [smem:$0x3FFD];
	_ =	sdelay $0x3  }
0x96: {  	_ =	strace s2  }
0x97: {  	_ =	strace $0x8FFFFFFF  }
0x98: {  	s18 =	sld [smem:$0x3FDB];
	_ =	sdelay $0x1  }
0x99: {  	s19 =	simm.s32 $_scs_section_size  }
0x9a: {  	s4 =	simm.s32 $_size__tile_overlayer_lowered;
	s5 =	simm.s32 $_tile_overlayer_lowered  }
0x9b: {  	s22 =	simm.s32 $0x1BFF;
	s21 =	sshll.u32 s5, $0x1;
	s2 =	sadd.s32 s19, s18  }
0x9c: {  	s6 =	simm.s32 $0x0;
	s20 =	sshll.u32 s4, $0x1;
	s4 =	sadd.s32 s21, s2  }
0x9d: {  	[timem:s6], [sflag:s22] =	dma.local [hbm:s4], s20  }
0x9e: {  	_ =	swait.ge [sflag:s22], s20  }
0x9f: {  	s3 =	ssub.s32 $0x0, s20;
	[sflag:s22] =	ssyncset.done $0x0  }
0xa0: {  	[sflag:s22] =	ssyncadd.s32 s3;
	_ =	sdelay $0x1  }
0xa1: {  	s23 =	simm.s32 $0x1B8B  }
0xa2: {  	_ =	swait.ge [sflag:s23], $0x1  }
0xa3: {  	[sflag:s23] =	ssyncset.done $0x0  }
0xa4: {  	s25 =	simm.s32 $0x1B8E;
	s24 =	sld [smem:$0x3FFE];
	[sflag:s23] =	ssyncadd.s32 $0xFFFFFFFF  }
0xa5: {  	s26 =	simm.s32 $execute0_lowered;
	[smem:$0x3FD2] =	sst s25  }
0xa6: {  	s4 =	sshll.u32 s26, $0x1;
	_ =	strace $0x8000004C;
	[dreg:$0x1] =	wrdreg $0xFFFFFFFF  }
0xa7: {  	s28 =	simm.s32 $_size_execute0_lowered;
	s2 =	sadd.s32 s2, s4;
	[dreg:$0x0] =	wrdreg $0x0  }
0xa8: {  	s4 =	sshll.u32 s28, $0x1;
	[dreg:$0x2] =	wrdreg s2  }
0xa9: {  	[dreg:$0x3] =	wrdreg s4  }
0xaa: {  	[dreg:$0x4] =	wrdreg $0xC0  }
0xab: {  	_ =	task [dreg:s6], $0x5FFFF  }
0xac: {  	[dreg:$0x1] =	wrdreg $0xFFFFFFFF  }
0xad: {  	[dreg:$0x0] =	wrdreg $0x60  }
0xae: {  	[dreg:$0x2] =	wrdreg s24  }
0xaf: {  	[dreg:$0x3] =	wrdreg $0x10800  }
0xb0: {  	[dreg:$0x4] =	wrdreg $0x9  }
0xb1: {  	_ =	task.clear_ibuf [dreg:s6], $0x5FFFF;
	_ =	strace $0x9000004C  }
0xb2: {  	s29 =	simm.s32 $0x9;
	_ =	strace $0x8000004E  }
0xb3: {  	_ =	swait.ge [sflag:s29], $0x1  }
0xb4: {  	[sflag:s29] =	ssyncadd.s32 $0xFFFFFFFF  }
0xb5: {  	_ =	strace $0x9000004E  }
0xb6: {  	_ =	sfence  }
0xb7: {  	s30 =	sld [smem:$0x0];
	_ =	sdelay $0x2  }
0xb8: {  	s31 =	sshll.u32 s1, $0xD;
	s1 =	sshrl.u32 s1, $0x2  }
0xb9: {  	s3 =	sand.u32 $0x4000, s31;
	s1 =	sadd.s32 s1, s30  }
0xba: {  	s0 =	sor.u32 s3, s0;
	s1 =	sshll.u32 s1, $0x11  }
0xbb: {  	s0 =	sor.u32 s1, s0  }
0xbc: {  	s0 =	sadd.s32 $0x8F2B, s0  }
0xbd: {  	[sflag:s0] =	ssyncadd.remote.s32 $0x1  }
0xbe: {  	_ =	sfence.sel $0xFFFF  }
0xbf: {  	[dreg:$0x0] =	wrdreg $0xFFFFFFFF;
	(pc) =	sbr.abs _section_cstart, $3  }
0xc0: {  	[dreg:$0x1] =	wrdreg $0xFFFFFFFF  }
0xc1: {  	_ =	task.clear_ibuf [dreg:s6], $0x2FFFF;
	_ =	strace $0x9FFFFFFF  }
0xc2: {  	(tm) =	ssettm $0x7FFFFFFF  }
0xc3: {  	_ =	shalt  }
tec
execute0_lowered:
.L_overlay_start_1:
0x0: {  	(tag) =	ssettag $0x1  }
0x1: {  	s6 =	rddreg [dreg:$0x0]  }
0x2: {  	s1 =	rddreg [dreg:$0x1];
	s2 =	srdreg.scid  }
0x3: {  	s0 =	rddreg [dreg:$0x2];
	s4 =	sand.u32 $0x1, s2  }
0x4: {  	s3 =	simm.s32 $0x0;
	s2 =	stileid.u32;
	s5 =	smul.u32 $0x4E200, s4  }
0x5: {  	[smem:$0x7FF] =	sst s3;
	s7 =	smul.u32 $0x4E00, s2  }
0x6: {  	s15 =	sadd.s32 $0x4E000, s1;
	_ =	strace $0x8000004D;
	s26 =	smul.u32 $0x2710, s4  }
0x7: {  	s9 =	smul.u32 $0x9C40, s4;
	s4 =	ssub.s32 $0x2, s4;
	s12 =	sshll.u32 s2, $0x6  }
0x8: {  	s29 =	sshll.u32 s2, $0x9;
	s31 =	sshll.u32 s2, $0x4;
	p0 =	sne.s32 s2, $0xF  }
0x9: {  	s11 =	sshrl.u32 s4, $0x1;
	s8 =	sadd.s32 s5, s6;
	s14 =	sshrl.u32 s7, $0x3  }
0xa: {  	s10 =	sadd.s32 s26, s6;
	s9 =	sadd.s32 s9, s6;
	s11 =	ssub.s32 s4, s11  }
0xb: {  	s13 =	sadd.s32 s7, s1;
	s5 =	sor.u32 $0x1C01, s12;
	s12 =	simm.s32 $0x1  }
0xc: {  	s28 =	sadd.s32 s14, s6;
	s6 =	sadd.s32 $0x1FE00, s6;
	s7 =	sadd.s32 $0x385600, s9  }
0xd: {  	s30 =	sadd.s32 s29, s8;
	s8 =	smax.u32 s11, $0x1;
	s10 =	sadd.s32 s31, s10  }
0xe: {  	s11 =	sshrl.u32 s13, $0x3;
	s13 =	sshrl.u32 @!p0 s15, $0x3;
	s4 =	sadd.s32 $0x16200, s28  }
0xf: {  	s9 =	sadd.s32 $0x6E400, s30;
	s10 =	sadd.s32 $0x11200, s10;
	s14 =	sadd.s32 s14, s7  }
.LBB2_1:
0x10: {  	[spmem:s11], [sflag:s5] =	dma.local [hbm:s4], $0x9C0  }
0x11: {  	_ =	swait.ge [sflag:s12], $0x9C0  }
0x12: {  	[sflag:s12] =	ssyncset.done $0x0  }
0x13: {  	s15 =	simm.s32 @!p0 $0x1;
	[sflag:s12] =	ssyncadd.s32 $0xFFFFF640  }
0x14: {  	[spmem:s13], [sflag:s5] =	dma.local @!p0 [hbm:s6], $0x40  }
0x15: {  	_ =	swait.ge @!p0 [sflag:s15], $0x40  }
0x16: {  	s16 =	sadd.s32 $0x0, s2;
	[sflag:s15] =	ssyncset.done @!p0 $0x0  }
0x17: {  	p1 =	sgt.u32 s16, $0x270;
	[sflag:s15] =	ssyncadd.s32 @!p0 $0xFFFFFFC0  }
0x18: {  	s17 =	simm.s32 @!p1 $0x2;
	s15 =	simm.s32 @!p1 $0x0;
	[bflag:$0x0] =	sbarrier.arrive $0xFFFF  }
0x19: {  	[tilespmem:s15], [sflag:$0x2] =	stream.linear.gather @!p1 [hbm4b:s10+s15], $0x80, $0x38;
	[tilespmem:$0x5EA0] =	vst v63  }
0x1a: {  	_ =	swait.ge @!p1 [sflag:s17], $0x80  }
0x1b: {  	[sflag:s17] =	ssyncset.done @!p1 $0x0;
	p1 =	por p1, p1  }
0x1c: {  	[sflag:s17] =	ssyncadd.s32 @!p1 $0xFFFFFF80;
	s19 =	simm.s32 @!p1 $0x80  }
0x1d: {  	[tilespmem:s19], [sflag:$0x2] =	stream.linear.gather @!p1 [hbm4b:s9+s15], $0x1000, $0x38;
	[tilespmem:$0x5EA0] =	vst v63  }
0x1e: {  	_ =	swait.ge @!p1 [sflag:s17], $0x1000  }
0x1f: {  	[sflag:s17] =	ssyncset.done @!p1 $0x0  }
0x20: {  	s31 =	sadd.s32 $0x10, s2;
	s18 =	simm.s32 @!p1 $0x1;
	[sflag:s17] =	ssyncadd.s32 @!p1 $0xFFFFF000  }
0x21: {  	[spmem:s1] =	stream.indirect.scatter.add.f32 @!p1 [tilespmem:s19], [sflag:$0x1], $0x20, s15, s19, $0xb8;
	[tilespmem:$0x5EA0] =	vst v63  }
0x22: {  	s16 =	simm.s32 $0x20;
	p2 =	sgt.u32 s31, $0x270;
	_ =	swait.ge @!p1 [sflag:s18], $0x1000  }
0x23: {  	s17 =	sadd.s32 $0x100, s10;
	s15 =	sadd.s32 $0x2000, s9;
	[sflag:s18] =	ssyncset.done @!p1 $0x0  }
.LBB2_2:
0x24: {  	s19 =	simm.s32 @!p2 $0x0;
	s20 =	simm.s32 @!p2 $0x2;
	[sflag:s18] =	ssyncadd.s32 @!p1 $0xFFFFF000  }
0x25: {  	[tilespmem:s19], [sflag:$0x2] =	stream.linear.gather @!p2 [hbm4b:s17+s19], $0x80, $0x38;
	[tilespmem:$0x5EA0] =	vst v63  }
0x26: {  	s21 =	smov.u32 s16;
	s16 =	sadd.s32 $0x10, s16;
	_ =	swait.ge @!p2 [sflag:s20], $0x80  }
0x27: {  	p1 =	por p2, p2;
	p3 =	sne.s32 s16, $0x280;
	[sflag:s20] =	ssyncset.done @!p2 $0x0  }
0x28: {  	s22 =	simm.s32 @!p1 $0x80;
	[sflag:s20] =	ssyncadd.s32 @!p1 $0xFFFFFF80  }
0x29: {  	[tilespmem:s22], [sflag:$0x2] =	stream.linear.gather @!p1 [hbm4b:s15+s19], $0x1000, $0x38;
	[tilespmem:$0x5EA0] =	vst v63  }
0x2a: {  	_ =	swait.ge @!p1 [sflag:s20], $0x1000  }
.Ltmp0:
0x2b: {  	[sflag:s20] =	ssyncset.done @!p1 $0x0;
	(pc) =	sbr.rel @p3 .LBB2_2-.Ltmp0, $4  }
0x2c: {  	s18 =	simm.s32 @!p1 $0x1;
	[sflag:s20] =	ssyncadd.s32 @!p1 $0xFFFFF000  }
0x2d: {  	[spmem:s1] =	stream.indirect.scatter.add.f32 @!p1 [tilespmem:s22], [sflag:$0x1], $0x20, s19, s22, $0xb8;
	[tilespmem:$0x5EA0] =	vst v63  }
0x2e: {  	s17 =	sadd.s32 $0x100, s17;
	s19 =	sadd.s32 s21, s2;
	_ =	swait.ge @!p1 [sflag:s18], $0x1000  }
0x2f: {  	s15 =	sadd.s32 $0x2000, s15;
	p2 =	sgt.u32 s19, $0x270;
	[sflag:s18] =	ssyncset.done @!p1 $0x0  }
0x30: {  	s16 =	simm.s32 @!p2 $0x0;
	s19 =	simm.s32 @!p2 $0x2;
	[sflag:s18] =	ssyncadd.s32 @!p1 $0xFFFFF000  }
0x31: {  	[tilespmem:s16], [sflag:$0x2] =	stream.linear.gather @!p2 [hbm4b:s17+s16], $0x80, $0x38;
	[tilespmem:$0x5EA0] =	vst v63  }
0x32: {  	_ =	swait.ge @!p2 [sflag:s19], $0x80  }
0x33: {  	p1 =	por p2, p2;
	[sflag:s19] =	ssyncset.done @!p2 $0x0  }
0x34: {  	s17 =	simm.s32 @!p1 $0x80;
	[sflag:s19] =	ssyncadd.s32 @!p1 $0xFFFFFF80  }
0x35: {  	[tilespmem:s17], [sflag:$0x2] =	stream.linear.gather @!p1 [hbm4b:s15+s16], $0x1000, $0x38;
	[tilespmem:$0x5EA0] =	vst v63  }
0x36: {  	_ =	swait.ge @!p1 [sflag:s19], $0x1000  }
0x37: {  	[sflag:s19] =	ssyncset.done @!p1 $0x0  }
0x38: {  	s15 =	simm.s32 @!p1 $0x1;
	[sflag:s19] =	ssyncadd.s32 @!p1 $0xFFFFF000  }
0x39: {  	[spmem:s1] =	stream.indirect.scatter.add.f32 @!p1 [tilespmem:s17], [sflag:$0x1], $0x20, s16, s17, $0xb8;
	[tilespmem:$0x5EA0] =	vst v63  }
0x3a: {  	_ =	swait.ge @!p1 [sflag:s15], $0x1000  }
0x3b: {  	[sflag:s15] =	ssyncset.done @!p1 $0x0  }
0x3c: {  	[sflag:s15] =	ssyncadd.s32 @!p1 $0xFFFFF000  }
0x3d: {  	[bflag:$0x0] =	sbarrier.arrive $0xFFFF  }
0x3e: {  	[hbm:s14], [sflag:s5] =	dma.local [spmem:s11], $0x9C0  }
0x3f: {  	_ =	swait.ge [sflag:s12], $0x9C0  }
0x40: {  	s3 =	sadd.s32 $0x1, s3;
	[sflag:s12] =	ssyncset.done $0x0  }
0x41: {  	s15 =	sadd.s32 @!p0 $0x9C00, s7;
	p1 =	sne.s32 s3, s8;
	[sflag:s12] =	ssyncadd.s32 $0xFFFFF640  }
0x42: {  	[hbm:s15], [sflag:s5] =	dma.local @!p0 [spmem:s13], $0x40  }
.Ltmp1:
0x43: {  	_ = 	snop;
	(pc) =	sbr.rel @p1 .LBB2_1-.Ltmp1, $4  }
0x44: {  	s15 =	simm.s32 @!p0 $0x1  }
0x45: {  	_ =	swait.ge @!p0 [sflag:s15], $0x40  }
0x46: {  	[sflag:s15] =	ssyncset.done @!p0 $0x0  }
0x47: {  	[sflag:s15] =	ssyncadd.s32 @!p0 $0xFFFFFFC0  }
0x48: {  	_ =	sfence.sel $0x180000  }
0x49: {  	[bflag:$0x0] =	sbarrier.arrive $0xFFFF  }
0x4a: {  	p0 =	sne.s32 s2, $0x0;
	_ =	strace $0x9000004D  }
0x4b: {  	s0 =	sadd.s32 @!p0 $0x100000, s0;
	[bflag:$0x2] =	sbarrier.arrive $0xFFFF  }
0x4c: {  	[sflag:s0] =	ssyncadd.tile.s32 @!p0 $0x1;
	_ =	shalt  }
.Lfunc_end2:
_tile_overlayer_lowered:
.L_overlay_start_2:
0x4d: {  	(tag) =	ssettag $0x2  }
0x4e: {  	s0 =	rddreg [dreg:$0x0];
	s2 =	stileid.u32  }
0x4f: {  	s1 =	rddreg [dreg:$0x1];
	p0 =	sne.s32 s2, $0x0  }
0x50: {  	s3 =	rddreg [dreg:$0x2];
	[bflag:$0x3] =	sbarrier.arrive $0xFFFF;
	s2 =	simm.s32 @!p0 $0x1C01  }
0x51: {  	[timem:s3], [sflag:s2] =	dma.local @!p0 [hbm:s0], s1  }
0x52: {  	s0 =	simm.s32 @!p0 $0x1  }
0x53: {  	_ =	swait.ge @!p0 [sflag:s0], s1  }
0x54: {  	s1 =	ssub.s32 @!p0 $0x0, s1;
	[sflag:s0] =	ssyncset.done @!p0 $0x0  }
0x55: {  	[sflag:s0] =	ssyncadd.s32 @!p0 s1  }
0x56: {  	[bflag:$0x3] =	sbarrier.arrive $0xFFFF  }
0x57: {  	_ =	shalt  }

// kernel: kernel.42.cloned.1.call-start
scs
__scs_entry_jumppad:
0x0: {  	(pc) =	sbr.rel $0x88, $3  }
0x1: {  	(tag) =	ssettag $0x0;
	lr =	simm.s32 $0x1  }
0x2: {  	[smem:$0x3F83] =	sst lr;
	_ =	strace $0xD0000000  }
0x3: {  	_ = 	snop  }
0x4: {  	_ = 	snop  }
0x5: {  	_ = 	snop  }
0x6: {  	_ = 	snop  }
0x7: {  	_ = 	snop  }
__scs_overlays_trampoline_lowered:
0x8: {  	[smem:$0x3F92] =	sst s0  }
0x9: {  	[smem:$0x3F93] =	sst s1  }
0xa: {  	[smem:$0x3F94] =	sst s2  }
0xb: {  	[smem:$0x3F95] =	sst s3  }
0xc: {  	[smem:$0x3F96] =	sst s4  }
0xd: {  	[smem:$0x3F97] =	sst s5  }
0xe: {  	[smem:$0x3F98] =	sst s6  }
0xf: {  	[smem:$0x3F99] =	sst s7  }
0x10: {  	[smem:$0x3F9A] =	sst s8  }
0x11: {  	[smem:$0x3F9B] =	sst s9;
	s0 =	simm.s32 @!p0 $0x0  }
0x12: {  	s1 =	sld [smem:$0x3F81];
	s0 =	simm.s32 @p0 $0x1  }
0x13: {  	[smem:$0x3F9C] =	sst s0;
	s0 =	simm.s32 @!p1 $0x0  }
0x14: {  	s2 =	sld [smem:$0x3F80];
	s0 =	simm.s32 @p1 $0x1  }
0x15: {  	[smem:$0x3F9D] =	sst s0;
	s0 =	simm.s32 @!p2 $0x0  }
0x16: {  	s3 =	sld [smem:$0x3FDB];
	s0 =	simm.s32 @p2 $0x1  }
0x17: {  	s4 =	simm.s32 $0x1BF5;
	[smem:$0x3F9F] =	sst s0  }
0x18: {  	s0 =	sld [smem:$0x3F82];
	_ =	swait.ge [sflag:s4], $0x0  }
0x19: {  	s7 =	sld [smem:$0x3F83]  }
0x1a: {  	s8 =	sadd.s32 $0xFFFFE003, lr  }
0x1b: {  	s9 =	sadd.s32 $0xFFFFFEF7, lr;
	s5 =	simm.s32 $0xFFFFFFFF;
	p2 =	slt.u32 s8, $0xFFFFF086  }
0x1c: {  	p1 =	slt.u32 s9, $0xF7A;
	s5 =	simm.s32 @!p2 $0x0  }
0x1d: {  	s5 =	simm.s32 @p1 $0x1;
	p0 =	seq.s32 s7, s2  }
0x1e: {  	s7 =	smul.u32 @!p0 $0xF7A, s2;
	p2 =	seq.s32 @!p0 s5, $0x0  }
0x1f: {  	s9 =	smul.u32 $0xF7A, s1;
	s8 =	simm.s32 @!p0 $0x1BF5;
	p2 =	por !p2, p0  }
0x20: {  	[sflag:s8] =	ssyncset.s32 @!p0 $0xFFFFF086;
	s6 =	sadd.s32 @!p0 s3, s7;
	s7 =	simm.s32 @!p0 $0x108  }
0x21: {  	s3 =	sadd.s32 s3, s9;
	s6 =	sadd.s32 @!p0 $0x88, s6;
	s7 =	simm.s32 @p2 $0x1082  }
0x22: {  	[simem:s7], [sflag:s8] =	dma.local @!p0 [hbm:s6], $0xF7A  }
0x23: {  	s9 =	sor.u32 $0xD0000000, s2;
	s6 =	simm.s32 $0x108;
	_ =	swait.ge @!p0 [sflag:s8], $0x0  }
0x24: {  	s3 =	sadd.s32 $0x88, s3;
	s6 =	simm.s32 @!p1 $0x1082;
	[sflag:s4] =	ssyncset.s32 $0xFFFFF086  }
0x25: {  	[simem:s6], [sflag:s4] =	dma.local [hbm:s3], $0xF7A  }
0x26: {  	[smem:$0x3F83] =	sst s1;
	(tag) =	ssettag s2;
	_ =	strace s9  }
0x27: {  	s1 =	sld [smem:$0x3F93]  }
0x28: {  	s2 =	sld [smem:$0x3F94]  }
0x29: {  	s4 =	sld [smem:$0x3F96]  }
0x2a: {  	p0 =	seq.s32 s5, $0x0;
	s5 =	sld [smem:$0x3F97]  }
0x2b: {  	s6 =	sld [smem:$0x3F98]  }
0x2c: {  	s7 =	sld [smem:$0x3F99]  }
0x2d: {  	s3 =	simm.s32 $0x108;
	s8 =	sld [smem:$0x3F9A]  }
0x2e: {  	s3 =	simm.s32 @!p0 $0x1082;
	s9 =	sld [smem:$0x3F9B]  }
0x2f: {  	lr =	sadd.s32 s0, s3;
	s0 =	sld [smem:$0x3F92]  }
0x30: {  	s3 =	sld [smem:$0x3F95]  }
0x31: {  	[smem:$0x3F9E] =	sst s10  }
0x32: {  	s10 =	sld [smem:$0x3F9C];
	_ =	sdelay $0x3  }
0x33: {  	p0 =	seq.s32 s10, $0x1;
	s10 =	sld [smem:$0x3F9E];
	_ =	sdelay $0x3  }
0x34: {  	[smem:$0x3F9E] =	sst s10  }
0x35: {  	s10 =	sld [smem:$0x3F9D];
	_ =	sdelay $0x3  }
0x36: {  	p1 =	seq.s32 s10, $0x1;
	s10 =	sld [smem:$0x3F9E];
	_ =	sdelay $0x3  }
0x37: {  	[smem:$0x3F9E] =	sst s10  }
0x38: {  	s10 =	sld [smem:$0x3F9F]  }
0x39: {  	_ = 	snop;
	(pc) =	sbr.ind lr, $3  }
0x3a: {  	_ = 	snop  }
0x3b: {  	_ = 	snop  }
0x3c: {  	p2 =	seq.s32 s10, $0x1;
	s10 =	sld [smem:$0x3F9E]  }
0x3d: {  	_ =	shalt  }
0x3e: {  	_ =	shalt  }
0x3f: {  	_ =	shalt  }
0x40: {  	_ =	shalt  }
0x41: {  	_ =	shalt  }
0x42: {  	_ =	shalt  }
0x43: {  	_ =	shalt  }
0x44: {  	_ =	shalt  }
0x45: {  	_ =	shalt  }
0x46: {  	_ =	shalt  }
0x47: {  	_ =	shalt  }
0x48: {  	_ =	shalt  }
0x49: {  	_ =	shalt  }
0x4a: {  	_ =	shalt  }
0x4b: {  	_ =	shalt  }
0x4c: {  	_ =	shalt  }
0x4d: {  	_ =	shalt  }
0x4e: {  	_ =	shalt  }
0x4f: {  	_ =	shalt  }
0x50: {  	_ =	shalt  }
0x51: {  	_ =	shalt  }
0x52: {  	_ =	shalt  }
0x53: {  	_ =	shalt  }
0x54: {  	_ =	shalt  }
0x55: {  	_ =	shalt  }
0x56: {  	_ =	shalt  }
0x57: {  	_ =	shalt  }
0x58: {  	_ =	shalt  }
0x59: {  	_ =	shalt  }
0x5a: {  	_ =	shalt  }
0x5b: {  	_ =	shalt  }
0x5c: {  	_ =	shalt  }
0x5d: {  	_ =	shalt  }
0x5e: {  	_ =	shalt  }
0x5f: {  	_ =	shalt  }
0x60: {  	_ =	shalt  }
0x61: {  	_ =	shalt  }
0x62: {  	_ =	shalt  }
0x63: {  	_ =	shalt  }
0x64: {  	_ =	shalt  }
0x65: {  	_ =	shalt  }
0x66: {  	_ =	shalt  }
0x67: {  	_ =	shalt  }
0x68: {  	_ =	shalt  }
0x69: {  	_ =	shalt  }
0x6a: {  	_ =	shalt  }
0x6b: {  	_ =	shalt  }
0x6c: {  	_ =	shalt  }
0x6d: {  	_ =	shalt  }
0x6e: {  	_ =	shalt  }
0x6f: {  	_ =	shalt  }
0x70: {  	_ =	shalt  }
0x71: {  	_ =	shalt  }
0x72: {  	_ =	shalt  }
0x73: {  	_ =	shalt  }
0x74: {  	_ =	shalt  }
0x75: {  	_ =	shalt  }
0x76: {  	_ =	shalt  }
0x77: {  	_ =	shalt  }
0x78: {  	_ =	shalt  }
0x79: {  	_ =	shalt  }
0x7a: {  	_ =	shalt  }
0x7b: {  	_ =	shalt  }
0x7c: {  	_ =	shalt  }
0x7d: {  	_ =	shalt  }
0x7e: {  	_ =	shalt  }
0x7f: {  	_ =	shalt  }
0x80: {  	_ =	shalt  }
0x81: {  	_ =	shalt  }
0x82: {  	_ =	shalt  }
0x83: {  	_ =	shalt  }
0x84: {  	_ =	shalt  }
0x85: {  	_ =	shalt  }
0x86: {  	_ =	shalt  }
0x87: {  	_ =	shalt  }
.Lfunc_end0:
.L_simem_size_0:
called_computation.3_lowered:
.L_overlay_start_0:
0x88: {  	s2 =	sld [smem:$0x3FD9]  }
0x89: {  	s3 =	sld [smem:$0x3FFE];
	_ =	sdelay $0x1  }
0x8a: {  	s1 =	srdreg.scid  }
0x8b: {  	s0 =	sand.u32 $0x1, s1  }
0x8c: {  	s14 =	sshll.u32 s0, $0xA;
	s2 =	sadd.s32 s3, s2  }
0x8d: {  	s2 =	sadd.s32 s2, s14  }
0x8e: {  	[smem:$0x3FAA] =	sst s2  }
0x8f: {  	_ = 	snop  }
0x90: {  	s2 =	sld [smem:$0x3FD0];
	_ =	sdelay $0x2  }
0x91: {  	s15 =	simm.s32 $0xA;
	s4 =	simm.s32 $0x10  }
0x92: {  	[smem:s4], [sflag:s15] =	dma.local [hbm:s2], $0x1  }
0x93: {  	_ =	swait.eq [sflag:s15], $0x1  }
0x94: {  	[sflag:s15] =	ssyncset.done $0x0  }
0x95: {  	[sflag:s15] =	ssyncadd.s32 $0xFFFFFFFF  }
0x96: {  	s16 =	sld [smem:$0x12];
	(tm) =	ssettm $0x1  }
0x97: {  	s17 =	sld [smem:$0x3FFB];
	_ =	sdelay $0x3  }
0x98: {  	_ =	strace s17  }
0x99: {  	s3 =	sld [smem:$0x3FFC];
	_ =	sdelay $0x3  }
0x9a: {  	_ =	strace s3  }
0x9b: {  	s3 =	sld [smem:$0x3FFD];
	_ =	sdelay $0x3  }
0x9c: {  	_ =	strace s3  }
0x9d: {  	_ =	strace $0x8FFFFFFF  }
0x9e: {  	s18 =	sld [smem:$0x3FDB];
	_ =	sdelay $0x1  }
0x9f: {  	s19 =	simm.s32 $_scs_section_size  }
0xa0: {  	s5 =	simm.s32 $_size__tile_overlayer_lowered;
	s6 =	simm.s32 $_tile_overlayer_lowered  }
0xa1: {  	s22 =	simm.s32 $0x1BFF;
	s21 =	sshll.u32 s6, $0x1;
	s3 =	sadd.s32 s19, s18  }
0xa2: {  	s7 =	simm.s32 $0x0;
	s20 =	sshll.u32 s5, $0x1;
	s5 =	sadd.s32 s21, s3  }
0xa3: {  	[timem:s7], [sflag:s22] =	dma.local [hbm:s5], s20  }
0xa4: {  	_ =	swait.ge [sflag:s22], s20  }
0xa5: {  	s4 =	ssub.s32 $0x0, s20;
	[sflag:s22] =	ssyncset.done $0x0  }
0xa6: {  	[sflag:s22] =	ssyncadd.s32 s4;
	_ =	sdelay $0x1  }
0xa7: {  	s23 =	simm.s32 $0x1B8B  }
0xa8: {  	_ =	swait.ge [sflag:s23], $0x1  }
0xa9: {  	[sflag:s23] =	ssyncset.done $0x0  }
0xaa: {  	s25 =	simm.s32 $0x1B8E;
	s24 =	sld [smem:$0x3FFE];
	[sflag:s23] =	ssyncadd.s32 $0xFFFFFFFF  }
0xab: {  	s26 =	simm.s32 $execute0_lowered;
	[smem:$0x3FD2] =	sst s25  }
0xac: {  	s5 =	sshll.u32 s26, $0x1;
	_ =	strace $0x8000004F;
	[dreg:$0x1] =	wrdreg $0xFFFFFFFF  }
0xad: {  	s28 =	simm.s32 $_size_execute0_lowered;
	s3 =	sadd.s32 s3, s5;
	[dreg:$0x0] =	wrdreg $0x0  }
0xae: {  	s5 =	sshll.u32 s28, $0x1;
	[dreg:$0x2] =	wrdreg s3  }
0xaf: {  	[dreg:$0x3] =	wrdreg s5  }
0xb0: {  	[dreg:$0x4] =	wrdreg $0xC0  }
0xb1: {  	_ =	task [dreg:s7], $0x5FFFF  }
0xb2: {  	[dreg:$0x1] =	wrdreg $0xFFFFFFFF  }
0xb3: {  	[dreg:$0x0] =	wrdreg $0x60  }
0xb4: {  	[dreg:$0x2] =	wrdreg s24  }
0xb5: {  	[dreg:$0x3] =	wrdreg s16  }
0xb6: {  	[dreg:$0x4] =	wrdreg $0x9  }
0xb7: {  	_ =	task.clear_ibuf [dreg:s7], $0x5FFFF;
	_ =	strace $0x9000004F  }
0xb8: {  	s29 =	simm.s32 $0x9;
	_ =	strace $0x80000051  }
0xb9: {  	_ =	swait.ge [sflag:s29], $0x1  }
0xba: {  	[sflag:s29] =	ssyncadd.s32 $0xFFFFFFFF  }
0xbb: {  	_ =	strace $0x90000051  }
0xbc: {  	_ =	sfence  }
0xbd: {  	s30 =	sld [smem:$0x0];
	_ =	sdelay $0x2  }
0xbe: {  	s31 =	sshll.u32 s1, $0xD;
	s1 =	sshrl.u32 s1, $0x2  }
0xbf: {  	s3 =	sand.u32 $0x4000, s31;
	s1 =	sadd.s32 s1, s30  }
0xc0: {  	s0 =	sor.u32 s3, s0;
	s1 =	sshll.u32 s1, $0x11  }
0xc1: {  	s0 =	sor.u32 s1, s0  }
0xc2: {  	s0 =	sadd.s32 $0x8F2B, s0  }
0xc3: {  	[sflag:s0] =	ssyncadd.remote.s32 $0x1  }
0xc4: {  	_ =	sfence.sel $0xFFFF  }
0xc5: {  	[dreg:$0x0] =	wrdreg $0xFFFFFFFF;
	(pc) =	sbr.abs _section_cstart, $3  }
0xc6: {  	[dreg:$0x1] =	wrdreg $0xFFFFFFFF  }
0xc7: {  	_ =	task.clear_ibuf [dreg:s7], $0x2FFFF;
	_ =	strace $0x9FFFFFFF  }
0xc8: {  	(tm) =	ssettm $0x7FFFFFFF  }
0xc9: {  	_ =	shalt  }
tec
execute0_lowered:
.L_overlay_start_1:
0x0: {  	(tag) =	ssettag $0x1  }
0x1: {  	s4 =	rddreg [dreg:$0x0]  }
0x2: {  	s5 =	rddreg [dreg:$0x1]  }
0x3: {  	s0 =	rddreg [dreg:$0x2]  }
0x4: {  	s2 =	simm.s32 $0x0;
	s3 =	srdreg.scid;
	s1 =	stileid.u32  }
0x5: {  	[smem:$0x7FF] =	sst s2;
	s6 =	sand.u32 $0x1, s3;
	s3 =	sadd.s32 $0x6E400, s4  }
0x6: {  	s7 =	sshll.u32 s1, $0xA;
	s31 =	sshll.u32 s1, $0x5;
	_ =	strace $0x80000050  }
0x7: {  	s8 =	ssub.s32 $0x2, s6;
	s4 =	sadd.s32 s7, s4;
	s9 =	sshll.u32 s6, $0x9  }
0x8: {  	s10 =	sshll.u32 s6, $0x4;
	s29 =	sshrl.u32 s8, $0x1;
	s30 =	sadd.s32 s9, s4  }
0x9: {  	s4 =	sshll.u32 s1, $0x1;
	s9 =	sadd.s32 s31, s5;
	s7 =	ssub.s32 s8, s29  }
0xa: {  	s6 =	sadd.s32 $0x78200, s30;
	s5 =	smax.u32 s7, $0x1;
	s7 =	sadd.s32 s10, s9  }
.LBB2_1:
0xb: {  	s8 =	sadd.s32 $0x0, s4  }
0xc: {  	p0 =	sgt.u32 s8, $0x4E1  }
0xd: {  	s8 =	simm.s32 @!p0 $0x0;
	s9 =	simm.s32 @!p0 $0x3  }
0xe: {  	[tilespmem:s8], [sflag:$0x3] =	stream.linear.gather @!p0 [hbm4b:s7+s8], $0x80, $0x38;
	[tilespmem:$0x1080] =	vst v63  }
0xf: {  	_ =	swait.ge @!p0 [sflag:s9], $0x80  }
0x10: {  	[sflag:s9] =	ssyncset.done @!p0 $0x0;
	p0 =	por p0, p0  }
0x11: {  	[sflag:s9] =	ssyncadd.s32 @!p0 $0xFFFFFF80;
	s10 =	simm.s32 @!p0 $0x80;
	s11 =	simm.s32 @!p0 $0x1  }
0x12: {  	[tilespmem:s10], [sflag:$0x1] =	stream.indirect.gather @!p0 [hbm4b:s3+s10], $0x20, s8, s10, $0xb8;
	[tilespmem:$0x1080] =	vst v63  }
0x13: {  	_ =	swait.ge @!p0 [sflag:s11], $0x1000  }
0x14: {  	[sflag:s11] =	ssyncset.done @!p0 $0x0  }
0x15: {  	s31 =	sadd.s32 $0x20, s4;
	[sflag:s11] =	ssyncadd.s32 @!p0 $0xFFFFF000;
	s11 =	simm.s32 @!p0 $0x2  }
0x16: {  	[hbm4b:s6+s8] =	stream.linear.scatter @!p0 [tilespmem:s10], [sflag:$0x2], $0x1000, $0x38;
	[tilespmem:$0x1080] =	vst v63  }
0x17: {  	p1 =	sgt.u32 s31, $0x4E1;
	s9 =	simm.s32 $0x40;
	_ =	swait.ge @!p0 [sflag:s11], $0x1000  }
0x18: {  	s10 =	sadd.s32 $0x200, s7;
	s8 =	sadd.s32 $0x4000, s6;
	[sflag:s11] =	ssyncset.done @!p0 $0x0  }
.LBB2_2:
0x19: {  	s12 =	simm.s32 @!p1 $0x0;
	s13 =	simm.s32 @!p1 $0x3;
	[sflag:s11] =	ssyncadd.s32 @!p0 $0xFFFFF000  }
0x1a: {  	[tilespmem:s12], [sflag:$0x3] =	stream.linear.gather @!p1 [hbm4b:s10+s12], $0x80, $0x38;
	[tilespmem:$0x1080] =	vst v63  }
0x1b: {  	s14 =	smov.u32 s9;
	s9 =	sadd.s32 $0x20, s9;
	_ =	swait.ge @!p1 [sflag:s13], $0x80  }
0x1c: {  	p0 =	por p1, p1;
	p2 =	sne.s32 s9, $0x500;
	[sflag:s13] =	ssyncset.done @!p1 $0x0  }
0x1d: {  	s11 =	simm.s32 @!p0 $0x1;
	[sflag:s13] =	ssyncadd.s32 @!p0 $0xFFFFFF80;
	s13 =	simm.s32 @!p0 $0x80  }
0x1e: {  	[tilespmem:s13], [sflag:$0x1] =	stream.indirect.gather @!p0 [hbm4b:s3+s13], $0x20, s12, s13, $0xb8;
	[tilespmem:$0x1080] =	vst v63  }
0x1f: {  	_ =	swait.ge @!p0 [sflag:s11], $0x1000  }
.Ltmp0:
0x20: {  	[sflag:s11] =	ssyncset.done @!p0 $0x0;
	(pc) =	sbr.rel @p2 .LBB2_2-.Ltmp0, $4  }
0x21: {  	[sflag:s11] =	ssyncadd.s32 @!p0 $0xFFFFF000;
	s11 =	simm.s32 @!p0 $0x2  }
0x22: {  	[hbm4b:s8+s12] =	stream.linear.scatter @!p0 [tilespmem:s13], [sflag:$0x2], $0x1000, $0x38;
	[tilespmem:$0x1080] =	vst v63  }
0x23: {  	s10 =	sadd.s32 $0x200, s10;
	s12 =	sadd.s32 s14, s4;
	_ =	swait.ge @!p0 [sflag:s11], $0x1000  }
0x24: {  	s8 =	sadd.s32 $0x4000, s8;
	p1 =	sgt.u32 s12, $0x4E1;
	[sflag:s11] =	ssyncset.done @!p0 $0x0  }
0x25: {  	s9 =	simm.s32 @!p1 $0x0;
	s12 =	simm.s32 @!p1 $0x3;
	[sflag:s11] =	ssyncadd.s32 @!p0 $0xFFFFF000  }
0x26: {  	[tilespmem:s9], [sflag:$0x3] =	stream.linear.gather @!p1 [hbm4b:s10+s9], $0x80, $0x38;
	[tilespmem:$0x1080] =	vst v63  }
0x27: {  	_ =	swait.ge @!p1 [sflag:s12], $0x80  }
0x28: {  	p0 =	por p1, p1;
	[sflag:s12] =	ssyncset.done @!p1 $0x0  }
0x29: {  	s10 =	simm.s32 @!p0 $0x80;
	s11 =	simm.s32 @!p0 $0x1;
	[sflag:s12] =	ssyncadd.s32 @!p0 $0xFFFFFF80  }
0x2a: {  	[tilespmem:s10], [sflag:$0x1] =	stream.indirect.gather @!p0 [hbm4b:s3+s10], $0x20, s9, s10, $0xb8;
	[tilespmem:$0x1080] =	vst v63  }
0x2b: {  	s2 =	sadd.s32 $0x1, s2;
	_ =	swait.ge @!p0 [sflag:s11], $0x1000  }
0x2c: {  	p1 =	sne.s32 s2, s5;
	[sflag:s11] =	ssyncset.done @!p0 $0x0  }
.Ltmp1:
0x2d: {  	[sflag:s11] =	ssyncadd.s32 @!p0 $0xFFFFF000;
	s11 =	simm.s32 @!p0 $0x2;
	(pc) =	sbr.rel @p1 .LBB2_1-.Ltmp1, $4  }
0x2e: {  	[hbm4b:s8+s9] =	stream.linear.scatter @!p0 [tilespmem:s10], [sflag:$0x2], $0x1000, $0x38;
	[tilespmem:$0x1080] =	vst v63  }
0x2f: {  	_ =	swait.ge @!p0 [sflag:s11], $0x1000  }
0x30: {  	[sflag:s11] =	ssyncset.done @!p0 $0x0  }
0x31: {  	[sflag:s11] =	ssyncadd.s32 @!p0 $0xFFFFF000  }
0x32: {  	_ =	sfence.sel $0x180000  }
0x33: {  	[bflag:$0x0] =	sbarrier.arrive $0xFFFF  }
0x34: {  	p0 =	sne.s32 s1, $0x0;
	_ =	strace $0x90000050  }
0x35: {  	s0 =	sadd.s32 @!p0 $0x100000, s0;
	[bflag:$0x2] =	sbarrier.arrive $0xFFFF  }
0x36: {  	[sflag:s0] =	ssyncadd.tile.s32 @!p0 $0x1;
	_ =	shalt  }
.Lfunc_end2:
_tile_overlayer_lowered:
.L_overlay_start_2:
0x37: {  	(tag) =	ssettag $0x2  }
0x38: {  	s0 =	rddreg [dreg:$0x0];
	s2 =	stileid.u32  }
0x39: {  	s1 =	rddreg [dreg:$0x1];
	p0 =	sne.s32 s2, $0x0  }
0x3a: {  	s3 =	rddreg [dreg:$0x2];
	[bflag:$0x3] =	sbarrier.arrive $0xFFFF;
	s2 =	simm.s32 @!p0 $0x1C02  }
0x3b: {  	[timem:s3], [sflag:s2] =	dma.local @!p0 [hbm:s0], s1  }
0x3c: {  	s0 =	simm.s32 @!p0 $0x2  }
0x3d: {  	_ =	swait.ge @!p0 [sflag:s0], s1  }
0x3e: {  	s1 =	ssub.s32 @!p0 $0x0, s1;
	[sflag:s0] =	ssyncset.done @!p0 $0x0  }
0x3f: {  	[sflag:s0] =	ssyncadd.s32 @!p0 s1  }
0x40: {  	[bflag:$0x3] =	sbarrier.arrive $0xFFFF  }
0x41: {  	_ =	shalt  }

// kernel: kernel.45.cloned.1.call-start
scs
__scs_entry_jumppad:
0x0: {  	(pc) =	sbr.rel $0x88, $3  }
0x1: {  	(tag) =	ssettag $0x0;
	lr =	simm.s32 $0x1  }
0x2: {  	[smem:$0x3F83] =	sst lr;
	_ =	strace $0xD0000000  }
0x3: {  	_ = 	snop  }
0x4: {  	_ = 	snop  }
0x5: {  	_ = 	snop  }
0x6: {  	_ = 	snop  }
0x7: {  	_ = 	snop  }
__scs_overlays_trampoline_lowered:
0x8: {  	[smem:$0x3F92] =	sst s0  }
0x9: {  	[smem:$0x3F93] =	sst s1  }
0xa: {  	[smem:$0x3F94] =	sst s2  }
0xb: {  	[smem:$0x3F95] =	sst s3  }
0xc: {  	[smem:$0x3F96] =	sst s4  }
0xd: {  	[smem:$0x3F97] =	sst s5  }
0xe: {  	[smem:$0x3F98] =	sst s6  }
0xf: {  	[smem:$0x3F99] =	sst s7  }
0x10: {  	[smem:$0x3F9A] =	sst s8  }
0x11: {  	[smem:$0x3F9B] =	sst s9;
	s0 =	simm.s32 @!p0 $0x0  }
0x12: {  	s1 =	sld [smem:$0x3F81];
	s0 =	simm.s32 @p0 $0x1  }
0x13: {  	[smem:$0x3F9C] =	sst s0;
	s0 =	simm.s32 @!p1 $0x0  }
0x14: {  	s2 =	sld [smem:$0x3F80];
	s0 =	simm.s32 @p1 $0x1  }
0x15: {  	[smem:$0x3F9D] =	sst s0;
	s0 =	simm.s32 @!p2 $0x0  }
0x16: {  	s3 =	sld [smem:$0x3FDB];
	s0 =	simm.s32 @p2 $0x1  }
0x17: {  	s4 =	simm.s32 $0x1BF5;
	[smem:$0x3F9F] =	sst s0  }
0x18: {  	s0 =	sld [smem:$0x3F82];
	_ =	swait.ge [sflag:s4], $0x0  }
0x19: {  	s7 =	sld [smem:$0x3F83]  }
0x1a: {  	s8 =	sadd.s32 $0xFFFFE003, lr  }
0x1b: {  	s9 =	sadd.s32 $0xFFFFFEF7, lr;
	s5 =	simm.s32 $0xFFFFFFFF;
	p2 =	slt.u32 s8, $0xFFFFF086  }
0x1c: {  	p1 =	slt.u32 s9, $0xF7A;
	s5 =	simm.s32 @!p2 $0x0  }
0x1d: {  	s5 =	simm.s32 @p1 $0x1;
	p0 =	seq.s32 s7, s2  }
0x1e: {  	s7 =	smul.u32 @!p0 $0xF7A, s2;
	p2 =	seq.s32 @!p0 s5, $0x0  }
0x1f: {  	s9 =	smul.u32 $0xF7A, s1;
	s8 =	simm.s32 @!p0 $0x1BF5;
	p2 =	por !p2, p0  }
0x20: {  	[sflag:s8] =	ssyncset.s32 @!p0 $0xFFFFF086;
	s6 =	sadd.s32 @!p0 s3, s7;
	s7 =	simm.s32 @!p0 $0x108  }
0x21: {  	s3 =	sadd.s32 s3, s9;
	s6 =	sadd.s32 @!p0 $0x88, s6;
	s7 =	simm.s32 @p2 $0x1082  }
0x22: {  	[simem:s7], [sflag:s8] =	dma.local @!p0 [hbm:s6], $0xF7A  }
0x23: {  	s9 =	sor.u32 $0xD0000000, s2;
	s6 =	simm.s32 $0x108;
	_ =	swait.ge @!p0 [sflag:s8], $0x0  }
0x24: {  	s3 =	sadd.s32 $0x88, s3;
	s6 =	simm.s32 @!p1 $0x1082;
	[sflag:s4] =	ssyncset.s32 $0xFFFFF086  }
0x25: {  	[simem:s6], [sflag:s4] =	dma.local [hbm:s3], $0xF7A  }
0x26: {  	[smem:$0x3F83] =	sst s1;
	(tag) =	ssettag s2;
	_ =	strace s9  }
0x27: {  	s1 =	sld [smem:$0x3F93]  }
0x28: {  	s2 =	sld [smem:$0x3F94]  }
0x29: {  	s4 =	sld [smem:$0x3F96]  }
0x2a: {  	p0 =	seq.s32 s5, $0x0;
	s5 =	sld [smem:$0x3F97]  }
0x2b: {  	s6 =	sld [smem:$0x3F98]  }
0x2c: {  	s7 =	sld [smem:$0x3F99]  }
0x2d: {  	s3 =	simm.s32 $0x108;
	s8 =	sld [smem:$0x3F9A]  }
0x2e: {  	s3 =	simm.s32 @!p0 $0x1082;
	s9 =	sld [smem:$0x3F9B]  }
0x2f: {  	lr =	sadd.s32 s0, s3;
	s0 =	sld [smem:$0x3F92]  }
0x30: {  	s3 =	sld [smem:$0x3F95]  }
0x31: {  	[smem:$0x3F9E] =	sst s10  }
0x32: {  	s10 =	sld [smem:$0x3F9C];
	_ =	sdelay $0x3  }
0x33: {  	p0 =	seq.s32 s10, $0x1;
	s10 =	sld [smem:$0x3F9E];
	_ =	sdelay $0x3  }
0x34: {  	[smem:$0x3F9E] =	sst s10  }
0x35: {  	s10 =	sld [smem:$0x3F9D];
	_ =	sdelay $0x3  }
0x36: {  	p1 =	seq.s32 s10, $0x1;
	s10 =	sld [smem:$0x3F9E];
	_ =	sdelay $0x3  }
0x37: {  	[smem:$0x3F9E] =	sst s10  }
0x38: {  	s10 =	sld [smem:$0x3F9F]  }
0x39: {  	_ = 	snop;
	(pc) =	sbr.ind lr, $3  }
0x3a: {  	_ = 	snop  }
0x3b: {  	_ = 	snop  }
0x3c: {  	p2 =	seq.s32 s10, $0x1;
	s10 =	sld [smem:$0x3F9E]  }
0x3d: {  	_ =	shalt  }
0x3e: {  	_ =	shalt  }
0x3f: {  	_ =	shalt  }
0x40: {  	_ =	shalt  }
0x41: {  	_ =	shalt  }
0x42: {  	_ =	shalt  }
0x43: {  	_ =	shalt  }
0x44: {  	_ =	shalt  }
0x45: {  	_ =	shalt  }
0x46: {  	_ =	shalt  }
0x47: {  	_ =	shalt  }
0x48: {  	_ =	shalt  }
0x49: {  	_ =	shalt  }
0x4a: {  	_ =	shalt  }
0x4b: {  	_ =	shalt  }
0x4c: {  	_ =	shalt  }
0x4d: {  	_ =	shalt  }
0x4e: {  	_ =	shalt  }
0x4f: {  	_ =	shalt  }
0x50: {  	_ =	shalt  }
0x51: {  	_ =	shalt  }
0x52: {  	_ =	shalt  }
0x53: {  	_ =	shalt  }
0x54: {  	_ =	shalt  }
0x55: {  	_ =	shalt  }
0x56: {  	_ =	shalt  }
0x57: {  	_ =	shalt  }
0x58: {  	_ =	shalt  }
0x59: {  	_ =	shalt  }
0x5a: {  	_ =	shalt  }
0x5b: {  	_ =	shalt  }
0x5c: {  	_ =	shalt  }
0x5d: {  	_ =	shalt  }
0x5e: {  	_ =	shalt  }
0x5f: {  	_ =	shalt  }
0x60: {  	_ =	shalt  }
0x61: {  	_ =	shalt  }
0x62: {  	_ =	shalt  }
0x63: {  	_ =	shalt  }
0x64: {  	_ =	shalt  }
0x65: {  	_ =	shalt  }
0x66: {  	_ =	shalt  }
0x67: {  	_ =	shalt  }
0x68: {  	_ =	shalt  }
0x69: {  	_ =	shalt  }
0x6a: {  	_ =	shalt  }
0x6b: {  	_ =	shalt  }
0x6c: {  	_ =	shalt  }
0x6d: {  	_ =	shalt  }
0x6e: {  	_ =	shalt  }
0x6f: {  	_ =	shalt  }
0x70: {  	_ =	shalt  }
0x71: {  	_ =	shalt  }
0x72: {  	_ =	shalt  }
0x73: {  	_ =	shalt  }
0x74: {  	_ =	shalt  }
0x75: {  	_ =	shalt  }
0x76: {  	_ =	shalt  }
0x77: {  	_ =	shalt  }
0x78: {  	_ =	shalt  }
0x79: {  	_ =	shalt  }
0x7a: {  	_ =	shalt  }
0x7b: {  	_ =	shalt  }
0x7c: {  	_ =	shalt  }
0x7d: {  	_ =	shalt  }
0x7e: {  	_ =	shalt  }
0x7f: {  	_ =	shalt  }
0x80: {  	_ =	shalt  }
0x81: {  	_ =	shalt  }
0x82: {  	_ =	shalt  }
0x83: {  	_ =	shalt  }
0x84: {  	_ =	shalt  }
0x85: {  	_ =	shalt  }
0x86: {  	_ =	shalt  }
0x87: {  	_ =	shalt  }
.Lfunc_end0:
.L_simem_size_0:
called_computation.4_lowered:
.L_overlay_start_0:
0x88: {  	s2 =	sld [smem:$0x3FD9]  }
0x89: {  	s3 =	sld [smem:$0x3FFE];
	_ =	sdelay $0x1  }
0x8a: {  	s1 =	srdreg.scid  }
0x8b: {  	s0 =	sand.u32 $0x1, s1  }
0x8c: {  	s16 =	sshll.u32 s0, $0xA;
	s2 =	sadd.s32 s3, s2  }
0x8d: {  	s2 =	sadd.s32 s2, s16  }
0x8e: {  	[smem:$0x3FAA] =	sst s2  }
0x8f: {  	_ = 	snop  }
0x90: {  	(tm) =	ssettm $0x1  }
0x91: {  	s17 =	sld [smem:$0x3FFB];
	_ =	sdelay $0x3  }
0x92: {  	_ =	strace s17  }
0x93: {  	s2 =	sld [smem:$0x3FFC];
	_ =	sdelay $0x3  }
0x94: {  	_ =	strace s2  }
0x95: {  	s2 =	sld [smem:$0x3FFD];
	_ =	sdelay $0x3  }
0x96: {  	_ =	strace s2  }
0x97: {  	_ =	strace $0x8FFFFFFF  }
0x98: {  	s18 =	sld [smem:$0x3FDB];
	_ =	sdelay $0x1  }
0x99: {  	s19 =	simm.s32 $_scs_section_size  }
0x9a: {  	s4 =	simm.s32 $_size__tile_overlayer_lowered;
	s5 =	simm.s32 $_tile_overlayer_lowered  }
0x9b: {  	s22 =	simm.s32 $0x1BFF;
	s21 =	sshll.u32 s5, $0x1;
	s2 =	sadd.s32 s19, s18  }
0x9c: {  	s6 =	simm.s32 $0x0;
	s20 =	sshll.u32 s4, $0x1;
	s4 =	sadd.s32 s21, s2  }
0x9d: {  	[timem:s6], [sflag:s22] =	dma.local [hbm:s4], s20  }
0x9e: {  	_ =	swait.ge [sflag:s22], s20  }
0x9f: {  	s3 =	ssub.s32 $0x0, s20;
	[sflag:s22] =	ssyncset.done $0x0  }
0xa0: {  	[sflag:s22] =	ssyncadd.s32 s3;
	_ =	sdelay $0x1  }
0xa1: {  	s23 =	simm.s32 $0x1B8B  }
0xa2: {  	_ =	swait.ge [sflag:s23], $0x1  }
0xa3: {  	[sflag:s23] =	ssyncset.done $0x0  }
0xa4: {  	s25 =	simm.s32 $0x1B8E;
	s24 =	sld [smem:$0x3FFE];
	[sflag:s23] =	ssyncadd.s32 $0xFFFFFFFF  }
0xa5: {  	s26 =	simm.s32 $execute0_lowered;
	[smem:$0x3FD2] =	sst s25  }
0xa6: {  	s4 =	sshll.u32 s26, $0x1;
	_ =	strace $0x80000052;
	[dreg:$0x1] =	wrdreg $0xFFFFFFFF  }
0xa7: {  	s28 =	simm.s32 $_size_execute0_lowered;
	s2 =	sadd.s32 s2, s4;
	[dreg:$0x0] =	wrdreg $0x0  }
0xa8: {  	s4 =	sshll.u32 s28, $0x1;
	[dreg:$0x2] =	wrdreg s2  }
0xa9: {  	[dreg:$0x3] =	wrdreg s4  }
0xaa: {  	[dreg:$0x4] =	wrdreg $0xC0  }
0xab: {  	_ =	task [dreg:s6], $0x5FFFF  }
0xac: {  	[dreg:$0x1] =	wrdreg $0xFFFFFFFF  }
0xad: {  	[dreg:$0x0] =	wrdreg $0x60  }
0xae: {  	[dreg:$0x2] =	wrdreg s24  }
0xaf: {  	[dreg:$0x3] =	wrdreg $0x10800  }
0xb0: {  	[dreg:$0x4] =	wrdreg $0x9  }
0xb1: {  	_ =	task.clear_ibuf [dreg:s6], $0x5FFFF;
	_ =	strace $0x90000052  }
0xb2: {  	s29 =	simm.s32 $0x9;
	_ =	strace $0x80000054  }
0xb3: {  	_ =	swait.ge [sflag:s29], $0x1  }
0xb4: {  	[sflag:s29] =	ssyncadd.s32 $0xFFFFFFFF  }
0xb5: {  	_ =	strace $0x90000054  }
0xb6: {  	_ =	sfence  }
0xb7: {  	s30 =	sld [smem:$0x0];
	_ =	sdelay $0x2  }
0xb8: {  	s31 =	sshll.u32 s1, $0xD;
	s1 =	sshrl.u32 s1, $0x2  }
0xb9: {  	s3 =	sand.u32 $0x4000, s31;
	s1 =	sadd.s32 s1, s30  }
0xba: {  	s0 =	sor.u32 s3, s0;
	s1 =	sshll.u32 s1, $0x11  }
0xbb: {  	s0 =	sor.u32 s1, s0  }
0xbc: {  	s0 =	sadd.s32 $0x8F2B, s0  }
0xbd: {  	[sflag:s0] =	ssyncadd.remote.s32 $0x1  }
0xbe: {  	_ =	sfence.sel $0xFFFF  }
0xbf: {  	[dreg:$0x0] =	wrdreg $0xFFFFFFFF;
	(pc) =	sbr.abs _section_cstart, $3  }
0xc0: {  	[dreg:$0x1] =	wrdreg $0xFFFFFFFF  }
0xc1: {  	_ =	task.clear_ibuf [dreg:s6], $0x2FFFF;
	_ =	strace $0x9FFFFFFF  }
0xc2: {  	(tm) =	ssettm $0x7FFFFFFF  }
0xc3: {  	_ =	shalt  }
tec
execute0_lowered:
.L_overlay_start_1:
0x0: {  	(tag) =	ssettag $0x1  }
0x1: {  	s6 =	rddreg [dreg:$0x0]  }
0x2: {  	s1 =	rddreg [dreg:$0x1];
	s2 =	srdreg.scid  }
0x3: {  	s0 =	rddreg [dreg:$0x2];
	s4 =	sand.u32 $0x1, s2  }
0x4: {  	s3 =	simm.s32 $0x0;
	s2 =	stileid.u32;
	s5 =	smul.u32 $0x4E200, s4  }
0x5: {  	[smem:$0x7FF] =	sst s3;
	s7 =	smul.u32 $0x4E00, s2  }
0x6: {  	s15 =	sadd.s32 $0x4E000, s1;
	_ =	strace $0x80000053;
	s26 =	smul.u32 $0x2710, s4  }
0x7: {  	s9 =	smul.u32 $0x9C40, s4;
	s4 =	ssub.s32 $0x2, s4;
	s12 =	sshll.u32 s2, $0x6  }
0x8: {  	s29 =	sshll.u32 s2, $0x9;
	s31 =	sshll.u32 s2, $0x4;
	p0 =	sne.s32 s2, $0xF  }
0x9: {  	s11 =	sshrl.u32 s4, $0x1;
	s8 =	sadd.s32 s5, s6;
	s14 =	sshrl.u32 s7, $0x3  }
0xa: {  	s10 =	sadd.s32 s26, s6;
	s9 =	sadd.s32 s9, s6;
	s11 =	ssub.s32 s4, s11  }
0xb: {  	s13 =	sadd.s32 s7, s1;
	s5 =	sor.u32 $0x1C01, s12;
	s12 =	simm.s32 $0x1  }
0xc: {  	s28 =	sadd.s32 s14, s6;
	s6 =	sadd.s32 $0x1FE00, s6;
	s7 =	sadd.s32 $0x385600, s9  }
0xd: {  	s30 =	sadd.s32 s29, s8;
	s8 =	smax.u32 s11, $0x1;
	s10 =	sadd.s32 s31, s10  }
0xe: {  	s11 =	sshrl.u32 s13, $0x3;
	s13 =	sshrl.u32 @!p0 s15, $0x3;
	s4 =	sadd.s32 $0x16200, s28  }
0xf: {  	s9 =	sadd.s32 $0x6E400, s30;
	s10 =	sadd.s32 $0x11200, s10;
	s14 =	sadd.s32 s14, s7  }
.LBB2_1:
0x10: {  	[spmem:s11], [sflag:s5] =	dma.local [hbm:s4], $0x9C0  }
0x11: {  	_ =	swait.ge [sflag:s12], $0x9C0  }
0x12: {  	[sflag:s12] =	ssyncset.done $0x0  }
0x13: {  	s15 =	simm.s32 @!p0 $0x1;
	[sflag:s12] =	ssyncadd.s32 $0xFFFFF640  }
0x14: {  	[spmem:s13], [sflag:s5] =	dma.local @!p0 [hbm:s6], $0x40  }
0x15: {  	_ =	swait.ge @!p0 [sflag:s15], $0x40  }
0x16: {  	s16 =	sadd.s32 $0x0, s2;
	[sflag:s15] =	ssyncset.done @!p0 $0x0  }
0x17: {  	p1 =	sgt.u32 s16, $0x270;
	[sflag:s15] =	ssyncadd.s32 @!p0 $0xFFFFFFC0  }
0x18: {  	s17 =	simm.s32 @!p1 $0x2;
	s15 =	simm.s32 @!p1 $0x0;
	[bflag:$0x0] =	sbarrier.arrive $0xFFFF  }
0x19: {  	[tilespmem:s15], [sflag:$0x2] =	stream.linear.gather @!p1 [hbm4b:s10+s15], $0x80, $0x38;
	[tilespmem:$0x5EA0] =	vst v63  }
0x1a: {  	_ =	swait.ge @!p1 [sflag:s17], $0x80  }
0x1b: {  	[sflag:s17] =	ssyncset.done @!p1 $0x0;
	p1 =	por p1, p1  }
0x1c: {  	[sflag:s17] =	ssyncadd.s32 @!p1 $0xFFFFFF80;
	s19 =	simm.s32 @!p1 $0x80  }
0x1d: {  	[tilespmem:s19], [sflag:$0x2] =	stream.linear.gather @!p1 [hbm4b:s9+s15], $0x1000, $0x38;
	[tilespmem:$0x5EA0] =	vst v63  }
0x1e: {  	_ =	swait.ge @!p1 [sflag:s17], $0x1000  }
0x1f: {  	[sflag:s17] =	ssyncset.done @!p1 $0x0  }
0x20: {  	s31 =	sadd.s32 $0x10, s2;
	s18 =	simm.s32 @!p1 $0x1;
	[sflag:s17] =	ssyncadd.s32 @!p1 $0xFFFFF000  }
0x21: {  	[spmem:s1] =	stream.indirect.scatter.add.f32 @!p1 [tilespmem:s19], [sflag:$0x1], $0x20, s15, s19, $0xb8;
	[tilespmem:$0x5EA0] =	vst v63  }
0x22: {  	s16 =	simm.s32 $0x20;
	p2 =	sgt.u32 s31, $0x270;
	_ =	swait.ge @!p1 [sflag:s18], $0x1000  }
0x23: {  	s17 =	sadd.s32 $0x100, s10;
	s15 =	sadd.s32 $0x2000, s9;
	[sflag:s18] =	ssyncset.done @!p1 $0x0  }
.LBB2_2:
0x24: {  	s19 =	simm.s32 @!p2 $0x0;
	s20 =	simm.s32 @!p2 $0x2;
	[sflag:s18] =	ssyncadd.s32 @!p1 $0xFFFFF000  }
0x25: {  	[tilespmem:s19], [sflag:$0x2] =	stream.linear.gather @!p2 [hbm4b:s17+s19], $0x80, $0x38;
	[tilespmem:$0x5EA0] =	vst v63  }
0x26: {  	s21 =	smov.u32 s16;
	s16 =	sadd.s32 $0x10, s16;
	_ =	swait.ge @!p2 [sflag:s20], $0x80  }
0x27: {  	p1 =	por p2, p2;
	p3 =	sne.s32 s16, $0x280;
	[sflag:s20] =	ssyncset.done @!p2 $0x0  }
0x28: {  	s22 =	simm.s32 @!p1 $0x80;
	[sflag:s20] =	ssyncadd.s32 @!p1 $0xFFFFFF80  }
0x29: {  	[tilespmem:s22], [sflag:$0x2] =	stream.linear.gather @!p1 [hbm4b:s15+s19], $0x1000, $0x38;
	[tilespmem:$0x5EA0] =	vst v63  }
0x2a: {  	_ =	swait.ge @!p1 [sflag:s20], $0x1000  }
.Ltmp0:
0x2b: {  	[sflag:s20] =	ssyncset.done @!p1 $0x0;
	(pc) =	sbr.rel @p3 .LBB2_2-.Ltmp0, $4  }
0x2c: {  	s18 =	simm.s32 @!p1 $0x1;
	[sflag:s20] =	ssyncadd.s32 @!p1 $0xFFFFF000  }
0x2d: {  	[spmem:s1] =	stream.indirect.scatter.add.f32 @!p1 [tilespmem:s22], [sflag:$0x1], $0x20, s19, s22, $0xb8;
	[tilespmem:$0x5EA0] =	vst v63  }
0x2e: {  	s17 =	sadd.s32 $0x100, s17;
	s19 =	sadd.s32 s21, s2;
	_ =	swait.ge @!p1 [sflag:s18], $0x1000  }
0x2f: {  	s15 =	sadd.s32 $0x2000, s15;
	p2 =	sgt.u32 s19, $0x270;
	[sflag:s18] =	ssyncset.done @!p1 $0x0  }
0x30: {  	s16 =	simm.s32 @!p2 $0x0;
	s19 =	simm.s32 @!p2 $0x2;
	[sflag:s18] =	ssyncadd.s32 @!p1 $0xFFFFF000  }
0x31: {  	[tilespmem:s16], [sflag:$0x2] =	stream.linear.gather @!p2 [hbm4b:s17+s16], $0x80, $0x38;
	[tilespmem:$0x5EA0] =	vst v63  }
0x32: {  	_ =	swait.ge @!p2 [sflag:s19], $0x80  }
0x33: {  	p1 =	por p2, p2;
	[sflag:s19] =	ssyncset.done @!p2 $0x0  }
0x34: {  	s17 =	simm.s32 @!p1 $0x80;
	[sflag:s19] =	ssyncadd.s32 @!p1 $0xFFFFFF80  }
0x35: {  	[tilespmem:s17], [sflag:$0x2] =	stream.linear.gather @!p1 [hbm4b:s15+s16], $0x1000, $0x38;
	[tilespmem:$0x5EA0] =	vst v63  }
0x36: {  	_ =	swait.ge @!p1 [sflag:s19], $0x1000  }
0x37: {  	[sflag:s19] =	ssyncset.done @!p1 $0x0  }
0x38: {  	s15 =	simm.s32 @!p1 $0x1;
	[sflag:s19] =	ssyncadd.s32 @!p1 $0xFFFFF000  }
0x39: {  	[spmem:s1] =	stream.indirect.scatter.add.f32 @!p1 [tilespmem:s17], [sflag:$0x1], $0x20, s16, s17, $0xb8;
	[tilespmem:$0x5EA0] =	vst v63  }
0x3a: {  	_ =	swait.ge @!p1 [sflag:s15], $0x1000  }
0x3b: {  	[sflag:s15] =	ssyncset.done @!p1 $0x0  }
0x3c: {  	[sflag:s15] =	ssyncadd.s32 @!p1 $0xFFFFF000  }
0x3d: {  	[bflag:$0x0] =	sbarrier.arrive $0xFFFF  }
0x3e: {  	[hbm:s14], [sflag:s5] =	dma.local [spmem:s11], $0x9C0  }
0x3f: {  	_ =	swait.ge [sflag:s12], $0x9C0  }
0x40: {  	s3 =	sadd.s32 $0x1, s3;
	[sflag:s12] =	ssyncset.done $0x0  }
0x41: {  	s15 =	sadd.s32 @!p0 $0x9C00, s7;
	p1 =	sne.s32 s3, s8;
	[sflag:s12] =	ssyncadd.s32 $0xFFFFF640  }
0x42: {  	[hbm:s15], [sflag:s5] =	dma.local @!p0 [spmem:s13], $0x40  }
.Ltmp1:
0x43: {  	_ = 	snop;
	(pc) =	sbr.rel @p1 .LBB2_1-.Ltmp1, $4  }
0x44: {  	s15 =	simm.s32 @!p0 $0x1  }
0x45: {  	_ =	swait.ge @!p0 [sflag:s15], $0x40  }
0x46: {  	[sflag:s15] =	ssyncset.done @!p0 $0x0  }
0x47: {  	[sflag:s15] =	ssyncadd.s32 @!p0 $0xFFFFFFC0  }
0x48: {  	_ =	sfence.sel $0x180000  }
0x49: {  	[bflag:$0x0] =	sbarrier.arrive $0xFFFF  }
0x4a: {  	p0 =	sne.s32 s2, $0x0;
	_ =	strace $0x90000053  }
0x4b: {  	s0 =	sadd.s32 @!p0 $0x100000, s0;
	[bflag:$0x2] =	sbarrier.arrive $0xFFFF  }
0x4c: {  	[sflag:s0] =	ssyncadd.tile.s32 @!p0 $0x1;
	_ =	shalt  }
.Lfunc_end2:
_tile_overlayer_lowered:
.L_overlay_start_2:
0x4d: {  	(tag) =	ssettag $0x2  }
0x4e: {  	s0 =	rddreg [dreg:$0x0];
	s2 =	stileid.u32  }
0x4f: {  	s1 =	rddreg [dreg:$0x1];
	p0 =	sne.s32 s2, $0x0  }
0x50: {  	s3 =	rddreg [dreg:$0x2];
	[bflag:$0x3] =	sbarrier.arrive $0xFFFF;
	s2 =	simm.s32 @!p0 $0x1C01  }
0x51: {  	[timem:s3], [sflag:s2] =	dma.local @!p0 [hbm:s0], s1  }
0x52: {  	s0 =	simm.s32 @!p0 $0x1  }
0x53: {  	_ =	swait.ge @!p0 [sflag:s0], s1  }
0x54: {  	s1 =	ssub.s32 @!p0 $0x0, s1;
	[sflag:s0] =	ssyncset.done @!p0 $0x0  }
0x55: {  	[sflag:s0] =	ssyncadd.s32 @!p0 s1  }
0x56: {  	[bflag:$0x3] =	sbarrier.arrive $0xFFFF  }
0x57: {  	_ =	shalt  }

// kernel: kernel.48.cloned.1.call-start
scs
__scs_entry_jumppad:
0x0: {  	(pc) =	sbr.rel $0x88, $3  }
0x1: {  	(tag) =	ssettag $0x0;
	lr =	simm.s32 $0x1  }
0x2: {  	[smem:$0x3F83] =	sst lr;
	_ =	strace $0xD0000000  }
0x3: {  	_ = 	snop  }
0x4: {  	_ = 	snop  }
0x5: {  	_ = 	snop  }
0x6: {  	_ = 	snop  }
0x7: {  	_ = 	snop  }
__scs_overlays_trampoline_lowered:
0x8: {  	[smem:$0x3F92] =	sst s0  }
0x9: {  	[smem:$0x3F93] =	sst s1  }
0xa: {  	[smem:$0x3F94] =	sst s2  }
0xb: {  	[smem:$0x3F95] =	sst s3  }
0xc: {  	[smem:$0x3F96] =	sst s4  }
0xd: {  	[smem:$0x3F97] =	sst s5  }
0xe: {  	[smem:$0x3F98] =	sst s6  }
0xf: {  	[smem:$0x3F99] =	sst s7  }
0x10: {  	[smem:$0x3F9A] =	sst s8  }
0x11: {  	[smem:$0x3F9B] =	sst s9;
	s0 =	simm.s32 @!p0 $0x0  }
0x12: {  	s1 =	sld [smem:$0x3F81];
	s0 =	simm.s32 @p0 $0x1  }
0x13: {  	[smem:$0x3F9C] =	sst s0;
	s0 =	simm.s32 @!p1 $0x0  }
0x14: {  	s2 =	sld [smem:$0x3F80];
	s0 =	simm.s32 @p1 $0x1  }
0x15: {  	[smem:$0x3F9D] =	sst s0;
	s0 =	simm.s32 @!p2 $0x0  }
0x16: {  	s3 =	sld [smem:$0x3FDB];
	s0 =	simm.s32 @p2 $0x1  }
0x17: {  	s4 =	simm.s32 $0x1BF5;
	[smem:$0x3F9F] =	sst s0  }
0x18: {  	s0 =	sld [smem:$0x3F82];
	_ =	swait.ge [sflag:s4], $0x0  }
0x19: {  	s7 =	sld [smem:$0x3F83]  }
0x1a: {  	s8 =	sadd.s32 $0xFFFFE003, lr  }
0x1b: {  	s9 =	sadd.s32 $0xFFFFFEF7, lr;
	s5 =	simm.s32 $0xFFFFFFFF;
	p2 =	slt.u32 s8, $0xFFFFF086  }
0x1c: {  	p1 =	slt.u32 s9, $0xF7A;
	s5 =	simm.s32 @!p2 $0x0  }
0x1d: {  	s5 =	simm.s32 @p1 $0x1;
	p0 =	seq.s32 s7, s2  }
0x1e: {  	s7 =	smul.u32 @!p0 $0xF7A, s2;
	p2 =	seq.s32 @!p0 s5, $0x0  }
0x1f: {  	s9 =	smul.u32 $0xF7A, s1;
	s8 =	simm.s32 @!p0 $0x1BF5;
	p2 =	por !p2, p0  }
0x20: {  	[sflag:s8] =	ssyncset.s32 @!p0 $0xFFFFF086;
	s6 =	sadd.s32 @!p0 s3, s7;
	s7 =	simm.s32 @!p0 $0x108  }
0x21: {  	s3 =	sadd.s32 s3, s9;
	s6 =	sadd.s32 @!p0 $0x88, s6;
	s7 =	simm.s32 @p2 $0x1082  }
0x22: {  	[simem:s7], [sflag:s8] =	dma.local @!p0 [hbm:s6], $0xF7A  }
0x23: {  	s9 =	sor.u32 $0xD0000000, s2;
	s6 =	simm.s32 $0x108;
	_ =	swait.ge @!p0 [sflag:s8], $0x0  }
0x24: {  	s3 =	sadd.s32 $0x88, s3;
	s6 =	simm.s32 @!p1 $0x1082;
	[sflag:s4] =	ssyncset.s32 $0xFFFFF086  }
0x25: {  	[simem:s6], [sflag:s4] =	dma.local [hbm:s3], $0xF7A  }
0x26: {  	[smem:$0x3F83] =	sst s1;
	(tag) =	ssettag s2;
	_ =	strace s9  }
0x27: {  	s1 =	sld [smem:$0x3F93]  }
0x28: {  	s2 =	sld [smem:$0x3F94]  }
0x29: {  	s4 =	sld [smem:$0x3F96]  }
0x2a: {  	p0 =	seq.s32 s5, $0x0;
	s5 =	sld [smem:$0x3F97]  }
0x2b: {  	s6 =	sld [smem:$0x3F98]  }
0x2c: {  	s7 =	sld [smem:$0x3F99]  }
0x2d: {  	s3 =	simm.s32 $0x108;
	s8 =	sld [smem:$0x3F9A]  }
0x2e: {  	s3 =	simm.s32 @!p0 $0x1082;
	s9 =	sld [smem:$0x3F9B]  }
0x2f: {  	lr =	sadd.s32 s0, s3;
	s0 =	sld [smem:$0x3F92]  }
0x30: {  	s3 =	sld [smem:$0x3F95]  }
0x31: {  	[smem:$0x3F9E] =	sst s10  }
0x32: {  	s10 =	sld [smem:$0x3F9C];
	_ =	sdelay $0x3  }
0x33: {  	p0 =	seq.s32 s10, $0x1;
	s10 =	sld [smem:$0x3F9E];
	_ =	sdelay $0x3  }
0x34: {  	[smem:$0x3F9E] =	sst s10  }
0x35: {  	s10 =	sld [smem:$0x3F9D];
	_ =	sdelay $0x3  }
0x36: {  	p1 =	seq.s32 s10, $0x1;
	s10 =	sld [smem:$0x3F9E];
	_ =	sdelay $0x3  }
0x37: {  	[smem:$0x3F9E] =	sst s10  }
0x38: {  	s10 =	sld [smem:$0x3F9F]  }
0x39: {  	_ = 	snop;
	(pc) =	sbr.ind lr, $3  }
0x3a: {  	_ = 	snop  }
0x3b: {  	_ = 	snop  }
0x3c: {  	p2 =	seq.s32 s10, $0x1;
	s10 =	sld [smem:$0x3F9E]  }
0x3d: {  	_ =	shalt  }
0x3e: {  	_ =	shalt  }
0x3f: {  	_ =	shalt  }
0x40: {  	_ =	shalt  }
0x41: {  	_ =	shalt  }
0x42: {  	_ =	shalt  }
0x43: {  	_ =	shalt  }
0x44: {  	_ =	shalt  }
0x45: {  	_ =	shalt  }
0x46: {  	_ =	shalt  }
0x47: {  	_ =	shalt  }
0x48: {  	_ =	shalt  }
0x49: {  	_ =	shalt  }
0x4a: {  	_ =	shalt  }
0x4b: {  	_ =	shalt  }
0x4c: {  	_ =	shalt  }
0x4d: {  	_ =	shalt  }
0x4e: {  	_ =	shalt  }
0x4f: {  	_ =	shalt  }
0x50: {  	_ =	shalt  }
0x51: {  	_ =	shalt  }
0x52: {  	_ =	shalt  }
0x53: {  	_ =	shalt  }
0x54: {  	_ =	shalt  }
0x55: {  	_ =	shalt  }
0x56: {  	_ =	shalt  }
0x57: {  	_ =	shalt  }
0x58: {  	_ =	shalt  }
0x59: {  	_ =	shalt  }
0x5a: {  	_ =	shalt  }
0x5b: {  	_ =	shalt  }
0x5c: {  	_ =	shalt  }
0x5d: {  	_ =	shalt  }
0x5e: {  	_ =	shalt  }
0x5f: {  	_ =	shalt  }
0x60: {  	_ =	shalt  }
0x61: {  	_ =	shalt  }
0x62: {  	_ =	shalt  }
0x63: {  	_ =	shalt  }
0x64: {  	_ =	shalt  }
0x65: {  	_ =	shalt  }
0x66: {  	_ =	shalt  }
0x67: {  	_ =	shalt  }
0x68: {  	_ =	shalt  }
0x69: {  	_ =	shalt  }
0x6a: {  	_ =	shalt  }
0x6b: {  	_ =	shalt  }
0x6c: {  	_ =	shalt  }
0x6d: {  	_ =	shalt  }
0x6e: {  	_ =	shalt  }
0x6f: {  	_ =	shalt  }
0x70: {  	_ =	shalt  }
0x71: {  	_ =	shalt  }
0x72: {  	_ =	shalt  }
0x73: {  	_ =	shalt  }
0x74: {  	_ =	shalt  }
0x75: {  	_ =	shalt  }
0x76: {  	_ =	shalt  }
0x77: {  	_ =	shalt  }
0x78: {  	_ =	shalt  }
0x79: {  	_ =	shalt  }
0x7a: {  	_ =	shalt  }
0x7b: {  	_ =	shalt  }
0x7c: {  	_ =	shalt  }
0x7d: {  	_ =	shalt  }
0x7e: {  	_ =	shalt  }
0x7f: {  	_ =	shalt  }
0x80: {  	_ =	shalt  }
0x81: {  	_ =	shalt  }
0x82: {  	_ =	shalt  }
0x83: {  	_ =	shalt  }
0x84: {  	_ =	shalt  }
0x85: {  	_ =	shalt  }
0x86: {  	_ =	shalt  }
0x87: {  	_ =	shalt  }
.Lfunc_end0:
.L_simem_size_0:
called_computation.5_lowered:
.L_overlay_start_0:
0x88: {  	s2 =	sld [smem:$0x3FD9]  }
0x89: {  	s3 =	sld [smem:$0x3FFE];
	_ =	sdelay $0x1  }
0x8a: {  	s1 =	srdreg.scid  }
0x8b: {  	s0 =	sand.u32 $0x1, s1  }
0x8c: {  	s14 =	sshll.u32 s0, $0xA;
	s2 =	sadd.s32 s3, s2  }
0x8d: {  	s2 =	sadd.s32 s2, s14  }
0x8e: {  	[smem:$0x3FAA] =	sst s2  }
0x8f: {  	_ = 	snop  }
0x90: {  	s2 =	sld [smem:$0x3FD0];
	_ =	sdelay $0x2  }
0x91: {  	s15 =	simm.s32 $0xA;
	s4 =	simm.s32 $0x10  }
0x92: {  	[smem:s4], [sflag:s15] =	dma.local [hbm:s2], $0x1  }
0x93: {  	_ =	swait.eq [sflag:s15], $0x1  }
0x94: {  	[sflag:s15] =	ssyncset.done $0x0  }
0x95: {  	[sflag:s15] =	ssyncadd.s32 $0xFFFFFFFF  }
0x96: {  	s16 =	sld [smem:$0x12];
	(tm) =	ssettm $0x1  }
0x97: {  	s17 =	sld [smem:$0x3FFB];
	_ =	sdelay $0x3  }
0x98: {  	_ =	strace s17  }
0x99: {  	s3 =	sld [smem:$0x3FFC];
	_ =	sdelay $0x3  }
0x9a: {  	_ =	strace s3  }
0x9b: {  	s3 =	sld [smem:$0x3FFD];
	_ =	sdelay $0x3  }
0x9c: {  	_ =	strace s3  }
0x9d: {  	_ =	strace $0x8FFFFFFF  }
0x9e: {  	s18 =	sld [smem:$0x3FDB];
	_ =	sdelay $0x1  }
0x9f: {  	s19 =	simm.s32 $_scs_section_size  }
0xa0: {  	s5 =	simm.s32 $_size__tile_overlayer_lowered;
	s6 =	simm.s32 $_tile_overlayer_lowered  }
0xa1: {  	s22 =	simm.s32 $0x1BFF;
	s21 =	sshll.u32 s6, $0x1;
	s3 =	sadd.s32 s19, s18  }
0xa2: {  	s7 =	simm.s32 $0x0;
	s20 =	sshll.u32 s5, $0x1;
	s5 =	sadd.s32 s21, s3  }
0xa3: {  	[timem:s7], [sflag:s22] =	dma.local [hbm:s5], s20  }
0xa4: {  	_ =	swait.ge [sflag:s22], s20  }
0xa5: {  	s4 =	ssub.s32 $0x0, s20;
	[sflag:s22] =	ssyncset.done $0x0  }
0xa6: {  	[sflag:s22] =	ssyncadd.s32 s4;
	_ =	sdelay $0x1  }
0xa7: {  	s23 =	simm.s32 $0x1B8B  }
0xa8: {  	_ =	swait.ge [sflag:s23], $0x1  }
0xa9: {  	[sflag:s23] =	ssyncset.done $0x0  }
0xaa: {  	s25 =	simm.s32 $0x1B8E;
	s24 =	sld [smem:$0x3FFE];
	[sflag:s23] =	ssyncadd.s32 $0xFFFFFFFF  }
0xab: {  	s26 =	simm.s32 $execute0_lowered;
	[smem:$0x3FD2] =	sst s25  }
0xac: {  	s5 =	sshll.u32 s26, $0x1;
	_ =	strace $0x80000055;
	[dreg:$0x1] =	wrdreg $0xFFFFFFFF  }
0xad: {  	s28 =	simm.s32 $_size_execute0_lowered;
	s3 =	sadd.s32 s3, s5;
	[dreg:$0x0] =	wrdreg $0x0  }
0xae: {  	s5 =	sshll.u32 s28, $0x1;
	[dreg:$0x2] =	wrdreg s3  }
0xaf: {  	[dreg:$0x3] =	wrdreg s5  }
0xb0: {  	[dreg:$0x4] =	wrdreg $0xC0  }
0xb1: {  	_ =	task [dreg:s7], $0x5FFFF  }
0xb2: {  	[dreg:$0x1] =	wrdreg $0xFFFFFFFF  }
0xb3: {  	[dreg:$0x0] =	wrdreg $0x60  }
0xb4: {  	[dreg:$0x2] =	wrdreg s24  }
0xb5: {  	[dreg:$0x3] =	wrdreg s16  }
0xb6: {  	[dreg:$0x4] =	wrdreg $0x9  }
0xb7: {  	_ =	task.clear_ibuf [dreg:s7], $0x5FFFF;
	_ =	strace $0x90000055  }
0xb8: {  	s29 =	simm.s32 $0x9;
	_ =	strace $0x80000057  }
0xb9: {  	_ =	swait.ge [sflag:s29], $0x1  }
0xba: {  	[sflag:s29] =	ssyncadd.s32 $0xFFFFFFFF  }
0xbb: {  	_ =	strace $0x90000057  }
0xbc: {  	_ =	sfence  }
0xbd: {  	s30 =	sld [smem:$0x0];
	_ =	sdelay $0x2  }
0xbe: {  	s31 =	sshll.u32 s1, $0xD;
	s1 =	sshrl.u32 s1, $0x2  }
0xbf: {  	s3 =	sand.u32 $0x4000, s31;
	s1 =	sadd.s32 s1, s30  }
0xc0: {  	s0 =	sor.u32 s3, s0;
	s1 =	sshll.u32 s1, $0x11  }
0xc1: {  	s0 =	sor.u32 s1, s0  }
0xc2: {  	s0 =	sadd.s32 $0x8F2B, s0  }
0xc3: {  	[sflag:s0] =	ssyncadd.remote.s32 $0x1  }
0xc4: {  	_ =	sfence.sel $0xFFFF  }
0xc5: {  	[dreg:$0x0] =	wrdreg $0xFFFFFFFF;
	(pc) =	sbr.abs _section_cstart, $3  }
0xc6: {  	[dreg:$0x1] =	wrdreg $0xFFFFFFFF  }
0xc7: {  	_ =	task.clear_ibuf [dreg:s7], $0x2FFFF;
	_ =	strace $0x9FFFFFFF  }
0xc8: {  	(tm) =	ssettm $0x7FFFFFFF  }
0xc9: {  	_ =	shalt  }
tec
execute0_lowered:
.L_overlay_start_1:
0x0: {  	(tag) =	ssettag $0x1  }
0x1: {  	s4 =	rddreg [dreg:$0x0]  }
0x2: {  	s5 =	rddreg [dreg:$0x1]  }
0x3: {  	s0 =	rddreg [dreg:$0x2]  }
0x4: {  	s2 =	simm.s32 $0x0;
	s3 =	srdreg.scid;
	s1 =	stileid.u32  }
0x5: {  	[smem:$0x7FF] =	sst s2;
	s6 =	sand.u32 $0x1, s3;
	s3 =	sadd.s32 $0x6E400, s4  }
0x6: {  	s7 =	sshll.u32 s1, $0xA;
	s31 =	sshll.u32 s1, $0x5;
	_ =	strace $0x80000056  }
0x7: {  	s8 =	ssub.s32 $0x2, s6;
	s4 =	sadd.s32 s7, s4;
	s9 =	sshll.u32 s6, $0x9  }
0x8: {  	s10 =	sshll.u32 s6, $0x4;
	s29 =	sshrl.u32 s8, $0x1;
	s30 =	sadd.s32 s9, s4  }
0x9: {  	s4 =	sshll.u32 s1, $0x1;
	s9 =	sadd.s32 s31, s5;
	s7 =	ssub.s32 s8, s29  }
0xa: {  	s6 =	sadd.s32 $0x78200, s30;
	s5 =	smax.u32 s7, $0x1;
	s7 =	sadd.s32 s10, s9  }
.LBB2_1:
0xb: {  	s8 =	sadd.s32 $0x0, s4  }
0xc: {  	p0 =	sgt.u32 s8, $0x4E1  }
0xd: {  	s8 =	simm.s32 @!p0 $0x0;
	s9 =	simm.s32 @!p0 $0x3  }
0xe: {  	[tilespmem:s8], [sflag:$0x3] =	stream.linear.gather @!p0 [hbm4b:s7+s8], $0x80, $0x38;
	[tilespmem:$0x1080] =	vst v63  }
0xf: {  	_ =	swait.ge @!p0 [sflag:s9], $0x80  }
0x10: {  	[sflag:s9] =	ssyncset.done @!p0 $0x0;
	p0 =	por p0, p0  }
0x11: {  	[sflag:s9] =	ssyncadd.s32 @!p0 $0xFFFFFF80;
	s10 =	simm.s32 @!p0 $0x80;
	s11 =	simm.s32 @!p0 $0x1  }
0x12: {  	[tilespmem:s10], [sflag:$0x1] =	stream.indirect.gather @!p0 [hbm4b:s3+s10], $0x20, s8, s10, $0xb8;
	[tilespmem:$0x1080] =	vst v63  }
0x13: {  	_ =	swait.ge @!p0 [sflag:s11], $0x1000  }
0x14: {  	[sflag:s11] =	ssyncset.done @!p0 $0x0  }
0x15: {  	s31 =	sadd.s32 $0x20, s4;
	[sflag:s11] =	ssyncadd.s32 @!p0 $0xFFFFF000;
	s11 =	simm.s32 @!p0 $0x2  }
0x16: {  	[hbm4b:s6+s8] =	stream.linear.scatter @!p0 [tilespmem:s10], [sflag:$0x2], $0x1000, $0x38;
	[tilespmem:$0x1080] =	vst v63  }
0x17: {  	p1 =	sgt.u32 s31, $0x4E1;
	s9 =	simm.s32 $0x40;
	_ =	swait.ge @!p0 [sflag:s11], $0x1000  }
0x18: {  	s10 =	sadd.s32 $0x200, s7;
	s8 =	sadd.s32 $0x4000, s6;
	[sflag:s11] =	ssyncset.done @!p0 $0x0  }
.LBB2_2:
0x19: {  	s12 =	simm.s32 @!p1 $0x0;
	s13 =	simm.s32 @!p1 $0x3;
	[sflag:s11] =	ssyncadd.s32 @!p0 $0xFFFFF000  }
0x1a: {  	[tilespmem:s12], [sflag:$0x3] =	stream.linear.gather @!p1 [hbm4b:s10+s12], $0x80, $0x38;
	[tilespmem:$0x1080] =	vst v63  }
0x1b: {  	s14 =	smov.u32 s9;
	s9 =	sadd.s32 $0x20, s9;
	_ =	swait.ge @!p1 [sflag:s13], $0x80  }
0x1c: {  	p0 =	por p1, p1;
	p2 =	sne.s32 s9, $0x500;
	[sflag:s13] =	ssyncset.done @!p1 $0x0  }
0x1d: {  	s11 =	simm.s32 @!p0 $0x1;
	[sflag:s13] =	ssyncadd.s32 @!p0 $0xFFFFFF80;
	s13 =	simm.s32 @!p0 $0x80  }
0x1e: {  	[tilespmem:s13], [sflag:$0x1] =	stream.indirect.gather @!p0 [hbm4b:s3+s13], $0x20, s12, s13, $0xb8;
	[tilespmem:$0x1080] =	vst v63  }
0x1f: {  	_ =	swait.ge @!p0 [sflag:s11], $0x1000  }
.Ltmp0:
0x20: {  	[sflag:s11] =	ssyncset.done @!p0 $0x0;
	(pc) =	sbr.rel @p2 .LBB2_2-.Ltmp0, $4  }
0x21: {  	[sflag:s11] =	ssyncadd.s32 @!p0 $0xFFFFF000;
	s11 =	simm.s32 @!p0 $0x2  }
0x22: {  	[hbm4b:s8+s12] =	stream.linear.scatter @!p0 [tilespmem:s13], [sflag:$0x2], $0x1000, $0x38;
	[tilespmem:$0x1080] =	vst v63  }
0x23: {  	s10 =	sadd.s32 $0x200, s10;
	s12 =	sadd.s32 s14, s4;
	_ =	swait.ge @!p0 [sflag:s11], $0x1000  }
0x24: {  	s8 =	sadd.s32 $0x4000, s8;
	p1 =	sgt.u32 s12, $0x4E1;
	[sflag:s11] =	ssyncset.done @!p0 $0x0  }
0x25: {  	s9 =	simm.s32 @!p1 $0x0;
	s12 =	simm.s32 @!p1 $0x3;
	[sflag:s11] =	ssyncadd.s32 @!p0 $0xFFFFF000  }
0x26: {  	[tilespmem:s9], [sflag:$0x3] =	stream.linear.gather @!p1 [hbm4b:s10+s9], $0x80, $0x38;
	[tilespmem:$0x1080] =	vst v63  }
0x27: {  	_ =	swait.ge @!p1 [sflag:s12], $0x80  }
0x28: {  	p0 =	por p1, p1;
	[sflag:s12] =	ssyncset.done @!p1 $0x0  }
0x29: {  	s10 =	simm.s32 @!p0 $0x80;
	s11 =	simm.s32 @!p0 $0x1;
	[sflag:s12] =	ssyncadd.s32 @!p0 $0xFFFFFF80  }
0x2a: {  	[tilespmem:s10], [sflag:$0x1] =	stream.indirect.gather @!p0 [hbm4b:s3+s10], $0x20, s9, s10, $0xb8;
	[tilespmem:$0x1080] =	vst v63  }
0x2b: {  	s2 =	sadd.s32 $0x1, s2;
	_ =	swait.ge @!p0 [sflag:s11], $0x1000  }
0x2c: {  	p1 =	sne.s32 s2, s5;
	[sflag:s11] =	ssyncset.done @!p0 $0x0  }
.Ltmp1:
0x2d: {  	[sflag:s11] =	ssyncadd.s32 @!p0 $0xFFFFF000;
	s11 =	simm.s32 @!p0 $0x2;
	(pc) =	sbr.rel @p1 .LBB2_1-.Ltmp1, $4  }
0x2e: {  	[hbm4b:s8+s9] =	stream.linear.scatter @!p0 [tilespmem:s10], [sflag:$0x2], $0x1000, $0x38;
	[tilespmem:$0x1080] =	vst v63  }
0x2f: {  	_ =	swait.ge @!p0 [sflag:s11], $0x1000  }
0x30: {  	[sflag:s11] =	ssyncset.done @!p0 $0x0  }
0x31: {  	[sflag:s11] =	ssyncadd.s32 @!p0 $0xFFFFF000  }
0x32: {  	_ =	sfence.sel $0x180000  }
0x33: {  	[bflag:$0x0] =	sbarrier.arrive $0xFFFF  }
0x34: {  	p0 =	sne.s32 s1, $0x0;
	_ =	strace $0x90000056  }
0x35: {  	s0 =	sadd.s32 @!p0 $0x100000, s0;
	[bflag:$0x2] =	sbarrier.arrive $0xFFFF  }
0x36: {  	[sflag:s0] =	ssyncadd.tile.s32 @!p0 $0x1;
	_ =	shalt  }
.Lfunc_end2:
_tile_overlayer_lowered:
.L_overlay_start_2:
0x37: {  	(tag) =	ssettag $0x2  }
0x38: {  	s0 =	rddreg [dreg:$0x0];
	s2 =	stileid.u32  }
0x39: {  	s1 =	rddreg [dreg:$0x1];
	p0 =	sne.s32 s2, $0x0  }
0x3a: {  	s3 =	rddreg [dreg:$0x2];
	[bflag:$0x3] =	sbarrier.arrive $0xFFFF;
	s2 =	simm.s32 @!p0 $0x1C02  }
0x3b: {  	[timem:s3], [sflag:s2] =	dma.local @!p0 [hbm:s0], s1  }
0x3c: {  	s0 =	simm.s32 @!p0 $0x2  }
0x3d: {  	_ =	swait.ge @!p0 [sflag:s0], s1  }
0x3e: {  	s1 =	ssub.s32 @!p0 $0x0, s1;
	[sflag:s0] =	ssyncset.done @!p0 $0x0  }
0x3f: {  	[sflag:s0] =	ssyncadd.s32 @!p0 s1  }
0x40: {  	[bflag:$0x3] =	sbarrier.arrive $0xFFFF  }
0x41: {  	_ =	shalt  }

// kernel: kernel.51.cloned.1.call-start
scs
__scs_entry_jumppad:
0x0: {  	(pc) =	sbr.rel $0x88, $3  }
0x1: {  	(tag) =	ssettag $0x0;
	lr =	simm.s32 $0x1  }
0x2: {  	[smem:$0x3F83] =	sst lr;
	_ =	strace $0xD0000000  }
0x3: {  	_ = 	snop  }
0x4: {  	_ = 	snop  }
0x5: {  	_ = 	snop  }
0x6: {  	_ = 	snop  }
0x7: {  	_ = 	snop  }
__scs_overlays_trampoline_lowered:
0x8: {  	[smem:$0x3F92] =	sst s0  }
0x9: {  	[smem:$0x3F93] =	sst s1  }
0xa: {  	[smem:$0x3F94] =	sst s2  }
0xb: {  	[smem:$0x3F95] =	sst s3  }
0xc: {  	[smem:$0x3F96] =	sst s4  }
0xd: {  	[smem:$0x3F97] =	sst s5  }
0xe: {  	[smem:$0x3F98] =	sst s6  }
0xf: {  	[smem:$0x3F99] =	sst s7  }
0x10: {  	[smem:$0x3F9A] =	sst s8  }
0x11: {  	[smem:$0x3F9B] =	sst s9;
	s0 =	simm.s32 @!p0 $0x0  }
0x12: {  	s1 =	sld [smem:$0x3F81];
	s0 =	simm.s32 @p0 $0x1  }
0x13: {  	[smem:$0x3F9C] =	sst s0;
	s0 =	simm.s32 @!p1 $0x0  }
0x14: {  	s2 =	sld [smem:$0x3F80];
	s0 =	simm.s32 @p1 $0x1  }
0x15: {  	[smem:$0x3F9D] =	sst s0;
	s0 =	simm.s32 @!p2 $0x0  }
0x16: {  	s3 =	sld [smem:$0x3FDB];
	s0 =	simm.s32 @p2 $0x1  }
0x17: {  	s4 =	simm.s32 $0x1BF5;
	[smem:$0x3F9F] =	sst s0  }
0x18: {  	s0 =	sld [smem:$0x3F82];
	_ =	swait.ge [sflag:s4], $0x0  }
0x19: {  	s7 =	sld [smem:$0x3F83]  }
0x1a: {  	s8 =	sadd.s32 $0xFFFFE003, lr  }
0x1b: {  	s9 =	sadd.s32 $0xFFFFFEF7, lr;
	s5 =	simm.s32 $0xFFFFFFFF;
	p2 =	slt.u32 s8, $0xFFFFF086  }
0x1c: {  	p1 =	slt.u32 s9, $0xF7A;
	s5 =	simm.s32 @!p2 $0x0  }
0x1d: {  	s5 =	simm.s32 @p1 $0x1;
	p0 =	seq.s32 s7, s2  }
0x1e: {  	s7 =	smul.u32 @!p0 $0xF7A, s2;
	p2 =	seq.s32 @!p0 s5, $0x0  }
0x1f: {  	s9 =	smul.u32 $0xF7A, s1;
	s8 =	simm.s32 @!p0 $0x1BF5;
	p2 =	por !p2, p0  }
0x20: {  	[sflag:s8] =	ssyncset.s32 @!p0 $0xFFFFF086;
	s6 =	sadd.s32 @!p0 s3, s7;
	s7 =	simm.s32 @!p0 $0x108  }
0x21: {  	s3 =	sadd.s32 s3, s9;
	s6 =	sadd.s32 @!p0 $0x88, s6;
	s7 =	simm.s32 @p2 $0x1082  }
0x22: {  	[simem:s7], [sflag:s8] =	dma.local @!p0 [hbm:s6], $0xF7A  }
0x23: {  	s9 =	sor.u32 $0xD0000000, s2;
	s6 =	simm.s32 $0x108;
	_ =	swait.ge @!p0 [sflag:s8], $0x0  }
0x24: {  	s3 =	sadd.s32 $0x88, s3;
	s6 =	simm.s32 @!p1 $0x1082;
	[sflag:s4] =	ssyncset.s32 $0xFFFFF086  }
0x25: {  	[simem:s6], [sflag:s4] =	dma.local [hbm:s3], $0xF7A  }
0x26: {  	[smem:$0x3F83] =	sst s1;
	(tag) =	ssettag s2;
	_ =	strace s9  }
0x27: {  	s1 =	sld [smem:$0x3F93]  }
0x28: {  	s2 =	sld [smem:$0x3F94]  }
0x29: {  	s4 =	sld [smem:$0x3F96]  }
0x2a: {  	p0 =	seq.s32 s5, $0x0;
	s5 =	sld [smem:$0x3F97]  }
0x2b: {  	s6 =	sld [smem:$0x3F98]  }
0x2c: {  	s7 =	sld [smem:$0x3F99]  }
0x2d: {  	s3 =	simm.s32 $0x108;
	s8 =	sld [smem:$0x3F9A]  }
0x2e: {  	s3 =	simm.s32 @!p0 $0x1082;
	s9 =	sld [smem:$0x3F9B]  }
0x2f: {  	lr =	sadd.s32 s0, s3;
	s0 =	sld [smem:$0x3F92]  }
0x30: {  	s3 =	sld [smem:$0x3F95]  }
0x31: {  	[smem:$0x3F9E] =	sst s10  }
0x32: {  	s10 =	sld [smem:$0x3F9C];
	_ =	sdelay $0x3  }
0x33: {  	p0 =	seq.s32 s10, $0x1;
	s10 =	sld [smem:$0x3F9E];
	_ =	sdelay $0x3  }
0x34: {  	[smem:$0x3F9E] =	sst s10  }
0x35: {  	s10 =	sld [smem:$0x3F9D];
	_ =	sdelay $0x3  }
0x36: {  	p1 =	seq.s32 s10, $0x1;
	s10 =	sld [smem:$0x3F9E];
	_ =	sdelay $0x3  }
0x37: {  	[smem:$0x3F9E] =	sst s10  }
0x38: {  	s10 =	sld [smem:$0x3F9F]  }
0x39: {  	_ = 	snop;
	(pc) =	sbr.ind lr, $3  }
0x3a: {  	_ = 	snop  }
0x3b: {  	_ = 	snop  }
0x3c: {  	p2 =	seq.s32 s10, $0x1;
	s10 =	sld [smem:$0x3F9E]  }
0x3d: {  	_ =	shalt  }
0x3e: {  	_ =	shalt  }
0x3f: {  	_ =	shalt  }
0x40: {  	_ =	shalt  }
0x41: {  	_ =	shalt  }
0x42: {  	_ =	shalt  }
0x43: {  	_ =	shalt  }
0x44: {  	_ =	shalt  }
0x45: {  	_ =	shalt  }
0x46: {  	_ =	shalt  }
0x47: {  	_ =	shalt  }
0x48: {  	_ =	shalt  }
0x49: {  	_ =	shalt  }
0x4a: {  	_ =	shalt  }
0x4b: {  	_ =	shalt  }
0x4c: {  	_ =	shalt  }
0x4d: {  	_ =	shalt  }
0x4e: {  	_ =	shalt  }
0x4f: {  	_ =	shalt  }
0x50: {  	_ =	shalt  }
0x51: {  	_ =	shalt  }
0x52: {  	_ =	shalt  }
0x53: {  	_ =	shalt  }
0x54: {  	_ =	shalt  }
0x55: {  	_ =	shalt  }
0x56: {  	_ =	shalt  }
0x57: {  	_ =	shalt  }
0x58: {  	_ =	shalt  }
0x59: {  	_ =	shalt  }
0x5a: {  	_ =	shalt  }
0x5b: {  	_ =	shalt  }
0x5c: {  	_ =	shalt  }
0x5d: {  	_ =	shalt  }
0x5e: {  	_ =	shalt  }
0x5f: {  	_ =	shalt  }
0x60: {  	_ =	shalt  }
0x61: {  	_ =	shalt  }
0x62: {  	_ =	shalt  }
0x63: {  	_ =	shalt  }
0x64: {  	_ =	shalt  }
0x65: {  	_ =	shalt  }
0x66: {  	_ =	shalt  }
0x67: {  	_ =	shalt  }
0x68: {  	_ =	shalt  }
0x69: {  	_ =	shalt  }
0x6a: {  	_ =	shalt  }
0x6b: {  	_ =	shalt  }
0x6c: {  	_ =	shalt  }
0x6d: {  	_ =	shalt  }
0x6e: {  	_ =	shalt  }
0x6f: {  	_ =	shalt  }
0x70: {  	_ =	shalt  }
0x71: {  	_ =	shalt  }
0x72: {  	_ =	shalt  }
0x73: {  	_ =	shalt  }
0x74: {  	_ =	shalt  }
0x75: {  	_ =	shalt  }
0x76: {  	_ =	shalt  }
0x77: {  	_ =	shalt  }
0x78: {  	_ =	shalt  }
0x79: {  	_ =	shalt  }
0x7a: {  	_ =	shalt  }
0x7b: {  	_ =	shalt  }
0x7c: {  	_ =	shalt  }
0x7d: {  	_ =	shalt  }
0x7e: {  	_ =	shalt  }
0x7f: {  	_ =	shalt  }
0x80: {  	_ =	shalt  }
0x81: {  	_ =	shalt  }
0x82: {  	_ =	shalt  }
0x83: {  	_ =	shalt  }
0x84: {  	_ =	shalt  }
0x85: {  	_ =	shalt  }
0x86: {  	_ =	shalt  }
0x87: {  	_ =	shalt  }
.Lfunc_end0:
.L_simem_size_0:
called_computation.6_lowered:
.L_overlay_start_0:
0x88: {  	s2 =	sld [smem:$0x3FD9]  }
0x89: {  	s3 =	sld [smem:$0x3FFE];
	_ =	sdelay $0x1  }
0x8a: {  	s1 =	srdreg.scid  }
0x8b: {  	s0 =	sand.u32 $0x1, s1  }
0x8c: {  	s16 =	sshll.u32 s0, $0xA;
	s2 =	sadd.s32 s3, s2  }
0x8d: {  	s2 =	sadd.s32 s2, s16  }
0x8e: {  	[smem:$0x3FAA] =	sst s2  }
0x8f: {  	_ = 	snop  }
0x90: {  	(tm) =	ssettm $0x1  }
0x91: {  	s17 =	sld [smem:$0x3FFB];
	_ =	sdelay $0x3  }
0x92: {  	_ =	strace s17  }
0x93: {  	s2 =	sld [smem:$0x3FFC];
	_ =	sdelay $0x3  }
0x94: {  	_ =	strace s2  }
0x95: {  	s2 =	sld [smem:$0x3FFD];
	_ =	sdelay $0x3  }
0x96: {  	_ =	strace s2  }
0x97: {  	_ =	strace $0x8FFFFFFF  }
0x98: {  	s18 =	sld [smem:$0x3FDB];
	_ =	sdelay $0x1  }
0x99: {  	s19 =	simm.s32 $_scs_section_size  }
0x9a: {  	s4 =	simm.s32 $_size__tile_overlayer_lowered;
	s5 =	simm.s32 $_tile_overlayer_lowered  }
0x9b: {  	s22 =	simm.s32 $0x1BFF;
	s21 =	sshll.u32 s5, $0x1;
	s2 =	sadd.s32 s19, s18  }
0x9c: {  	s6 =	simm.s32 $0x0;
	s20 =	sshll.u32 s4, $0x1;
	s4 =	sadd.s32 s21, s2  }
0x9d: {  	[timem:s6], [sflag:s22] =	dma.local [hbm:s4], s20  }
0x9e: {  	_ =	swait.ge [sflag:s22], s20  }
0x9f: {  	s3 =	ssub.s32 $0x0, s20;
	[sflag:s22] =	ssyncset.done $0x0  }
0xa0: {  	[sflag:s22] =	ssyncadd.s32 s3;
	_ =	sdelay $0x1  }
0xa1: {  	s23 =	simm.s32 $0x1B8B  }
0xa2: {  	_ =	swait.ge [sflag:s23], $0x1  }
0xa3: {  	[sflag:s23] =	ssyncset.done $0x0  }
0xa4: {  	s25 =	simm.s32 $0x1B8E;
	s24 =	sld [smem:$0x3FFE];
	[sflag:s23] =	ssyncadd.s32 $0xFFFFFFFF  }
0xa5: {  	s26 =	simm.s32 $execute0_lowered;
	[smem:$0x3FD2] =	sst s25  }
0xa6: {  	s4 =	sshll.u32 s26, $0x1;
	_ =	strace $0x80000058;
	[dreg:$0x1] =	wrdreg $0xFFFFFFFF  }
0xa7: {  	s28 =	simm.s32 $_size_execute0_lowered;
	s2 =	sadd.s32 s2, s4;
	[dreg:$0x0] =	wrdreg $0x0  }
0xa8: {  	s4 =	sshll.u32 s28, $0x1;
	[dreg:$0x2] =	wrdreg s2  }
0xa9: {  	[dreg:$0x3] =	wrdreg s4  }
0xaa: {  	[dreg:$0x4] =	wrdreg $0xC0  }
0xab: {  	_ =	task [dreg:s6], $0x5FFFF  }
0xac: {  	[dreg:$0x1] =	wrdreg $0xFFFFFFFF  }
0xad: {  	[dreg:$0x0] =	wrdreg $0x60  }
0xae: {  	[dreg:$0x2] =	wrdreg s24  }
0xaf: {  	[dreg:$0x3] =	wrdreg $0x10800  }
0xb0: {  	[dreg:$0x4] =	wrdreg $0x9  }
0xb1: {  	_ =	task.clear_ibuf [dreg:s6], $0x5FFFF;
	_ =	strace $0x90000058  }
0xb2: {  	s29 =	simm.s32 $0x9;
	_ =	strace $0x8000005A  }
0xb3: {  	_ =	swait.ge [sflag:s29], $0x1  }
0xb4: {  	[sflag:s29] =	ssyncadd.s32 $0xFFFFFFFF  }
0xb5: {  	_ =	strace $0x9000005A  }
0xb6: {  	_ =	sfence  }
0xb7: {  	s30 =	sld [smem:$0x0];
	_ =	sdelay $0x2  }
0xb8: {  	s31 =	sshll.u32 s1, $0xD;
	s1 =	sshrl.u32 s1, $0x2  }
0xb9: {  	s3 =	sand.u32 $0x4000, s31;
	s1 =	sadd.s32 s1, s30  }
0xba: {  	s0 =	sor.u32 s3, s0;
	s1 =	sshll.u32 s1, $0x11  }
0xbb: {  	s0 =	sor.u32 s1, s0  }
0xbc: {  	s0 =	sadd.s32 $0x8F2B, s0  }
0xbd: {  	[sflag:s0] =	ssyncadd.remote.s32 $0x1  }
0xbe: {  	_ =	sfence.sel $0xFFFF  }
0xbf: {  	[dreg:$0x0] =	wrdreg $0xFFFFFFFF;
	(pc) =	sbr.abs _section_cstart, $3  }
0xc0: {  	[dreg:$0x1] =	wrdreg $0xFFFFFFFF  }
0xc1: {  	_ =	task.clear_ibuf [dreg:s6], $0x2FFFF;
	_ =	strace $0x9FFFFFFF  }
0xc2: {  	(tm) =	ssettm $0x7FFFFFFF  }
0xc3: {  	_ =	shalt  }
tec
execute0_lowered:
.L_overlay_start_1:
0x0: {  	(tag) =	ssettag $0x1  }
0x1: {  	s6 =	rddreg [dreg:$0x0]  }
0x2: {  	s1 =	rddreg [dreg:$0x1];
	s2 =	srdreg.scid  }
0x3: {  	s0 =	rddreg [dreg:$0x2];
	s4 =	sand.u32 $0x1, s2  }
0x4: {  	s3 =	simm.s32 $0x0;
	s2 =	stileid.u32;
	s5 =	smul.u32 $0x4E200, s4  }
0x5: {  	[smem:$0x7FF] =	sst s3;
	s7 =	smul.u32 $0x4E00, s2  }
0x6: {  	s15 =	sadd.s32 $0x4E000, s1;
	_ =	strace $0x80000059;
	s26 =	smul.u32 $0x2710, s4  }
0x7: {  	s9 =	smul.u32 $0x9C40, s4;
	s4 =	ssub.s32 $0x2, s4;
	s12 =	sshll.u32 s2, $0x6  }
0x8: {  	s29 =	sshll.u32 s2, $0x9;
	s31 =	sshll.u32 s2, $0x4;
	p0 =	sne.s32 s2, $0xF  }
0x9: {  	s11 =	sshrl.u32 s4, $0x1;
	s8 =	sadd.s32 s5, s6;
	s14 =	sshrl.u32 s7, $0x3  }
0xa: {  	s10 =	sadd.s32 s26, s6;
	s9 =	sadd.s32 s9, s6;
	s11 =	ssub.s32 s4, s11  }
0xb: {  	s13 =	sadd.s32 s7, s1;
	s5 =	sor.u32 $0x1C01, s12;
	s12 =	simm.s32 $0x1  }
0xc: {  	s28 =	sadd.s32 s14, s6;
	s6 =	sadd.s32 $0x1FE00, s6;
	s7 =	sadd.s32 $0x385600, s9  }
0xd: {  	s30 =	sadd.s32 s29, s8;
	s8 =	smax.u32 s11, $0x1;
	s10 =	sadd.s32 s31, s10  }
0xe: {  	s11 =	sshrl.u32 s13, $0x3;
	s13 =	sshrl.u32 @!p0 s15, $0x3;
	s4 =	sadd.s32 $0x16200, s28  }
0xf: {  	s9 =	sadd.s32 $0x6E400, s30;
	s10 =	sadd.s32 $0x11200, s10;
	s14 =	sadd.s32 s14, s7  }
.LBB2_1:
0x10: {  	[spmem:s11], [sflag:s5] =	dma.local [hbm:s4], $0x9C0  }
0x11: {  	_ =	swait.ge [sflag:s12], $0x9C0  }
0x12: {  	[sflag:s12] =	ssyncset.done $0x0  }
0x13: {  	s15 =	simm.s32 @!p0 $0x1;
	[sflag:s12] =	ssyncadd.s32 $0xFFFFF640  }
0x14: {  	[spmem:s13], [sflag:s5] =	dma.local @!p0 [hbm:s6], $0x40  }
0x15: {  	_ =	swait.ge @!p0 [sflag:s15], $0x40  }
0x16: {  	s16 =	sadd.s32 $0x0, s2;
	[sflag:s15] =	ssyncset.done @!p0 $0x0  }
0x17: {  	p1 =	sgt.u32 s16, $0x270;
	[sflag:s15] =	ssyncadd.s32 @!p0 $0xFFFFFFC0  }
0x18: {  	s17 =	simm.s32 @!p1 $0x2;
	s15 =	simm.s32 @!p1 $0x0;
	[bflag:$0x0] =	sbarrier.arrive $0xFFFF  }
0x19: {  	[tilespmem:s15], [sflag:$0x2] =	stream.linear.gather @!p1 [hbm4b:s10+s15], $0x80, $0x38;
	[tilespmem:$0x5EA0] =	vst v63  }
0x1a: {  	_ =	swait.ge @!p1 [sflag:s17], $0x80  }
0x1b: {  	[sflag:s17] =	ssyncset.done @!p1 $0x0;
	p1 =	por p1, p1  }
0x1c: {  	[sflag:s17] =	ssyncadd.s32 @!p1 $0xFFFFFF80;
	s19 =	simm.s32 @!p1 $0x80  }
0x1d: {  	[tilespmem:s19], [sflag:$0x2] =	stream.linear.gather @!p1 [hbm4b:s9+s15], $0x1000, $0x38;
	[tilespmem:$0x5EA0] =	vst v63  }
0x1e: {  	_ =	swait.ge @!p1 [sflag:s17], $0x1000  }
0x1f: {  	[sflag:s17] =	ssyncset.done @!p1 $0x0  }
0x20: {  	s31 =	sadd.s32 $0x10, s2;
	s18 =	simm.s32 @!p1 $0x1;
	[sflag:s17] =	ssyncadd.s32 @!p1 $0xFFFFF000  }
0x21: {  	[spmem:s1] =	stream.indirect.scatter.add.f32 @!p1 [tilespmem:s19], [sflag:$0x1], $0x20, s15, s19, $0xb8;
	[tilespmem:$0x5EA0] =	vst v63  }
0x22: {  	s16 =	simm.s32 $0x20;
	p2 =	sgt.u32 s31, $0x270;
	_ =	swait.ge @!p1 [sflag:s18], $0x1000  }
0x23: {  	s17 =	sadd.s32 $0x100, s10;
	s15 =	sadd.s32 $0x2000, s9;
	[sflag:s18] =	ssyncset.done @!p1 $0x0  }
.LBB2_2:
0x24: {  	s19 =	simm.s32 @!p2 $0x0;
	s20 =	simm.s32 @!p2 $0x2;
	[sflag:s18] =	ssyncadd.s32 @!p1 $0xFFFFF000  }
0x25: {  	[tilespmem:s19], [sflag:$0x2] =	stream.linear.gather @!p2 [hbm4b:s17+s19], $0x80, $0x38;
	[tilespmem:$0x5EA0] =	vst v63  }
0x26: {  	s21 =	smov.u32 s16;
	s16 =	sadd.s32 $0x10, s16;
	_ =	swait.ge @!p2 [sflag:s20], $0x80  }
0x27: {  	p1 =	por p2, p2;
	p3 =	sne.s32 s16, $0x280;
	[sflag:s20] =	ssyncset.done @!p2 $0x0  }
0x28: {  	s22 =	simm.s32 @!p1 $0x80;
	[sflag:s20] =	ssyncadd.s32 @!p1 $0xFFFFFF80  }
0x29: {  	[tilespmem:s22], [sflag:$0x2] =	stream.linear.gather @!p1 [hbm4b:s15+s19], $0x1000, $0x38;
	[tilespmem:$0x5EA0] =	vst v63  }
0x2a: {  	_ =	swait.ge @!p1 [sflag:s20], $0x1000  }
.Ltmp0:
0x2b: {  	[sflag:s20] =	ssyncset.done @!p1 $0x0;
	(pc) =	sbr.rel @p3 .LBB2_2-.Ltmp0, $4  }
0x2c: {  	s18 =	simm.s32 @!p1 $0x1;
	[sflag:s20] =	ssyncadd.s32 @!p1 $0xFFFFF000  }
0x2d: {  	[spmem:s1] =	stream.indirect.scatter.add.f32 @!p1 [tilespmem:s22], [sflag:$0x1], $0x20, s19, s22, $0xb8;
	[tilespmem:$0x5EA0] =	vst v63  }
0x2e: {  	s17 =	sadd.s32 $0x100, s17;
	s19 =	sadd.s32 s21, s2;
	_ =	swait.ge @!p1 [sflag:s18], $0x1000  }
0x2f: {  	s15 =	sadd.s32 $0x2000, s15;
	p2 =	sgt.u32 s19, $0x270;
	[sflag:s18] =	ssyncset.done @!p1 $0x0  }
0x30: {  	s16 =	simm.s32 @!p2 $0x0;
	s19 =	simm.s32 @!p2 $0x2;
	[sflag:s18] =	ssyncadd.s32 @!p1 $0xFFFFF000  }
0x31: {  	[tilespmem:s16], [sflag:$0x2] =	stream.linear.gather @!p2 [hbm4b:s17+s16], $0x80, $0x38;
	[tilespmem:$0x5EA0] =	vst v63  }
0x32: {  	_ =	swait.ge @!p2 [sflag:s19], $0x80  }
0x33: {  	p1 =	por p2, p2;
	[sflag:s19] =	ssyncset.done @!p2 $0x0  }
0x34: {  	s17 =	simm.s32 @!p1 $0x80;
	[sflag:s19] =	ssyncadd.s32 @!p1 $0xFFFFFF80  }
0x35: {  	[tilespmem:s17], [sflag:$0x2] =	stream.linear.gather @!p1 [hbm4b:s15+s16], $0x1000, $0x38;
	[tilespmem:$0x5EA0] =	vst v63  }
0x36: {  	_ =	swait.ge @!p1 [sflag:s19], $0x1000  }
0x37: {  	[sflag:s19] =	ssyncset.done @!p1 $0x0  }
0x38: {  	s15 =	simm.s32 @!p1 $0x1;
	[sflag:s19] =	ssyncadd.s32 @!p1 $0xFFFFF000  }
0x39: {  	[spmem:s1] =	stream.indirect.scatter.add.f32 @!p1 [tilespmem:s17], [sflag:$0x1], $0x20, s16, s17, $0xb8;
	[tilespmem:$0x5EA0] =	vst v63  }
0x3a: {  	_ =	swait.ge @!p1 [sflag:s15], $0x1000  }
0x3b: {  	[sflag:s15] =	ssyncset.done @!p1 $0x0  }
0x3c: {  	[sflag:s15] =	ssyncadd.s32 @!p1 $0xFFFFF000  }
0x3d: {  	[bflag:$0x0] =	sbarrier.arrive $0xFFFF  }
0x3e: {  	[hbm:s14], [sflag:s5] =	dma.local [spmem:s11], $0x9C0  }
0x3f: {  	_ =	swait.ge [sflag:s12], $0x9C0  }
0x40: {  	s3 =	sadd.s32 $0x1, s3;
	[sflag:s12] =	ssyncset.done $0x0  }
0x41: {  	s15 =	sadd.s32 @!p0 $0x9C00, s7;
	p1 =	sne.s32 s3, s8;
	[sflag:s12] =	ssyncadd.s32 $0xFFFFF640  }
0x42: {  	[hbm:s15], [sflag:s5] =	dma.local @!p0 [spmem:s13], $0x40  }
.Ltmp1:
0x43: {  	_ = 	snop;
	(pc) =	sbr.rel @p1 .LBB2_1-.Ltmp1, $4  }
0x44: {  	s15 =	simm.s32 @!p0 $0x1  }
0x45: {  	_ =	swait.ge @!p0 [sflag:s15], $0x40  }
0x46: {  	[sflag:s15] =	ssyncset.done @!p0 $0x0  }
0x47: {  	[sflag:s15] =	ssyncadd.s32 @!p0 $0xFFFFFFC0  }
0x48: {  	_ =	sfence.sel $0x180000  }
0x49: {  	[bflag:$0x0] =	sbarrier.arrive $0xFFFF  }
0x4a: {  	p0 =	sne.s32 s2, $0x0;
	_ =	strace $0x90000059  }
0x4b: {  	s0 =	sadd.s32 @!p0 $0x100000, s0;
	[bflag:$0x2] =	sbarrier.arrive $0xFFFF  }
0x4c: {  	[sflag:s0] =	ssyncadd.tile.s32 @!p0 $0x1;
	_ =	shalt  }
.Lfunc_end2:
_tile_overlayer_lowered:
.L_overlay_start_2:
0x4d: {  	(tag) =	ssettag $0x2  }
0x4e: {  	s0 =	rddreg [dreg:$0x0];
	s2 =	stileid.u32  }
0x4f: {  	s1 =	rddreg [dreg:$0x1];
	p0 =	sne.s32 s2, $0x0  }
0x50: {  	s3 =	rddreg [dreg:$0x2];
	[bflag:$0x3] =	sbarrier.arrive $0xFFFF;
	s2 =	simm.s32 @!p0 $0x1C01  }
0x51: {  	[timem:s3], [sflag:s2] =	dma.local @!p0 [hbm:s0], s1  }
0x52: {  	s0 =	simm.s32 @!p0 $0x1  }
0x53: {  	_ =	swait.ge @!p0 [sflag:s0], s1  }
0x54: {  	s1 =	ssub.s32 @!p0 $0x0, s1;
	[sflag:s0] =	ssyncset.done @!p0 $0x0  }
0x55: {  	[sflag:s0] =	ssyncadd.s32 @!p0 s1  }
0x56: {  	[bflag:$0x3] =	sbarrier.arrive $0xFFFF  }
0x57: {  	_ =	shalt  }

// kernel: kernel.54.cloned.1.call-start
scs
__scs_entry_jumppad:
0x0: {  	(pc) =	sbr.rel $0x88, $3  }
0x1: {  	(tag) =	ssettag $0x0;
	lr =	simm.s32 $0x1  }
0x2: {  	[smem:$0x3F83] =	sst lr;
	_ =	strace $0xD0000000  }
0x3: {  	_ = 	snop  }
0x4: {  	_ = 	snop  }
0x5: {  	_ = 	snop  }
0x6: {  	_ = 	snop  }
0x7: {  	_ = 	snop  }
__scs_overlays_trampoline_lowered:
0x8: {  	[smem:$0x3F92] =	sst s0  }
0x9: {  	[smem:$0x3F93] =	sst s1  }
0xa: {  	[smem:$0x3F94] =	sst s2  }
0xb: {  	[smem:$0x3F95] =	sst s3  }
0xc: {  	[smem:$0x3F96] =	sst s4  }
0xd: {  	[smem:$0x3F97] =	sst s5  }
0xe: {  	[smem:$0x3F98] =	sst s6  }
0xf: {  	[smem:$0x3F99] =	sst s7  }
0x10: {  	[smem:$0x3F9A] =	sst s8  }
0x11: {  	[smem:$0x3F9B] =	sst s9;
	s0 =	simm.s32 @!p0 $0x0  }
0x12: {  	s1 =	sld [smem:$0x3F81];
	s0 =	simm.s32 @p0 $0x1  }
0x13: {  	[smem:$0x3F9C] =	sst s0;
	s0 =	simm.s32 @!p1 $0x0  }
0x14: {  	s2 =	sld [smem:$0x3F80];
	s0 =	simm.s32 @p1 $0x1  }
0x15: {  	[smem:$0x3F9D] =	sst s0;
	s0 =	simm.s32 @!p2 $0x0  }
0x16: {  	s3 =	sld [smem:$0x3FDB];
	s0 =	simm.s32 @p2 $0x1  }
0x17: {  	s4 =	simm.s32 $0x1BF5;
	[smem:$0x3F9F] =	sst s0  }
0x18: {  	s0 =	sld [smem:$0x3F82];
	_ =	swait.ge [sflag:s4], $0x0  }
0x19: {  	s7 =	sld [smem:$0x3F83]  }
0x1a: {  	s8 =	sadd.s32 $0xFFFFE003, lr  }
0x1b: {  	s9 =	sadd.s32 $0xFFFFFEF7, lr;
	s5 =	simm.s32 $0xFFFFFFFF;
	p2 =	slt.u32 s8, $0xFFFFF086  }
0x1c: {  	p1 =	slt.u32 s9, $0xF7A;
	s5 =	simm.s32 @!p2 $0x0  }
0x1d: {  	s5 =	simm.s32 @p1 $0x1;
	p0 =	seq.s32 s7, s2  }
0x1e: {  	s7 =	smul.u32 @!p0 $0xF7A, s2;
	p2 =	seq.s32 @!p0 s5, $0x0  }
0x1f: {  	s9 =	smul.u32 $0xF7A, s1;
	s8 =	simm.s32 @!p0 $0x1BF5;
	p2 =	por !p2, p0  }
0x20: {  	[sflag:s8] =	ssyncset.s32 @!p0 $0xFFFFF086;
	s6 =	sadd.s32 @!p0 s3, s7;
	s7 =	simm.s32 @!p0 $0x108  }
0x21: {  	s3 =	sadd.s32 s3, s9;
	s6 =	sadd.s32 @!p0 $0x88, s6;
	s7 =	simm.s32 @p2 $0x1082  }
0x22: {  	[simem:s7], [sflag:s8] =	dma.local @!p0 [hbm:s6], $0xF7A  }
0x23: {  	s9 =	sor.u32 $0xD0000000, s2;
	s6 =	simm.s32 $0x108;
	_ =	swait.ge @!p0 [sflag:s8], $0x0  }
0x24: {  	s3 =	sadd.s32 $0x88, s3;
	s6 =	simm.s32 @!p1 $0x1082;
	[sflag:s4] =	ssyncset.s32 $0xFFFFF086  }
0x25: {  	[simem:s6], [sflag:s4] =	dma.local [hbm:s3], $0xF7A  }
0x26: {  	[smem:$0x3F83] =	sst s1;
	(tag) =	ssettag s2;
	_ =	strace s9  }
0x27: {  	s1 =	sld [smem:$0x3F93]  }
0x28: {  	s2 =	sld [smem:$0x3F94]  }
0x29: {  	s4 =	sld [smem:$0x3F96]  }
0x2a: {  	p0 =	seq.s32 s5, $0x0;
	s5 =	sld [smem:$0x3F97]  }
0x2b: {  	s6 =	sld [smem:$0x3F98]  }
0x2c: {  	s7 =	sld [smem:$0x3F99]  }
0x2d: {  	s3 =	simm.s32 $0x108;
	s8 =	sld [smem:$0x3F9A]  }
0x2e: {  	s3 =	simm.s32 @!p0 $0x1082;
	s9 =	sld [smem:$0x3F9B]  }
0x2f: {  	lr =	sadd.s32 s0, s3;
	s0 =	sld [smem:$0x3F92]  }
0x30: {  	s3 =	sld [smem:$0x3F95]  }
0x31: {  	[smem:$0x3F9E] =	sst s10  }
0x32: {  	s10 =	sld [smem:$0x3F9C];
	_ =	sdelay $0x3  }
0x33: {  	p0 =	seq.s32 s10, $0x1;
	s10 =	sld [smem:$0x3F9E];
	_ =	sdelay $0x3  }
0x34: {  	[smem:$0x3F9E] =	sst s10  }
0x35: {  	s10 =	sld [smem:$0x3F9D];
	_ =	sdelay $0x3  }
0x36: {  	p1 =	seq.s32 s10, $0x1;
	s10 =	sld [smem:$0x3F9E];
	_ =	sdelay $0x3  }
0x37: {  	[smem:$0x3F9E] =	sst s10  }
0x38: {  	s10 =	sld [smem:$0x3F9F]  }
0x39: {  	_ = 	snop;
	(pc) =	sbr.ind lr, $3  }
0x3a: {  	_ = 	snop  }
0x3b: {  	_ = 	snop  }
0x3c: {  	p2 =	seq.s32 s10, $0x1;
	s10 =	sld [smem:$0x3F9E]  }
0x3d: {  	_ =	shalt  }
0x3e: {  	_ =	shalt  }
0x3f: {  	_ =	shalt  }
0x40: {  	_ =	shalt  }
0x41: {  	_ =	shalt  }
0x42: {  	_ =	shalt  }
0x43: {  	_ =	shalt  }
0x44: {  	_ =	shalt  }
0x45: {  	_ =	shalt  }
0x46: {  	_ =	shalt  }
0x47: {  	_ =	shalt  }
0x48: {  	_ =	shalt  }
0x49: {  	_ =	shalt  }
0x4a: {  	_ =	shalt  }
0x4b: {  	_ =	shalt  }
0x4c: {  	_ =	shalt  }
0x4d: {  	_ =	shalt  }
0x4e: {  	_ =	shalt  }
0x4f: {  	_ =	shalt  }
0x50: {  	_ =	shalt  }
0x51: {  	_ =	shalt  }
0x52: {  	_ =	shalt  }
0x53: {  	_ =	shalt  }
0x54: {  	_ =	shalt  }
0x55: {  	_ =	shalt  }
0x56: {  	_ =	shalt  }
0x57: {  	_ =	shalt  }
0x58: {  	_ =	shalt  }
0x59: {  	_ =	shalt  }
0x5a: {  	_ =	shalt  }
0x5b: {  	_ =	shalt  }
0x5c: {  	_ =	shalt  }
0x5d: {  	_ =	shalt  }
0x5e: {  	_ =	shalt  }
0x5f: {  	_ =	shalt  }
0x60: {  	_ =	shalt  }
0x61: {  	_ =	shalt  }
0x62: {  	_ =	shalt  }
0x63: {  	_ =	shalt  }
0x64: {  	_ =	shalt  }
0x65: {  	_ =	shalt  }
0x66: {  	_ =	shalt  }
0x67: {  	_ =	shalt  }
0x68: {  	_ =	shalt  }
0x69: {  	_ =	shalt  }
0x6a: {  	_ =	shalt  }
0x6b: {  	_ =	shalt  }
0x6c: {  	_ =	shalt  }
0x6d: {  	_ =	shalt  }
0x6e: {  	_ =	shalt  }
0x6f: {  	_ =	shalt  }
0x70: {  	_ =	shalt  }
0x71: {  	_ =	shalt  }
0x72: {  	_ =	shalt  }
0x73: {  	_ =	shalt  }
0x74: {  	_ =	shalt  }
0x75: {  	_ =	shalt  }
0x76: {  	_ =	shalt  }
0x77: {  	_ =	shalt  }
0x78: {  	_ =	shalt  }
0x79: {  	_ =	shalt  }
0x7a: {  	_ =	shalt  }
0x7b: {  	_ =	shalt  }
0x7c: {  	_ =	shalt  }
0x7d: {  	_ =	shalt  }
0x7e: {  	_ =	shalt  }
0x7f: {  	_ =	shalt  }
0x80: {  	_ =	shalt  }
0x81: {  	_ =	shalt  }
0x82: {  	_ =	shalt  }
0x83: {  	_ =	shalt  }
0x84: {  	_ =	shalt  }
0x85: {  	_ =	shalt  }
0x86: {  	_ =	shalt  }
0x87: {  	_ =	shalt  }
.Lfunc_end0:
.L_simem_size_0:
called_computation.7_lowered:
.L_overlay_start_0:
0x88: {  	s2 =	sld [smem:$0x3FD9]  }
0x89: {  	s3 =	sld [smem:$0x3FFE];
	_ =	sdelay $0x1  }
0x8a: {  	s1 =	srdreg.scid  }
0x8b: {  	s0 =	sand.u32 $0x1, s1  }
0x8c: {  	s14 =	sshll.u32 s0, $0xA;
	s2 =	sadd.s32 s3, s2  }
0x8d: {  	s2 =	sadd.s32 s2, s14  }
0x8e: {  	[smem:$0x3FAA] =	sst s2  }
0x8f: {  	_ = 	snop  }
0x90: {  	s2 =	sld [smem:$0x3FD0];
	_ =	sdelay $0x2  }
0x91: {  	s15 =	simm.s32 $0xA;
	s4 =	simm.s32 $0x10  }
0x92: {  	[smem:s4], [sflag:s15] =	dma.local [hbm:s2], $0x1  }
0x93: {  	_ =	swait.eq [sflag:s15], $0x1  }
0x94: {  	[sflag:s15] =	ssyncset.done $0x0  }
0x95: {  	[sflag:s15] =	ssyncadd.s32 $0xFFFFFFFF  }
0x96: {  	s16 =	sld [smem:$0x12];
	(tm) =	ssettm $0x1  }
0x97: {  	s17 =	sld [smem:$0x3FFB];
	_ =	sdelay $0x3  }
0x98: {  	_ =	strace s17  }
0x99: {  	s3 =	sld [smem:$0x3FFC];
	_ =	sdelay $0x3  }
0x9a: {  	_ =	strace s3  }
0x9b: {  	s3 =	sld [smem:$0x3FFD];
	_ =	sdelay $0x3  }
0x9c: {  	_ =	strace s3  }
0x9d: {  	_ =	strace $0x8FFFFFFF  }
0x9e: {  	s18 =	sld [smem:$0x3FDB];
	_ =	sdelay $0x1  }
0x9f: {  	s19 =	simm.s32 $_scs_section_size  }
0xa0: {  	s5 =	simm.s32 $_size__tile_overlayer_lowered;
	s6 =	simm.s32 $_tile_overlayer_lowered  }
0xa1: {  	s22 =	simm.s32 $0x1BFF;
	s21 =	sshll.u32 s6, $0x1;
	s3 =	sadd.s32 s19, s18  }
0xa2: {  	s7 =	simm.s32 $0x0;
	s20 =	sshll.u32 s5, $0x1;
	s5 =	sadd.s32 s21, s3  }
0xa3: {  	[timem:s7], [sflag:s22] =	dma.local [hbm:s5], s20  }
0xa4: {  	_ =	swait.ge [sflag:s22], s20  }
0xa5: {  	s4 =	ssub.s32 $0x0, s20;
	[sflag:s22] =	ssyncset.done $0x0  }
0xa6: {  	[sflag:s22] =	ssyncadd.s32 s4;
	_ =	sdelay $0x1  }
0xa7: {  	s23 =	simm.s32 $0x1B8B  }
0xa8: {  	_ =	swait.ge [sflag:s23], $0x1  }
0xa9: {  	[sflag:s23] =	ssyncset.done $0x0  }
0xaa: {  	s25 =	simm.s32 $0x1B8E;
	s24 =	sld [smem:$0x3FFE];
	[sflag:s23] =	ssyncadd.s32 $0xFFFFFFFF  }
0xab: {  	s26 =	simm.s32 $execute0_lowered;
	[smem:$0x3FD2] =	sst s25  }
0xac: {  	s5 =	sshll.u32 s26, $0x1;
	_ =	strace $0x8000005B;
	[dreg:$0x1] =	wrdreg $0xFFFFFFFF  }
0xad: {  	s28 =	simm.s32 $_size_execute0_lowered;
	s3 =	sadd.s32 s3, s5;
	[dreg:$0x0] =	wrdreg $0x0  }
0xae: {  	s5 =	sshll.u32 s28, $0x1;
	[dreg:$0x2] =	wrdreg s3  }
0xaf: {  	[dreg:$0x3] =	wrdreg s5  }
0xb0: {  	[dreg:$0x4] =	wrdreg $0xC0  }
0xb1: {  	_ =	task [dreg:s7], $0x5FFFF  }
0xb2: {  	[dreg:$0x1] =	wrdreg $0xFFFFFFFF  }
0xb3: {  	[dreg:$0x0] =	wrdreg $0x60  }
0xb4: {  	[dreg:$0x2] =	wrdreg s24  }
0xb5: {  	[dreg:$0x3] =	wrdreg s16  }
0xb6: {  	[dreg:$0x4] =	wrdreg $0x9  }
0xb7: {  	_ =	task.clear_ibuf [dreg:s7], $0x5FFFF;
	_ =	strace $0x9000005B  }
0xb8: {  	s29 =	simm.s32 $0x9;
	_ =	strace $0x8000005D  }
0xb9: {  	_ =	swait.ge [sflag:s29], $0x1  }
0xba: {  	[sflag:s29] =	ssyncadd.s32 $0xFFFFFFFF  }
0xbb: {  	_ =	strace $0x9000005D  }
0xbc: {  	_ =	sfence  }
0xbd: {  	s30 =	sld [smem:$0x0];
	_ =	sdelay $0x2  }
0xbe: {  	s31 =	sshll.u32 s1, $0xD;
	s1 =	sshrl.u32 s1, $0x2  }
0xbf: {  	s3 =	sand.u32 $0x4000, s31;
	s1 =	sadd.s32 s1, s30  }
0xc0: {  	s0 =	sor.u32 s3, s0;
	s1 =	sshll.u32 s1, $0x11  }
0xc1: {  	s0 =	sor.u32 s1, s0  }
0xc2: {  	s0 =	sadd.s32 $0x8F2B, s0  }
0xc3: {  	[sflag:s0] =	ssyncadd.remote.s32 $0x1  }
0xc4: {  	_ =	sfence.sel $0xFFFF  }
0xc5: {  	[dreg:$0x0] =	wrdreg $0xFFFFFFFF;
	(pc) =	sbr.abs _section_cstart, $3  }
0xc6: {  	[dreg:$0x1] =	wrdreg $0xFFFFFFFF  }
0xc7: {  	_ =	task.clear_ibuf [dreg:s7], $0x2FFFF;
	_ =	strace $0x9FFFFFFF  }
0xc8: {  	(tm) =	ssettm $0x7FFFFFFF  }
0xc9: {  	_ =	shalt  }
tec
execute0_lowered:
.L_overlay_start_1:
0x0: {  	(tag) =	ssettag $0x1  }
0x1: {  	s4 =	rddreg [dreg:$0x0]  }
0x2: {  	s5 =	rddreg [dreg:$0x1]  }
0x3: {  	s0 =	rddreg [dreg:$0x2]  }
0x4: {  	s2 =	simm.s32 $0x0;
	s3 =	srdreg.scid;
	s1 =	stileid.u32  }
0x5: {  	[smem:$0x7FF] =	sst s2;
	s6 =	sand.u32 $0x1, s3;
	s3 =	sadd.s32 $0x6E400, s4  }
0x6: {  	s7 =	sshll.u32 s1, $0xA;
	s31 =	sshll.u32 s1, $0x5;
	_ =	strace $0x8000005C  }
0x7: {  	s8 =	ssub.s32 $0x2, s6;
	s4 =	sadd.s32 s7, s4;
	s9 =	sshll.u32 s6, $0x9  }
0x8: {  	s10 =	sshll.u32 s6, $0x4;
	s29 =	sshrl.u32 s8, $0x1;
	s30 =	sadd.s32 s9, s4  }
0x9: {  	s4 =	sshll.u32 s1, $0x1;
	s9 =	sadd.s32 s31, s5;
	s7 =	ssub.s32 s8, s29  }
0xa: {  	s6 =	sadd.s32 $0x78200, s30;
	s5 =	smax.u32 s7, $0x1;
	s7 =	sadd.s32 s10, s9  }
.LBB2_1:
0xb: {  	s8 =	sadd.s32 $0x0, s4  }
0xc: {  	p0 =	sgt.u32 s8, $0x4E1  }
0xd: {  	s8 =	simm.s32 @!p0 $0x0;
	s9 =	simm.s32 @!p0 $0x3  }
0xe: {  	[tilespmem:s8], [sflag:$0x3] =	stream.linear.gather @!p0 [hbm4b:s7+s8], $0x80, $0x38;
	[tilespmem:$0x1080] =	vst v63  }
0xf: {  	_ =	swait.ge @!p0 [sflag:s9], $0x80  }
0x10: {  	[sflag:s9] =	ssyncset.done @!p0 $0x0;
	p0 =	por p0, p0  }
0x11: {  	[sflag:s9] =	ssyncadd.s32 @!p0 $0xFFFFFF80;
	s10 =	simm.s32 @!p0 $0x80;
	s11 =	simm.s32 @!p0 $0x1  }
0x12: {  	[tilespmem:s10], [sflag:$0x1] =	stream.indirect.gather @!p0 [hbm4b:s3+s10], $0x20, s8, s10, $0xb8;
	[tilespmem:$0x1080] =	vst v63  }
0x13: {  	_ =	swait.ge @!p0 [sflag:s11], $0x1000  }
0x14: {  	[sflag:s11] =	ssyncset.done @!p0 $0x0  }
0x15: {  	s31 =	sadd.s32 $0x20, s4;
	[sflag:s11] =	ssyncadd.s32 @!p0 $0xFFFFF000;
	s11 =	simm.s32 @!p0 $0x2  }
0x16: {  	[hbm4b:s6+s8] =	stream.linear.scatter @!p0 [tilespmem:s10], [sflag:$0x2], $0x1000, $0x38;
	[tilespmem:$0x1080] =	vst v63  }
0x17: {  	p1 =	sgt.u32 s31, $0x4E1;
	s9 =	simm.s32 $0x40;
	_ =	swait.ge @!p0 [sflag:s11], $0x1000  }
0x18: {  	s10 =	sadd.s32 $0x200, s7;
	s8 =	sadd.s32 $0x4000, s6;
	[sflag:s11] =	ssyncset.done @!p0 $0x0  }
.LBB2_2:
0x19: {  	s12 =	simm.s32 @!p1 $0x0;
	s13 =	simm.s32 @!p1 $0x3;
	[sflag:s11] =	ssyncadd.s32 @!p0 $0xFFFFF000  }
0x1a: {  	[tilespmem:s12], [sflag:$0x3] =	stream.linear.gather @!p1 [hbm4b:s10+s12], $0x80, $0x38;
	[tilespmem:$0x1080] =	vst v63  }
0x1b: {  	s14 =	smov.u32 s9;
	s9 =	sadd.s32 $0x20, s9;
	_ =	swait.ge @!p1 [sflag:s13], $0x80  }
0x1c: {  	p0 =	por p1, p1;
	p2 =	sne.s32 s9, $0x500;
	[sflag:s13] =	ssyncset.done @!p1 $0x0  }
0x1d: {  	s11 =	simm.s32 @!p0 $0x1;
	[sflag:s13] =	ssyncadd.s32 @!p0 $0xFFFFFF80;
	s13 =	simm.s32 @!p0 $0x80  }
0x1e: {  	[tilespmem:s13], [sflag:$0x1] =	stream.indirect.gather @!p0 [hbm4b:s3+s13], $0x20, s12, s13, $0xb8;
	[tilespmem:$0x1080] =	vst v63  }
0x1f: {  	_ =	swait.ge @!p0 [sflag:s11], $0x1000  }
.Ltmp0:
0x20: {  	[sflag:s11] =	ssyncset.done @!p0 $0x0;
	(pc) =	sbr.rel @p2 .LBB2_2-.Ltmp0, $4  }
0x21: {  	[sflag:s11] =	ssyncadd.s32 @!p0 $0xFFFFF000;
	s11 =	simm.s32 @!p0 $0x2  }
0x22: {  	[hbm4b:s8+s12] =	stream.linear.scatter @!p0 [tilespmem:s13], [sflag:$0x2], $0x1000, $0x38;
	[tilespmem:$0x1080] =	vst v63  }
0x23: {  	s10 =	sadd.s32 $0x200, s10;
	s12 =	sadd.s32 s14, s4;
	_ =	swait.ge @!p0 [sflag:s11], $0x1000  }
0x24: {  	s8 =	sadd.s32 $0x4000, s8;
	p1 =	sgt.u32 s12, $0x4E1;
	[sflag:s11] =	ssyncset.done @!p0 $0x0  }
0x25: {  	s9 =	simm.s32 @!p1 $0x0;
	s12 =	simm.s32 @!p1 $0x3;
	[sflag:s11] =	ssyncadd.s32 @!p0 $0xFFFFF000  }
0x26: {  	[tilespmem:s9], [sflag:$0x3] =	stream.linear.gather @!p1 [hbm4b:s10+s9], $0x80, $0x38;
	[tilespmem:$0x1080] =	vst v63  }
0x27: {  	_ =	swait.ge @!p1 [sflag:s12], $0x80  }
0x28: {  	p0 =	por p1, p1;
	[sflag:s12] =	ssyncset.done @!p1 $0x0  }
0x29: {  	s10 =	simm.s32 @!p0 $0x80;
	s11 =	simm.s32 @!p0 $0x1;
	[sflag:s12] =	ssyncadd.s32 @!p0 $0xFFFFFF80  }
0x2a: {  	[tilespmem:s10], [sflag:$0x1] =	stream.indirect.gather @!p0 [hbm4b:s3+s10], $0x20, s9, s10, $0xb8;
	[tilespmem:$0x1080] =	vst v63  }
0x2b: {  	s2 =	sadd.s32 $0x1, s2;
	_ =	swait.ge @!p0 [sflag:s11], $0x1000  }
0x2c: {  	p1 =	sne.s32 s2, s5;
	[sflag:s11] =	ssyncset.done @!p0 $0x0  }
.Ltmp1:
0x2d: {  	[sflag:s11] =	ssyncadd.s32 @!p0 $0xFFFFF000;
	s11 =	simm.s32 @!p0 $0x2;
	(pc) =	sbr.rel @p1 .LBB2_1-.Ltmp1, $4  }
0x2e: {  	[hbm4b:s8+s9] =	stream.linear.scatter @!p0 [tilespmem:s10], [sflag:$0x2], $0x1000, $0x38;
	[tilespmem:$0x1080] =	vst v63  }
0x2f: {  	_ =	swait.ge @!p0 [sflag:s11], $0x1000  }
0x30: {  	[sflag:s11] =	ssyncset.done @!p0 $0x0  }
0x31: {  	[sflag:s11] =	ssyncadd.s32 @!p0 $0xFFFFF000  }
0x32: {  	_ =	sfence.sel $0x180000  }
0x33: {  	[bflag:$0x0] =	sbarrier.arrive $0xFFFF  }
0x34: {  	p0 =	sne.s32 s1, $0x0;
	_ =	strace $0x9000005C  }
0x35: {  	s0 =	sadd.s32 @!p0 $0x100000, s0;
	[bflag:$0x2] =	sbarrier.arrive $0xFFFF  }
0x36: {  	[sflag:s0] =	ssyncadd.tile.s32 @!p0 $0x1;
	_ =	shalt  }
.Lfunc_end2:
_tile_overlayer_lowered:
.L_overlay_start_2:
0x37: {  	(tag) =	ssettag $0x2  }
0x38: {  	s0 =	rddreg [dreg:$0x0];
	s2 =	stileid.u32  }
0x39: {  	s1 =	rddreg [dreg:$0x1];
	p0 =	sne.s32 s2, $0x0  }
0x3a: {  	s3 =	rddreg [dreg:$0x2];
	[bflag:$0x3] =	sbarrier.arrive $0xFFFF;
	s2 =	simm.s32 @!p0 $0x1C02  }
0x3b: {  	[timem:s3], [sflag:s2] =	dma.local @!p0 [hbm:s0], s1  }
0x3c: {  	s0 =	simm.s32 @!p0 $0x2  }
0x3d: {  	_ =	swait.ge @!p0 [sflag:s0], s1  }
0x3e: {  	s1 =	ssub.s32 @!p0 $0x0, s1;
	[sflag:s0] =	ssyncset.done @!p0 $0x0  }
0x3f: {  	[sflag:s0] =	ssyncadd.s32 @!p0 s1  }
0x40: {  	[bflag:$0x3] =	sbarrier.arrive $0xFFFF  }
0x41: {  	_ =	shalt  }

// kernel: kernel.57.cloned.1.call-start
scs
__scs_entry_jumppad:
0x0: {  	(pc) =	sbr.rel $0x88, $3  }
0x1: {  	(tag) =	ssettag $0x0;
	lr =	simm.s32 $0x1  }
0x2: {  	[smem:$0x3F83] =	sst lr;
	_ =	strace $0xD0000000  }
0x3: {  	_ = 	snop  }
0x4: {  	_ = 	snop  }
0x5: {  	_ = 	snop  }
0x6: {  	_ = 	snop  }
0x7: {  	_ = 	snop  }
__scs_overlays_trampoline_lowered:
0x8: {  	[smem:$0x3F92] =	sst s0  }
0x9: {  	[smem:$0x3F93] =	sst s1  }
0xa: {  	[smem:$0x3F94] =	sst s2  }
0xb: {  	[smem:$0x3F95] =	sst s3  }
0xc: {  	[smem:$0x3F96] =	sst s4  }
0xd: {  	[smem:$0x3F97] =	sst s5  }
0xe: {  	[smem:$0x3F98] =	sst s6  }
0xf: {  	[smem:$0x3F99] =	sst s7  }
0x10: {  	[smem:$0x3F9A] =	sst s8  }
0x11: {  	[smem:$0x3F9B] =	sst s9;
	s0 =	simm.s32 @!p0 $0x0  }
0x12: {  	s1 =	sld [smem:$0x3F81];
	s0 =	simm.s32 @p0 $0x1  }
0x13: {  	[smem:$0x3F9C] =	sst s0;
	s0 =	simm.s32 @!p1 $0x0  }
0x14: {  	s2 =	sld [smem:$0x3F80];
	s0 =	simm.s32 @p1 $0x1  }
0x15: {  	[smem:$0x3F9D] =	sst s0;
	s0 =	simm.s32 @!p2 $0x0  }
0x16: {  	s3 =	sld [smem:$0x3FDB];
	s0 =	simm.s32 @p2 $0x1  }
0x17: {  	s4 =	simm.s32 $0x1BF5;
	[smem:$0x3F9F] =	sst s0  }
0x18: {  	s0 =	sld [smem:$0x3F82];
	_ =	swait.ge [sflag:s4], $0x0  }
0x19: {  	s7 =	sld [smem:$0x3F83]  }
0x1a: {  	s8 =	sadd.s32 $0xFFFFE003, lr  }
0x1b: {  	s9 =	sadd.s32 $0xFFFFFEF7, lr;
	s5 =	simm.s32 $0xFFFFFFFF;
	p2 =	slt.u32 s8, $0xFFFFF086  }
0x1c: {  	p1 =	slt.u32 s9, $0xF7A;
	s5 =	simm.s32 @!p2 $0x0  }
0x1d: {  	s5 =	simm.s32 @p1 $0x1;
	p0 =	seq.s32 s7, s2  }
0x1e: {  	s7 =	smul.u32 @!p0 $0xF7A, s2;
	p2 =	seq.s32 @!p0 s5, $0x0  }
0x1f: {  	s9 =	smul.u32 $0xF7A, s1;
	s8 =	simm.s32 @!p0 $0x1BF5;
	p2 =	por !p2, p0  }
0x20: {  	[sflag:s8] =	ssyncset.s32 @!p0 $0xFFFFF086;
	s6 =	sadd.s32 @!p0 s3, s7;
	s7 =	simm.s32 @!p0 $0x108  }
0x21: {  	s3 =	sadd.s32 s3, s9;
	s6 =	sadd.s32 @!p0 $0x88, s6;
	s7 =	simm.s32 @p2 $0x1082  }
0x22: {  	[simem:s7], [sflag:s8] =	dma.local @!p0 [hbm:s6], $0xF7A  }
0x23: {  	s9 =	sor.u32 $0xD0000000, s2;
	s6 =	simm.s32 $0x108;
	_ =	swait.ge @!p0 [sflag:s8], $0x0  }
0x24: {  	s3 =	sadd.s32 $0x88, s3;
	s6 =	simm.s32 @!p1 $0x1082;
	[sflag:s4] =	ssyncset.s32 $0xFFFFF086  }
0x25: {  	[simem:s6], [sflag:s4] =	dma.local [hbm:s3], $0xF7A  }
0x26: {  	[smem:$0x3F83] =	sst s1;
	(tag) =	ssettag s2;
	_ =	strace s9  }
0x27: {  	s1 =	sld [smem:$0x3F93]  }
0x28: {  	s2 =	sld [smem:$0x3F94]  }
0x29: {  	s4 =	sld [smem:$0x3F96]  }
0x2a: {  	p0 =	seq.s32 s5, $0x0;
	s5 =	sld [smem:$0x3F97]  }
0x2b: {  	s6 =	sld [smem:$0x3F98]  }
0x2c: {  	s7 =	sld [smem:$0x3F99]  }
0x2d: {  	s3 =	simm.s32 $0x108;
	s8 =	sld [smem:$0x3F9A]  }
0x2e: {  	s3 =	simm.s32 @!p0 $0x1082;
	s9 =	sld [smem:$0x3F9B]  }
0x2f: {  	lr =	sadd.s32 s0, s3;
	s0 =	sld [smem:$0x3F92]  }
0x30: {  	s3 =	sld [smem:$0x3F95]  }
0x31: {  	[smem:$0x3F9E] =	sst s10  }
0x32: {  	s10 =	sld [smem:$0x3F9C];
	_ =	sdelay $0x3  }
0x33: {  	p0 =	seq.s32 s10, $0x1;
	s10 =	sld [smem:$0x3F9E];
	_ =	sdelay $0x3  }
0x34: {  	[smem:$0x3F9E] =	sst s10  }
0x35: {  	s10 =	sld [smem:$0x3F9D];
	_ =	sdelay $0x3  }
0x36: {  	p1 =	seq.s32 s10, $0x1;
	s10 =	sld [smem:$0x3F9E];
	_ =	sdelay $0x3  }
0x37: {  	[smem:$0x3F9E] =	sst s10  }
0x38: {  	s10 =	sld [smem:$0x3F9F]  }
0x39: {  	_ = 	snop;
	(pc) =	sbr.ind lr, $3  }
0x3a: {  	_ = 	snop  }
0x3b: {  	_ = 	snop  }
0x3c: {  	p2 =	seq.s32 s10, $0x1;
	s10 =	sld [smem:$0x3F9E]  }
0x3d: {  	_ =	shalt  }
0x3e: {  	_ =	shalt  }
0x3f: {  	_ =	shalt  }
0x40: {  	_ =	shalt  }
0x41: {  	_ =	shalt  }
0x42: {  	_ =	shalt  }
0x43: {  	_ =	shalt  }
0x44: {  	_ =	shalt  }
0x45: {  	_ =	shalt  }
0x46: {  	_ =	shalt  }
0x47: {  	_ =	shalt  }
0x48: {  	_ =	shalt  }
0x49: {  	_ =	shalt  }
0x4a: {  	_ =	shalt  }
0x4b: {  	_ =	shalt  }
0x4c: {  	_ =	shalt  }
0x4d: {  	_ =	shalt  }
0x4e: {  	_ =	shalt  }
0x4f: {  	_ =	shalt  }
0x50: {  	_ =	shalt  }
0x51: {  	_ =	shalt  }
0x52: {  	_ =	shalt  }
0x53: {  	_ =	shalt  }
0x54: {  	_ =	shalt  }
0x55: {  	_ =	shalt  }
0x56: {  	_ =	shalt  }
0x57: {  	_ =	shalt  }
0x58: {  	_ =	shalt  }
0x59: {  	_ =	shalt  }
0x5a: {  	_ =	shalt  }
0x5b: {  	_ =	shalt  }
0x5c: {  	_ =	shalt  }
0x5d: {  	_ =	shalt  }
0x5e: {  	_ =	shalt  }
0x5f: {  	_ =	shalt  }
0x60: {  	_ =	shalt  }
0x61: {  	_ =	shalt  }
0x62: {  	_ =	shalt  }
0x63: {  	_ =	shalt  }
0x64: {  	_ =	shalt  }
0x65: {  	_ =	shalt  }
0x66: {  	_ =	shalt  }
0x67: {  	_ =	shalt  }
0x68: {  	_ =	shalt  }
0x69: {  	_ =	shalt  }
0x6a: {  	_ =	shalt  }
0x6b: {  	_ =	shalt  }
0x6c: {  	_ =	shalt  }
0x6d: {  	_ =	shalt  }
0x6e: {  	_ =	shalt  }
0x6f: {  	_ =	shalt  }
0x70: {  	_ =	shalt  }
0x71: {  	_ =	shalt  }
0x72: {  	_ =	shalt  }
0x73: {  	_ =	shalt  }
0x74: {  	_ =	shalt  }
0x75: {  	_ =	shalt  }
0x76: {  	_ =	shalt  }
0x77: {  	_ =	shalt  }
0x78: {  	_ =	shalt  }
0x79: {  	_ =	shalt  }
0x7a: {  	_ =	shalt  }
0x7b: {  	_ =	shalt  }
0x7c: {  	_ =	shalt  }
0x7d: {  	_ =	shalt  }
0x7e: {  	_ =	shalt  }
0x7f: {  	_ =	shalt  }
0x80: {  	_ =	shalt  }
0x81: {  	_ =	shalt  }
0x82: {  	_ =	shalt  }
0x83: {  	_ =	shalt  }
0x84: {  	_ =	shalt  }
0x85: {  	_ =	shalt  }
0x86: {  	_ =	shalt  }
0x87: {  	_ =	shalt  }
.Lfunc_end0:
.L_simem_size_0:
called_computation.8_lowered:
.L_overlay_start_0:
0x88: {  	s2 =	sld [smem:$0x3FD9]  }
0x89: {  	s3 =	sld [smem:$0x3FFE];
	_ =	sdelay $0x1  }
0x8a: {  	s1 =	srdreg.scid  }
0x8b: {  	s0 =	sand.u32 $0x1, s1  }
0x8c: {  	s16 =	sshll.u32 s0, $0xA;
	s2 =	sadd.s32 s3, s2  }
0x8d: {  	s2 =	sadd.s32 s2, s16  }
0x8e: {  	[smem:$0x3FAA] =	sst s2  }
0x8f: {  	_ = 	snop  }
0x90: {  	(tm) =	ssettm $0x1  }
0x91: {  	s17 =	sld [smem:$0x3FFB];
	_ =	sdelay $0x3  }
0x92: {  	_ =	strace s17  }
0x93: {  	s2 =	sld [smem:$0x3FFC];
	_ =	sdelay $0x3  }
0x94: {  	_ =	strace s2  }
0x95: {  	s2 =	sld [smem:$0x3FFD];
	_ =	sdelay $0x3  }
0x96: {  	_ =	strace s2  }
0x97: {  	_ =	strace $0x8FFFFFFF  }
0x98: {  	s18 =	sld [smem:$0x3FDB];
	_ =	sdelay $0x1  }
0x99: {  	s19 =	simm.s32 $_scs_section_size  }
0x9a: {  	s4 =	simm.s32 $_size__tile_overlayer_lowered;
	s5 =	simm.s32 $_tile_overlayer_lowered  }
0x9b: {  	s22 =	simm.s32 $0x1BFF;
	s21 =	sshll.u32 s5, $0x1;
	s2 =	sadd.s32 s19, s18  }
0x9c: {  	s6 =	simm.s32 $0x0;
	s20 =	sshll.u32 s4, $0x1;
	s4 =	sadd.s32 s21, s2  }
0x9d: {  	[timem:s6], [sflag:s22] =	dma.local [hbm:s4], s20  }
0x9e: {  	_ =	swait.ge [sflag:s22], s20  }
0x9f: {  	s3 =	ssub.s32 $0x0, s20;
	[sflag:s22] =	ssyncset.done $0x0  }
0xa0: {  	[sflag:s22] =	ssyncadd.s32 s3;
	_ =	sdelay $0x1  }
0xa1: {  	s23 =	simm.s32 $0x1B8B  }
0xa2: {  	_ =	swait.ge [sflag:s23], $0x1  }
0xa3: {  	[sflag:s23] =	ssyncset.done $0x0  }
0xa4: {  	s25 =	simm.s32 $0x1B8E;
	s24 =	sld [smem:$0x3FFE];
	[sflag:s23] =	ssyncadd.s32 $0xFFFFFFFF  }
0xa5: {  	s26 =	simm.s32 $execute0_lowered;
	[smem:$0x3FD2] =	sst s25  }
0xa6: {  	s4 =	sshll.u32 s26, $0x1;
	_ =	strace $0x8000005E;
	[dreg:$0x1] =	wrdreg $0xFFFFFFFF  }
0xa7: {  	s28 =	simm.s32 $_size_execute0_lowered;
	s2 =	sadd.s32 s2, s4;
	[dreg:$0x0] =	wrdreg $0x0  }
0xa8: {  	s4 =	sshll.u32 s28, $0x1;
	[dreg:$0x2] =	wrdreg s2  }
0xa9: {  	[dreg:$0x3] =	wrdreg s4  }
0xaa: {  	[dreg:$0x4] =	wrdreg $0xC0  }
0xab: {  	_ =	task [dreg:s6], $0x5FFFF  }
0xac: {  	[dreg:$0x1] =	wrdreg $0xFFFFFFFF  }
0xad: {  	[dreg:$0x0] =	wrdreg $0x60  }
0xae: {  	[dreg:$0x2] =	wrdreg s24  }
0xaf: {  	[dreg:$0x3] =	wrdreg $0x10800  }
0xb0: {  	[dreg:$0x4] =	wrdreg $0x9  }
0xb1: {  	_ =	task.clear_ibuf [dreg:s6], $0x5FFFF;
	_ =	strace $0x9000005E  }
0xb2: {  	s29 =	simm.s32 $0x9;
	_ =	strace $0x80000060  }
0xb3: {  	_ =	swait.ge [sflag:s29], $0x1  }
0xb4: {  	[sflag:s29] =	ssyncadd.s32 $0xFFFFFFFF  }
0xb5: {  	_ =	strace $0x90000060  }
0xb6: {  	_ =	sfence  }
0xb7: {  	s30 =	sld [smem:$0x0];
	_ =	sdelay $0x2  }
0xb8: {  	s31 =	sshll.u32 s1, $0xD;
	s1 =	sshrl.u32 s1, $0x2  }
0xb9: {  	s3 =	sand.u32 $0x4000, s31;
	s1 =	sadd.s32 s1, s30  }
0xba: {  	s0 =	sor.u32 s3, s0;
	s1 =	sshll.u32 s1, $0x11  }
0xbb: {  	s0 =	sor.u32 s1, s0  }
0xbc: {  	s0 =	sadd.s32 $0x8F2B, s0  }
0xbd: {  	[sflag:s0] =	ssyncadd.remote.s32 $0x1  }
0xbe: {  	_ =	sfence.sel $0xFFFF  }
0xbf: {  	[dreg:$0x0] =	wrdreg $0xFFFFFFFF;
	(pc) =	sbr.abs _section_cstart, $3  }
0xc0: {  	[dreg:$0x1] =	wrdreg $0xFFFFFFFF  }
0xc1: {  	_ =	task.clear_ibuf [dreg:s6], $0x2FFFF;
	_ =	strace $0x9FFFFFFF  }
0xc2: {  	(tm) =	ssettm $0x7FFFFFFF  }
0xc3: {  	_ =	shalt  }
tec
execute0_lowered:
.L_overlay_start_1:
0x0: {  	(tag) =	ssettag $0x1  }
0x1: {  	s6 =	rddreg [dreg:$0x0]  }
0x2: {  	s1 =	rddreg [dreg:$0x1];
	s2 =	srdreg.scid  }
0x3: {  	s0 =	rddreg [dreg:$0x2];
	s4 =	sand.u32 $0x1, s2  }
0x4: {  	s3 =	simm.s32 $0x0;
	s2 =	stileid.u32;
	s5 =	smul.u32 $0x4E200, s4  }
0x5: {  	[smem:$0x7FF] =	sst s3;
	s7 =	smul.u32 $0x4E00, s2  }
0x6: {  	s15 =	sadd.s32 $0x4E000, s1;
	_ =	strace $0x8000005F;
	s26 =	smul.u32 $0x2710, s4  }
0x7: {  	s9 =	smul.u32 $0x9C40, s4;
	s4 =	ssub.s32 $0x2, s4;
	s12 =	sshll.u32 s2, $0x6  }
0x8: {  	s29 =	sshll.u32 s2, $0x9;
	s31 =	sshll.u32 s2, $0x4;
	p0 =	sne.s32 s2, $0xF  }
0x9: {  	s11 =	sshrl.u32 s4, $0x1;
	s8 =	sadd.s32 s5, s6;
	s14 =	sshrl.u32 s7, $0x3  }
0xa: {  	s10 =	sadd.s32 s26, s6;
	s9 =	sadd.s32 s9, s6;
	s11 =	ssub.s32 s4, s11  }
0xb: {  	s13 =	sadd.s32 s7, s1;
	s5 =	sor.u32 $0x1C01, s12;
	s12 =	simm.s32 $0x1  }
0xc: {  	s28 =	sadd.s32 s14, s6;
	s6 =	sadd.s32 $0x1FE00, s6;
	s7 =	sadd.s32 $0x385600, s9  }
0xd: {  	s30 =	sadd.s32 s29, s8;
	s8 =	smax.u32 s11, $0x1;
	s10 =	sadd.s32 s31, s10  }
0xe: {  	s11 =	sshrl.u32 s13, $0x3;
	s13 =	sshrl.u32 @!p0 s15, $0x3;
	s4 =	sadd.s32 $0x16200, s28  }
0xf: {  	s9 =	sadd.s32 $0x6E400, s30;
	s10 =	sadd.s32 $0x11200, s10;
	s14 =	sadd.s32 s14, s7  }
.LBB2_1:
0x10: {  	[spmem:s11], [sflag:s5] =	dma.local [hbm:s4], $0x9C0  }
0x11: {  	_ =	swait.ge [sflag:s12], $0x9C0  }
0x12: {  	[sflag:s12] =	ssyncset.done $0x0  }
0x13: {  	s15 =	simm.s32 @!p0 $0x1;
	[sflag:s12] =	ssyncadd.s32 $0xFFFFF640  }
0x14: {  	[spmem:s13], [sflag:s5] =	dma.local @!p0 [hbm:s6], $0x40  }
0x15: {  	_ =	swait.ge @!p0 [sflag:s15], $0x40  }
0x16: {  	s16 =	sadd.s32 $0x0, s2;
	[sflag:s15] =	ssyncset.done @!p0 $0x0  }
0x17: {  	p1 =	sgt.u32 s16, $0x270;
	[sflag:s15] =	ssyncadd.s32 @!p0 $0xFFFFFFC0  }
0x18: {  	s17 =	simm.s32 @!p1 $0x2;
	s15 =	simm.s32 @!p1 $0x0;
	[bflag:$0x0] =	sbarrier.arrive $0xFFFF  }
0x19: {  	[tilespmem:s15], [sflag:$0x2] =	stream.linear.gather @!p1 [hbm4b:s10+s15], $0x80, $0x38;
	[tilespmem:$0x5EA0] =	vst v63  }
0x1a: {  	_ =	swait.ge @!p1 [sflag:s17], $0x80  }
0x1b: {  	[sflag:s17] =	ssyncset.done @!p1 $0x0;
	p1 =	por p1, p1  }
0x1c: {  	[sflag:s17] =	ssyncadd.s32 @!p1 $0xFFFFFF80;
	s19 =	simm.s32 @!p1 $0x80  }
0x1d: {  	[tilespmem:s19], [sflag:$0x2] =	stream.linear.gather @!p1 [hbm4b:s9+s15], $0x1000, $0x38;
	[tilespmem:$0x5EA0] =	vst v63  }
0x1e: {  	_ =	swait.ge @!p1 [sflag:s17], $0x1000  }
0x1f: {  	[sflag:s17] =	ssyncset.done @!p1 $0x0  }
0x20: {  	s31 =	sadd.s32 $0x10, s2;
	s18 =	simm.s32 @!p1 $0x1;
	[sflag:s17] =	ssyncadd.s32 @!p1 $0xFFFFF000  }
0x21: {  	[spmem:s1] =	stream.indirect.scatter.add.f32 @!p1 [tilespmem:s19], [sflag:$0x1], $0x20, s15, s19, $0xb8;
	[tilespmem:$0x5EA0] =	vst v63  }
0x22: {  	s16 =	simm.s32 $0x20;
	p2 =	sgt.u32 s31, $0x270;
	_ =	swait.ge @!p1 [sflag:s18], $0x1000  }
0x23: {  	s17 =	sadd.s32 $0x100, s10;
	s15 =	sadd.s32 $0x2000, s9;
	[sflag:s18] =	ssyncset.done @!p1 $0x0  }
.LBB2_2:
0x24: {  	s19 =	simm.s32 @!p2 $0x0;
	s20 =	simm.s32 @!p2 $0x2;
	[sflag:s18] =	ssyncadd.s32 @!p1 $0xFFFFF000  }
0x25: {  	[tilespmem:s19], [sflag:$0x2] =	stream.linear.gather @!p2 [hbm4b:s17+s19], $0x80, $0x38;
	[tilespmem:$0x5EA0] =	vst v63  }
0x26: {  	s21 =	smov.u32 s16;
	s16 =	sadd.s32 $0x10, s16;
	_ =	swait.ge @!p2 [sflag:s20], $0x80  }
0x27: {  	p1 =	por p2, p2;
	p3 =	sne.s32 s16, $0x280;
	[sflag:s20] =	ssyncset.done @!p2 $0x0  }
0x28: {  	s22 =	simm.s32 @!p1 $0x80;
	[sflag:s20] =	ssyncadd.s32 @!p1 $0xFFFFFF80  }
0x29: {  	[tilespmem:s22], [sflag:$0x2] =	stream.linear.gather @!p1 [hbm4b:s15+s19], $0x1000, $0x38;
	[tilespmem:$0x5EA0] =	vst v63  }
0x2a: {  	_ =	swait.ge @!p1 [sflag:s20], $0x1000  }
.Ltmp0:
0x2b: {  	[sflag:s20] =	ssyncset.done @!p1 $0x0;
	(pc) =	sbr.rel @p3 .LBB2_2-.Ltmp0, $4  }
0x2c: {  	s18 =	simm.s32 @!p1 $0x1;
	[sflag:s20] =	ssyncadd.s32 @!p1 $0xFFFFF000  }
0x2d: {  	[spmem:s1] =	stream.indirect.scatter.add.f32 @!p1 [tilespmem:s22], [sflag:$0x1], $0x20, s19, s22, $0xb8;
	[tilespmem:$0x5EA0] =	vst v63  }
0x2e: {  	s17 =	sadd.s32 $0x100, s17;
	s19 =	sadd.s32 s21, s2;
	_ =	swait.ge @!p1 [sflag:s18], $0x1000  }
0x2f: {  	s15 =	sadd.s32 $0x2000, s15;
	p2 =	sgt.u32 s19, $0x270;
	[sflag:s18] =	ssyncset.done @!p1 $0x0  }
0x30: {  	s16 =	simm.s32 @!p2 $0x0;
	s19 =	simm.s32 @!p2 $0x2;
	[sflag:s18] =	ssyncadd.s32 @!p1 $0xFFFFF000  }
0x31: {  	[tilespmem:s16], [sflag:$0x2] =	stream.linear.gather @!p2 [hbm4b:s17+s16], $0x80, $0x38;
	[tilespmem:$0x5EA0] =	vst v63  }
0x32: {  	_ =	swait.ge @!p2 [sflag:s19], $0x80  }
0x33: {  	p1 =	por p2, p2;
	[sflag:s19] =	ssyncset.done @!p2 $0x0  }
0x34: {  	s17 =	simm.s32 @!p1 $0x80;
	[sflag:s19] =	ssyncadd.s32 @!p1 $0xFFFFFF80  }
0x35: {  	[tilespmem:s17], [sflag:$0x2] =	stream.linear.gather @!p1 [hbm4b:s15+s16], $0x1000, $0x38;
	[tilespmem:$0x5EA0] =	vst v63  }
0x36: {  	_ =	swait.ge @!p1 [sflag:s19], $0x1000  }
0x37: {  	[sflag:s19] =	ssyncset.done @!p1 $0x0  }
0x38: {  	s15 =	simm.s32 @!p1 $0x1;
	[sflag:s19] =	ssyncadd.s32 @!p1 $0xFFFFF000  }
0x39: {  	[spmem:s1] =	stream.indirect.scatter.add.f32 @!p1 [tilespmem:s17], [sflag:$0x1], $0x20, s16, s17, $0xb8;
	[tilespmem:$0x5EA0] =	vst v63  }
0x3a: {  	_ =	swait.ge @!p1 [sflag:s15], $0x1000  }
0x3b: {  	[sflag:s15] =	ssyncset.done @!p1 $0x0  }
0x3c: {  	[sflag:s15] =	ssyncadd.s32 @!p1 $0xFFFFF000  }
0x3d: {  	[bflag:$0x0] =	sbarrier.arrive $0xFFFF  }
0x3e: {  	[hbm:s14], [sflag:s5] =	dma.local [spmem:s11], $0x9C0  }
0x3f: {  	_ =	swait.ge [sflag:s12], $0x9C0  }
0x40: {  	s3 =	sadd.s32 $0x1, s3;
	[sflag:s12] =	ssyncset.done $0x0  }
0x41: {  	s15 =	sadd.s32 @!p0 $0x9C00, s7;
	p1 =	sne.s32 s3, s8;
	[sflag:s12] =	ssyncadd.s32 $0xFFFFF640  }
0x42: {  	[hbm:s15], [sflag:s5] =	dma.local @!p0 [spmem:s13], $0x40  }
.Ltmp1:
0x43: {  	_ = 	snop;
	(pc) =	sbr.rel @p1 .LBB2_1-.Ltmp1, $4  }
0x44: {  	s15 =	simm.s32 @!p0 $0x1  }
0x45: {  	_ =	swait.ge @!p0 [sflag:s15], $0x40  }
0x46: {  	[sflag:s15] =	ssyncset.done @!p0 $0x0  }
0x47: {  	[sflag:s15] =	ssyncadd.s32 @!p0 $0xFFFFFFC0  }
0x48: {  	_ =	sfence.sel $0x180000  }
0x49: {  	[bflag:$0x0] =	sbarrier.arrive $0xFFFF  }
0x4a: {  	p0 =	sne.s32 s2, $0x0;
	_ =	strace $0x9000005F  }
0x4b: {  	s0 =	sadd.s32 @!p0 $0x100000, s0;
	[bflag:$0x2] =	sbarrier.arrive $0xFFFF  }
0x4c: {  	[sflag:s0] =	ssyncadd.tile.s32 @!p0 $0x1;
	_ =	shalt  }
.Lfunc_end2:
_tile_overlayer_lowered:
.L_overlay_start_2:
0x4d: {  	(tag) =	ssettag $0x2  }
0x4e: {  	s0 =	rddreg [dreg:$0x0];
	s2 =	stileid.u32  }
0x4f: {  	s1 =	rddreg [dreg:$0x1];
	p0 =	sne.s32 s2, $0x0  }
0x50: {  	s3 =	rddreg [dreg:$0x2];
	[bflag:$0x3] =	sbarrier.arrive $0xFFFF;
	s2 =	simm.s32 @!p0 $0x1C01  }
0x51: {  	[timem:s3], [sflag:s2] =	dma.local @!p0 [hbm:s0], s1  }
0x52: {  	s0 =	simm.s32 @!p0 $0x1  }
0x53: {  	_ =	swait.ge @!p0 [sflag:s0], s1  }
0x54: {  	s1 =	ssub.s32 @!p0 $0x0, s1;
	[sflag:s0] =	ssyncset.done @!p0 $0x0  }
0x55: {  	[sflag:s0] =	ssyncadd.s32 @!p0 s1  }
0x56: {  	[bflag:$0x3] =	sbarrier.arrive $0xFFFF  }
0x57: {  	_ =	shalt  }

// kernel: kernel.60.cloned.1.call-start
scs
__scs_entry_jumppad:
0x0: {  	(pc) =	sbr.rel $0x88, $3  }
0x1: {  	(tag) =	ssettag $0x0;
	lr =	simm.s32 $0x1  }
0x2: {  	[smem:$0x3F83] =	sst lr;
	_ =	strace $0xD0000000  }
0x3: {  	_ = 	snop  }
0x4: {  	_ = 	snop  }
0x5: {  	_ = 	snop  }
0x6: {  	_ = 	snop  }
0x7: {  	_ = 	snop  }
__scs_overlays_trampoline_lowered:
0x8: {  	[smem:$0x3F92] =	sst s0  }
0x9: {  	[smem:$0x3F93] =	sst s1  }
0xa: {  	[smem:$0x3F94] =	sst s2  }
0xb: {  	[smem:$0x3F95] =	sst s3  }
0xc: {  	[smem:$0x3F96] =	sst s4  }
0xd: {  	[smem:$0x3F97] =	sst s5  }
0xe: {  	[smem:$0x3F98] =	sst s6  }
0xf: {  	[smem:$0x3F99] =	sst s7  }
0x10: {  	[smem:$0x3F9A] =	sst s8  }
0x11: {  	[smem:$0x3F9B] =	sst s9;
	s0 =	simm.s32 @!p0 $0x0  }
0x12: {  	s1 =	sld [smem:$0x3F81];
	s0 =	simm.s32 @p0 $0x1  }
0x13: {  	[smem:$0x3F9C] =	sst s0;
	s0 =	simm.s32 @!p1 $0x0  }
0x14: {  	s2 =	sld [smem:$0x3F80];
	s0 =	simm.s32 @p1 $0x1  }
0x15: {  	[smem:$0x3F9D] =	sst s0;
	s0 =	simm.s32 @!p2 $0x0  }
0x16: {  	s3 =	sld [smem:$0x3FDB];
	s0 =	simm.s32 @p2 $0x1  }
0x17: {  	s4 =	simm.s32 $0x1BF5;
	[smem:$0x3F9F] =	sst s0  }
0x18: {  	s0 =	sld [smem:$0x3F82];
	_ =	swait.ge [sflag:s4], $0x0  }
0x19: {  	s7 =	sld [smem:$0x3F83]  }
0x1a: {  	s8 =	sadd.s32 $0xFFFFE003, lr  }
0x1b: {  	s9 =	sadd.s32 $0xFFFFFEF7, lr;
	s5 =	simm.s32 $0xFFFFFFFF;
	p2 =	slt.u32 s8, $0xFFFFF086  }
0x1c: {  	p1 =	slt.u32 s9, $0xF7A;
	s5 =	simm.s32 @!p2 $0x0  }
0x1d: {  	s5 =	simm.s32 @p1 $0x1;
	p0 =	seq.s32 s7, s2  }
0x1e: {  	s7 =	smul.u32 @!p0 $0xF7A, s2;
	p2 =	seq.s32 @!p0 s5, $0x0  }
0x1f: {  	s9 =	smul.u32 $0xF7A, s1;
	s8 =	simm.s32 @!p0 $0x1BF5;
	p2 =	por !p2, p0  }
0x20: {  	[sflag:s8] =	ssyncset.s32 @!p0 $0xFFFFF086;
	s6 =	sadd.s32 @!p0 s3, s7;
	s7 =	simm.s32 @!p0 $0x108  }
0x21: {  	s3 =	sadd.s32 s3, s9;
	s6 =	sadd.s32 @!p0 $0x88, s6;
	s7 =	simm.s32 @p2 $0x1082  }
0x22: {  	[simem:s7], [sflag:s8] =	dma.local @!p0 [hbm:s6], $0xF7A  }
0x23: {  	s9 =	sor.u32 $0xD0000000, s2;
	s6 =	simm.s32 $0x108;
	_ =	swait.ge @!p0 [sflag:s8], $0x0  }
0x24: {  	s3 =	sadd.s32 $0x88, s3;
	s6 =	simm.s32 @!p1 $0x1082;
	[sflag:s4] =	ssyncset.s32 $0xFFFFF086  }
0x25: {  	[simem:s6], [sflag:s4] =	dma.local [hbm:s3], $0xF7A  }
0x26: {  	[smem:$0x3F83] =	sst s1;
	(tag) =	ssettag s2;
	_ =	strace s9  }
0x27: {  	s1 =	sld [smem:$0x3F93]  }
0x28: {  	s2 =	sld [smem:$0x3F94]  }
0x29: {  	s4 =	sld [smem:$0x3F96]  }
0x2a: {  	p0 =	seq.s32 s5, $0x0;
	s5 =	sld [smem:$0x3F97]  }
0x2b: {  	s6 =	sld [smem:$0x3F98]  }
0x2c: {  	s7 =	sld [smem:$0x3F99]  }
0x2d: {  	s3 =	simm.s32 $0x108;
	s8 =	sld [smem:$0x3F9A]  }
0x2e: {  	s3 =	simm.s32 @!p0 $0x1082;
	s9 =	sld [smem:$0x3F9B]  }
0x2f: {  	lr =	sadd.s32 s0, s3;
	s0 =	sld [smem:$0x3F92]  }
0x30: {  	s3 =	sld [smem:$0x3F95]  }
0x31: {  	[smem:$0x3F9E] =	sst s10  }
0x32: {  	s10 =	sld [smem:$0x3F9C];
	_ =	sdelay $0x3  }
0x33: {  	p0 =	seq.s32 s10, $0x1;
	s10 =	sld [smem:$0x3F9E];
	_ =	sdelay $0x3  }
0x34: {  	[smem:$0x3F9E] =	sst s10  }
0x35: {  	s10 =	sld [smem:$0x3F9D];
	_ =	sdelay $0x3  }
0x36: {  	p1 =	seq.s32 s10, $0x1;
	s10 =	sld [smem:$0x3F9E];
	_ =	sdelay $0x3  }
0x37: {  	[smem:$0x3F9E] =	sst s10  }
0x38: {  	s10 =	sld [smem:$0x3F9F]  }
0x39: {  	_ = 	snop;
	(pc) =	sbr.ind lr, $3  }
0x3a: {  	_ = 	snop  }
0x3b: {  	_ = 	snop  }
0x3c: {  	p2 =	seq.s32 s10, $0x1;
	s10 =	sld [smem:$0x3F9E]  }
0x3d: {  	_ =	shalt  }
0x3e: {  	_ =	shalt  }
0x3f: {  	_ =	shalt  }
0x40: {  	_ =	shalt  }
0x41: {  	_ =	shalt  }
0x42: {  	_ =	shalt  }
0x43: {  	_ =	shalt  }
0x44: {  	_ =	shalt  }
0x45: {  	_ =	shalt  }
0x46: {  	_ =	shalt  }
0x47: {  	_ =	shalt  }
0x48: {  	_ =	shalt  }
0x49: {  	_ =	shalt  }
0x4a: {  	_ =	shalt  }
0x4b: {  	_ =	shalt  }
0x4c: {  	_ =	shalt  }
0x4d: {  	_ =	shalt  }
0x4e: {  	_ =	shalt  }
0x4f: {  	_ =	shalt  }
0x50: {  	_ =	shalt  }
0x51: {  	_ =	shalt  }
0x52: {  	_ =	shalt  }
0x53: {  	_ =	shalt  }
0x54: {  	_ =	shalt  }
0x55: {  	_ =	shalt  }
0x56: {  	_ =	shalt  }
0x57: {  	_ =	shalt  }
0x58: {  	_ =	shalt  }
0x59: {  	_ =	shalt  }
0x5a: {  	_ =	shalt  }
0x5b: {  	_ =	shalt  }
0x5c: {  	_ =	shalt  }
0x5d: {  	_ =	shalt  }
0x5e: {  	_ =	shalt  }
0x5f: {  	_ =	shalt  }
0x60: {  	_ =	shalt  }
0x61: {  	_ =	shalt  }
0x62: {  	_ =	shalt  }
0x63: {  	_ =	shalt  }
0x64: {  	_ =	shalt  }
0x65: {  	_ =	shalt  }
0x66: {  	_ =	shalt  }
0x67: {  	_ =	shalt  }
0x68: {  	_ =	shalt  }
0x69: {  	_ =	shalt  }
0x6a: {  	_ =	shalt  }
0x6b: {  	_ =	shalt  }
0x6c: {  	_ =	shalt  }
0x6d: {  	_ =	shalt  }
0x6e: {  	_ =	shalt  }
0x6f: {  	_ =	shalt  }
0x70: {  	_ =	shalt  }
0x71: {  	_ =	shalt  }
0x72: {  	_ =	shalt  }
0x73: {  	_ =	shalt  }
0x74: {  	_ =	shalt  }
0x75: {  	_ =	shalt  }
0x76: {  	_ =	shalt  }
0x77: {  	_ =	shalt  }
0x78: {  	_ =	shalt  }
0x79: {  	_ =	shalt  }
0x7a: {  	_ =	shalt  }
0x7b: {  	_ =	shalt  }
0x7c: {  	_ =	shalt  }
0x7d: {  	_ =	shalt  }
0x7e: {  	_ =	shalt  }
0x7f: {  	_ =	shalt  }
0x80: {  	_ =	shalt  }
0x81: {  	_ =	shalt  }
0x82: {  	_ =	shalt  }
0x83: {  	_ =	shalt  }
0x84: {  	_ =	shalt  }
0x85: {  	_ =	shalt  }
0x86: {  	_ =	shalt  }
0x87: {  	_ =	shalt  }
.Lfunc_end0:
.L_simem_size_0:
called_computation.9_lowered:
.L_overlay_start_0:
0x88: {  	s2 =	sld [smem:$0x3FD9]  }
0x89: {  	s3 =	sld [smem:$0x3FFE];
	_ =	sdelay $0x1  }
0x8a: {  	s1 =	srdreg.scid  }
0x8b: {  	s0 =	sand.u32 $0x1, s1  }
0x8c: {  	s14 =	sshll.u32 s0, $0xA;
	s2 =	sadd.s32 s3, s2  }
0x8d: {  	s2 =	sadd.s32 s2, s14  }
0x8e: {  	[smem:$0x3FAA] =	sst s2  }
0x8f: {  	_ = 	snop  }
0x90: {  	s2 =	sld [smem:$0x3FD0];
	_ =	sdelay $0x2  }
0x91: {  	s15 =	simm.s32 $0xA;
	s4 =	simm.s32 $0x10  }
0x92: {  	[smem:s4], [sflag:s15] =	dma.local [hbm:s2], $0x1  }
0x93: {  	_ =	swait.eq [sflag:s15], $0x1  }
0x94: {  	[sflag:s15] =	ssyncset.done $0x0  }
0x95: {  	[sflag:s15] =	ssyncadd.s32 $0xFFFFFFFF  }
0x96: {  	s16 =	sld [smem:$0x12];
	(tm) =	ssettm $0x1  }
0x97: {  	s17 =	sld [smem:$0x3FFB];
	_ =	sdelay $0x3  }
0x98: {  	_ =	strace s17  }
0x99: {  	s3 =	sld [smem:$0x3FFC];
	_ =	sdelay $0x3  }
0x9a: {  	_ =	strace s3  }
0x9b: {  	s3 =	sld [smem:$0x3FFD];
	_ =	sdelay $0x3  }
0x9c: {  	_ =	strace s3  }
0x9d: {  	_ =	strace $0x8FFFFFFF  }
0x9e: {  	s18 =	sld [smem:$0x3FDB];
	_ =	sdelay $0x1  }
0x9f: {  	s19 =	simm.s32 $_scs_section_size  }
0xa0: {  	s5 =	simm.s32 $_size__tile_overlayer_lowered;
	s6 =	simm.s32 $_tile_overlayer_lowered  }
0xa1: {  	s22 =	simm.s32 $0x1BFF;
	s21 =	sshll.u32 s6, $0x1;
	s3 =	sadd.s32 s19, s18  }
0xa2: {  	s7 =	simm.s32 $0x0;
	s20 =	sshll.u32 s5, $0x1;
	s5 =	sadd.s32 s21, s3  }
0xa3: {  	[timem:s7], [sflag:s22] =	dma.local [hbm:s5], s20  }
0xa4: {  	_ =	swait.ge [sflag:s22], s20  }
0xa5: {  	s4 =	ssub.s32 $0x0, s20;
	[sflag:s22] =	ssyncset.done $0x0  }
0xa6: {  	[sflag:s22] =	ssyncadd.s32 s4;
	_ =	sdelay $0x1  }
0xa7: {  	s23 =	simm.s32 $0x1B8B  }
0xa8: {  	_ =	swait.ge [sflag:s23], $0x1  }
0xa9: {  	[sflag:s23] =	ssyncset.done $0x0  }
0xaa: {  	s25 =	simm.s32 $0x1B8E;
	s24 =	sld [smem:$0x3FFE];
	[sflag:s23] =	ssyncadd.s32 $0xFFFFFFFF  }
0xab: {  	s26 =	simm.s32 $execute0_lowered;
	[smem:$0x3FD2] =	sst s25  }
0xac: {  	s5 =	sshll.u32 s26, $0x1;
	_ =	strace $0x80000061;
	[dreg:$0x1] =	wrdreg $0xFFFFFFFF  }
0xad: {  	s28 =	simm.s32 $_size_execute0_lowered;
	s3 =	sadd.s32 s3, s5;
	[dreg:$0x0] =	wrdreg $0x0  }
0xae: {  	s5 =	sshll.u32 s28, $0x1;
	[dreg:$0x2] =	wrdreg s3  }
0xaf: {  	[dreg:$0x3] =	wrdreg s5  }
0xb0: {  	[dreg:$0x4] =	wrdreg $0xC0  }
0xb1: {  	_ =	task [dreg:s7], $0x5FFFF  }
0xb2: {  	[dreg:$0x1] =	wrdreg $0xFFFFFFFF  }
0xb3: {  	[dreg:$0x0] =	wrdreg $0x60  }
0xb4: {  	[dreg:$0x2] =	wrdreg s24  }
0xb5: {  	[dreg:$0x3] =	wrdreg s16  }
0xb6: {  	[dreg:$0x4] =	wrdreg $0x9  }
0xb7: {  	_ =	task.clear_ibuf [dreg:s7], $0x5FFFF;
	_ =	strace $0x90000061  }
0xb8: {  	s29 =	simm.s32 $0x9;
	_ =	strace $0x80000063  }
0xb9: {  	_ =	swait.ge [sflag:s29], $0x1  }
0xba: {  	[sflag:s29] =	ssyncadd.s32 $0xFFFFFFFF  }
0xbb: {  	_ =	strace $0x90000063  }
0xbc: {  	_ =	sfence  }
0xbd: {  	s30 =	sld [smem:$0x0];
	_ =	sdelay $0x2  }
0xbe: {  	s31 =	sshll.u32 s1, $0xD;
	s1 =	sshrl.u32 s1, $0x2  }
0xbf: {  	s3 =	sand.u32 $0x4000, s31;
	s1 =	sadd.s32 s1, s30  }
0xc0: {  	s0 =	sor.u32 s3, s0;
	s1 =	sshll.u32 s1, $0x11  }
0xc1: {  	s0 =	sor.u32 s1, s0  }
0xc2: {  	s0 =	sadd.s32 $0x8F2B, s0  }
0xc3: {  	[sflag:s0] =	ssyncadd.remote.s32 $0x1  }
0xc4: {  	_ =	sfence.sel $0xFFFF  }
0xc5: {  	[dreg:$0x0] =	wrdreg $0xFFFFFFFF;
	(pc) =	sbr.abs _section_cstart, $3  }
0xc6: {  	[dreg:$0x1] =	wrdreg $0xFFFFFFFF  }
0xc7: {  	_ =	task.clear_ibuf [dreg:s7], $0x2FFFF;
	_ =	strace $0x9FFFFFFF  }
0xc8: {  	(tm) =	ssettm $0x7FFFFFFF  }
0xc9: {  	_ =	shalt  }
tec
execute0_lowered:
.L_overlay_start_1:
0x0: {  	(tag) =	ssettag $0x1  }
0x1: {  	s4 =	rddreg [dreg:$0x0]  }
0x2: {  	s5 =	rddreg [dreg:$0x1]  }
0x3: {  	s0 =	rddreg [dreg:$0x2]  }
0x4: {  	s2 =	simm.s32 $0x0;
	s3 =	srdreg.scid;
	s1 =	stileid.u32  }
0x5: {  	[smem:$0x7FF] =	sst s2;
	s6 =	sand.u32 $0x1, s3;
	s3 =	sadd.s32 $0x6E400, s4  }
0x6: {  	s7 =	sshll.u32 s1, $0xA;
	s31 =	sshll.u32 s1, $0x5;
	_ =	strace $0x80000062  }
0x7: {  	s8 =	ssub.s32 $0x2, s6;
	s4 =	sadd.s32 s7, s4;
	s9 =	sshll.u32 s6, $0x9  }
0x8: {  	s10 =	sshll.u32 s6, $0x4;
	s29 =	sshrl.u32 s8, $0x1;
	s30 =	sadd.s32 s9, s4  }
0x9: {  	s4 =	sshll.u32 s1, $0x1;
	s9 =	sadd.s32 s31, s5;
	s7 =	ssub.s32 s8, s29  }
0xa: {  	s6 =	sadd.s32 $0x78200, s30;
	s5 =	smax.u32 s7, $0x1;
	s7 =	sadd.s32 s10, s9  }
.LBB2_1:
0xb: {  	s8 =	sadd.s32 $0x0, s4  }
0xc: {  	p0 =	sgt.u32 s8, $0x4E1  }
0xd: {  	s8 =	simm.s32 @!p0 $0x0;
	s9 =	simm.s32 @!p0 $0x3  }
0xe: {  	[tilespmem:s8], [sflag:$0x3] =	stream.linear.gather @!p0 [hbm4b:s7+s8], $0x80, $0x38;
	[tilespmem:$0x1080] =	vst v63  }
0xf: {  	_ =	swait.ge @!p0 [sflag:s9], $0x80  }
0x10: {  	[sflag:s9] =	ssyncset.done @!p0 $0x0;
	p0 =	por p0, p0  }
0x11: {  	[sflag:s9] =	ssyncadd.s32 @!p0 $0xFFFFFF80;
	s10 =	simm.s32 @!p0 $0x80;
	s11 =	simm.s32 @!p0 $0x1  }
0x12: {  	[tilespmem:s10], [sflag:$0x1] =	stream.indirect.gather @!p0 [hbm4b:s3+s10], $0x20, s8, s10, $0xb8;
	[tilespmem:$0x1080] =	vst v63  }
0x13: {  	_ =	swait.ge @!p0 [sflag:s11], $0x1000  }
0x14: {  	[sflag:s11] =	ssyncset.done @!p0 $0x0  }
0x15: {  	s31 =	sadd.s32 $0x20, s4;
	[sflag:s11] =	ssyncadd.s32 @!p0 $0xFFFFF000;
	s11 =	simm.s32 @!p0 $0x2  }
0x16: {  	[hbm4b:s6+s8] =	stream.linear.scatter @!p0 [tilespmem:s10], [sflag:$0x2], $0x1000, $0x38;
	[tilespmem:$0x1080] =	vst v63  }
0x17: {  	p1 =	sgt.u32 s31, $0x4E1;
	s9 =	simm.s32 $0x40;
	_ =	swait.ge @!p0 [sflag:s11], $0x1000  }
0x18: {  	s10 =	sadd.s32 $0x200, s7;
	s8 =	sadd.s32 $0x4000, s6;
	[sflag:s11] =	ssyncset.done @!p0 $0x0  }
.LBB2_2:
0x19: {  	s12 =	simm.s32 @!p1 $0x0;
	s13 =	simm.s32 @!p1 $0x3;
	[sflag:s11] =	ssyncadd.s32 @!p0 $0xFFFFF000  }
0x1a: {  	[tilespmem:s12], [sflag:$0x3] =	stream.linear.gather @!p1 [hbm4b:s10+s12], $0x80, $0x38;
	[tilespmem:$0x1080] =	vst v63  }
0x1b: {  	s14 =	smov.u32 s9;
	s9 =	sadd.s32 $0x20, s9;
	_ =	swait.ge @!p1 [sflag:s13], $0x80  }
0x1c: {  	p0 =	por p1, p1;
	p2 =	sne.s32 s9, $0x500;
	[sflag:s13] =	ssyncset.done @!p1 $0x0  }
0x1d: {  	s11 =	simm.s32 @!p0 $0x1;
	[sflag:s13] =	ssyncadd.s32 @!p0 $0xFFFFFF80;
	s13 =	simm.s32 @!p0 $0x80  }
0x1e: {  	[tilespmem:s13], [sflag:$0x1] =	stream.indirect.gather @!p0 [hbm4b:s3+s13], $0x20, s12, s13, $0xb8;
	[tilespmem:$0x1080] =	vst v63  }
0x1f: {  	_ =	swait.ge @!p0 [sflag:s11], $0x1000  }
.Ltmp0:
0x20: {  	[sflag:s11] =	ssyncset.done @!p0 $0x0;
	(pc) =	sbr.rel @p2 .LBB2_2-.Ltmp0, $4  }
0x21: {  	[sflag:s11] =	ssyncadd.s32 @!p0 $0xFFFFF000;
	s11 =	simm.s32 @!p0 $0x2  }
0x22: {  	[hbm4b:s8+s12] =	stream.linear.scatter @!p0 [tilespmem:s13], [sflag:$0x2], $0x1000, $0x38;
	[tilespmem:$0x1080] =	vst v63  }
0x23: {  	s10 =	sadd.s32 $0x200, s10;
	s12 =	sadd.s32 s14, s4;
	_ =	swait.ge @!p0 [sflag:s11], $0x1000  }
0x24: {  	s8 =	sadd.s32 $0x4000, s8;
	p1 =	sgt.u32 s12, $0x4E1;
	[sflag:s11] =	ssyncset.done @!p0 $0x0  }
0x25: {  	s9 =	simm.s32 @!p1 $0x0;
	s12 =	simm.s32 @!p1 $0x3;
	[sflag:s11] =	ssyncadd.s32 @!p0 $0xFFFFF000  }
0x26: {  	[tilespmem:s9], [sflag:$0x3] =	stream.linear.gather @!p1 [hbm4b:s10+s9], $0x80, $0x38;
	[tilespmem:$0x1080] =	vst v63  }
0x27: {  	_ =	swait.ge @!p1 [sflag:s12], $0x80  }
0x28: {  	p0 =	por p1, p1;
	[sflag:s12] =	ssyncset.done @!p1 $0x0  }
0x29: {  	s10 =	simm.s32 @!p0 $0x80;
	s11 =	simm.s32 @!p0 $0x1;
	[sflag:s12] =	ssyncadd.s32 @!p0 $0xFFFFFF80  }
0x2a: {  	[tilespmem:s10], [sflag:$0x1] =	stream.indirect.gather @!p0 [hbm4b:s3+s10], $0x20, s9, s10, $0xb8;
	[tilespmem:$0x1080] =	vst v63  }
0x2b: {  	s2 =	sadd.s32 $0x1, s2;
	_ =	swait.ge @!p0 [sflag:s11], $0x1000  }
0x2c: {  	p1 =	sne.s32 s2, s5;
	[sflag:s11] =	ssyncset.done @!p0 $0x0  }
.Ltmp1:
0x2d: {  	[sflag:s11] =	ssyncadd.s32 @!p0 $0xFFFFF000;
	s11 =	simm.s32 @!p0 $0x2;
	(pc) =	sbr.rel @p1 .LBB2_1-.Ltmp1, $4  }
0x2e: {  	[hbm4b:s8+s9] =	stream.linear.scatter @!p0 [tilespmem:s10], [sflag:$0x2], $0x1000, $0x38;
	[tilespmem:$0x1080] =	vst v63  }
0x2f: {  	_ =	swait.ge @!p0 [sflag:s11], $0x1000  }
0x30: {  	[sflag:s11] =	ssyncset.done @!p0 $0x0  }
0x31: {  	[sflag:s11] =	ssyncadd.s32 @!p0 $0xFFFFF000  }
0x32: {  	_ =	sfence.sel $0x180000  }
0x33: {  	[bflag:$0x0] =	sbarrier.arrive $0xFFFF  }
0x34: {  	p0 =	sne.s32 s1, $0x0;
	_ =	strace $0x90000062  }
0x35: {  	s0 =	sadd.s32 @!p0 $0x100000, s0;
	[bflag:$0x2] =	sbarrier.arrive $0xFFFF  }
0x36: {  	[sflag:s0] =	ssyncadd.tile.s32 @!p0 $0x1;
	_ =	shalt  }
.Lfunc_end2:
_tile_overlayer_lowered:
.L_overlay_start_2:
0x37: {  	(tag) =	ssettag $0x2  }
0x38: {  	s0 =	rddreg [dreg:$0x0];
	s2 =	stileid.u32  }
0x39: {  	s1 =	rddreg [dreg:$0x1];
	p0 =	sne.s32 s2, $0x0  }
0x3a: {  	s3 =	rddreg [dreg:$0x2];
	[bflag:$0x3] =	sbarrier.arrive $0xFFFF;
	s2 =	simm.s32 @!p0 $0x1C02  }
0x3b: {  	[timem:s3], [sflag:s2] =	dma.local @!p0 [hbm:s0], s1  }
0x3c: {  	s0 =	simm.s32 @!p0 $0x2  }
0x3d: {  	_ =	swait.ge @!p0 [sflag:s0], s1  }
0x3e: {  	s1 =	ssub.s32 @!p0 $0x0, s1;
	[sflag:s0] =	ssyncset.done @!p0 $0x0  }
0x3f: {  	[sflag:s0] =	ssyncadd.s32 @!p0 s1  }
0x40: {  	[bflag:$0x3] =	sbarrier.arrive $0xFFFF  }
0x41: {  	_ =	shalt  }

// kernel: kernel.63.cloned.1.call-start
scs
__scs_entry_jumppad:
0x0: {  	(pc) =	sbr.rel $0x88, $3  }
0x1: {  	(tag) =	ssettag $0x0;
	lr =	simm.s32 $0x1  }
0x2: {  	[smem:$0x3F83] =	sst lr;
	_ =	strace $0xD0000000  }
0x3: {  	_ = 	snop  }
0x4: {  	_ = 	snop  }
0x5: {  	_ = 	snop  }
0x6: {  	_ = 	snop  }
0x7: {  	_ = 	snop  }
__scs_overlays_trampoline_lowered:
0x8: {  	[smem:$0x3F92] =	sst s0  }
0x9: {  	[smem:$0x3F93] =	sst s1  }
0xa: {  	[smem:$0x3F94] =	sst s2  }
0xb: {  	[smem:$0x3F95] =	sst s3  }
0xc: {  	[smem:$0x3F96] =	sst s4  }
0xd: {  	[smem:$0x3F97] =	sst s5  }
0xe: {  	[smem:$0x3F98] =	sst s6  }
0xf: {  	[smem:$0x3F99] =	sst s7  }
0x10: {  	[smem:$0x3F9A] =	sst s8  }
0x11: {  	[smem:$0x3F9B] =	sst s9;
	s0 =	simm.s32 @!p0 $0x0  }
0x12: {  	s1 =	sld [smem:$0x3F81];
	s0 =	simm.s32 @p0 $0x1  }
0x13: {  	[smem:$0x3F9C] =	sst s0;
	s0 =	simm.s32 @!p1 $0x0  }
0x14: {  	s2 =	sld [smem:$0x3F80];
	s0 =	simm.s32 @p1 $0x1  }
0x15: {  	[smem:$0x3F9D] =	sst s0;
	s0 =	simm.s32 @!p2 $0x0  }
0x16: {  	s3 =	sld [smem:$0x3FDB];
	s0 =	simm.s32 @p2 $0x1  }
0x17: {  	s4 =	simm.s32 $0x1BF5;
	[smem:$0x3F9F] =	sst s0  }
0x18: {  	s0 =	sld [smem:$0x3F82];
	_ =	swait.ge [sflag:s4], $0x0  }
0x19: {  	s7 =	sld [smem:$0x3F83]  }
0x1a: {  	s8 =	sadd.s32 $0xFFFFE003, lr  }
0x1b: {  	s9 =	sadd.s32 $0xFFFFFEF7, lr;
	s5 =	simm.s32 $0xFFFFFFFF;
	p2 =	slt.u32 s8, $0xFFFFF086  }
0x1c: {  	p1 =	slt.u32 s9, $0xF7A;
	s5 =	simm.s32 @!p2 $0x0  }
0x1d: {  	s5 =	simm.s32 @p1 $0x1;
	p0 =	seq.s32 s7, s2  }
0x1e: {  	s7 =	smul.u32 @!p0 $0xF7A, s2;
	p2 =	seq.s32 @!p0 s5, $0x0  }
0x1f: {  	s9 =	smul.u32 $0xF7A, s1;
	s8 =	simm.s32 @!p0 $0x1BF5;
	p2 =	por !p2, p0  }
0x20: {  	[sflag:s8] =	ssyncset.s32 @!p0 $0xFFFFF086;
	s6 =	sadd.s32 @!p0 s3, s7;
	s7 =	simm.s32 @!p0 $0x108  }
0x21: {  	s3 =	sadd.s32 s3, s9;
	s6 =	sadd.s32 @!p0 $0x88, s6;
	s7 =	simm.s32 @p2 $0x1082  }
0x22: {  	[simem:s7], [sflag:s8] =	dma.local @!p0 [hbm:s6], $0xF7A  }
0x23: {  	s9 =	sor.u32 $0xD0000000, s2;
	s6 =	simm.s32 $0x108;
	_ =	swait.ge @!p0 [sflag:s8], $0x0  }
0x24: {  	s3 =	sadd.s32 $0x88, s3;
	s6 =	simm.s32 @!p1 $0x1082;
	[sflag:s4] =	ssyncset.s32 $0xFFFFF086  }
0x25: {  	[simem:s6], [sflag:s4] =	dma.local [hbm:s3], $0xF7A  }
0x26: {  	[smem:$0x3F83] =	sst s1;
	(tag) =	ssettag s2;
	_ =	strace s9  }
0x27: {  	s1 =	sld [smem:$0x3F93]  }
0x28: {  	s2 =	sld [smem:$0x3F94]  }
0x29: {  	s4 =	sld [smem:$0x3F96]  }
0x2a: {  	p0 =	seq.s32 s5, $0x0;
	s5 =	sld [smem:$0x3F97]  }
0x2b: {  	s6 =	sld [smem:$0x3F98]  }
0x2c: {  	s7 =	sld [smem:$0x3F99]  }
0x2d: {  	s3 =	simm.s32 $0x108;
	s8 =	sld [smem:$0x3F9A]  }
0x2e: {  	s3 =	simm.s32 @!p0 $0x1082;
	s9 =	sld [smem:$0x3F9B]  }
0x2f: {  	lr =	sadd.s32 s0, s3;
	s0 =	sld [smem:$0x3F92]  }
0x30: {  	s3 =	sld [smem:$0x3F95]  }
0x31: {  	[smem:$0x3F9E] =	sst s10  }
0x32: {  	s10 =	sld [smem:$0x3F9C];
	_ =	sdelay $0x3  }
0x33: {  	p0 =	seq.s32 s10, $0x1;
	s10 =	sld [smem:$0x3F9E];
	_ =	sdelay $0x3  }
0x34: {  	[smem:$0x3F9E] =	sst s10  }
0x35: {  	s10 =	sld [smem:$0x3F9D];
	_ =	sdelay $0x3  }
0x36: {  	p1 =	seq.s32 s10, $0x1;
	s10 =	sld [smem:$0x3F9E];
	_ =	sdelay $0x3  }
0x37: {  	[smem:$0x3F9E] =	sst s10  }
0x38: {  	s10 =	sld [smem:$0x3F9F]  }
0x39: {  	_ = 	snop;
	(pc) =	sbr.ind lr, $3  }
0x3a: {  	_ = 	snop  }
0x3b: {  	_ = 	snop  }
0x3c: {  	p2 =	seq.s32 s10, $0x1;
	s10 =	sld [smem:$0x3F9E]  }
0x3d: {  	_ =	shalt  }
0x3e: {  	_ =	shalt  }
0x3f: {  	_ =	shalt  }
0x40: {  	_ =	shalt  }
0x41: {  	_ =	shalt  }
0x42: {  	_ =	shalt  }
0x43: {  	_ =	shalt  }
0x44: {  	_ =	shalt  }
0x45: {  	_ =	shalt  }
0x46: {  	_ =	shalt  }
0x47: {  	_ =	shalt  }
0x48: {  	_ =	shalt  }
0x49: {  	_ =	shalt  }
0x4a: {  	_ =	shalt  }
0x4b: {  	_ =	shalt  }
0x4c: {  	_ =	shalt  }
0x4d: {  	_ =	shalt  }
0x4e: {  	_ =	shalt  }
0x4f: {  	_ =	shalt  }
0x50: {  	_ =	shalt  }
0x51: {  	_ =	shalt  }
0x52: {  	_ =	shalt  }
0x53: {  	_ =	shalt  }
0x54: {  	_ =	shalt  }
0x55: {  	_ =	shalt  }
0x56: {  	_ =	shalt  }
0x57: {  	_ =	shalt  }
0x58: {  	_ =	shalt  }
0x59: {  	_ =	shalt  }
0x5a: {  	_ =	shalt  }
0x5b: {  	_ =	shalt  }
0x5c: {  	_ =	shalt  }
0x5d: {  	_ =	shalt  }
0x5e: {  	_ =	shalt  }
0x5f: {  	_ =	shalt  }
0x60: {  	_ =	shalt  }
0x61: {  	_ =	shalt  }
0x62: {  	_ =	shalt  }
0x63: {  	_ =	shalt  }
0x64: {  	_ =	shalt  }
0x65: {  	_ =	shalt  }
0x66: {  	_ =	shalt  }
0x67: {  	_ =	shalt  }
0x68: {  	_ =	shalt  }
0x69: {  	_ =	shalt  }
0x6a: {  	_ =	shalt  }
0x6b: {  	_ =	shalt  }
0x6c: {  	_ =	shalt  }
0x6d: {  	_ =	shalt  }
0x6e: {  	_ =	shalt  }
0x6f: {  	_ =	shalt  }
0x70: {  	_ =	shalt  }
0x71: {  	_ =	shalt  }
0x72: {  	_ =	shalt  }
0x73: {  	_ =	shalt  }
0x74: {  	_ =	shalt  }
0x75: {  	_ =	shalt  }
0x76: {  	_ =	shalt  }
0x77: {  	_ =	shalt  }
0x78: {  	_ =	shalt  }
0x79: {  	_ =	shalt  }
0x7a: {  	_ =	shalt  }
0x7b: {  	_ =	shalt  }
0x7c: {  	_ =	shalt  }
0x7d: {  	_ =	shalt  }
0x7e: {  	_ =	shalt  }
0x7f: {  	_ =	shalt  }
0x80: {  	_ =	shalt  }
0x81: {  	_ =	shalt  }
0x82: {  	_ =	shalt  }
0x83: {  	_ =	shalt  }
0x84: {  	_ =	shalt  }
0x85: {  	_ =	shalt  }
0x86: {  	_ =	shalt  }
0x87: {  	_ =	shalt  }
.Lfunc_end0:
.L_simem_size_0:
called_computation.10_lowered:
.L_overlay_start_0:
0x88: {  	s2 =	sld [smem:$0x3FD9]  }
0x89: {  	s3 =	sld [smem:$0x3FFE];
	_ =	sdelay $0x1  }
0x8a: {  	s1 =	srdreg.scid  }
0x8b: {  	s0 =	sand.u32 $0x1, s1  }
0x8c: {  	s16 =	sshll.u32 s0, $0xA;
	s2 =	sadd.s32 s3, s2  }
0x8d: {  	s2 =	sadd.s32 s2, s16  }
0x8e: {  	[smem:$0x3FAA] =	sst s2  }
0x8f: {  	_ = 	snop  }
0x90: {  	(tm) =	ssettm $0x1  }
0x91: {  	s17 =	sld [smem:$0x3FFB];
	_ =	sdelay $0x3  }
0x92: {  	_ =	strace s17  }
0x93: {  	s2 =	sld [smem:$0x3FFC];
	_ =	sdelay $0x3  }
0x94: {  	_ =	strace s2  }
0x95: {  	s2 =	sld [smem:$0x3FFD];
	_ =	sdelay $0x3  }
0x96: {  	_ =	strace s2  }
0x97: {  	_ =	strace $0x8FFFFFFF  }
0x98: {  	s18 =	sld [smem:$0x3FDB];
	_ =	sdelay $0x1  }
0x99: {  	s19 =	simm.s32 $_scs_section_size  }
0x9a: {  	s4 =	simm.s32 $_size__tile_overlayer_lowered;
	s5 =	simm.s32 $_tile_overlayer_lowered  }
0x9b: {  	s22 =	simm.s32 $0x1BFF;
	s21 =	sshll.u32 s5, $0x1;
	s2 =	sadd.s32 s19, s18  }
0x9c: {  	s6 =	simm.s32 $0x0;
	s20 =	sshll.u32 s4, $0x1;
	s4 =	sadd.s32 s21, s2  }
0x9d: {  	[timem:s6], [sflag:s22] =	dma.local [hbm:s4], s20  }
0x9e: {  	_ =	swait.ge [sflag:s22], s20  }
0x9f: {  	s3 =	ssub.s32 $0x0, s20;
	[sflag:s22] =	ssyncset.done $0x0  }
0xa0: {  	[sflag:s22] =	ssyncadd.s32 s3;
	_ =	sdelay $0x1  }
0xa1: {  	s23 =	simm.s32 $0x1B8B  }
0xa2: {  	_ =	swait.ge [sflag:s23], $0x1  }
0xa3: {  	[sflag:s23] =	ssyncset.done $0x0  }
0xa4: {  	s25 =	simm.s32 $0x1B8E;
	s24 =	sld [smem:$0x3FFE];
	[sflag:s23] =	ssyncadd.s32 $0xFFFFFFFF  }
0xa5: {  	s26 =	simm.s32 $execute0_lowered;
	[smem:$0x3FD2] =	sst s25  }
0xa6: {  	s4 =	sshll.u32 s26, $0x1;
	_ =	strace $0x80000064;
	[dreg:$0x1] =	wrdreg $0xFFFFFFFF  }
0xa7: {  	s28 =	simm.s32 $_size_execute0_lowered;
	s2 =	sadd.s32 s2, s4;
	[dreg:$0x0] =	wrdreg $0x0  }
0xa8: {  	s4 =	sshll.u32 s28, $0x1;
	[dreg:$0x2] =	wrdreg s2  }
0xa9: {  	[dreg:$0x3] =	wrdreg s4  }
0xaa: {  	[dreg:$0x4] =	wrdreg $0xC0  }
0xab: {  	_ =	task [dreg:s6], $0x5FFFF  }
0xac: {  	[dreg:$0x1] =	wrdreg $0xFFFFFFFF  }
0xad: {  	[dreg:$0x0] =	wrdreg $0x60  }
0xae: {  	[dreg:$0x2] =	wrdreg s24  }
0xaf: {  	[dreg:$0x3] =	wrdreg $0x10800  }
0xb0: {  	[dreg:$0x4] =	wrdreg $0x9  }
0xb1: {  	_ =	task.clear_ibuf [dreg:s6], $0x5FFFF;
	_ =	strace $0x90000064  }
0xb2: {  	s29 =	simm.s32 $0x9;
	_ =	strace $0x80000066  }
0xb3: {  	_ =	swait.ge [sflag:s29], $0x1  }
0xb4: {  	[sflag:s29] =	ssyncadd.s32 $0xFFFFFFFF  }
0xb5: {  	_ =	strace $0x90000066  }
0xb6: {  	_ =	sfence  }
0xb7: {  	s30 =	sld [smem:$0x0];
	_ =	sdelay $0x2  }
0xb8: {  	s31 =	sshll.u32 s1, $0xD;
	s1 =	sshrl.u32 s1, $0x2  }
0xb9: {  	s3 =	sand.u32 $0x4000, s31;
	s1 =	sadd.s32 s1, s30  }
0xba: {  	s0 =	sor.u32 s3, s0;
	s1 =	sshll.u32 s1, $0x11  }
0xbb: {  	s0 =	sor.u32 s1, s0  }
0xbc: {  	s0 =	sadd.s32 $0x8F2B, s0  }
0xbd: {  	[sflag:s0] =	ssyncadd.remote.s32 $0x1  }
0xbe: {  	_ =	sfence.sel $0xFFFF  }
0xbf: {  	[dreg:$0x0] =	wrdreg $0xFFFFFFFF;
	(pc) =	sbr.abs _section_cstart, $3  }
0xc0: {  	[dreg:$0x1] =	wrdreg $0xFFFFFFFF  }
0xc1: {  	_ =	task.clear_ibuf [dreg:s6], $0x2FFFF;
	_ =	strace $0x9FFFFFFF  }
0xc2: {  	(tm) =	ssettm $0x7FFFFFFF  }
0xc3: {  	_ =	shalt  }
tec
execute0_lowered:
.L_overlay_start_1:
0x0: {  	(tag) =	ssettag $0x1  }
0x1: {  	s6 =	rddreg [dreg:$0x0]  }
0x2: {  	s1 =	rddreg [dreg:$0x1];
	s2 =	srdreg.scid  }
0x3: {  	s0 =	rddreg [dreg:$0x2];
	s4 =	sand.u32 $0x1, s2  }
0x4: {  	s3 =	simm.s32 $0x0;
	s2 =	stileid.u32;
	s5 =	smul.u32 $0x4E200, s4  }
0x5: {  	[smem:$0x7FF] =	sst s3;
	s7 =	smul.u32 $0x4E00, s2  }
0x6: {  	s15 =	sadd.s32 $0x4E000, s1;
	_ =	strace $0x80000065;
	s26 =	smul.u32 $0x2710, s4  }
0x7: {  	s9 =	smul.u32 $0x9C40, s4;
	s4 =	ssub.s32 $0x2, s4;
	s12 =	sshll.u32 s2, $0x6  }
0x8: {  	s29 =	sshll.u32 s2, $0x9;
	s31 =	sshll.u32 s2, $0x4;
	p0 =	sne.s32 s2, $0xF  }
0x9: {  	s11 =	sshrl.u32 s4, $0x1;
	s8 =	sadd.s32 s5, s6;
	s14 =	sshrl.u32 s7, $0x3  }
0xa: {  	s10 =	sadd.s32 s26, s6;
	s9 =	sadd.s32 s9, s6;
	s11 =	ssub.s32 s4, s11  }
0xb: {  	s13 =	sadd.s32 s7, s1;
	s5 =	sor.u32 $0x1C01, s12;
	s12 =	simm.s32 $0x1  }
0xc: {  	s28 =	sadd.s32 s14, s6;
	s6 =	sadd.s32 $0x1FE00, s6;
	s7 =	sadd.s32 $0x385600, s9  }
0xd: {  	s30 =	sadd.s32 s29, s8;
	s8 =	smax.u32 s11, $0x1;
	s10 =	sadd.s32 s31, s10  }
0xe: {  	s11 =	sshrl.u32 s13, $0x3;
	s13 =	sshrl.u32 @!p0 s15, $0x3;
	s4 =	sadd.s32 $0x16200, s28  }
0xf: {  	s9 =	sadd.s32 $0x6E400, s30;
	s10 =	sadd.s32 $0x11200, s10;
	s14 =	sadd.s32 s14, s7  }
.LBB2_1:
0x10: {  	[spmem:s11], [sflag:s5] =	dma.local [hbm:s4], $0x9C0  }
0x11: {  	_ =	swait.ge [sflag:s12], $0x9C0  }
0x12: {  	[sflag:s12] =	ssyncset.done $0x0  }
0x13: {  	s15 =	simm.s32 @!p0 $0x1;
	[sflag:s12] =	ssyncadd.s32 $0xFFFFF640  }
0x14: {  	[spmem:s13], [sflag:s5] =	dma.local @!p0 [hbm:s6], $0x40  }
0x15: {  	_ =	swait.ge @!p0 [sflag:s15], $0x40  }
0x16: {  	s16 =	sadd.s32 $0x0, s2;
	[sflag:s15] =	ssyncset.done @!p0 $0x0  }
0x17: {  	p1 =	sgt.u32 s16, $0x270;
	[sflag:s15] =	ssyncadd.s32 @!p0 $0xFFFFFFC0  }
0x18: {  	s17 =	simm.s32 @!p1 $0x2;
	s15 =	simm.s32 @!p1 $0x0;
	[bflag:$0x0] =	sbarrier.arrive $0xFFFF  }
0x19: {  	[tilespmem:s15], [sflag:$0x2] =	stream.linear.gather @!p1 [hbm4b:s10+s15], $0x80, $0x38;
	[tilespmem:$0x5EA0] =	vst v63  }
0x1a: {  	_ =	swait.ge @!p1 [sflag:s17], $0x80  }
0x1b: {  	[sflag:s17] =	ssyncset.done @!p1 $0x0;
	p1 =	por p1, p1  }
0x1c: {  	[sflag:s17] =	ssyncadd.s32 @!p1 $0xFFFFFF80;
	s19 =	simm.s32 @!p1 $0x80  }
0x1d: {  	[tilespmem:s19], [sflag:$0x2] =	stream.linear.gather @!p1 [hbm4b:s9+s15], $0x1000, $0x38;
	[tilespmem:$0x5EA0] =	vst v63  }
0x1e: {  	_ =	swait.ge @!p1 [sflag:s17], $0x1000  }
0x1f: {  	[sflag:s17] =	ssyncset.done @!p1 $0x0  }
0x20: {  	s31 =	sadd.s32 $0x10, s2;
	s18 =	simm.s32 @!p1 $0x1;
	[sflag:s17] =	ssyncadd.s32 @!p1 $0xFFFFF000  }
0x21: {  	[spmem:s1] =	stream.indirect.scatter.add.f32 @!p1 [tilespmem:s19], [sflag:$0x1], $0x20, s15, s19, $0xb8;
	[tilespmem:$0x5EA0] =	vst v63  }
0x22: {  	s16 =	simm.s32 $0x20;
	p2 =	sgt.u32 s31, $0x270;
	_ =	swait.ge @!p1 [sflag:s18], $0x1000  }
0x23: {  	s17 =	sadd.s32 $0x100, s10;
	s15 =	sadd.s32 $0x2000, s9;
	[sflag:s18] =	ssyncset.done @!p1 $0x0  }
.LBB2_2:
0x24: {  	s19 =	simm.s32 @!p2 $0x0;
	s20 =	simm.s32 @!p2 $0x2;
	[sflag:s18] =	ssyncadd.s32 @!p1 $0xFFFFF000  }
0x25: {  	[tilespmem:s19], [sflag:$0x2] =	stream.linear.gather @!p2 [hbm4b:s17+s19], $0x80, $0x38;
	[tilespmem:$0x5EA0] =	vst v63  }
0x26: {  	s21 =	smov.u32 s16;
	s16 =	sadd.s32 $0x10, s16;
	_ =	swait.ge @!p2 [sflag:s20], $0x80  }
0x27: {  	p1 =	por p2, p2;
	p3 =	sne.s32 s16, $0x280;
	[sflag:s20] =	ssyncset.done @!p2 $0x0  }
0x28: {  	s22 =	simm.s32 @!p1 $0x80;
	[sflag:s20] =	ssyncadd.s32 @!p1 $0xFFFFFF80  }
0x29: {  	[tilespmem:s22], [sflag:$0x2] =	stream.linear.gather @!p1 [hbm4b:s15+s19], $0x1000, $0x38;
	[tilespmem:$0x5EA0] =	vst v63  }
0x2a: {  	_ =	swait.ge @!p1 [sflag:s20], $0x1000  }
.Ltmp0:
0x2b: {  	[sflag:s20] =	ssyncset.done @!p1 $0x0;
	(pc) =	sbr.rel @p3 .LBB2_2-.Ltmp0, $4  }
0x2c: {  	s18 =	simm.s32 @!p1 $0x1;
	[sflag:s20] =	ssyncadd.s32 @!p1 $0xFFFFF000  }
0x2d: {  	[spmem:s1] =	stream.indirect.scatter.add.f32 @!p1 [tilespmem:s22], [sflag:$0x1], $0x20, s19, s22, $0xb8;
	[tilespmem:$0x5EA0] =	vst v63  }
0x2e: {  	s17 =	sadd.s32 $0x100, s17;
	s19 =	sadd.s32 s21, s2;
	_ =	swait.ge @!p1 [sflag:s18], $0x1000  }
0x2f: {  	s15 =	sadd.s32 $0x2000, s15;
	p2 =	sgt.u32 s19, $0x270;
	[sflag:s18] =	ssyncset.done @!p1 $0x0  }
0x30: {  	s16 =	simm.s32 @!p2 $0x0;
	s19 =	simm.s32 @!p2 $0x2;
	[sflag:s18] =	ssyncadd.s32 @!p1 $0xFFFFF000  }
0x31: {  	[tilespmem:s16], [sflag:$0x2] =	stream.linear.gather @!p2 [hbm4b:s17+s16], $0x80, $0x38;
	[tilespmem:$0x5EA0] =	vst v63  }
0x32: {  	_ =	swait.ge @!p2 [sflag:s19], $0x80  }
0x33: {  	p1 =	por p2, p2;
	[sflag:s19] =	ssyncset.done @!p2 $0x0  }
0x34: {  	s17 =	simm.s32 @!p1 $0x80;
	[sflag:s19] =	ssyncadd.s32 @!p1 $0xFFFFFF80  }
0x35: {  	[tilespmem:s17], [sflag:$0x2] =	stream.linear.gather @!p1 [hbm4b:s15+s16], $0x1000, $0x38;
	[tilespmem:$0x5EA0] =	vst v63  }
0x36: {  	_ =	swait.ge @!p1 [sflag:s19], $0x1000  }
0x37: {  	[sflag:s19] =	ssyncset.done @!p1 $0x0  }
0x38: {  	s15 =	simm.s32 @!p1 $0x1;
	[sflag:s19] =	ssyncadd.s32 @!p1 $0xFFFFF000  }
0x39: {  	[spmem:s1] =	stream.indirect.scatter.add.f32 @!p1 [tilespmem:s17], [sflag:$0x1], $0x20, s16, s17, $0xb8;
	[tilespmem:$0x5EA0] =	vst v63  }
0x3a: {  	_ =	swait.ge @!p1 [sflag:s15], $0x1000  }
0x3b: {  	[sflag:s15] =	ssyncset.done @!p1 $0x0  }
0x3c: {  	[sflag:s15] =	ssyncadd.s32 @!p1 $0xFFFFF000  }
0x3d: {  	[bflag:$0x0] =	sbarrier.arrive $0xFFFF  }
0x3e: {  	[hbm:s14], [sflag:s5] =	dma.local [spmem:s11], $0x9C0  }
0x3f: {  	_ =	swait.ge [sflag:s12], $0x9C0  }
0x40: {  	s3 =	sadd.s32 $0x1, s3;
	[sflag:s12] =	ssyncset.done $0x0  }
0x41: {  	s15 =	sadd.s32 @!p0 $0x9C00, s7;
	p1 =	sne.s32 s3, s8;
	[sflag:s12] =	ssyncadd.s32 $0xFFFFF640  }
0x42: {  	[hbm:s15], [sflag:s5] =	dma.local @!p0 [spmem:s13], $0x40  }
.Ltmp1:
0x43: {  	_ = 	snop;
	(pc) =	sbr.rel @p1 .LBB2_1-.Ltmp1, $4  }
0x44: {  	s15 =	simm.s32 @!p0 $0x1  }
0x45: {  	_ =	swait.ge @!p0 [sflag:s15], $0x40  }
0x46: {  	[sflag:s15] =	ssyncset.done @!p0 $0x0  }
0x47: {  	[sflag:s15] =	ssyncadd.s32 @!p0 $0xFFFFFFC0  }
0x48: {  	_ =	sfence.sel $0x180000  }
0x49: {  	[bflag:$0x0] =	sbarrier.arrive $0xFFFF  }
0x4a: {  	p0 =	sne.s32 s2, $0x0;
	_ =	strace $0x90000065  }
0x4b: {  	s0 =	sadd.s32 @!p0 $0x100000, s0;
	[bflag:$0x2] =	sbarrier.arrive $0xFFFF  }
0x4c: {  	[sflag:s0] =	ssyncadd.tile.s32 @!p0 $0x1;
	_ =	shalt  }
.Lfunc_end2:
_tile_overlayer_lowered:
.L_overlay_start_2:
0x4d: {  	(tag) =	ssettag $0x2  }
0x4e: {  	s0 =	rddreg [dreg:$0x0];
	s2 =	stileid.u32  }
0x4f: {  	s1 =	rddreg [dreg:$0x1];
	p0 =	sne.s32 s2, $0x0  }
0x50: {  	s3 =	rddreg [dreg:$0x2];
	[bflag:$0x3] =	sbarrier.arrive $0xFFFF;
	s2 =	simm.s32 @!p0 $0x1C01  }
0x51: {  	[timem:s3], [sflag:s2] =	dma.local @!p0 [hbm:s0], s1  }
0x52: {  	s0 =	simm.s32 @!p0 $0x1  }
0x53: {  	_ =	swait.ge @!p0 [sflag:s0], s1  }
0x54: {  	s1 =	ssub.s32 @!p0 $0x0, s1;
	[sflag:s0] =	ssyncset.done @!p0 $0x0  }
0x55: {  	[sflag:s0] =	ssyncadd.s32 @!p0 s1  }
0x56: {  	[bflag:$0x3] =	sbarrier.arrive $0xFFFF  }
0x57: {  	_ =	shalt  }

// kernel: kernel.66.cloned.1.call-start
scs
__scs_entry_jumppad:
0x0: {  	(pc) =	sbr.rel $0x88, $3  }
0x1: {  	(tag) =	ssettag $0x0;
	lr =	simm.s32 $0x1  }
0x2: {  	[smem:$0x3F83] =	sst lr;
	_ =	strace $0xD0000000  }
0x3: {  	_ = 	snop  }
0x4: {  	_ = 	snop  }
0x5: {  	_ = 	snop  }
0x6: {  	_ = 	snop  }
0x7: {  	_ = 	snop  }
__scs_overlays_trampoline_lowered:
0x8: {  	[smem:$0x3F92] =	sst s0  }
0x9: {  	[smem:$0x3F93] =	sst s1  }
0xa: {  	[smem:$0x3F94] =	sst s2  }
0xb: {  	[smem:$0x3F95] =	sst s3  }
0xc: {  	[smem:$0x3F96] =	sst s4  }
0xd: {  	[smem:$0x3F97] =	sst s5  }
0xe: {  	[smem:$0x3F98] =	sst s6  }
0xf: {  	[smem:$0x3F99] =	sst s7  }
0x10: {  	[smem:$0x3F9A] =	sst s8  }
0x11: {  	[smem:$0x3F9B] =	sst s9;
	s0 =	simm.s32 @!p0 $0x0  }
0x12: {  	s1 =	sld [smem:$0x3F81];
	s0 =	simm.s32 @p0 $0x1  }
0x13: {  	[smem:$0x3F9C] =	sst s0;
	s0 =	simm.s32 @!p1 $0x0  }
0x14: {  	s2 =	sld [smem:$0x3F80];
	s0 =	simm.s32 @p1 $0x1  }
0x15: {  	[smem:$0x3F9D] =	sst s0;
	s0 =	simm.s32 @!p2 $0x0  }
0x16: {  	s3 =	sld [smem:$0x3FDB];
	s0 =	simm.s32 @p2 $0x1  }
0x17: {  	s4 =	simm.s32 $0x1BF5;
	[smem:$0x3F9F] =	sst s0  }
0x18: {  	s0 =	sld [smem:$0x3F82];
	_ =	swait.ge [sflag:s4], $0x0  }
0x19: {  	s7 =	sld [smem:$0x3F83]  }
0x1a: {  	s8 =	sadd.s32 $0xFFFFE003, lr  }
0x1b: {  	s9 =	sadd.s32 $0xFFFFFEF7, lr;
	s5 =	simm.s32 $0xFFFFFFFF;
	p2 =	slt.u32 s8, $0xFFFFF086  }
0x1c: {  	p1 =	slt.u32 s9, $0xF7A;
	s5 =	simm.s32 @!p2 $0x0  }
0x1d: {  	s5 =	simm.s32 @p1 $0x1;
	p0 =	seq.s32 s7, s2  }
0x1e: {  	s7 =	smul.u32 @!p0 $0xF7A, s2;
	p2 =	seq.s32 @!p0 s5, $0x0  }
0x1f: {  	s9 =	smul.u32 $0xF7A, s1;
	s8 =	simm.s32 @!p0 $0x1BF5;
	p2 =	por !p2, p0  }
0x20: {  	[sflag:s8] =	ssyncset.s32 @!p0 $0xFFFFF086;
	s6 =	sadd.s32 @!p0 s3, s7;
	s7 =	simm.s32 @!p0 $0x108  }
0x21: {  	s3 =	sadd.s32 s3, s9;
	s6 =	sadd.s32 @!p0 $0x88, s6;
	s7 =	simm.s32 @p2 $0x1082  }
0x22: {  	[simem:s7], [sflag:s8] =	dma.local @!p0 [hbm:s6], $0xF7A  }
0x23: {  	s9 =	sor.u32 $0xD0000000, s2;
	s6 =	simm.s32 $0x108;
	_ =	swait.ge @!p0 [sflag:s8], $0x0  }
0x24: {  	s3 =	sadd.s32 $0x88, s3;
	s6 =	simm.s32 @!p1 $0x1082;
	[sflag:s4] =	ssyncset.s32 $0xFFFFF086  }
0x25: {  	[simem:s6], [sflag:s4] =	dma.local [hbm:s3], $0xF7A  }
0x26: {  	[smem:$0x3F83] =	sst s1;
	(tag) =	ssettag s2;
	_ =	strace s9  }
0x27: {  	s1 =	sld [smem:$0x3F93]  }
0x28: {  	s2 =	sld [smem:$0x3F94]  }
0x29: {  	s4 =	sld [smem:$0x3F96]  }
0x2a: {  	p0 =	seq.s32 s5, $0x0;
	s5 =	sld [smem:$0x3F97]  }
0x2b: {  	s6 =	sld [smem:$0x3F98]  }
0x2c: {  	s7 =	sld [smem:$0x3F99]  }
0x2d: {  	s3 =	simm.s32 $0x108;
	s8 =	sld [smem:$0x3F9A]  }
0x2e: {  	s3 =	simm.s32 @!p0 $0x1082;
	s9 =	sld [smem:$0x3F9B]  }
0x2f: {  	lr =	sadd.s32 s0, s3;
	s0 =	sld [smem:$0x3F92]  }
0x30: {  	s3 =	sld [smem:$0x3F95]  }
0x31: {  	[smem:$0x3F9E] =	sst s10  }
0x32: {  	s10 =	sld [smem:$0x3F9C];
	_ =	sdelay $0x3  }
0x33: {  	p0 =	seq.s32 s10, $0x1;
	s10 =	sld [smem:$0x3F9E];
	_ =	sdelay $0x3  }
0x34: {  	[smem:$0x3F9E] =	sst s10  }
0x35: {  	s10 =	sld [smem:$0x3F9D];
	_ =	sdelay $0x3  }
0x36: {  	p1 =	seq.s32 s10, $0x1;
	s10 =	sld [smem:$0x3F9E];
	_ =	sdelay $0x3  }
0x37: {  	[smem:$0x3F9E] =	sst s10  }
0x38: {  	s10 =	sld [smem:$0x3F9F]  }
0x39: {  	_ = 	snop;
	(pc) =	sbr.ind lr, $3  }
0x3a: {  	_ = 	snop  }
0x3b: {  	_ = 	snop  }
0x3c: {  	p2 =	seq.s32 s10, $0x1;
	s10 =	sld [smem:$0x3F9E]  }
0x3d: {  	_ =	shalt  }
0x3e: {  	_ =	shalt  }
0x3f: {  	_ =	shalt  }
0x40: {  	_ =	shalt  }
0x41: {  	_ =	shalt  }
0x42: {  	_ =	shalt  }
0x43: {  	_ =	shalt  }
0x44: {  	_ =	shalt  }
0x45: {  	_ =	shalt  }
0x46: {  	_ =	shalt  }
0x47: {  	_ =	shalt  }
0x48: {  	_ =	shalt  }
0x49: {  	_ =	shalt  }
0x4a: {  	_ =	shalt  }
0x4b: {  	_ =	shalt  }
0x4c: {  	_ =	shalt  }
0x4d: {  	_ =	shalt  }
0x4e: {  	_ =	shalt  }
0x4f: {  	_ =	shalt  }
0x50: {  	_ =	shalt  }
0x51: {  	_ =	shalt  }
0x52: {  	_ =	shalt  }
0x53: {  	_ =	shalt  }
0x54: {  	_ =	shalt  }
0x55: {  	_ =	shalt  }
0x56: {  	_ =	shalt  }
0x57: {  	_ =	shalt  }
0x58: {  	_ =	shalt  }
0x59: {  	_ =	shalt  }
0x5a: {  	_ =	shalt  }
0x5b: {  	_ =	shalt  }
0x5c: {  	_ =	shalt  }
0x5d: {  	_ =	shalt  }
0x5e: {  	_ =	shalt  }
0x5f: {  	_ =	shalt  }
0x60: {  	_ =	shalt  }
0x61: {  	_ =	shalt  }
0x62: {  	_ =	shalt  }
0x63: {  	_ =	shalt  }
0x64: {  	_ =	shalt  }
0x65: {  	_ =	shalt  }
0x66: {  	_ =	shalt  }
0x67: {  	_ =	shalt  }
0x68: {  	_ =	shalt  }
0x69: {  	_ =	shalt  }
0x6a: {  	_ =	shalt  }
0x6b: {  	_ =	shalt  }
0x6c: {  	_ =	shalt  }
0x6d: {  	_ =	shalt  }
0x6e: {  	_ =	shalt  }
0x6f: {  	_ =	shalt  }
0x70: {  	_ =	shalt  }
0x71: {  	_ =	shalt  }
0x72: {  	_ =	shalt  }
0x73: {  	_ =	shalt  }
0x74: {  	_ =	shalt  }
0x75: {  	_ =	shalt  }
0x76: {  	_ =	shalt  }
0x77: {  	_ =	shalt  }
0x78: {  	_ =	shalt  }
0x79: {  	_ =	shalt  }
0x7a: {  	_ =	shalt  }
0x7b: {  	_ =	shalt  }
0x7c: {  	_ =	shalt  }
0x7d: {  	_ =	shalt  }
0x7e: {  	_ =	shalt  }
0x7f: {  	_ =	shalt  }
0x80: {  	_ =	shalt  }
0x81: {  	_ =	shalt  }
0x82: {  	_ =	shalt  }
0x83: {  	_ =	shalt  }
0x84: {  	_ =	shalt  }
0x85: {  	_ =	shalt  }
0x86: {  	_ =	shalt  }
0x87: {  	_ =	shalt  }
.Lfunc_end0:
.L_simem_size_0:
called_computation.11_lowered:
.L_overlay_start_0:
0x88: {  	s2 =	sld [smem:$0x3FD9]  }
0x89: {  	s3 =	sld [smem:$0x3FFE];
	_ =	sdelay $0x1  }
0x8a: {  	s1 =	srdreg.scid  }
0x8b: {  	s0 =	sand.u32 $0x1, s1  }
0x8c: {  	s14 =	sshll.u32 s0, $0xA;
	s2 =	sadd.s32 s3, s2  }
0x8d: {  	s2 =	sadd.s32 s2, s14  }
0x8e: {  	[smem:$0x3FAA] =	sst s2  }
0x8f: {  	_ = 	snop  }
0x90: {  	s2 =	sld [smem:$0x3FD0];
	_ =	sdelay $0x2  }
0x91: {  	s15 =	simm.s32 $0xA;
	s4 =	simm.s32 $0x10  }
0x92: {  	[smem:s4], [sflag:s15] =	dma.local [hbm:s2], $0x1  }
0x93: {  	_ =	swait.eq [sflag:s15], $0x1  }
0x94: {  	[sflag:s15] =	ssyncset.done $0x0  }
0x95: {  	[sflag:s15] =	ssyncadd.s32 $0xFFFFFFFF  }
0x96: {  	s16 =	sld [smem:$0x12];
	(tm) =	ssettm $0x1  }
0x97: {  	s17 =	sld [smem:$0x3FFB];
	_ =	sdelay $0x3  }
0x98: {  	_ =	strace s17  }
0x99: {  	s3 =	sld [smem:$0x3FFC];
	_ =	sdelay $0x3  }
0x9a: {  	_ =	strace s3  }
0x9b: {  	s3 =	sld [smem:$0x3FFD];
	_ =	sdelay $0x3  }
0x9c: {  	_ =	strace s3  }
0x9d: {  	_ =	strace $0x8FFFFFFF  }
0x9e: {  	s18 =	sld [smem:$0x3FDB];
	_ =	sdelay $0x1  }
0x9f: {  	s19 =	simm.s32 $_scs_section_size  }
0xa0: {  	s5 =	simm.s32 $_size__tile_overlayer_lowered;
	s6 =	simm.s32 $_tile_overlayer_lowered  }
0xa1: {  	s22 =	simm.s32 $0x1BFF;
	s21 =	sshll.u32 s6, $0x1;
	s3 =	sadd.s32 s19, s18  }
0xa2: {  	s7 =	simm.s32 $0x0;
	s20 =	sshll.u32 s5, $0x1;
	s5 =	sadd.s32 s21, s3  }
0xa3: {  	[timem:s7], [sflag:s22] =	dma.local [hbm:s5], s20  }
0xa4: {  	_ =	swait.ge [sflag:s22], s20  }
0xa5: {  	s4 =	ssub.s32 $0x0, s20;
	[sflag:s22] =	ssyncset.done $0x0  }
0xa6: {  	[sflag:s22] =	ssyncadd.s32 s4;
	_ =	sdelay $0x1  }
0xa7: {  	s23 =	simm.s32 $0x1B8B  }
0xa8: {  	_ =	swait.ge [sflag:s23], $0x1  }
0xa9: {  	[sflag:s23] =	ssyncset.done $0x0  }
0xaa: {  	s25 =	simm.s32 $0x1B8E;
	s24 =	sld [smem:$0x3FFE];
	[sflag:s23] =	ssyncadd.s32 $0xFFFFFFFF  }
0xab: {  	s26 =	simm.s32 $execute0_lowered;
	[smem:$0x3FD2] =	sst s25  }
0xac: {  	s5 =	sshll.u32 s26, $0x1;
	_ =	strace $0x80000067;
	[dreg:$0x1] =	wrdreg $0xFFFFFFFF  }
0xad: {  	s28 =	simm.s32 $_size_execute0_lowered;
	s3 =	sadd.s32 s3, s5;
	[dreg:$0x0] =	wrdreg $0x0  }
0xae: {  	s5 =	sshll.u32 s28, $0x1;
	[dreg:$0x2] =	wrdreg s3  }
0xaf: {  	[dreg:$0x3] =	wrdreg s5  }
0xb0: {  	[dreg:$0x4] =	wrdreg $0xC0  }
0xb1: {  	_ =	task [dreg:s7], $0x5FFFF  }
0xb2: {  	[dreg:$0x1] =	wrdreg $0xFFFFFFFF  }
0xb3: {  	[dreg:$0x0] =	wrdreg $0x60  }
0xb4: {  	[dreg:$0x2] =	wrdreg s24  }
0xb5: {  	[dreg:$0x3] =	wrdreg s16  }
0xb6: {  	[dreg:$0x4] =	wrdreg $0x9  }
0xb7: {  	_ =	task.clear_ibuf [dreg:s7], $0x5FFFF;
	_ =	strace $0x90000067  }
0xb8: {  	s29 =	simm.s32 $0x9;
	_ =	strace $0x80000069  }
0xb9: {  	_ =	swait.ge [sflag:s29], $0x1  }
0xba: {  	[sflag:s29] =	ssyncadd.s32 $0xFFFFFFFF  }
0xbb: {  	_ =	strace $0x90000069  }
0xbc: {  	_ =	sfence  }
0xbd: {  	s30 =	sld [smem:$0x0];
	_ =	sdelay $0x2  }
0xbe: {  	s31 =	sshll.u32 s1, $0xD;
	s1 =	sshrl.u32 s1, $0x2  }
0xbf: {  	s3 =	sand.u32 $0x4000, s31;
	s1 =	sadd.s32 s1, s30  }
0xc0: {  	s0 =	sor.u32 s3, s0;
	s1 =	sshll.u32 s1, $0x11  }
0xc1: {  	s0 =	sor.u32 s1, s0  }
0xc2: {  	s0 =	sadd.s32 $0x8F2B, s0  }
0xc3: {  	[sflag:s0] =	ssyncadd.remote.s32 $0x1  }
0xc4: {  	_ =	sfence.sel $0xFFFF  }
0xc5: {  	[dreg:$0x0] =	wrdreg $0xFFFFFFFF;
	(pc) =	sbr.abs _section_cstart, $3  }
0xc6: {  	[dreg:$0x1] =	wrdreg $0xFFFFFFFF  }
0xc7: {  	_ =	task.clear_ibuf [dreg:s7], $0x2FFFF;
	_ =	strace $0x9FFFFFFF  }
0xc8: {  	(tm) =	ssettm $0x7FFFFFFF  }
0xc9: {  	_ =	shalt  }
tec
execute0_lowered:
.L_overlay_start_1:
0x0: {  	(tag) =	ssettag $0x1  }
0x1: {  	s4 =	rddreg [dreg:$0x0]  }
0x2: {  	s5 =	rddreg [dreg:$0x1]  }
0x3: {  	s0 =	rddreg [dreg:$0x2]  }
0x4: {  	s2 =	simm.s32 $0x0;
	s3 =	srdreg.scid;
	s1 =	stileid.u32  }
0x5: {  	[smem:$0x7FF] =	sst s2;
	s6 =	sand.u32 $0x1, s3;
	s3 =	sadd.s32 $0x6E400, s4  }
0x6: {  	s7 =	sshll.u32 s1, $0xA;
	s31 =	sshll.u32 s1, $0x5;
	_ =	strace $0x80000068  }
0x7: {  	s8 =	ssub.s32 $0x2, s6;
	s4 =	sadd.s32 s7, s4;
	s9 =	sshll.u32 s6, $0x9  }
0x8: {  	s10 =	sshll.u32 s6, $0x4;
	s29 =	sshrl.u32 s8, $0x1;
	s30 =	sadd.s32 s9, s4  }
0x9: {  	s4 =	sshll.u32 s1, $0x1;
	s9 =	sadd.s32 s31, s5;
	s7 =	ssub.s32 s8, s29  }
0xa: {  	s6 =	sadd.s32 $0x78200, s30;
	s5 =	smax.u32 s7, $0x1;
	s7 =	sadd.s32 s10, s9  }
.LBB2_1:
0xb: {  	s8 =	sadd.s32 $0x0, s4  }
0xc: {  	p0 =	sgt.u32 s8, $0x4E1  }
0xd: {  	s8 =	simm.s32 @!p0 $0x0;
	s9 =	simm.s32 @!p0 $0x3  }
0xe: {  	[tilespmem:s8], [sflag:$0x3] =	stream.linear.gather @!p0 [hbm4b:s7+s8], $0x80, $0x38;
	[tilespmem:$0x1080] =	vst v63  }
0xf: {  	_ =	swait.ge @!p0 [sflag:s9], $0x80  }
0x10: {  	[sflag:s9] =	ssyncset.done @!p0 $0x0;
	p0 =	por p0, p0  }
0x11: {  	[sflag:s9] =	ssyncadd.s32 @!p0 $0xFFFFFF80;
	s10 =	simm.s32 @!p0 $0x80;
	s11 =	simm.s32 @!p0 $0x1  }
0x12: {  	[tilespmem:s10], [sflag:$0x1] =	stream.indirect.gather @!p0 [hbm4b:s3+s10], $0x20, s8, s10, $0xb8;
	[tilespmem:$0x1080] =	vst v63  }
0x13: {  	_ =	swait.ge @!p0 [sflag:s11], $0x1000  }
0x14: {  	[sflag:s11] =	ssyncset.done @!p0 $0x0  }
0x15: {  	s31 =	sadd.s32 $0x20, s4;
	[sflag:s11] =	ssyncadd.s32 @!p0 $0xFFFFF000;
	s11 =	simm.s32 @!p0 $0x2  }
0x16: {  	[hbm4b:s6+s8] =	stream.linear.scatter @!p0 [tilespmem:s10], [sflag:$0x2], $0x1000, $0x38;
	[tilespmem:$0x1080] =	vst v63  }
0x17: {  	p1 =	sgt.u32 s31, $0x4E1;
	s9 =	simm.s32 $0x40;
	_ =	swait.ge @!p0 [sflag:s11], $0x1000  }
0x18: {  	s10 =	sadd.s32 $0x200, s7;
	s8 =	sadd.s32 $0x4000, s6;
	[sflag:s11] =	ssyncset.done @!p0 $0x0  }
.LBB2_2:
0x19: {  	s12 =	simm.s32 @!p1 $0x0;
	s13 =	simm.s32 @!p1 $0x3;
	[sflag:s11] =	ssyncadd.s32 @!p0 $0xFFFFF000  }
0x1a: {  	[tilespmem:s12], [sflag:$0x3] =	stream.linear.gather @!p1 [hbm4b:s10+s12], $0x80, $0x38;
	[tilespmem:$0x1080] =	vst v63  }
0x1b: {  	s14 =	smov.u32 s9;
	s9 =	sadd.s32 $0x20, s9;
	_ =	swait.ge @!p1 [sflag:s13], $0x80  }
0x1c: {  	p0 =	por p1, p1;
	p2 =	sne.s32 s9, $0x500;
	[sflag:s13] =	ssyncset.done @!p1 $0x0  }
0x1d: {  	s11 =	simm.s32 @!p0 $0x1;
	[sflag:s13] =	ssyncadd.s32 @!p0 $0xFFFFFF80;
	s13 =	simm.s32 @!p0 $0x80  }
0x1e: {  	[tilespmem:s13], [sflag:$0x1] =	stream.indirect.gather @!p0 [hbm4b:s3+s13], $0x20, s12, s13, $0xb8;
	[tilespmem:$0x1080] =	vst v63  }
0x1f: {  	_ =	swait.ge @!p0 [sflag:s11], $0x1000  }
.Ltmp0:
0x20: {  	[sflag:s11] =	ssyncset.done @!p0 $0x0;
	(pc) =	sbr.rel @p2 .LBB2_2-.Ltmp0, $4  }
0x21: {  	[sflag:s11] =	ssyncadd.s32 @!p0 $0xFFFFF000;
	s11 =	simm.s32 @!p0 $0x2  }
0x22: {  	[hbm4b:s8+s12] =	stream.linear.scatter @!p0 [tilespmem:s13], [sflag:$0x2], $0x1000, $0x38;
	[tilespmem:$0x1080] =	vst v63  }
0x23: {  	s10 =	sadd.s32 $0x200, s10;
	s12 =	sadd.s32 s14, s4;
	_ =	swait.ge @!p0 [sflag:s11], $0x1000  }
0x24: {  	s8 =	sadd.s32 $0x4000, s8;
	p1 =	sgt.u32 s12, $0x4E1;
	[sflag:s11] =	ssyncset.done @!p0 $0x0  }
0x25: {  	s9 =	simm.s32 @!p1 $0x0;
	s12 =	simm.s32 @!p1 $0x3;
	[sflag:s11] =	ssyncadd.s32 @!p0 $0xFFFFF000  }
0x26: {  	[tilespmem:s9], [sflag:$0x3] =	stream.linear.gather @!p1 [hbm4b:s10+s9], $0x80, $0x38;
	[tilespmem:$0x1080] =	vst v63  }
0x27: {  	_ =	swait.ge @!p1 [sflag:s12], $0x80  }
0x28: {  	p0 =	por p1, p1;
	[sflag:s12] =	ssyncset.done @!p1 $0x0  }
0x29: {  	s10 =	simm.s32 @!p0 $0x80;
	s11 =	simm.s32 @!p0 $0x1;
	[sflag:s12] =	ssyncadd.s32 @!p0 $0xFFFFFF80  }
0x2a: {  	[tilespmem:s10], [sflag:$0x1] =	stream.indirect.gather @!p0 [hbm4b:s3+s10], $0x20, s9, s10, $0xb8;
	[tilespmem:$0x1080] =	vst v63  }
0x2b: {  	s2 =	sadd.s32 $0x1, s2;
	_ =	swait.ge @!p0 [sflag:s11], $0x1000  }
0x2c: {  	p1 =	sne.s32 s2, s5;
	[sflag:s11] =	ssyncset.done @!p0 $0x0  }
.Ltmp1:
0x2d: {  	[sflag:s11] =	ssyncadd.s32 @!p0 $0xFFFFF000;
	s11 =	simm.s32 @!p0 $0x2;
	(pc) =	sbr.rel @p1 .LBB2_1-.Ltmp1, $4  }
0x2e: {  	[hbm4b:s8+s9] =	stream.linear.scatter @!p0 [tilespmem:s10], [sflag:$0x2], $0x1000, $0x38;
	[tilespmem:$0x1080] =	vst v63  }
0x2f: {  	_ =	swait.ge @!p0 [sflag:s11], $0x1000  }
0x30: {  	[sflag:s11] =	ssyncset.done @!p0 $0x0  }
0x31: {  	[sflag:s11] =	ssyncadd.s32 @!p0 $0xFFFFF000  }
0x32: {  	_ =	sfence.sel $0x180000  }
0x33: {  	[bflag:$0x0] =	sbarrier.arrive $0xFFFF  }
0x34: {  	p0 =	sne.s32 s1, $0x0;
	_ =	strace $0x90000068  }
0x35: {  	s0 =	sadd.s32 @!p0 $0x100000, s0;
	[bflag:$0x2] =	sbarrier.arrive $0xFFFF  }
0x36: {  	[sflag:s0] =	ssyncadd.tile.s32 @!p0 $0x1;
	_ =	shalt  }
.Lfunc_end2:
_tile_overlayer_lowered:
.L_overlay_start_2:
0x37: {  	(tag) =	ssettag $0x2  }
0x38: {  	s0 =	rddreg [dreg:$0x0];
	s2 =	stileid.u32  }
0x39: {  	s1 =	rddreg [dreg:$0x1];
	p0 =	sne.s32 s2, $0x0  }
0x3a: {  	s3 =	rddreg [dreg:$0x2];
	[bflag:$0x3] =	sbarrier.arrive $0xFFFF;
	s2 =	simm.s32 @!p0 $0x1C02  }
0x3b: {  	[timem:s3], [sflag:s2] =	dma.local @!p0 [hbm:s0], s1  }
0x3c: {  	s0 =	simm.s32 @!p0 $0x2  }
0x3d: {  	_ =	swait.ge @!p0 [sflag:s0], s1  }
0x3e: {  	s1 =	ssub.s32 @!p0 $0x0, s1;
	[sflag:s0] =	ssyncset.done @!p0 $0x0  }
0x3f: {  	[sflag:s0] =	ssyncadd.s32 @!p0 s1  }
0x40: {  	[bflag:$0x3] =	sbarrier.arrive $0xFFFF  }
0x41: {  	_ =	shalt  }

// kernel: kernel.69.cloned.1.call-start
scs
__scs_entry_jumppad:
0x0: {  	(pc) =	sbr.rel $0x88, $3  }
0x1: {  	(tag) =	ssettag $0x0;
	lr =	simm.s32 $0x1  }
0x2: {  	[smem:$0x3F83] =	sst lr;
	_ =	strace $0xD0000000  }
0x3: {  	_ = 	snop  }
0x4: {  	_ = 	snop  }
0x5: {  	_ = 	snop  }
0x6: {  	_ = 	snop  }
0x7: {  	_ = 	snop  }
__scs_overlays_trampoline_lowered:
0x8: {  	[smem:$0x3F92] =	sst s0  }
0x9: {  	[smem:$0x3F93] =	sst s1  }
0xa: {  	[smem:$0x3F94] =	sst s2  }
0xb: {  	[smem:$0x3F95] =	sst s3  }
0xc: {  	[smem:$0x3F96] =	sst s4  }
0xd: {  	[smem:$0x3F97] =	sst s5  }
0xe: {  	[smem:$0x3F98] =	sst s6  }
0xf: {  	[smem:$0x3F99] =	sst s7  }
0x10: {  	[smem:$0x3F9A] =	sst s8  }
0x11: {  	[smem:$0x3F9B] =	sst s9;
	s0 =	simm.s32 @!p0 $0x0  }
0x12: {  	s1 =	sld [smem:$0x3F81];
	s0 =	simm.s32 @p0 $0x1  }
0x13: {  	[smem:$0x3F9C] =	sst s0;
	s0 =	simm.s32 @!p1 $0x0  }
0x14: {  	s2 =	sld [smem:$0x3F80];
	s0 =	simm.s32 @p1 $0x1  }
0x15: {  	[smem:$0x3F9D] =	sst s0;
	s0 =	simm.s32 @!p2 $0x0  }
0x16: {  	s3 =	sld [smem:$0x3FDB];
	s0 =	simm.s32 @p2 $0x1  }
0x17: {  	s4 =	simm.s32 $0x1BF5;
	[smem:$0x3F9F] =	sst s0  }
0x18: {  	s0 =	sld [smem:$0x3F82];
	_ =	swait.ge [sflag:s4], $0x0  }
0x19: {  	s7 =	sld [smem:$0x3F83]  }
0x1a: {  	s8 =	sadd.s32 $0xFFFFE003, lr  }
0x1b: {  	s9 =	sadd.s32 $0xFFFFFEF7, lr;
	s5 =	simm.s32 $0xFFFFFFFF;
	p2 =	slt.u32 s8, $0xFFFFF086  }
0x1c: {  	p1 =	slt.u32 s9, $0xF7A;
	s5 =	simm.s32 @!p2 $0x0  }
0x1d: {  	s5 =	simm.s32 @p1 $0x1;
	p0 =	seq.s32 s7, s2  }
0x1e: {  	s7 =	smul.u32 @!p0 $0xF7A, s2;
	p2 =	seq.s32 @!p0 s5, $0x0  }
0x1f: {  	s9 =	smul.u32 $0xF7A, s1;
	s8 =	simm.s32 @!p0 $0x1BF5;
	p2 =	por !p2, p0  }
0x20: {  	[sflag:s8] =	ssyncset.s32 @!p0 $0xFFFFF086;
	s6 =	sadd.s32 @!p0 s3, s7;
	s7 =	simm.s32 @!p0 $0x108  }
0x21: {  	s3 =	sadd.s32 s3, s9;
	s6 =	sadd.s32 @!p0 $0x88, s6;
	s7 =	simm.s32 @p2 $0x1082  }
0x22: {  	[simem:s7], [sflag:s8] =	dma.local @!p0 [hbm:s6], $0xF7A  }
0x23: {  	s9 =	sor.u32 $0xD0000000, s2;
	s6 =	simm.s32 $0x108;
	_ =	swait.ge @!p0 [sflag:s8], $0x0  }
0x24: {  	s3 =	sadd.s32 $0x88, s3;
	s6 =	simm.s32 @!p1 $0x1082;
	[sflag:s4] =	ssyncset.s32 $0xFFFFF086  }
0x25: {  	[simem:s6], [sflag:s4] =	dma.local [hbm:s3], $0xF7A  }
0x26: {  	[smem:$0x3F83] =	sst s1;
	(tag) =	ssettag s2;
	_ =	strace s9  }
0x27: {  	s1 =	sld [smem:$0x3F93]  }
0x28: {  	s2 =	sld [smem:$0x3F94]  }
0x29: {  	s4 =	sld [smem:$0x3F96]  }
0x2a: {  	p0 =	seq.s32 s5, $0x0;
	s5 =	sld [smem:$0x3F97]  }
0x2b: {  	s6 =	sld [smem:$0x3F98]  }
0x2c: {  	s7 =	sld [smem:$0x3F99]  }
0x2d: {  	s3 =	simm.s32 $0x108;
	s8 =	sld [smem:$0x3F9A]  }
0x2e: {  	s3 =	simm.s32 @!p0 $0x1082;
	s9 =	sld [smem:$0x3F9B]  }
0x2f: {  	lr =	sadd.s32 s0, s3;
	s0 =	sld [smem:$0x3F92]  }
0x30: {  	s3 =	sld [smem:$0x3F95]  }
0x31: {  	[smem:$0x3F9E] =	sst s10  }
0x32: {  	s10 =	sld [smem:$0x3F9C];
	_ =	sdelay $0x3  }
0x33: {  	p0 =	seq.s32 s10, $0x1;
	s10 =	sld [smem:$0x3F9E];
	_ =	sdelay $0x3  }
0x34: {  	[smem:$0x3F9E] =	sst s10  }
0x35: {  	s10 =	sld [smem:$0x3F9D];
	_ =	sdelay $0x3  }
0x36: {  	p1 =	seq.s32 s10, $0x1;
	s10 =	sld [smem:$0x3F9E];
	_ =	sdelay $0x3  }
0x37: {  	[smem:$0x3F9E] =	sst s10  }
0x38: {  	s10 =	sld [smem:$0x3F9F]  }
0x39: {  	_ = 	snop;
	(pc) =	sbr.ind lr, $3  }
0x3a: {  	_ = 	snop  }
0x3b: {  	_ = 	snop  }
0x3c: {  	p2 =	seq.s32 s10, $0x1;
	s10 =	sld [smem:$0x3F9E]  }
0x3d: {  	_ =	shalt  }
0x3e: {  	_ =	shalt  }
0x3f: {  	_ =	shalt  }
0x40: {  	_ =	shalt  }
0x41: {  	_ =	shalt  }
0x42: {  	_ =	shalt  }
0x43: {  	_ =	shalt  }
0x44: {  	_ =	shalt  }
0x45: {  	_ =	shalt  }
0x46: {  	_ =	shalt  }
0x47: {  	_ =	shalt  }
0x48: {  	_ =	shalt  }
0x49: {  	_ =	shalt  }
0x4a: {  	_ =	shalt  }
0x4b: {  	_ =	shalt  }
0x4c: {  	_ =	shalt  }
0x4d: {  	_ =	shalt  }
0x4e: {  	_ =	shalt  }
0x4f: {  	_ =	shalt  }
0x50: {  	_ =	shalt  }
0x51: {  	_ =	shalt  }
0x52: {  	_ =	shalt  }
0x53: {  	_ =	shalt  }
0x54: {  	_ =	shalt  }
0x55: {  	_ =	shalt  }
0x56: {  	_ =	shalt  }
0x57: {  	_ =	shalt  }
0x58: {  	_ =	shalt  }
0x59: {  	_ =	shalt  }
0x5a: {  	_ =	shalt  }
0x5b: {  	_ =	shalt  }
0x5c: {  	_ =	shalt  }
0x5d: {  	_ =	shalt  }
0x5e: {  	_ =	shalt  }
0x5f: {  	_ =	shalt  }
0x60: {  	_ =	shalt  }
0x61: {  	_ =	shalt  }
0x62: {  	_ =	shalt  }
0x63: {  	_ =	shalt  }
0x64: {  	_ =	shalt  }
0x65: {  	_ =	shalt  }
0x66: {  	_ =	shalt  }
0x67: {  	_ =	shalt  }
0x68: {  	_ =	shalt  }
0x69: {  	_ =	shalt  }
0x6a: {  	_ =	shalt  }
0x6b: {  	_ =	shalt  }
0x6c: {  	_ =	shalt  }
0x6d: {  	_ =	shalt  }
0x6e: {  	_ =	shalt  }
0x6f: {  	_ =	shalt  }
0x70: {  	_ =	shalt  }
0x71: {  	_ =	shalt  }
0x72: {  	_ =	shalt  }
0x73: {  	_ =	shalt  }
0x74: {  	_ =	shalt  }
0x75: {  	_ =	shalt  }
0x76: {  	_ =	shalt  }
0x77: {  	_ =	shalt  }
0x78: {  	_ =	shalt  }
0x79: {  	_ =	shalt  }
0x7a: {  	_ =	shalt  }
0x7b: {  	_ =	shalt  }
0x7c: {  	_ =	shalt  }
0x7d: {  	_ =	shalt  }
0x7e: {  	_ =	shalt  }
0x7f: {  	_ =	shalt  }
0x80: {  	_ =	shalt  }
0x81: {  	_ =	shalt  }
0x82: {  	_ =	shalt  }
0x83: {  	_ =	shalt  }
0x84: {  	_ =	shalt  }
0x85: {  	_ =	shalt  }
0x86: {  	_ =	shalt  }
0x87: {  	_ =	shalt  }
.Lfunc_end0:
.L_simem_size_0:
called_computation.12_lowered:
.L_overlay_start_0:
0x88: {  	s2 =	sld [smem:$0x3FD9]  }
0x89: {  	s3 =	sld [smem:$0x3FFE];
	_ =	sdelay $0x1  }
0x8a: {  	s1 =	srdreg.scid  }
0x8b: {  	s0 =	sand.u32 $0x1, s1  }
0x8c: {  	s16 =	sshll.u32 s0, $0xA;
	s2 =	sadd.s32 s3, s2  }
0x8d: {  	s2 =	sadd.s32 s2, s16  }
0x8e: {  	[smem:$0x3FAA] =	sst s2  }
0x8f: {  	_ = 	snop  }
0x90: {  	(tm) =	ssettm $0x1  }
0x91: {  	s17 =	sld [smem:$0x3FFB];
	_ =	sdelay $0x3  }
0x92: {  	_ =	strace s17  }
0x93: {  	s2 =	sld [smem:$0x3FFC];
	_ =	sdelay $0x3  }
0x94: {  	_ =	strace s2  }
0x95: {  	s2 =	sld [smem:$0x3FFD];
	_ =	sdelay $0x3  }
0x96: {  	_ =	strace s2  }
0x97: {  	_ =	strace $0x8FFFFFFF  }
0x98: {  	s18 =	sld [smem:$0x3FDB];
	_ =	sdelay $0x1  }
0x99: {  	s19 =	simm.s32 $_scs_section_size  }
0x9a: {  	s4 =	simm.s32 $_size__tile_overlayer_lowered;
	s5 =	simm.s32 $_tile_overlayer_lowered  }
0x9b: {  	s22 =	simm.s32 $0x1BFF;
	s21 =	sshll.u32 s5, $0x1;
	s2 =	sadd.s32 s19, s18  }
0x9c: {  	s6 =	simm.s32 $0x0;
	s20 =	sshll.u32 s4, $0x1;
	s4 =	sadd.s32 s21, s2  }
0x9d: {  	[timem:s6], [sflag:s22] =	dma.local [hbm:s4], s20  }
0x9e: {  	_ =	swait.ge [sflag:s22], s20  }
0x9f: {  	s3 =	ssub.s32 $0x0, s20;
	[sflag:s22] =	ssyncset.done $0x0  }
0xa0: {  	[sflag:s22] =	ssyncadd.s32 s3;
	_ =	sdelay $0x1  }
0xa1: {  	s23 =	simm.s32 $0x1B8B  }
0xa2: {  	_ =	swait.ge [sflag:s23], $0x1  }
0xa3: {  	[sflag:s23] =	ssyncset.done $0x0  }
0xa4: {  	s25 =	simm.s32 $0x1B8E;
	s24 =	sld [smem:$0x3FFE];
	[sflag:s23] =	ssyncadd.s32 $0xFFFFFFFF  }
0xa5: {  	s26 =	simm.s32 $execute0_lowered;
	[smem:$0x3FD2] =	sst s25  }
0xa6: {  	s4 =	sshll.u32 s26, $0x1;
	_ =	strace $0x8000006A;
	[dreg:$0x1] =	wrdreg $0xFFFFFFFF  }
0xa7: {  	s28 =	simm.s32 $_size_execute0_lowered;
	s2 =	sadd.s32 s2, s4;
	[dreg:$0x0] =	wrdreg $0x0  }
0xa8: {  	s4 =	sshll.u32 s28, $0x1;
	[dreg:$0x2] =	wrdreg s2  }
0xa9: {  	[dreg:$0x3] =	wrdreg s4  }
0xaa: {  	[dreg:$0x4] =	wrdreg $0xC0  }
0xab: {  	_ =	task [dreg:s6], $0x5FFFF  }
0xac: {  	[dreg:$0x1] =	wrdreg $0xFFFFFFFF  }
0xad: {  	[dreg:$0x0] =	wrdreg $0x60  }
0xae: {  	[dreg:$0x2] =	wrdreg s24  }
0xaf: {  	[dreg:$0x3] =	wrdreg $0x10800  }
0xb0: {  	[dreg:$0x4] =	wrdreg $0x9  }
0xb1: {  	_ =	task.clear_ibuf [dreg:s6], $0x5FFFF;
	_ =	strace $0x9000006A  }
0xb2: {  	s29 =	simm.s32 $0x9;
	_ =	strace $0x8000006C  }
0xb3: {  	_ =	swait.ge [sflag:s29], $0x1  }
0xb4: {  	[sflag:s29] =	ssyncadd.s32 $0xFFFFFFFF  }
0xb5: {  	_ =	strace $0x9000006C  }
0xb6: {  	_ =	sfence  }
0xb7: {  	s30 =	sld [smem:$0x0];
	_ =	sdelay $0x2  }
0xb8: {  	s31 =	sshll.u32 s1, $0xD;
	s1 =	sshrl.u32 s1, $0x2  }
0xb9: {  	s3 =	sand.u32 $0x4000, s31;
	s1 =	sadd.s32 s1, s30  }
0xba: {  	s0 =	sor.u32 s3, s0;
	s1 =	sshll.u32 s1, $0x11  }
0xbb: {  	s0 =	sor.u32 s1, s0  }
0xbc: {  	s0 =	sadd.s32 $0x8F2B, s0  }
0xbd: {  	[sflag:s0] =	ssyncadd.remote.s32 $0x1  }
0xbe: {  	_ =	sfence.sel $0xFFFF  }
0xbf: {  	[dreg:$0x0] =	wrdreg $0xFFFFFFFF;
	(pc) =	sbr.abs _section_cstart, $3  }
0xc0: {  	[dreg:$0x1] =	wrdreg $0xFFFFFFFF  }
0xc1: {  	_ =	task.clear_ibuf [dreg:s6], $0x2FFFF;
	_ =	strace $0x9FFFFFFF  }
0xc2: {  	(tm) =	ssettm $0x7FFFFFFF  }
0xc3: {  	_ =	shalt  }
tec
execute0_lowered:
.L_overlay_start_1:
0x0: {  	(tag) =	ssettag $0x1  }
0x1: {  	s6 =	rddreg [dreg:$0x0]  }
0x2: {  	s1 =	rddreg [dreg:$0x1];
	s2 =	srdreg.scid  }
0x3: {  	s0 =	rddreg [dreg:$0x2];
	s4 =	sand.u32 $0x1, s2  }
0x4: {  	s3 =	simm.s32 $0x0;
	s2 =	stileid.u32;
	s5 =	smul.u32 $0x4E200, s4  }
0x5: {  	[smem:$0x7FF] =	sst s3;
	s7 =	smul.u32 $0x4E00, s2  }
0x6: {  	s15 =	sadd.s32 $0x4E000, s1;
	_ =	strace $0x8000006B;
	s26 =	smul.u32 $0x2710, s4  }
0x7: {  	s9 =	smul.u32 $0x9C40, s4;
	s4 =	ssub.s32 $0x2, s4;
	s12 =	sshll.u32 s2, $0x6  }
0x8: {  	s29 =	sshll.u32 s2, $0x9;
	s31 =	sshll.u32 s2, $0x4;
	p0 =	sne.s32 s2, $0xF  }
0x9: {  	s11 =	sshrl.u32 s4, $0x1;
	s8 =	sadd.s32 s5, s6;
	s14 =	sshrl.u32 s7, $0x3  }
0xa: {  	s10 =	sadd.s32 s26, s6;
	s9 =	sadd.s32 s9, s6;
	s11 =	ssub.s32 s4, s11  }
0xb: {  	s13 =	sadd.s32 s7, s1;
	s5 =	sor.u32 $0x1C01, s12;
	s12 =	simm.s32 $0x1  }
0xc: {  	s28 =	sadd.s32 s14, s6;
	s6 =	sadd.s32 $0x1FE00, s6;
	s7 =	sadd.s32 $0x10A800, s9  }
0xd: {  	s30 =	sadd.s32 s29, s8;
	s8 =	smax.u32 s11, $0x1;
	s10 =	sadd.s32 s31, s10  }
0xe: {  	s11 =	sshrl.u32 s13, $0x3;
	s13 =	sshrl.u32 @!p0 s15, $0x3;
	s4 =	sadd.s32 $0x16200, s28  }
0xf: {  	s9 =	sadd.s32 $0x6E400, s30;
	s10 =	sadd.s32 $0x11200, s10;
	s14 =	sadd.s32 s14, s7  }
.LBB2_1:
0x10: {  	[spmem:s11], [sflag:s5] =	dma.local [hbm:s4], $0x9C0  }
0x11: {  	_ =	swait.ge [sflag:s12], $0x9C0  }
0x12: {  	[sflag:s12] =	ssyncset.done $0x0  }
0x13: {  	s15 =	simm.s32 @!p0 $0x1;
	[sflag:s12] =	ssyncadd.s32 $0xFFFFF640  }
0x14: {  	[spmem:s13], [sflag:s5] =	dma.local @!p0 [hbm:s6], $0x40  }
0x15: {  	_ =	swait.ge @!p0 [sflag:s15], $0x40  }
0x16: {  	s16 =	sadd.s32 $0x0, s2;
	[sflag:s15] =	ssyncset.done @!p0 $0x0  }
0x17: {  	p1 =	sgt.u32 s16, $0x270;
	[sflag:s15] =	ssyncadd.s32 @!p0 $0xFFFFFFC0  }
0x18: {  	s17 =	simm.s32 @!p1 $0x2;
	s15 =	simm.s32 @!p1 $0x0;
	[bflag:$0x0] =	sbarrier.arrive $0xFFFF  }
0x19: {  	[tilespmem:s15], [sflag:$0x2] =	stream.linear.gather @!p1 [hbm4b:s10+s15], $0x80, $0x38;
	[tilespmem:$0x5EA0] =	vst v63  }
0x1a: {  	_ =	swait.ge @!p1 [sflag:s17], $0x80  }
0x1b: {  	[sflag:s17] =	ssyncset.done @!p1 $0x0;
	p1 =	por p1, p1  }
0x1c: {  	[sflag:s17] =	ssyncadd.s32 @!p1 $0xFFFFFF80;
	s19 =	simm.s32 @!p1 $0x80  }
0x1d: {  	[tilespmem:s19], [sflag:$0x2] =	stream.linear.gather @!p1 [hbm4b:s9+s15], $0x1000, $0x38;
	[tilespmem:$0x5EA0] =	vst v63  }
0x1e: {  	_ =	swait.ge @!p1 [sflag:s17], $0x1000  }
0x1f: {  	[sflag:s17] =	ssyncset.done @!p1 $0x0  }
0x20: {  	s31 =	sadd.s32 $0x10, s2;
	s18 =	simm.s32 @!p1 $0x1;
	[sflag:s17] =	ssyncadd.s32 @!p1 $0xFFFFF000  }
0x21: {  	[spmem:s1] =	stream.indirect.scatter.add.f32 @!p1 [tilespmem:s19], [sflag:$0x1], $0x20, s15, s19, $0xb8;
	[tilespmem:$0x5EA0] =	vst v63  }
0x22: {  	s16 =	simm.s32 $0x20;
	p2 =	sgt.u32 s31, $0x270;
	_ =	swait.ge @!p1 [sflag:s18], $0x1000  }
0x23: {  	s17 =	sadd.s32 $0x100, s10;
	s15 =	sadd.s32 $0x2000, s9;
	[sflag:s18] =	ssyncset.done @!p1 $0x0  }
.LBB2_2:
0x24: {  	s19 =	simm.s32 @!p2 $0x0;
	s20 =	simm.s32 @!p2 $0x2;
	[sflag:s18] =	ssyncadd.s32 @!p1 $0xFFFFF000  }
0x25: {  	[tilespmem:s19], [sflag:$0x2] =	stream.linear.gather @!p2 [hbm4b:s17+s19], $0x80, $0x38;
	[tilespmem:$0x5EA0] =	vst v63  }
0x26: {  	s21 =	smov.u32 s16;
	s16 =	sadd.s32 $0x10, s16;
	_ =	swait.ge @!p2 [sflag:s20], $0x80  }
0x27: {  	p1 =	por p2, p2;
	p3 =	sne.s32 s16, $0x280;
	[sflag:s20] =	ssyncset.done @!p2 $0x0  }
0x28: {  	s22 =	simm.s32 @!p1 $0x80;
	[sflag:s20] =	ssyncadd.s32 @!p1 $0xFFFFFF80  }
0x29: {  	[tilespmem:s22], [sflag:$0x2] =	stream.linear.gather @!p1 [hbm4b:s15+s19], $0x1000, $0x38;
	[tilespmem:$0x5EA0] =	vst v63  }
0x2a: {  	_ =	swait.ge @!p1 [sflag:s20], $0x1000  }
.Ltmp0:
0x2b: {  	[sflag:s20] =	ssyncset.done @!p1 $0x0;
	(pc) =	sbr.rel @p3 .LBB2_2-.Ltmp0, $4  }
0x2c: {  	s18 =	simm.s32 @!p1 $0x1;
	[sflag:s20] =	ssyncadd.s32 @!p1 $0xFFFFF000  }
0x2d: {  	[spmem:s1] =	stream.indirect.scatter.add.f32 @!p1 [tilespmem:s22], [sflag:$0x1], $0x20, s19, s22, $0xb8;
	[tilespmem:$0x5EA0] =	vst v63  }
0x2e: {  	s17 =	sadd.s32 $0x100, s17;
	s19 =	sadd.s32 s21, s2;
	_ =	swait.ge @!p1 [sflag:s18], $0x1000  }
0x2f: {  	s15 =	sadd.s32 $0x2000, s15;
	p2 =	sgt.u32 s19, $0x270;
	[sflag:s18] =	ssyncset.done @!p1 $0x0  }
0x30: {  	s16 =	simm.s32 @!p2 $0x0;
	s19 =	simm.s32 @!p2 $0x2;
	[sflag:s18] =	ssyncadd.s32 @!p1 $0xFFFFF000  }
0x31: {  	[tilespmem:s16], [sflag:$0x2] =	stream.linear.gather @!p2 [hbm4b:s17+s16], $0x80, $0x38;
	[tilespmem:$0x5EA0] =	vst v63  }
0x32: {  	_ =	swait.ge @!p2 [sflag:s19], $0x80  }
0x33: {  	p1 =	por p2, p2;
	[sflag:s19] =	ssyncset.done @!p2 $0x0  }
0x34: {  	s17 =	simm.s32 @!p1 $0x80;
	[sflag:s19] =	ssyncadd.s32 @!p1 $0xFFFFFF80  }
0x35: {  	[tilespmem:s17], [sflag:$0x2] =	stream.linear.gather @!p1 [hbm4b:s15+s16], $0x1000, $0x38;
	[tilespmem:$0x5EA0] =	vst v63  }
0x36: {  	_ =	swait.ge @!p1 [sflag:s19], $0x1000  }
0x37: {  	[sflag:s19] =	ssyncset.done @!p1 $0x0  }
0x38: {  	s15 =	simm.s32 @!p1 $0x1;
	[sflag:s19] =	ssyncadd.s32 @!p1 $0xFFFFF000  }
0x39: {  	[spmem:s1] =	stream.indirect.scatter.add.f32 @!p1 [tilespmem:s17], [sflag:$0x1], $0x20, s16, s17, $0xb8;
	[tilespmem:$0x5EA0] =	vst v63  }
0x3a: {  	_ =	swait.ge @!p1 [sflag:s15], $0x1000  }
0x3b: {  	[sflag:s15] =	ssyncset.done @!p1 $0x0  }
0x3c: {  	[sflag:s15] =	ssyncadd.s32 @!p1 $0xFFFFF000  }
0x3d: {  	[bflag:$0x0] =	sbarrier.arrive $0xFFFF  }
0x3e: {  	[hbm:s14], [sflag:s5] =	dma.local [spmem:s11], $0x9C0  }
0x3f: {  	_ =	swait.ge [sflag:s12], $0x9C0  }
0x40: {  	s3 =	sadd.s32 $0x1, s3;
	[sflag:s12] =	ssyncset.done $0x0  }
0x41: {  	s15 =	sadd.s32 @!p0 $0x9C00, s7;
	p1 =	sne.s32 s3, s8;
	[sflag:s12] =	ssyncadd.s32 $0xFFFFF640  }
0x42: {  	[hbm:s15], [sflag:s5] =	dma.local @!p0 [spmem:s13], $0x40  }
.Ltmp1:
0x43: {  	_ = 	snop;
	(pc) =	sbr.rel @p1 .LBB2_1-.Ltmp1, $4  }
0x44: {  	s15 =	simm.s32 @!p0 $0x1  }
0x45: {  	_ =	swait.ge @!p0 [sflag:s15], $0x40  }
0x46: {  	[sflag:s15] =	ssyncset.done @!p0 $0x0  }
0x47: {  	[sflag:s15] =	ssyncadd.s32 @!p0 $0xFFFFFFC0  }
0x48: {  	_ =	sfence.sel $0x180000  }
0x49: {  	[bflag:$0x0] =	sbarrier.arrive $0xFFFF  }
0x4a: {  	p0 =	sne.s32 s2, $0x0;
	_ =	strace $0x9000006B  }
0x4b: {  	s0 =	sadd.s32 @!p0 $0x100000, s0;
	[bflag:$0x2] =	sbarrier.arrive $0xFFFF  }
0x4c: {  	[sflag:s0] =	ssyncadd.tile.s32 @!p0 $0x1;
	_ =	shalt  }
.Lfunc_end2:
_tile_overlayer_lowered:
.L_overlay_start_2:
0x4d: {  	(tag) =	ssettag $0x2  }
0x4e: {  	s0 =	rddreg [dreg:$0x0];
	s2 =	stileid.u32  }
0x4f: {  	s1 =	rddreg [dreg:$0x1];
	p0 =	sne.s32 s2, $0x0  }
0x50: {  	s3 =	rddreg [dreg:$0x2];
	[bflag:$0x3] =	sbarrier.arrive $0xFFFF;
	s2 =	simm.s32 @!p0 $0x1C01  }
0x51: {  	[timem:s3], [sflag:s2] =	dma.local @!p0 [hbm:s0], s1  }
0x52: {  	s0 =	simm.s32 @!p0 $0x1  }
0x53: {  	_ =	swait.ge @!p0 [sflag:s0], s1  }
0x54: {  	s1 =	ssub.s32 @!p0 $0x0, s1;
	[sflag:s0] =	ssyncset.done @!p0 $0x0  }
0x55: {  	[sflag:s0] =	ssyncadd.s32 @!p0 s1  }
0x56: {  	[bflag:$0x3] =	sbarrier.arrive $0xFFFF  }
0x57: {  	_ =	shalt  }

// kernel: kernel.72.cloned.1.call-start
scs
__scs_entry_jumppad:
0x0: {  	(pc) =	sbr.rel $0x88, $3  }
0x1: {  	(tag) =	ssettag $0x0;
	lr =	simm.s32 $0x1  }
0x2: {  	[smem:$0x3F83] =	sst lr;
	_ =	strace $0xD0000000  }
0x3: {  	_ = 	snop  }
0x4: {  	_ = 	snop  }
0x5: {  	_ = 	snop  }
0x6: {  	_ = 	snop  }
0x7: {  	_ = 	snop  }
__scs_overlays_trampoline_lowered:
0x8: {  	[smem:$0x3F92] =	sst s0  }
0x9: {  	[smem:$0x3F93] =	sst s1  }
0xa: {  	[smem:$0x3F94] =	sst s2  }
0xb: {  	[smem:$0x3F95] =	sst s3  }
0xc: {  	[smem:$0x3F96] =	sst s4  }
0xd: {  	[smem:$0x3F97] =	sst s5  }
0xe: {  	[smem:$0x3F98] =	sst s6  }
0xf: {  	[smem:$0x3F99] =	sst s7  }
0x10: {  	[smem:$0x3F9A] =	sst s8  }
0x11: {  	[smem:$0x3F9B] =	sst s9;
	s0 =	simm.s32 @!p0 $0x0  }
0x12: {  	s1 =	sld [smem:$0x3F81];
	s0 =	simm.s32 @p0 $0x1  }
0x13: {  	[smem:$0x3F9C] =	sst s0;
	s0 =	simm.s32 @!p1 $0x0  }
0x14: {  	s2 =	sld [smem:$0x3F80];
	s0 =	simm.s32 @p1 $0x1  }
0x15: {  	[smem:$0x3F9D] =	sst s0;
	s0 =	simm.s32 @!p2 $0x0  }
0x16: {  	s3 =	sld [smem:$0x3FDB];
	s0 =	simm.s32 @p2 $0x1  }
0x17: {  	s4 =	simm.s32 $0x1BF5;
	[smem:$0x3F9F] =	sst s0  }
0x18: {  	s0 =	sld [smem:$0x3F82];
	_ =	swait.ge [sflag:s4], $0x0  }
0x19: {  	s7 =	sld [smem:$0x3F83]  }
0x1a: {  	s8 =	sadd.s32 $0xFFFFE003, lr  }
0x1b: {  	s9 =	sadd.s32 $0xFFFFFEF7, lr;
	s5 =	simm.s32 $0xFFFFFFFF;
	p2 =	slt.u32 s8, $0xFFFFF086  }
0x1c: {  	p1 =	slt.u32 s9, $0xF7A;
	s5 =	simm.s32 @!p2 $0x0  }
0x1d: {  	s5 =	simm.s32 @p1 $0x1;
	p0 =	seq.s32 s7, s2  }
0x1e: {  	s7 =	smul.u32 @!p0 $0xF7A, s2;
	p2 =	seq.s32 @!p0 s5, $0x0  }
0x1f: {  	s9 =	smul.u32 $0xF7A, s1;
	s8 =	simm.s32 @!p0 $0x1BF5;
	p2 =	por !p2, p0  }
0x20: {  	[sflag:s8] =	ssyncset.s32 @!p0 $0xFFFFF086;
	s6 =	sadd.s32 @!p0 s3, s7;
	s7 =	simm.s32 @!p0 $0x108  }
0x21: {  	s3 =	sadd.s32 s3, s9;
	s6 =	sadd.s32 @!p0 $0x88, s6;
	s7 =	simm.s32 @p2 $0x1082  }
0x22: {  	[simem:s7], [sflag:s8] =	dma.local @!p0 [hbm:s6], $0xF7A  }
0x23: {  	s9 =	sor.u32 $0xD0000000, s2;
	s6 =	simm.s32 $0x108;
	_ =	swait.ge @!p0 [sflag:s8], $0x0  }
0x24: {  	s3 =	sadd.s32 $0x88, s3;
	s6 =	simm.s32 @!p1 $0x1082;
	[sflag:s4] =	ssyncset.s32 $0xFFFFF086  }
0x25: {  	[simem:s6], [sflag:s4] =	dma.local [hbm:s3], $0xF7A  }
0x26: {  	[smem:$0x3F83] =	sst s1;
	(tag) =	ssettag s2;
	_ =	strace s9  }
0x27: {  	s1 =	sld [smem:$0x3F93]  }
0x28: {  	s2 =	sld [smem:$0x3F94]  }
0x29: {  	s4 =	sld [smem:$0x3F96]  }
0x2a: {  	p0 =	seq.s32 s5, $0x0;
	s5 =	sld [smem:$0x3F97]  }
0x2b: {  	s6 =	sld [smem:$0x3F98]  }
0x2c: {  	s7 =	sld [smem:$0x3F99]  }
0x2d: {  	s3 =	simm.s32 $0x108;
	s8 =	sld [smem:$0x3F9A]  }
0x2e: {  	s3 =	simm.s32 @!p0 $0x1082;
	s9 =	sld [smem:$0x3F9B]  }
0x2f: {  	lr =	sadd.s32 s0, s3;
	s0 =	sld [smem:$0x3F92]  }
0x30: {  	s3 =	sld [smem:$0x3F95]  }
0x31: {  	[smem:$0x3F9E] =	sst s10  }
0x32: {  	s10 =	sld [smem:$0x3F9C];
	_ =	sdelay $0x3  }
0x33: {  	p0 =	seq.s32 s10, $0x1;
	s10 =	sld [smem:$0x3F9E];
	_ =	sdelay $0x3  }
0x34: {  	[smem:$0x3F9E] =	sst s10  }
0x35: {  	s10 =	sld [smem:$0x3F9D];
	_ =	sdelay $0x3  }
0x36: {  	p1 =	seq.s32 s10, $0x1;
	s10 =	sld [smem:$0x3F9E];
	_ =	sdelay $0x3  }
0x37: {  	[smem:$0x3F9E] =	sst s10  }
0x38: {  	s10 =	sld [smem:$0x3F9F]  }
0x39: {  	_ = 	snop;
	(pc) =	sbr.ind lr, $3  }
0x3a: {  	_ = 	snop  }
0x3b: {  	_ = 	snop  }
0x3c: {  	p2 =	seq.s32 s10, $0x1;
	s10 =	sld [smem:$0x3F9E]  }
0x3d: {  	_ =	shalt  }
0x3e: {  	_ =	shalt  }
0x3f: {  	_ =	shalt  }
0x40: {  	_ =	shalt  }
0x41: {  	_ =	shalt  }
0x42: {  	_ =	shalt  }
0x43: {  	_ =	shalt  }
0x44: {  	_ =	shalt  }
0x45: {  	_ =	shalt  }
0x46: {  	_ =	shalt  }
0x47: {  	_ =	shalt  }
0x48: {  	_ =	shalt  }
0x49: {  	_ =	shalt  }
0x4a: {  	_ =	shalt  }
0x4b: {  	_ =	shalt  }
0x4c: {  	_ =	shalt  }
0x4d: {  	_ =	shalt  }
0x4e: {  	_ =	shalt  }
0x4f: {  	_ =	shalt  }
0x50: {  	_ =	shalt  }
0x51: {  	_ =	shalt  }
0x52: {  	_ =	shalt  }
0x53: {  	_ =	shalt  }
0x54: {  	_ =	shalt  }
0x55: {  	_ =	shalt  }
0x56: {  	_ =	shalt  }
0x57: {  	_ =	shalt  }
0x58: {  	_ =	shalt  }
0x59: {  	_ =	shalt  }
0x5a: {  	_ =	shalt  }
0x5b: {  	_ =	shalt  }
0x5c: {  	_ =	shalt  }
0x5d: {  	_ =	shalt  }
0x5e: {  	_ =	shalt  }
0x5f: {  	_ =	shalt  }
0x60: {  	_ =	shalt  }
0x61: {  	_ =	shalt  }
0x62: {  	_ =	shalt  }
0x63: {  	_ =	shalt  }
0x64: {  	_ =	shalt  }
0x65: {  	_ =	shalt  }
0x66: {  	_ =	shalt  }
0x67: {  	_ =	shalt  }
0x68: {  	_ =	shalt  }
0x69: {  	_ =	shalt  }
0x6a: {  	_ =	shalt  }
0x6b: {  	_ =	shalt  }
0x6c: {  	_ =	shalt  }
0x6d: {  	_ =	shalt  }
0x6e: {  	_ =	shalt  }
0x6f: {  	_ =	shalt  }
0x70: {  	_ =	shalt  }
0x71: {  	_ =	shalt  }
0x72: {  	_ =	shalt  }
0x73: {  	_ =	shalt  }
0x74: {  	_ =	shalt  }
0x75: {  	_ =	shalt  }
0x76: {  	_ =	shalt  }
0x77: {  	_ =	shalt  }
0x78: {  	_ =	shalt  }
0x79: {  	_ =	shalt  }
0x7a: {  	_ =	shalt  }
0x7b: {  	_ =	shalt  }
0x7c: {  	_ =	shalt  }
0x7d: {  	_ =	shalt  }
0x7e: {  	_ =	shalt  }
0x7f: {  	_ =	shalt  }
0x80: {  	_ =	shalt  }
0x81: {  	_ =	shalt  }
0x82: {  	_ =	shalt  }
0x83: {  	_ =	shalt  }
0x84: {  	_ =	shalt  }
0x85: {  	_ =	shalt  }
0x86: {  	_ =	shalt  }
0x87: {  	_ =	shalt  }
.Lfunc_end0:
.L_simem_size_0:
called_computation.13_lowered:
.L_overlay_start_0:
0x88: {  	s2 =	sld [smem:$0x3FD9]  }
0x89: {  	s3 =	sld [smem:$0x3FFE];
	_ =	sdelay $0x1  }
0x8a: {  	s1 =	srdreg.scid  }
0x8b: {  	s0 =	sand.u32 $0x1, s1  }
0x8c: {  	s14 =	sshll.u32 s0, $0xA;
	s2 =	sadd.s32 s3, s2  }
0x8d: {  	s2 =	sadd.s32 s2, s14  }
0x8e: {  	[smem:$0x3FAA] =	sst s2  }
0x8f: {  	_ = 	snop  }
0x90: {  	s2 =	sld [smem:$0x3FD0];
	_ =	sdelay $0x2  }
0x91: {  	s15 =	simm.s32 $0xA;
	s4 =	simm.s32 $0x10  }
0x92: {  	[smem:s4], [sflag:s15] =	dma.local [hbm:s2], $0x1  }
0x93: {  	_ =	swait.eq [sflag:s15], $0x1  }
0x94: {  	[sflag:s15] =	ssyncset.done $0x0  }
0x95: {  	[sflag:s15] =	ssyncadd.s32 $0xFFFFFFFF  }
0x96: {  	s16 =	sld [smem:$0x12];
	(tm) =	ssettm $0x1  }
0x97: {  	s17 =	sld [smem:$0x3FFB];
	_ =	sdelay $0x3  }
0x98: {  	_ =	strace s17  }
0x99: {  	s3 =	sld [smem:$0x3FFC];
	_ =	sdelay $0x3  }
0x9a: {  	_ =	strace s3  }
0x9b: {  	s3 =	sld [smem:$0x3FFD];
	_ =	sdelay $0x3  }
0x9c: {  	_ =	strace s3  }
0x9d: {  	_ =	strace $0x8FFFFFFF  }
0x9e: {  	s18 =	sld [smem:$0x3FDB];
	_ =	sdelay $0x1  }
0x9f: {  	s19 =	simm.s32 $_scs_section_size  }
0xa0: {  	s5 =	simm.s32 $_size__tile_overlayer_lowered;
	s6 =	simm.s32 $_tile_overlayer_lowered  }
0xa1: {  	s22 =	simm.s32 $0x1BFF;
	s21 =	sshll.u32 s6, $0x1;
	s3 =	sadd.s32 s19, s18  }
0xa2: {  	s7 =	simm.s32 $0x0;
	s20 =	sshll.u32 s5, $0x1;
	s5 =	sadd.s32 s21, s3  }
0xa3: {  	[timem:s7], [sflag:s22] =	dma.local [hbm:s5], s20  }
0xa4: {  	_ =	swait.ge [sflag:s22], s20  }
0xa5: {  	s4 =	ssub.s32 $0x0, s20;
	[sflag:s22] =	ssyncset.done $0x0  }
0xa6: {  	[sflag:s22] =	ssyncadd.s32 s4;
	_ =	sdelay $0x1  }
0xa7: {  	s23 =	simm.s32 $0x1B8B  }
0xa8: {  	_ =	swait.ge [sflag:s23], $0x1  }
0xa9: {  	[sflag:s23] =	ssyncset.done $0x0  }
0xaa: {  	s25 =	simm.s32 $0x1B8E;
	s24 =	sld [smem:$0x3FFE];
	[sflag:s23] =	ssyncadd.s32 $0xFFFFFFFF  }
0xab: {  	s26 =	simm.s32 $execute0_lowered;
	[smem:$0x3FD2] =	sst s25  }
0xac: {  	s5 =	sshll.u32 s26, $0x1;
	_ =	strace $0x8000006D;
	[dreg:$0x1] =	wrdreg $0xFFFFFFFF  }
0xad: {  	s28 =	simm.s32 $_size_execute0_lowered;
	s3 =	sadd.s32 s3, s5;
	[dreg:$0x0] =	wrdreg $0x0  }
0xae: {  	s5 =	sshll.u32 s28, $0x1;
	[dreg:$0x2] =	wrdreg s3  }
0xaf: {  	[dreg:$0x3] =	wrdreg s5  }
0xb0: {  	[dreg:$0x4] =	wrdreg $0xC0  }
0xb1: {  	_ =	task [dreg:s7], $0x5FFFF  }
0xb2: {  	[dreg:$0x1] =	wrdreg $0xFFFFFFFF  }
0xb3: {  	[dreg:$0x0] =	wrdreg $0x60  }
0xb4: {  	[dreg:$0x2] =	wrdreg s24  }
0xb5: {  	[dreg:$0x3] =	wrdreg s16  }
0xb6: {  	[dreg:$0x4] =	wrdreg $0x9  }
0xb7: {  	_ =	task.clear_ibuf [dreg:s7], $0x5FFFF;
	_ =	strace $0x9000006D  }
0xb8: {  	s29 =	simm.s32 $0x9;
	_ =	strace $0x8000006F  }
0xb9: {  	_ =	swait.ge [sflag:s29], $0x1  }
0xba: {  	[sflag:s29] =	ssyncadd.s32 $0xFFFFFFFF  }
0xbb: {  	_ =	strace $0x9000006F  }
0xbc: {  	_ =	sfence  }
0xbd: {  	s30 =	sld [smem:$0x0];
	_ =	sdelay $0x2  }
0xbe: {  	s31 =	sshll.u32 s1, $0xD;
	s1 =	sshrl.u32 s1, $0x2  }
0xbf: {  	s3 =	sand.u32 $0x4000, s31;
	s1 =	sadd.s32 s1, s30  }
0xc0: {  	s0 =	sor.u32 s3, s0;
	s1 =	sshll.u32 s1, $0x11  }
0xc1: {  	s0 =	sor.u32 s1, s0  }
0xc2: {  	s0 =	sadd.s32 $0x8F2B, s0  }
0xc3: {  	[sflag:s0] =	ssyncadd.remote.s32 $0x1  }
0xc4: {  	_ =	sfence.sel $0xFFFF  }
0xc5: {  	[dreg:$0x0] =	wrdreg $0xFFFFFFFF;
	(pc) =	sbr.abs _section_cstart, $3  }
0xc6: {  	[dreg:$0x1] =	wrdreg $0xFFFFFFFF  }
0xc7: {  	_ =	task.clear_ibuf [dreg:s7], $0x2FFFF;
	_ =	strace $0x9FFFFFFF  }
0xc8: {  	(tm) =	ssettm $0x7FFFFFFF  }
0xc9: {  	_ =	shalt  }
tec
execute0_lowered:
.L_overlay_start_1:
0x0: {  	(tag) =	ssettag $0x1  }
0x1: {  	s1 =	srdreg.scid;
	s0 =	stileid.u32  }
0x2: {  	s5 =	rddreg [dreg:$0x0];
	s6 =	sand.u32 $0x1, s1;
	s30 =	sshll.u32 s0, $0x1  }
0x3: {  	s8 =	rddreg [dreg:$0x1];
	s2 =	simm.s32 $0x0;
	s9 =	sor.u32 s6, s30  }
0x4: {  	[smem:$0x7FF] =	sst s2;
	s3 =	sshll.u32 s9, $0x4  }
0x5: {  	s1 =	rddreg [dreg:$0x2];
	_ =	strace $0x8000006E;
	s3 =	sadd.s32 s3, s5  }
0x6: {  	s10 =	ssub.s32 $0x2, s6;
	s4 =	sadd.s32 $0x11E200, s3;
	s3 =	simm.s32 $0x2  }
0x7: {  	[tilespmem:s2], [sflag:$0x2] =	stream.linear.gather [hbm4b:s4+s2], $0x80, $0x38;
	[tilespmem:$0x1080] =	vst v63  }
0x8: {  	s7 =	simm.s32 $0x1;
	s11 =	sshrl.u32 s10, $0x1;
	_ =	swait.ge [sflag:s3], $0x80  }
0x9: {  	s6 =	simm.s32 $0x80;
	s10 =	ssub.s32 s10, s11;
	[sflag:s3] =	ssyncset.done $0x0  }
0xa: {  	s5 =	sadd.s32 $0x11200, s5;
	s31 =	smax.u32 s10, $0x1;
	[sflag:s3] =	ssyncadd.s32 $0xFFFFFF80  }
0xb: {  	[tilespmem:s6], [sflag:$0x1] =	stream.indirect.gather [hbm4b:s5+s6], $0x20, s2, s6, $0xb8;
	[tilespmem:$0x1080] =	vst v63  }
0xc: {  	p0 =	sne.s32 s31, $0x1;
	_ =	swait.ge [sflag:s7], $0x1000  }
.Ltmp0:
0xd: {  	s9 =	sshll.u32 s9, $0x9;
	[sflag:s7] =	ssyncset.done $0x0;
	(pc) =	sbr.rel @!p0 .LBB2_2-.Ltmp0, $4  }
0xe: {  	s8 =	sadd.s32 s8, s9;
	[sflag:s7] =	ssyncadd.s32 $0xFFFFF000  }
0xf: {  	[hbm4b:s8+s2] =	stream.linear.scatter [tilespmem:s6], [sflag:$0x2], $0x1000, $0x38;
	[tilespmem:$0x1080] =	vst v63  }
0x10: {  	_ =	swait.ge [sflag:s3], $0x1000  }
0x11: {  	s9 =	sadd.s32 $0xFFFFFFFF, s31;
	[sflag:s3] =	ssyncset.done $0x0  }
.LBB2_1:
0x12: {  	p0 =	sne.s32 s9, $0x1;
	s9 =	sadd.s32 $0xFFFFFFFF, s9;
	[sflag:s3] =	ssyncadd.s32 $0xFFFFF000  }
0x13: {  	[tilespmem:s2], [sflag:$0x2] =	stream.linear.gather [hbm4b:s4+s2], $0x80, $0x38;
	[tilespmem:$0x1080] =	vst v63  }
0x14: {  	_ =	swait.ge [sflag:s3], $0x80  }
0x15: {  	[sflag:s3] =	ssyncset.done $0x0  }
0x16: {  	[sflag:s3] =	ssyncadd.s32 $0xFFFFFF80  }
0x17: {  	[tilespmem:s6], [sflag:$0x1] =	stream.indirect.gather [hbm4b:s5+s6], $0x20, s2, s6, $0xb8;
	[tilespmem:$0x1080] =	vst v63  }
0x18: {  	_ =	swait.ge [sflag:s7], $0x1000  }
.Ltmp1:
0x19: {  	[sflag:s7] =	ssyncset.done $0x0;
	(pc) =	sbr.rel @p0 .LBB2_1-.Ltmp1, $4  }
0x1a: {  	[sflag:s7] =	ssyncadd.s32 $0xFFFFF000  }
0x1b: {  	[hbm4b:s8+s2] =	stream.linear.scatter [tilespmem:s6], [sflag:$0x2], $0x1000, $0x38;
	[tilespmem:$0x1080] =	vst v63  }
0x1c: {  	_ =	swait.ge [sflag:s3], $0x1000  }
0x1d: {  	[sflag:s3] =	ssyncset.done $0x0  }
.LBB2_2:
0x1e: {  	[sflag:s3] =	ssyncadd.s32 $0xFFFFF000  }
0x1f: {  	_ =	sfence.sel $0x180000  }
0x20: {  	[bflag:$0x0] =	sbarrier.arrive $0xFFFF  }
0x21: {  	p0 =	sne.s32 s0, $0x0;
	_ =	strace $0x9000006E  }
0x22: {  	s0 =	sadd.s32 @!p0 $0x100000, s1;
	[bflag:$0x2] =	sbarrier.arrive $0xFFFF  }
0x23: {  	[sflag:s0] =	ssyncadd.tile.s32 @!p0 $0x1;
	_ =	shalt  }
.Lfunc_end2:
_tile_overlayer_lowered:
.L_overlay_start_2:
0x24: {  	(tag) =	ssettag $0x2  }
0x25: {  	s0 =	rddreg [dreg:$0x0];
	s2 =	stileid.u32  }
0x26: {  	s1 =	rddreg [dreg:$0x1];
	p0 =	sne.s32 s2, $0x0  }
0x27: {  	s3 =	rddreg [dreg:$0x2];
	[bflag:$0x3] =	sbarrier.arrive $0xFFFF;
	s2 =	simm.s32 @!p0 $0x1C02  }
0x28: {  	[timem:s3], [sflag:s2] =	dma.local @!p0 [hbm:s0], s1  }
0x29: {  	s0 =	simm.s32 @!p0 $0x2  }
0x2a: {  	_ =	swait.ge @!p0 [sflag:s0], s1  }
0x2b: {  	s1 =	ssub.s32 @!p0 $0x0, s1;
	[sflag:s0] =	ssyncset.done @!p0 $0x0  }
0x2c: {  	[sflag:s0] =	ssyncadd.s32 @!p0 s1  }
0x2d: {  	[bflag:$0x3] =	sbarrier.arrive $0xFFFF  }
0x2e: {  	_ =	shalt  }

</sc_bundles>
